<compile_context>
chip_gen: v7x
topology: tpu7x:2x2x1
jax: 0.10.2.dev20260603
libtpu: 0.0.44.dev20260713+nightly
codegen_flags: <defaults>
</compile_context>

<pallas_src>
import jax
import jax.numpy as jnp
from jax import lax
from jax.experimental import pallas as pl
from jax.experimental.pallas import tpu as pltpu
from jax.experimental.pallas import tpu_sc as plsc

INPUT_WIDTH = 1024
LEAF_WIDTH = 16
OUTPUT_WIDTH = 1024
DEPTH = 11
N_LEAVES = 2 ** DEPTH
N_NODES = 2 ** DEPTH - 1
BATCH = 8
LANES = 16
NEG_INF = -3.0e38
N_CHUNKS = INPUT_WIDTH // LANES
UNROLL = 8


def _fff_body(x_hbm, nw_hbm, nb_hbm, w1_hbm, b1_hbm, w2_hbm, b2_hbm, out_hbm,
              x_v, nb_v, b1_v, w1_v, w2_v, b2_v, y_v, e_v,
              blk0, blk1, blk2, blk3,
              sem0, sem1, sem2, semb0, semb1, semb2, semb3):
    wid = lax.axis_index("s")
    blks = [blk0, blk1, blk2, blk3]
    bsems = [semb0, semb1, semb2, semb3]

    def slot(d):
        return 3 if d <= 1 else (d - 2) % 3

    @pl.when((lax.axis_index("c") == 0) & (wid < BATCH))
    def _():
        b = wid
        cx = pltpu.async_copy(x_hbm.at[b], x_v, sem0)
        cnb = pltpu.async_copy(nb_hbm, nb_v, sem1)
        cb1 = pltpu.async_copy(b1_hbm, b1_v, sem2)
        cx.wait()
        cnb.wait()

        def fetch_block(base, sl):
            return [pltpu.async_copy(nw_hbm.at[base + i],
                                     blks[sl].at[pl.ds(i * INPUT_WIDTH,
                                                       INPUT_WIDTH)],
                                     bsems[sl])
                    for i in range(4)]

        copies = {}
        copies[0] = fetch_block(jnp.int32(0), slot(0))
        copies[1] = copies[0]

        prefix = jnp.int32(0)
        decs = []
        for d in range(DEPTH):
            if d + 2 < DEPTH:
                nxt = d + 2
                base = jnp.int32(2 ** nxt - 1) + 4 * prefix
                copies[nxt] = fetch_block(base, slot(nxt))
            if d != 1:
                for c in copies[d]:
                    c.wait()
            blk = blks[slot(d)]
            if d == 0:
                off = jnp.int32(0)
            elif d == 1:
                off = 1 + decs[0]
            else:
                off = 2 * decs[d - 2] + decs[d - 1]
            boff = off * INPUT_WIDTH

            def dot_chunk(k, acc, _blk=blk, _boff=boff):
                o = pl.multiple_of(k * (LANES * UNROLL), LANES)
                for u in range(UNROLL):
                    ou = o + u * LANES
                    acc = acc + (x_v[pl.ds(ou, LANES)]
                                 * _blk[pl.ds(pl.multiple_of(_boff + ou,
                                                             LANES), LANES)])
                return acc

            acc = lax.fori_loop(0, N_CHUNKS // UNROLL, dot_chunk,
                                jnp.zeros((LANES,), jnp.float32))
            node = jnp.int32(2 ** d - 1) + prefix
            bias = plsc.load_gather(nb_v, [jnp.full((LANES,), node, jnp.int32)])
            logit = jnp.sum(acc) + bias[0]
            dec = (logit > 0.0).astype(jnp.int32)
            prefix = 2 * prefix + dec
            decs.append(dec)

        leaf = prefix

        c1 = pltpu.async_copy(w1_hbm.at[leaf], w1_v, sem0)
        c2 = pltpu.async_copy(w2_hbm.at[leaf], w2_v, sem1)
        cb1.wait()
        c1.wait()

        def hstep(c, accs):
            o = pl.multiple_of(c * (2 * LANES), LANES)
            out = list(accs)
            for u in range(2):
                ou = o + u * LANES
                xc = x_v[pl.ds(ou, LANES)]
                for j in range(LEAF_WIDTH):
                    out[j] = out[j] + xc * w1_v[j, pl.ds(ou, LANES)]
            return tuple(out)

        accs = lax.fori_loop(
            0, N_CHUNKS // 2, hstep,
            tuple(jnp.zeros((LANES,), jnp.float32) for _ in range(LEAF_WIDTH)))
        b1g = plsc.load_gather(
            b1_v, [lax.iota(jnp.int32, LANES),
                   jnp.full((LANES,), leaf, jnp.int32)])
        hs = []
        for j in range(LEAF_WIDTH):
            hj = jnp.sum(accs[j]) + b1g[j]
            hs.append(jnp.where(hj > 0.0, hj, 0.0))

        cb2 = pltpu.async_copy(b2_hbm.at[leaf], b2_v, sem2)
        c2.wait()
        cb2.wait()

        def ystep(c, mv):
            o = pl.multiple_of(c * (2 * LANES), LANES)
            for u in range(2):
                ou = o + u * LANES
                yv = b2_v[pl.ds(ou, LANES)]
                for j in range(LEAF_WIDTH):
                    yv = yv + w2_v[j, pl.ds(ou, LANES)] * hs[j]
                y_v[pl.ds(ou, LANES)] = yv
                mv = jnp.maximum(mv, yv)
            return mv

        mv = lax.fori_loop(0, N_CHUNKS // 2, ystep,
                           jnp.full((LANES,), NEG_INF, jnp.float32))
        m = jnp.max(mv)

        def estep(c, sv):
            o = pl.multiple_of(c * (LANES * UNROLL), LANES)
            for u in range(UNROLL):
                ou = o + u * LANES
                ev = jnp.exp(y_v[pl.ds(ou, LANES)] - m)
                e_v[pl.ds(ou, LANES)] = ev
                sv = sv + ev
            return sv

        sv = lax.fori_loop(0, N_CHUNKS // UNROLL, estep,
                           jnp.zeros((LANES,), jnp.float32))
        s = jnp.sum(sv)
        inv_v = jnp.ones((LANES,), jnp.float32) / jnp.full((LANES,), s)

        def nstep(c, carry):
            o = pl.multiple_of(c * (LANES * UNROLL), LANES)
            for u in range(UNROLL):
                ou = o + u * LANES
                e_v[pl.ds(ou, LANES)] = e_v[pl.ds(ou, LANES)] * inv_v
            return carry

        lax.fori_loop(0, N_CHUNKS // UNROLL, nstep, jnp.int32(0))
        pltpu.sync_copy(e_v, out_hbm.at[b])


def kernel(x, node_weights, node_biases, w1s, b1s, w2s, b2s):
    w1t = jnp.transpose(w1s, (0, 2, 1))
    b1t = jnp.transpose(b1s, (1, 0))
    nb = jnp.reshape(node_biases, (N_NODES,))
    mesh = plsc.VectorSubcoreMesh(core_axis_name="c", subcore_axis_name="s",
                                  num_cores=1)
    f = pl.kernel(
        _fff_body,
        out_type=jax.ShapeDtypeStruct((BATCH, OUTPUT_WIDTH), jnp.float32),
        mesh=mesh,
        compiler_params=pltpu.CompilerParams(
            needs_layout_passes=False, use_tc_tiling_on_sc=True),
        scratch_types=[
            pltpu.VMEM((INPUT_WIDTH,), jnp.float32),
            pltpu.VMEM((N_NODES,), jnp.float32),
            pltpu.VMEM((LEAF_WIDTH, N_LEAVES), jnp.float32),
            pltpu.VMEM((LEAF_WIDTH, INPUT_WIDTH), jnp.float32),
            pltpu.VMEM((LEAF_WIDTH, OUTPUT_WIDTH), jnp.float32),
            pltpu.VMEM((OUTPUT_WIDTH,), jnp.float32),
            pltpu.VMEM((OUTPUT_WIDTH,), jnp.float32),
            pltpu.VMEM((OUTPUT_WIDTH,), jnp.float32),
            pltpu.VMEM((4 * INPUT_WIDTH,), jnp.float32),
            pltpu.VMEM((4 * INPUT_WIDTH,), jnp.float32),
            pltpu.VMEM((4 * INPUT_WIDTH,), jnp.float32),
            pltpu.VMEM((4 * INPUT_WIDTH,), jnp.float32),
            pltpu.SemaphoreType.DMA,
            pltpu.SemaphoreType.DMA,
            pltpu.SemaphoreType.DMA,
            pltpu.SemaphoreType.DMA,
            pltpu.SemaphoreType.DMA,
            pltpu.SemaphoreType.DMA,
            pltpu.SemaphoreType.DMA,
        ],
    )
    return f(x, node_weights, nb, w1t, b1t, w2s, b2s)

# --- scband reference (transcript-rebuilt; emitter-appended) ---
"""Pipeline reference for scband-net-39298950758475 (READ-ONLY COPY).

The authoritative reference and input builder live on the scoring server;
editing this copy changes nothing except your own understanding.
"""

import jax, jax.numpy as jnp
import numpy as np
import math

INPUT_WIDTH = 1024
LEAF_WIDTH = 16
OUTPUT_WIDTH = 1024
DEPTH = 11
N_LEAVES = 2 ** DEPTH
N_NODES = 2 ** DEPTH - 1
BATCH = 8


def setup_inputs(seed: int = 0) -> dict:
    key = jax.random.key(seed)
    ks = jax.random.split(key, 7)
    l1 = 1.0 / math.sqrt(INPUT_WIDTH)
    l2 = 1.0 / math.sqrt(LEAF_WIDTH)
    x = jax.random.normal(ks[0], (BATCH, INPUT_WIDTH), dtype=jnp.float32)
    node_weights = jax.random.uniform(ks[1], (N_NODES, INPUT_WIDTH), minval=-l1, maxval=l1, dtype=jnp.float32)
    node_biases = jax.random.uniform(ks[2], (N_NODES, 1), minval=-l1, maxval=l1, dtype=jnp.float32)
    w1s = jax.random.uniform(ks[3], (N_LEAVES, INPUT_WIDTH, LEAF_WIDTH), minval=-l1, maxval=l1, dtype=jnp.float32)
    b1s = jax.random.uniform(ks[4], (N_LEAVES, LEAF_WIDTH), minval=-l1, maxval=l1, dtype=jnp.float32)
    w2s = jax.random.uniform(ks[5], (N_LEAVES, LEAF_WIDTH, OUTPUT_WIDTH), minval=-l2, maxval=l2, dtype=jnp.float32)
    b2s = jax.random.uniform(ks[6], (N_LEAVES, OUTPUT_WIDTH), minval=-l2, maxval=l2, dtype=jnp.float32)
    return {"x": x, "node_weights": node_weights, "node_biases": node_biases,
            "w1s": w1s, "b1s": b1s, "w2s": w2s, "b2s": b2s}


def _fff_forward(x, node_weights, node_biases, w1s, b1s, w2s, b2s):
    # Net.forward: flatten -> FFF.training_forward (train_hardened=True, dropout=0, region_leak=0) -> softmax
    x = x.reshape(x.shape[0], -1)
    batch = x.shape[0]
    current_mixture = jnp.ones((batch, N_LEAVES), dtype=x.dtype)
    for d in range(DEPTH):
        platform = 2 ** d - 1
        next_platform = 2 ** (d + 1) - 1
        n_nodes = 2 ** d
        cw = node_weights[platform:next_platform]          # (n_nodes, input_width)
        cb = node_biases[platform:next_platform]           # (n_nodes, 1)
        boundary_plane_logits = x @ cw.T + cb.T            # (batch, n_nodes)
        boundary_effect = jax.nn.sigmoid(boundary_plane_logits)
        # train_hardened=True -> hard decisions
        boundary_effect = jnp.round(boundary_effect)
        not_boundary_effect = 1.0 - boundary_effect
        # interleave (not_boundary, boundary) along node axis
        mixture_modifier = jnp.stack([not_boundary_effect, boundary_effect], axis=-1).reshape(batch, 2 * n_nodes, 1)
        current_mixture = (current_mixture.reshape(batch, 2 * n_nodes, N_LEAVES // (2 * n_nodes)) * mixture_modifier)
        current_mixture = current_mixture.reshape(batch, N_LEAVES)
    # leaf MLPs computed densely, then masked by (hard, one-hot) mixture
    w1_flat = jnp.transpose(w1s, (1, 0, 2)).reshape(INPUT_WIDTH, N_LEAVES * LEAF_WIDTH)
    element_logits = (x @ w1_flat).reshape(batch, N_LEAVES, LEAF_WIDTH) + b1s[None]
    element_activations = jax.nn.relu(element_logits)      # activation=ReLU; dropout p=0 is identity
    new_logits = jnp.einsum('bld,ldo->blo', element_activations, w2s) + b2s[None]
    new_logits = new_logits * current_mixture[:, :, None]
    final_logits = new_logits.sum(axis=1)                  # (batch, output_width)
    return jax.nn.softmax(final_logits, axis=-1)


def reference(x, node_weights, node_biases, w1s, b1s, w2s, b2s):
    return _fff_forward(x, node_weights, node_biases, w1s, b1s, w2s, b2s)

if __name__ == "__main__":
    import jax
    _d = setup_inputs()
    print(jax.jit(kernel)(*tuple(_d.values())))

</pallas_src>

<mosaic_0001>
#map = affine_map<(d0, d1) -> (0, 0)>
#map1 = affine_map<(d0, d1) -> (0)>
#map2 = affine_map<(d0, d1) -> (0, 0, 0)>
module attributes {stable_mosaic.version = 14 : i64} {
  func.func @_fff_body(%arg0: i32, %arg1: i32, %arg2: memref<8x1024xf32, #tpu.memory_space<hbm>>, %arg3: memref<2047x1024xf32, #tpu.memory_space<hbm>>, %arg4: memref<2047xf32, #tpu.memory_space<hbm>>, %arg5: memref<2048x16x1024xf32, #tpu.memory_space<hbm>>, %arg6: memref<16x2048xf32, #tpu.memory_space<hbm>>, %arg7: memref<2048x16x1024xf32, #tpu.memory_space<hbm>>, %arg8: memref<2048x1024xf32, #tpu.memory_space<hbm>>, %arg9: memref<8x1024xf32, #tpu.memory_space<hbm>>, %arg10: memref<1024xf32, #tpu.memory_space<vmem>>, %arg11: memref<2047xf32, #tpu.memory_space<vmem>>, %arg12: memref<16x2048xf32, #tpu.memory_space<vmem>>, %arg13: memref<16x1024xf32, #tpu.memory_space<vmem>>, %arg14: memref<16x1024xf32, #tpu.memory_space<vmem>>, %arg15: memref<1024xf32, #tpu.memory_space<vmem>>, %arg16: memref<1024xf32, #tpu.memory_space<vmem>>, %arg17: memref<1024xf32, #tpu.memory_space<vmem>>, %arg18: memref<4096xf32, #tpu.memory_space<vmem>>, %arg19: memref<4096xf32, #tpu.memory_space<vmem>>, %arg20: memref<4096xf32, #tpu.memory_space<vmem>>, %arg21: memref<4096xf32, #tpu.memory_space<vmem>>, %arg22: memref<!tpu.dma_semaphore, #tpu.memory_space<semaphore_mem>>, %arg23: memref<!tpu.dma_semaphore, #tpu.memory_space<semaphore_mem>>, %arg24: memref<!tpu.dma_semaphore, #tpu.memory_space<semaphore_mem>>, %arg25: memref<!tpu.dma_semaphore, #tpu.memory_space<semaphore_mem>>, %arg26: memref<!tpu.dma_semaphore, #tpu.memory_space<semaphore_mem>>, %arg27: memref<!tpu.dma_semaphore, #tpu.memory_space<semaphore_mem>>, %arg28: memref<!tpu.dma_semaphore, #tpu.memory_space<semaphore_mem>>) attributes {dimension_semantics = [#tpu.dimension_semantics<core_parallel>, #tpu.dimension_semantics<subcore_parallel>], iteration_bounds = array<i64: 1, 16>, scalar_prefetch = 0 : i64, scratch_operands = 19 : i64, tpu.core_type = #tpu.core_type<sc_vector_subcore>, window_params = [{transform_indices = #map}, {transform_indices = #map}, {transform_indices = #map1}, {transform_indices = #map2}, {transform_indices = #map}, {transform_indices = #map2}, {transform_indices = #map}, {transform_indices = #map}]} {
    %eq3A = arith.constant 0 : i32
    %eq3A_0 = arith.cmpi eq, %arg0, %eq3A : i32
    %lt3A = arith.constant 8 : i32
    %lt3A_1 = arith.cmpi slt, %arg1, %lt3A : i32
    %and3A = arith.andi %eq3A_0, %lt3A_1 : i1
    %convert_element_type3A = arith.extui %and3A : i1 to i32
    %cond3A = arith.constant 0 : i32
    %cond3A_2 = arith.cmpi ne, %convert_element_type3A, %cond3A : i32
    scf.if %cond3A_2 {
      %dma_start3A = arith.constant 0 : i32
      %dma_start3A_3 = tpu.memref_slice %arg2[%arg1, %dma_start3A] : memref<8x1024xf32, #tpu.memory_space<hbm>> -> memref<1x1024xf32, #tpu.memory_space<hbm>>
      %dma_start3A_4 = tpu.memref_squeeze %dma_start3A_3 : memref<1x1024xf32, #tpu.memory_space<hbm>> -> memref<1024xf32, #tpu.memory_space<hbm>>
      %dma_start3A_5 = arith.constant 0 : i32
      %dma_start3A_6 = tpu.memref_slice %arg2[%arg1, %dma_start3A_5] : memref<8x1024xf32, #tpu.memory_space<hbm>> -> memref<1x1024xf32, #tpu.memory_space<hbm>>
      %dma_start3A_7 = tpu.memref_squeeze %dma_start3A_6 : memref<1x1024xf32, #tpu.memory_space<hbm>> -> memref<1024xf32, #tpu.memory_space<hbm>>
      tpu.enqueue_dma source(%dma_start3A_7 : memref<1024xf32, #tpu.memory_space<hbm>>) target(%arg10 : memref<1024xf32, #tpu.memory_space<vmem>>) target_semaphore(%arg22 : memref<!tpu.dma_semaphore, #tpu.memory_space<semaphore_mem>>)
      tpu.enqueue_dma source(%arg4 : memref<2047xf32, #tpu.memory_space<hbm>>) target(%arg11 : memref<2047xf32, #tpu.memory_space<vmem>>) target_semaphore(%arg23 : memref<!tpu.dma_semaphore, #tpu.memory_space<semaphore_mem>>)
      tpu.enqueue_dma source(%arg6 : memref<16x2048xf32, #tpu.memory_space<hbm>>) target(%arg12 : memref<16x2048xf32, #tpu.memory_space<vmem>>) target_semaphore(%arg24 : memref<!tpu.dma_semaphore, #tpu.memory_space<semaphore_mem>>)
      %dma_wait3A = arith.constant 0 : i32
      %dma_wait3A_8 = tpu.memref_slice %arg2[%arg1, %dma_wait3A] : memref<8x1024xf32, #tpu.memory_space<hbm>> -> memref<1x1024xf32, #tpu.memory_space<hbm>>
      %dma_wait3A_9 = tpu.memref_squeeze %dma_wait3A_8 : memref<1x1024xf32, #tpu.memory_space<hbm>> -> memref<1024xf32, #tpu.memory_space<hbm>>
      %dma_wait3A_10 = arith.constant 0 : i32
      %dma_wait3A_11 = tpu.memref_slice %arg2[%arg1, %dma_wait3A_10] : memref<8x1024xf32, #tpu.memory_space<hbm>> -> memref<1x1024xf32, #tpu.memory_space<hbm>>
      %dma_wait3A_12 = tpu.memref_squeeze %dma_wait3A_11 : memref<1x1024xf32, #tpu.memory_space<hbm>> -> memref<1024xf32, #tpu.memory_space<hbm>>
      tpu.wait_dma2 semaphore(%arg22 : memref<!tpu.dma_semaphore, #tpu.memory_space<semaphore_mem>>) src(%dma_wait3A_12 : memref<1024xf32, #tpu.memory_space<hbm>>) dst(%arg10 : memref<1024xf32, #tpu.memory_space<vmem>>)
      tpu.wait_dma2 semaphore(%arg23 : memref<!tpu.dma_semaphore, #tpu.memory_space<semaphore_mem>>) src(%arg4 : memref<2047xf32, #tpu.memory_space<hbm>>) dst(%arg11 : memref<2047xf32, #tpu.memory_space<vmem>>)
      %add3A = arith.constant 0 : i32
      %add3A_13 = arith.constant 0 : i32
      %add3A_14 = arith.addi %add3A, %add3A_13 : i32
      %dma_start3A_15 = arith.constant 0 : i32
      %dma_start3A_16 = tpu.memref_slice %arg21[%dma_start3A_15] : memref<4096xf32, #tpu.memory_space<vmem>> -> memref<1024xf32, #tpu.memory_space<vmem>>
      %dma_start3A_17 = arith.constant 0 : i32
      %dma_start3A_18 = tpu.memref_slice %arg3[%add3A_14, %dma_start3A_17] : memref<2047x1024xf32, #tpu.memory_space<hbm>> -> memref<1x1024xf32, #tpu.memory_space<hbm>>
      %dma_start3A_19 = tpu.memref_squeeze %dma_start3A_18 : memref<1x1024xf32, #tpu.memory_space<hbm>> -> memref<1024xf32, #tpu.memory_space<hbm>>
      %dma_start3A_20 = arith.constant 0 : i32
      %dma_start3A_21 = tpu.memref_slice %arg21[%dma_start3A_20] : memref<4096xf32, #tpu.memory_space<vmem>> -> memref<1024xf32, #tpu.memory_space<vmem>>
      %dma_start3A_22 = arith.constant 0 : i32
      %dma_start3A_23 = tpu.memref_slice %arg3[%add3A_14, %dma_start3A_22] : memref<2047x1024xf32, #tpu.memory_space<hbm>> -> memref<1x1024xf32, #tpu.memory_space<hbm>>
      %dma_start3A_24 = tpu.memref_squeeze %dma_start3A_23 : memref<1x1024xf32, #tpu.memory_space<hbm>> -> memref<1024xf32, #tpu.memory_space<hbm>>
      tpu.enqueue_dma source(%dma_start3A_24 : memref<1024xf32, #tpu.memory_space<hbm>>) target(%dma_start3A_21 : memref<1024xf32, #tpu.memory_space<vmem>>) target_semaphore(%arg28 : memref<!tpu.dma_semaphore, #tpu.memory_space<semaphore_mem>>)
      %add3A_25 = arith.constant 0 : i32
      %add3A_26 = arith.constant 1 : i32
      %add3A_27 = arith.addi %add3A_25, %add3A_26 : i32
      %dma_start3A_28 = arith.constant 1024 : i32
      %dma_start3A_29 = tpu.memref_slice %arg21[%dma_start3A_28] : memref<4096xf32, #tpu.memory_space<vmem>> -> memref<1024xf32, #tpu.memory_space<vmem>>
      %dma_start3A_30 = arith.constant 0 : i32
      %dma_start3A_31 = tpu.memref_slice %arg3[%add3A_27, %dma_start3A_30] : memref<2047x1024xf32, #tpu.memory_space<hbm>> -> memref<1x1024xf32, #tpu.memory_space<hbm>>
      %dma_start3A_32 = tpu.memref_squeeze %dma_start3A_31 : memref<1x1024xf32, #tpu.memory_space<hbm>> -> memref<1024xf32, #tpu.memory_space<hbm>>
      %dma_start3A_33 = arith.constant 1024 : i32
      %dma_start3A_34 = tpu.memref_slice %arg21[%dma_start3A_33] : memref<4096xf32, #tpu.memory_space<vmem>> -> memref<1024xf32, #tpu.memory_space<vmem>>
      %dma_start3A_35 = arith.constant 0 : i32
      %dma_start3A_36 = tpu.memref_slice %arg3[%add3A_27, %dma_start3A_35] : memref<2047x1024xf32, #tpu.memory_space<hbm>> -> memref<1x1024xf32, #tpu.memory_space<hbm>>
      %dma_start3A_37 = tpu.memref_squeeze %dma_start3A_36 : memref<1x1024xf32, #tpu.memory_space<hbm>> -> memref<1024xf32, #tpu.memory_space<hbm>>
      tpu.enqueue_dma source(%dma_start3A_37 : memref<1024xf32, #tpu.memory_space<hbm>>) target(%dma_start3A_34 : memref<1024xf32, #tpu.memory_space<vmem>>) target_semaphore(%arg28 : memref<!tpu.dma_semaphore, #tpu.memory_space<semaphore_mem>>)
      %add3A_38 = arith.constant 0 : i32
      %add3A_39 = arith.constant 2 : i32
      %add3A_40 = arith.addi %add3A_38, %add3A_39 : i32
      %dma_start3A_41 = arith.constant 2048 : i32
      %dma_start3A_42 = tpu.memref_slice %arg21[%dma_start3A_41] : memref<4096xf32, #tpu.memory_space<vmem>> -> memref<1024xf32, #tpu.memory_space<vmem>>
      %dma_start3A_43 = arith.constant 0 : i32
      %dma_start3A_44 = tpu.memref_slice %arg3[%add3A_40, %dma_start3A_43] : memref<2047x1024xf32, #tpu.memory_space<hbm>> -> memref<1x1024xf32, #tpu.memory_space<hbm>>
      %dma_start3A_45 = tpu.memref_squeeze %dma_start3A_44 : memref<1x1024xf32, #tpu.memory_space<hbm>> -> memref<1024xf32, #tpu.memory_space<hbm>>
      %dma_start3A_46 = arith.constant 2048 : i32
      %dma_start3A_47 = tpu.memref_slice %arg21[%dma_start3A_46] : memref<4096xf32, #tpu.memory_space<vmem>> -> memref<1024xf32, #tpu.memory_space<vmem>>
      %dma_start3A_48 = arith.constant 0 : i32
      %dma_start3A_49 = tpu.memref_slice %arg3[%add3A_40, %dma_start3A_48] : memref<2047x1024xf32, #tpu.memory_space<hbm>> -> memref<1x1024xf32, #tpu.memory_space<hbm>>
      %dma_start3A_50 = tpu.memref_squeeze %dma_start3A_49 : memref<1x1024xf32, #tpu.memory_space<hbm>> -> memref<1024xf32, #tpu.memory_space<hbm>>
      tpu.enqueue_dma source(%dma_start3A_50 : memref<1024xf32, #tpu.memory_space<hbm>>) target(%dma_start3A_47 : memref<1024xf32, #tpu.memory_space<vmem>>) target_semaphore(%arg28 : memref<!tpu.dma_semaphore, #tpu.memory_space<semaphore_mem>>)
      %add3A_51 = arith.constant 0 : i32
      %add3A_52 = arith.constant 3 : i32
      %add3A_53 = arith.addi %add3A_51, %add3A_52 : i32
      %dma_start3A_54 = arith.constant 3072 : i32
      %dma_start3A_55 = tpu.memref_slice %arg21[%dma_start3A_54] : memref<4096xf32, #tpu.memory_space<vmem>> -> memref<1024xf32, #tpu.memory_space<vmem>>
      %dma_start3A_56 = arith.constant 0 : i32
      %dma_start3A_57 = tpu.memref_slice %arg3[%add3A_53, %dma_start3A_56] : memref<2047x1024xf32, #tpu.memory_space<hbm>> -> memref<1x1024xf32, #tpu.memory_space<hbm>>
      %dma_start3A_58 = tpu.memref_squeeze %dma_start3A_57 : memref<1x1024xf32, #tpu.memory_space<hbm>> -> memref<1024xf32, #tpu.memory_space<hbm>>
      %dma_start3A_59 = arith.constant 3072 : i32
      %dma_start3A_60 = tpu.memref_slice %arg21[%dma_start3A_59] : memref<4096xf32, #tpu.memory_space<vmem>> -> memref<1024xf32, #tpu.memory_space<vmem>>
      %dma_start3A_61 = arith.constant 0 : i32
      %dma_start3A_62 = tpu.memref_slice %arg3[%add3A_53, %dma_start3A_61] : memref<2047x1024xf32, #tpu.memory_space<hbm>> -> memref<1x1024xf32, #tpu.memory_space<hbm>>
      %dma_start3A_63 = tpu.memref_squeeze %dma_start3A_62 : memref<1x1024xf32, #tpu.memory_space<hbm>> -> memref<1024xf32, #tpu.memory_space<hbm>>
      tpu.enqueue_dma source(%dma_start3A_63 : memref<1024xf32, #tpu.memory_space<hbm>>) target(%dma_start3A_60 : memref<1024xf32, #tpu.memory_space<vmem>>) target_semaphore(%arg28 : memref<!tpu.dma_semaphore, #tpu.memory_space<semaphore_mem>>)
      %mul3A = arith.constant 4 : i32
      %mul3A_64 = arith.constant 0 : i32
      %mul3A_65 = arith.muli %mul3A, %mul3A_64 : i32
      %add3A_66 = arith.constant 3 : i32
      %add3A_67 = arith.addi %add3A_66, %mul3A_65 : i32
      %add3A_68 = arith.constant 0 : i32
      %add3A_69 = arith.addi %add3A_67, %add3A_68 : i32
      %dma_start3A_70 = arith.constant 0 : i32
      %dma_start3A_71 = tpu.memref_slice %arg18[%dma_start3A_70] : memref<4096xf32, #tpu.memory_space<vmem>> -> memref<1024xf32, #tpu.memory_space<vmem>>
      %dma_start3A_72 = arith.constant 0 : i32
      %dma_start3A_73 = tpu.memref_slice %arg3[%add3A_69, %dma_start3A_72] : memref<2047x1024xf32, #tpu.memory_space<hbm>> -> memref<1x1024xf32, #tpu.memory_space<hbm>>
      %dma_start3A_74 = tpu.memref_squeeze %dma_start3A_73 : memref<1x1024xf32, #tpu.memory_space<hbm>> -> memref<1024xf32, #tpu.memory_space<hbm>>
      %dma_start3A_75 = arith.constant 0 : i32
      %dma_start3A_76 = tpu.memref_slice %arg18[%dma_start3A_75] : memref<4096xf32, #tpu.memory_space<vmem>> -> memref<1024xf32, #tpu.memory_space<vmem>>
      %dma_start3A_77 = arith.constant 0 : i32
      %dma_start3A_78 = tpu.memref_slice %arg3[%add3A_69, %dma_start3A_77] : memref<2047x1024xf32, #tpu.memory_space<hbm>> -> memref<1x1024xf32, #tpu.memory_space<hbm>>
      %dma_start3A_79 = tpu.memref_squeeze %dma_start3A_78 : memref<1x1024xf32, #tpu.memory_space<hbm>> -> memref<1024xf32, #tpu.memory_space<hbm>>
      tpu.enqueue_dma source(%dma_start3A_79 : memref<1024xf32, #tpu.memory_space<hbm>>) target(%dma_start3A_76 : memref<1024xf32, #tpu.memory_space<vmem>>) target_semaphore(%arg25 : memref<!tpu.dma_semaphore, #tpu.memory_space<semaphore_mem>>)
      %add3A_80 = arith.constant 1 : i32
      %add3A_81 = arith.addi %add3A_67, %add3A_80 : i32
      %dma_start3A_82 = arith.constant 1024 : i32
      %dma_start3A_83 = tpu.memref_slice %arg18[%dma_start3A_82] : memref<4096xf32, #tpu.memory_space<vmem>> -> memref<1024xf32, #tpu.memory_space<vmem>>
      %dma_start3A_84 = arith.constant 0 : i32
      %dma_start3A_85 = tpu.memref_slice %arg3[%add3A_81, %dma_start3A_84] : memref<2047x1024xf32, #tpu.memory_space<hbm>> -> memref<1x1024xf32, #tpu.memory_space<hbm>>
      %dma_start3A_86 = tpu.memref_squeeze %dma_start3A_85 : memref<1x1024xf32, #tpu.memory_space<hbm>> -> memref<1024xf32, #tpu.memory_space<hbm>>
      %dma_start3A_87 = arith.constant 1024 : i32
      %dma_start3A_88 = tpu.memref_slice %arg18[%dma_start3A_87] : memref<4096xf32, #tpu.memory_space<vmem>> -> memref<1024xf32, #tpu.memory_space<vmem>>
      %dma_start3A_89 = arith.constant 0 : i32
      %dma_start3A_90 = tpu.memref_slice %arg3[%add3A_81, %dma_start3A_89] : memref<2047x1024xf32, #tpu.memory_space<hbm>> -> memref<1x1024xf32, #tpu.memory_space<hbm>>
      %dma_start3A_91 = tpu.memref_squeeze %dma_start3A_90 : memref<1x1024xf32, #tpu.memory_space<hbm>> -> memref<1024xf32, #tpu.memory_space<hbm>>
      tpu.enqueue_dma source(%dma_start3A_91 : memref<1024xf32, #tpu.memory_space<hbm>>) target(%dma_start3A_88 : memref<1024xf32, #tpu.memory_space<vmem>>) target_semaphore(%arg25 : memref<!tpu.dma_semaphore, #tpu.memory_space<semaphore_mem>>)
      %add3A_92 = arith.constant 2 : i32
      %add3A_93 = arith.addi %add3A_67, %add3A_92 : i32
      %dma_start3A_94 = arith.constant 2048 : i32
      %dma_start3A_95 = tpu.memref_slice %arg18[%dma_start3A_94] : memref<4096xf32, #tpu.memory_space<vmem>> -> memref<1024xf32, #tpu.memory_space<vmem>>
      %dma_start3A_96 = arith.constant 0 : i32
      %dma_start3A_97 = tpu.memref_slice %arg3[%add3A_93, %dma_start3A_96] : memref<2047x1024xf32, #tpu.memory_space<hbm>> -> memref<1x1024xf32, #tpu.memory_space<hbm>>
      %dma_start3A_98 = tpu.memref_squeeze %dma_start3A_97 : memref<1x1024xf32, #tpu.memory_space<hbm>> -> memref<1024xf32, #tpu.memory_space<hbm>>
      %dma_start3A_99 = arith.constant 2048 : i32
      %dma_start3A_100 = tpu.memref_slice %arg18[%dma_start3A_99] : memref<4096xf32, #tpu.memory_space<vmem>> -> memref<1024xf32, #tpu.memory_space<vmem>>
      %dma_start3A_101 = arith.constant 0 : i32
      %dma_start3A_102 = tpu.memref_slice %arg3[%add3A_93, %dma_start3A_101] : memref<2047x1024xf32, #tpu.memory_space<hbm>> -> memref<1x1024xf32, #tpu.memory_space<hbm>>
      %dma_start3A_103 = tpu.memref_squeeze %dma_start3A_102 : memref<1x1024xf32, #tpu.memory_space<hbm>> -> memref<1024xf32, #tpu.memory_space<hbm>>
      tpu.enqueue_dma source(%dma_start3A_103 : memref<1024xf32, #tpu.memory_space<hbm>>) target(%dma_start3A_100 : memref<1024xf32, #tpu.memory_space<vmem>>) target_semaphore(%arg25 : memref<!tpu.dma_semaphore, #tpu.memory_space<semaphore_mem>>)
      %add3A_104 = arith.constant 3 : i32
      %add3A_105 = arith.addi %add3A_67, %add3A_104 : i32
      %dma_start3A_106 = arith.constant 3072 : i32
      %dma_start3A_107 = tpu.memref_slice %arg18[%dma_start3A_106] : memref<4096xf32, #tpu.memory_space<vmem>> -> memref<1024xf32, #tpu.memory_space<vmem>>
      %dma_start3A_108 = arith.constant 0 : i32
      %dma_start3A_109 = tpu.memref_slice %arg3[%add3A_105, %dma_start3A_108] : memref<2047x1024xf32, #tpu.memory_space<hbm>> -> memref<1x1024xf32, #tpu.memory_space<hbm>>
      %dma_start3A_110 = tpu.memref_squeeze %dma_start3A_109 : memref<1x1024xf32, #tpu.memory_space<hbm>> -> memref<1024xf32, #tpu.memory_space<hbm>>
      %dma_start3A_111 = arith.constant 3072 : i32
      %dma_start3A_112 = tpu.memref_slice %arg18[%dma_start3A_111] : memref<4096xf32, #tpu.memory_space<vmem>> -> memref<1024xf32, #tpu.memory_space<vmem>>
      %dma_start3A_113 = arith.constant 0 : i32
      %dma_start3A_114 = tpu.memref_slice %arg3[%add3A_105, %dma_start3A_113] : memref<2047x1024xf32, #tpu.memory_space<hbm>> -> memref<1x1024xf32, #tpu.memory_space<hbm>>
      %dma_start3A_115 = tpu.memref_squeeze %dma_start3A_114 : memref<1x1024xf32, #tpu.memory_space<hbm>> -> memref<1024xf32, #tpu.memory_space<hbm>>
      tpu.enqueue_dma source(%dma_start3A_115 : memref<1024xf32, #tpu.memory_space<hbm>>) target(%dma_start3A_112 : memref<1024xf32, #tpu.memory_space<vmem>>) target_semaphore(%arg25 : memref<!tpu.dma_semaphore, #tpu.memory_space<semaphore_mem>>)
      %dma_wait3A_116 = arith.constant 0 : i32
      %dma_wait3A_117 = tpu.memref_slice %arg21[%dma_wait3A_116] : memref<4096xf32, #tpu.memory_space<vmem>> -> memref<1024xf32, #tpu.memory_space<vmem>>
      %dma_wait3A_118 = arith.constant 0 : i32
      %dma_wait3A_119 = tpu.memref_slice %arg3[%add3A_14, %dma_wait3A_118] : memref<2047x1024xf32, #tpu.memory_space<hbm>> -> memref<1x1024xf32, #tpu.memory_space<hbm>>
      %dma_wait3A_120 = tpu.memref_squeeze %dma_wait3A_119 : memref<1x1024xf32, #tpu.memory_space<hbm>> -> memref<1024xf32, #tpu.memory_space<hbm>>
      %dma_wait3A_121 = arith.constant 0 : i32
      %dma_wait3A_122 = tpu.memref_slice %arg21[%dma_wait3A_121] : memref<4096xf32, #tpu.memory_space<vmem>> -> memref<1024xf32, #tpu.memory_space<vmem>>
      %dma_wait3A_123 = arith.constant 0 : i32
      %dma_wait3A_124 = tpu.memref_slice %arg3[%add3A_14, %dma_wait3A_123] : memref<2047x1024xf32, #tpu.memory_space<hbm>> -> memref<1x1024xf32, #tpu.memory_space<hbm>>
      %dma_wait3A_125 = tpu.memref_squeeze %dma_wait3A_124 : memref<1x1024xf32, #tpu.memory_space<hbm>> -> memref<1024xf32, #tpu.memory_space<hbm>>
      tpu.wait_dma2 semaphore(%arg28 : memref<!tpu.dma_semaphore, #tpu.memory_space<semaphore_mem>>) src(%dma_wait3A_125 : memref<1024xf32, #tpu.memory_space<hbm>>) dst(%dma_wait3A_122 : memref<1024xf32, #tpu.memory_space<vmem>>)
      %dma_wait3A_126 = arith.constant 1024 : i32
      %dma_wait3A_127 = tpu.memref_slice %arg21[%dma_wait3A_126] : memref<4096xf32, #tpu.memory_space<vmem>> -> memref<1024xf32, #tpu.memory_space<vmem>>
      %dma_wait3A_128 = arith.constant 0 : i32
      %dma_wait3A_129 = tpu.memref_slice %arg3[%add3A_27, %dma_wait3A_128] : memref<2047x1024xf32, #tpu.memory_space<hbm>> -> memref<1x1024xf32, #tpu.memory_space<hbm>>
      %dma_wait3A_130 = tpu.memref_squeeze %dma_wait3A_129 : memref<1x1024xf32, #tpu.memory_space<hbm>> -> memref<1024xf32, #tpu.memory_space<hbm>>
      %dma_wait3A_131 = arith.constant 1024 : i32
      %dma_wait3A_132 = tpu.memref_slice %arg21[%dma_wait3A_131] : memref<4096xf32, #tpu.memory_space<vmem>> -> memref<1024xf32, #tpu.memory_space<vmem>>
      %dma_wait3A_133 = arith.constant 0 : i32
      %dma_wait3A_134 = tpu.memref_slice %arg3[%add3A_27, %dma_wait3A_133] : memref<2047x1024xf32, #tpu.memory_space<hbm>> -> memref<1x1024xf32, #tpu.memory_space<hbm>>
      %dma_wait3A_135 = tpu.memref_squeeze %dma_wait3A_134 : memref<1x1024xf32, #tpu.memory_space<hbm>> -> memref<1024xf32, #tpu.memory_space<hbm>>
      tpu.wait_dma2 semaphore(%arg28 : memref<!tpu.dma_semaphore, #tpu.memory_space<semaphore_mem>>) src(%dma_wait3A_135 : memref<1024xf32, #tpu.memory_space<hbm>>) dst(%dma_wait3A_132 : memref<1024xf32, #tpu.memory_space<vmem>>)
      %dma_wait3A_136 = arith.constant 2048 : i32
      %dma_wait3A_137 = tpu.memref_slice %arg21[%dma_wait3A_136] : memref<4096xf32, #tpu.memory_space<vmem>> -> memref<1024xf32, #tpu.memory_space<vmem>>
      %dma_wait3A_138 = arith.constant 0 : i32
      %dma_wait3A_139 = tpu.memref_slice %arg3[%add3A_40, %dma_wait3A_138] : memref<2047x1024xf32, #tpu.memory_space<hbm>> -> memref<1x1024xf32, #tpu.memory_space<hbm>>
      %dma_wait3A_140 = tpu.memref_squeeze %dma_wait3A_139 : memref<1x1024xf32, #tpu.memory_space<hbm>> -> memref<1024xf32, #tpu.memory_space<hbm>>
      %dma_wait3A_141 = arith.constant 2048 : i32
      %dma_wait3A_142 = tpu.memref_slice %arg21[%dma_wait3A_141] : memref<4096xf32, #tpu.memory_space<vmem>> -> memref<1024xf32, #tpu.memory_space<vmem>>
      %dma_wait3A_143 = arith.constant 0 : i32
      %dma_wait3A_144 = tpu.memref_slice %arg3[%add3A_40, %dma_wait3A_143] : memref<2047x1024xf32, #tpu.memory_space<hbm>> -> memref<1x1024xf32, #tpu.memory_space<hbm>>
      %dma_wait3A_145 = tpu.memref_squeeze %dma_wait3A_144 : memref<1x1024xf32, #tpu.memory_space<hbm>> -> memref<1024xf32, #tpu.memory_space<hbm>>
      tpu.wait_dma2 semaphore(%arg28 : memref<!tpu.dma_semaphore, #tpu.memory_space<semaphore_mem>>) src(%dma_wait3A_145 : memref<1024xf32, #tpu.memory_space<hbm>>) dst(%dma_wait3A_142 : memref<1024xf32, #tpu.memory_space<vmem>>)
      %dma_wait3A_146 = arith.constant 3072 : i32
      %dma_wait3A_147 = tpu.memref_slice %arg21[%dma_wait3A_146] : memref<4096xf32, #tpu.memory_space<vmem>> -> memref<1024xf32, #tpu.memory_space<vmem>>
      %dma_wait3A_148 = arith.constant 0 : i32
      %dma_wait3A_149 = tpu.memref_slice %arg3[%add3A_53, %dma_wait3A_148] : memref<2047x1024xf32, #tpu.memory_space<hbm>> -> memref<1x1024xf32, #tpu.memory_space<hbm>>
      %dma_wait3A_150 = tpu.memref_squeeze %dma_wait3A_149 : memref<1x1024xf32, #tpu.memory_space<hbm>> -> memref<1024xf32, #tpu.memory_space<hbm>>
      %dma_wait3A_151 = arith.constant 3072 : i32
      %dma_wait3A_152 = tpu.memref_slice %arg21[%dma_wait3A_151] : memref<4096xf32, #tpu.memory_space<vmem>> -> memref<1024xf32, #tpu.memory_space<vmem>>
      %dma_wait3A_153 = arith.constant 0 : i32
      %dma_wait3A_154 = tpu.memref_slice %arg3[%add3A_53, %dma_wait3A_153] : memref<2047x1024xf32, #tpu.memory_space<hbm>> -> memref<1x1024xf32, #tpu.memory_space<hbm>>
      %dma_wait3A_155 = tpu.memref_squeeze %dma_wait3A_154 : memref<1x1024xf32, #tpu.memory_space<hbm>> -> memref<1024xf32, #tpu.memory_space<hbm>>
      tpu.wait_dma2 semaphore(%arg28 : memref<!tpu.dma_semaphore, #tpu.memory_space<semaphore_mem>>) src(%dma_wait3A_155 : memref<1024xf32, #tpu.memory_space<hbm>>) dst(%dma_wait3A_152 : memref<1024xf32, #tpu.memory_space<vmem>>)
      %mul3A_156 = arith.constant 0 : i32
      %mul3A_157 = arith.constant 1024 : i32
      %mul3A_158 = arith.muli %mul3A_156, %mul3A_157 : i32
      %broadcast_in_dim3A = arith.constant 0.000000e+00 : f32
      %broadcast_in_dim3A_159 = vector.broadcast %broadcast_in_dim3A : f32 to vector<16xf32>
      %scan3A = arith.constant 0 : i32
      %scan3A_160 = arith.constant 8 : i32
      %scan3A_161 = arith.addi %scan3A, %scan3A_160 : i32
      %scan3A_162 = arith.constant 1 : i32
      %scan3A_163 = scf.for %scan3A_1544 = %scan3A to %scan3A_161 step %scan3A_162 iter_args(%scan3A_1545 = %broadcast_in_dim3A_159) -> (vector<16xf32>)  : i32 {
        %mul3A_1546 = arith.constant 128 : i32
        %mul3A_1547 = arith.muli %scan3A_1544, %mul3A_1546 : i32
        %multiple_of3A = tpu.assume_multiple %mul3A_1547, 16 : i32
        %add3A_1548 = arith.constant 0 : i32
        %add3A_1549 = arith.addi %multiple_of3A, %add3A_1548 : i32
        %get3A = arith.index_cast %add3A_1549 : i32 to index
        %get3A_1550 = tpu.vector_load %arg10[%get3A] {strides = array<i32>} : memref<1024xf32, #tpu.memory_space<vmem>>, vector<16xf32>,
        %add3A_1551 = arith.addi %mul3A_158, %add3A_1549 : i32
        %multiple_of3A_1552 = tpu.assume_multiple %add3A_1551, 16 : i32
        %get3A_1553 = arith.index_cast %multiple_of3A_1552 : i32 to index
        %get3A_1554 = tpu.vector_load %arg21[%get3A_1553] {strides = array<i32>} : memref<4096xf32, #tpu.memory_space<vmem>>, vector<16xf32>,
        %mul3A_1555 = arith.mulf %get3A_1550, %get3A_1554 : vector<16xf32>
        %add3A_1556 = arith.addf %scan3A_1545, %mul3A_1555 : vector<16xf32>
        %add3A_1557 = arith.constant 16 : i32
        %add3A_1558 = arith.addi %multiple_of3A, %add3A_1557 : i32
        %get3A_1559 = arith.index_cast %add3A_1558 : i32 to index
        %get3A_1560 = tpu.vector_load %arg10[%get3A_1559] {strides = array<i32>} : memref<1024xf32, #tpu.memory_space<vmem>>, vector<16xf32>,
        %add3A_1561 = arith.addi %mul3A_158, %add3A_1558 : i32
        %multiple_of3A_1562 = tpu.assume_multiple %add3A_1561, 16 : i32
        %get3A_1563 = arith.index_cast %multiple_of3A_1562 : i32 to index
        %get3A_1564 = tpu.vector_load %arg21[%get3A_1563] {strides = array<i32>} : memref<4096xf32, #tpu.memory_space<vmem>>, vector<16xf32>,
        %mul3A_1565 = arith.mulf %get3A_1560, %get3A_1564 : vector<16xf32>
        %add3A_1566 = arith.addf %add3A_1556, %mul3A_1565 : vector<16xf32>
        %add3A_1567 = arith.constant 32 : i32
        %add3A_1568 = arith.addi %multiple_of3A, %add3A_1567 : i32
        %get3A_1569 = arith.index_cast %add3A_1568 : i32 to index
        %get3A_1570 = tpu.vector_load %arg10[%get3A_1569] {strides = array<i32>} : memref<1024xf32, #tpu.memory_space<vmem>>, vector<16xf32>,
        %add3A_1571 = arith.addi %mul3A_158, %add3A_1568 : i32
        %multiple_of3A_1572 = tpu.assume_multiple %add3A_1571, 16 : i32
        %get3A_1573 = arith.index_cast %multiple_of3A_1572 : i32 to index
        %get3A_1574 = tpu.vector_load %arg21[%get3A_1573] {strides = array<i32>} : memref<4096xf32, #tpu.memory_space<vmem>>, vector<16xf32>,
        %mul3A_1575 = arith.mulf %get3A_1570, %get3A_1574 : vector<16xf32>
        %add3A_1576 = arith.addf %add3A_1566, %mul3A_1575 : vector<16xf32>
        %add3A_1577 = arith.constant 48 : i32
        %add3A_1578 = arith.addi %multiple_of3A, %add3A_1577 : i32
        %get3A_1579 = arith.index_cast %add3A_1578 : i32 to index
        %get3A_1580 = tpu.vector_load %arg10[%get3A_1579] {strides = array<i32>} : memref<1024xf32, #tpu.memory_space<vmem>>, vector<16xf32>,
        %add3A_1581 = arith.addi %mul3A_158, %add3A_1578 : i32
        %multiple_of3A_1582 = tpu.assume_multiple %add3A_1581, 16 : i32
        %get3A_1583 = arith.index_cast %multiple_of3A_1582 : i32 to index
        %get3A_1584 = tpu.vector_load %arg21[%get3A_1583] {strides = array<i32>} : memref<4096xf32, #tpu.memory_space<vmem>>, vector<16xf32>,
        %mul3A_1585 = arith.mulf %get3A_1580, %get3A_1584 : vector<16xf32>
        %add3A_1586 = arith.addf %add3A_1576, %mul3A_1585 : vector<16xf32>
        %add3A_1587 = arith.constant 64 : i32
        %add3A_1588 = arith.addi %multiple_of3A, %add3A_1587 : i32
        %get3A_1589 = arith.index_cast %add3A_1588 : i32 to index
        %get3A_1590 = tpu.vector_load %arg10[%get3A_1589] {strides = array<i32>} : memref<1024xf32, #tpu.memory_space<vmem>>, vector<16xf32>,
        %add3A_1591 = arith.addi %mul3A_158, %add3A_1588 : i32
        %multiple_of3A_1592 = tpu.assume_multiple %add3A_1591, 16 : i32
        %get3A_1593 = arith.index_cast %multiple_of3A_1592 : i32 to index
        %get3A_1594 = tpu.vector_load %arg21[%get3A_1593] {strides = array<i32>} : memref<4096xf32, #tpu.memory_space<vmem>>, vector<16xf32>,
        %mul3A_1595 = arith.mulf %get3A_1590, %get3A_1594 : vector<16xf32>
        %add3A_1596 = arith.addf %add3A_1586, %mul3A_1595 : vector<16xf32>
        %add3A_1597 = arith.constant 80 : i32
        %add3A_1598 = arith.addi %multiple_of3A, %add3A_1597 : i32
        %get3A_1599 = arith.index_cast %add3A_1598 : i32 to index
        %get3A_1600 = tpu.vector_load %arg10[%get3A_1599] {strides = array<i32>} : memref<1024xf32, #tpu.memory_space<vmem>>, vector<16xf32>,
        %add3A_1601 = arith.addi %mul3A_158, %add3A_1598 : i32
        %multiple_of3A_1602 = tpu.assume_multiple %add3A_1601, 16 : i32
        %get3A_1603 = arith.index_cast %multiple_of3A_1602 : i32 to index
        %get3A_1604 = tpu.vector_load %arg21[%get3A_1603] {strides = array<i32>} : memref<4096xf32, #tpu.memory_space<vmem>>, vector<16xf32>,
        %mul3A_1605 = arith.mulf %get3A_1600, %get3A_1604 : vector<16xf32>
        %add3A_1606 = arith.addf %add3A_1596, %mul3A_1605 : vector<16xf32>
        %add3A_1607 = arith.constant 96 : i32
        %add3A_1608 = arith.addi %multiple_of3A, %add3A_1607 : i32
        %get3A_1609 = arith.index_cast %add3A_1608 : i32 to index
        %get3A_1610 = tpu.vector_load %arg10[%get3A_1609] {strides = array<i32>} : memref<1024xf32, #tpu.memory_space<vmem>>, vector<16xf32>,
        %add3A_1611 = arith.addi %mul3A_158, %add3A_1608 : i32
        %multiple_of3A_1612 = tpu.assume_multiple %add3A_1611, 16 : i32
        %get3A_1613 = arith.index_cast %multiple_of3A_1612 : i32 to index
        %get3A_1614 = tpu.vector_load %arg21[%get3A_1613] {strides = array<i32>} : memref<4096xf32, #tpu.memory_space<vmem>>, vector<16xf32>,
        %mul3A_1615 = arith.mulf %get3A_1610, %get3A_1614 : vector<16xf32>
        %add3A_1616 = arith.addf %add3A_1606, %mul3A_1615 : vector<16xf32>
        %add3A_1617 = arith.constant 112 : i32
        %add3A_1618 = arith.addi %multiple_of3A, %add3A_1617 : i32
        %get3A_1619 = arith.index_cast %add3A_1618 : i32 to index
        %get3A_1620 = tpu.vector_load %arg10[%get3A_1619] {strides = array<i32>} : memref<1024xf32, #tpu.memory_space<vmem>>, vector<16xf32>,
        %add3A_1621 = arith.addi %mul3A_158, %add3A_1618 : i32
        %multiple_of3A_1622 = tpu.assume_multiple %add3A_1621, 16 : i32
        %get3A_1623 = arith.index_cast %multiple_of3A_1622 : i32 to index
        %get3A_1624 = tpu.vector_load %arg21[%get3A_1623] {strides = array<i32>} : memref<4096xf32, #tpu.memory_space<vmem>>, vector<16xf32>,
        %mul3A_1625 = arith.mulf %get3A_1620, %get3A_1624 : vector<16xf32>
        %add3A_1626 = arith.addf %add3A_1616, %mul3A_1625 : vector<16xf32>
        scf.yield %add3A_1626 : vector<16xf32>
      }
      %scan3A_164 = arith.constant 8 : i32
      %add3A_165 = arith.constant 0 : i32
      %add3A_166 = arith.constant 0 : i32
      %add3A_167 = arith.addi %add3A_165, %add3A_166 : i32
      %broadcast_in_dim3A_168 = vector.broadcast %add3A_167 : i32 to vector<16xi32>
      %gather3A = tpu.vector_load_idx %arg11[%broadcast_in_dim3A_168] : memref<2047xf32, #tpu.memory_space<vmem>>[vector<16xi32>], vector<16xf32>,
      %reduce_sum3A = arith.constant true
      %reduce_sum3A_169 = vector.broadcast %reduce_sum3A : i1 to vector<16xi1>
      %reduce_sum3A_170 = tpu.scan <sum>, %scan3A_163 masked %reduce_sum3A_169 : vector<16xf32>, vector<16xi1> -> vector<16xf32>
      %reduce_sum3A_171 = vector.extract %reduce_sum3A_170[15] : f32 from vector<16xf32>
      %slice3A = vector.extract_strided_slice %gather3A {offsets = [0], sizes = [1], strides = [1]} : vector<16xf32> to vector<1xf32>
      %squeeze3A = vector.extract %slice3A[0] : f32 from vector<1xf32>
      %add3A_172 = arith.addf %reduce_sum3A_171, %squeeze3A : f32
      %gt3A = arith.constant 0.000000e+00 : f32
      %gt3A_173 = arith.cmpf ogt, %add3A_172, %gt3A : f32
      %convert_element_type3A_174 = arith.extui %gt3A_173 : i1 to i32
      %mul3A_175 = arith.constant 2 : i32
      %mul3A_176 = arith.constant 0 : i32
      %mul3A_177 = arith.muli %mul3A_175, %mul3A_176 : i32
      %add3A_178 = arith.addi %mul3A_177, %convert_element_type3A_174 : i32
      %mul3A_179 = arith.constant 4 : i32
      %mul3A_180 = arith.muli %mul3A_179, %add3A_178 : i32
      %add3A_181 = arith.constant 7 : i32
      %add3A_182 = arith.addi %add3A_181, %mul3A_180 : i32
      %add3A_183 = arith.constant 0 : i32
      %add3A_184 = arith.addi %add3A_182, %add3A_183 : i32
      %dma_start3A_185 = arith.constant 0 : i32
      %dma_start3A_186 = tpu.memref_slice %arg19[%dma_start3A_185] : memref<4096xf32, #tpu.memory_space<vmem>> -> memref<1024xf32, #tpu.memory_space<vmem>>
      %dma_start3A_187 = arith.constant 0 : i32
      %dma_start3A_188 = tpu.memref_slice %arg3[%add3A_184, %dma_start3A_187] : memref<2047x1024xf32, #tpu.memory_space<hbm>> -> memref<1x1024xf32, #tpu.memory_space<hbm>>
      %dma_start3A_189 = tpu.memref_squeeze %dma_start3A_188 : memref<1x1024xf32, #tpu.memory_space<hbm>> -> memref<1024xf32, #tpu.memory_space<hbm>>
      %dma_start3A_190 = arith.constant 0 : i32
      %dma_start3A_191 = tpu.memref_slice %arg19[%dma_start3A_190] : memref<4096xf32, #tpu.memory_space<vmem>> -> memref<1024xf32, #tpu.memory_space<vmem>>
      %dma_start3A_192 = arith.constant 0 : i32
      %dma_start3A_193 = tpu.memref_slice %arg3[%add3A_184, %dma_start3A_192] : memref<2047x1024xf32, #tpu.memory_space<hbm>> -> memref<1x1024xf32, #tpu.memory_space<hbm>>
      %dma_start3A_194 = tpu.memref_squeeze %dma_start3A_193 : memref<1x1024xf32, #tpu.memory_space<hbm>> -> memref<1024xf32, #tpu.memory_space<hbm>>
      tpu.enqueue_dma source(%dma_start3A_194 : memref<1024xf32, #tpu.memory_space<hbm>>) target(%dma_start3A_191 : memref<1024xf32, #tpu.memory_space<vmem>>) target_semaphore(%arg26 : memref<!tpu.dma_semaphore, #tpu.memory_space<semaphore_mem>>)
      %add3A_195 = arith.constant 1 : i32
      %add3A_196 = arith.addi %add3A_182, %add3A_195 : i32
      %dma_start3A_197 = arith.constant 1024 : i32
      %dma_start3A_198 = tpu.memref_slice %arg19[%dma_start3A_197] : memref<4096xf32, #tpu.memory_space<vmem>> -> memref<1024xf32, #tpu.memory_space<vmem>>
      %dma_start3A_199 = arith.constant 0 : i32
      %dma_start3A_200 = tpu.memref_slice %arg3[%add3A_196, %dma_start3A_199] : memref<2047x1024xf32, #tpu.memory_space<hbm>> -> memref<1x1024xf32, #tpu.memory_space<hbm>>
      %dma_start3A_201 = tpu.memref_squeeze %dma_start3A_200 : memref<1x1024xf32, #tpu.memory_space<hbm>> -> memref<1024xf32, #tpu.memory_space<hbm>>
      %dma_start3A_202 = arith.constant 1024 : i32
      %dma_start3A_203 = tpu.memref_slice %arg19[%dma_start3A_202] : memref<4096xf32, #tpu.memory_space<vmem>> -> memref<1024xf32, #tpu.memory_space<vmem>>
      %dma_start3A_204 = arith.constant 0 : i32
      %dma_start3A_205 = tpu.memref_slice %arg3[%add3A_196, %dma_start3A_204] : memref<2047x1024xf32, #tpu.memory_space<hbm>> -> memref<1x1024xf32, #tpu.memory_space<hbm>>
      %dma_start3A_206 = tpu.memref_squeeze %dma_start3A_205 : memref<1x1024xf32, #tpu.memory_space<hbm>> -> memref<1024xf32, #tpu.memory_space<hbm>>
      tpu.enqueue_dma source(%dma_start3A_206 : memref<1024xf32, #tpu.memory_space<hbm>>) target(%dma_start3A_203 : memref<1024xf32, #tpu.memory_space<vmem>>) target_semaphore(%arg26 : memref<!tpu.dma_semaphore, #tpu.memory_space<semaphore_mem>>)
      %add3A_207 = arith.constant 2 : i32
      %add3A_208 = arith.addi %add3A_182, %add3A_207 : i32
      %dma_start3A_209 = arith.constant 2048 : i32
      %dma_start3A_210 = tpu.memref_slice %arg19[%dma_start3A_209] : memref<4096xf32, #tpu.memory_space<vmem>> -> memref<1024xf32, #tpu.memory_space<vmem>>
      %dma_start3A_211 = arith.constant 0 : i32
      %dma_start3A_212 = tpu.memref_slice %arg3[%add3A_208, %dma_start3A_211] : memref<2047x1024xf32, #tpu.memory_space<hbm>> -> memref<1x1024xf32, #tpu.memory_space<hbm>>
      %dma_start3A_213 = tpu.memref_squeeze %dma_start3A_212 : memref<1x1024xf32, #tpu.memory_space<hbm>> -> memref<1024xf32, #tpu.memory_space<hbm>>
      %dma_start3A_214 = arith.constant 2048 : i32
      %dma_start3A_215 = tpu.memref_slice %arg19[%dma_start3A_214] : memref<4096xf32, #tpu.memory_space<vmem>> -> memref<1024xf32, #tpu.memory_space<vmem>>
      %dma_start3A_216 = arith.constant 0 : i32
      %dma_start3A_217 = tpu.memref_slice %arg3[%add3A_208, %dma_start3A_216] : memref<2047x1024xf32, #tpu.memory_space<hbm>> -> memref<1x1024xf32, #tpu.memory_space<hbm>>
      %dma_start3A_218 = tpu.memref_squeeze %dma_start3A_217 : memref<1x1024xf32, #tpu.memory_space<hbm>> -> memref<1024xf32, #tpu.memory_space<hbm>>
      tpu.enqueue_dma source(%dma_start3A_218 : memref<1024xf32, #tpu.memory_space<hbm>>) target(%dma_start3A_215 : memref<1024xf32, #tpu.memory_space<vmem>>) target_semaphore(%arg26 : memref<!tpu.dma_semaphore, #tpu.memory_space<semaphore_mem>>)
      %add3A_219 = arith.constant 3 : i32
      %add3A_220 = arith.addi %add3A_182, %add3A_219 : i32
      %dma_start3A_221 = arith.constant 3072 : i32
      %dma_start3A_222 = tpu.memref_slice %arg19[%dma_start3A_221] : memref<4096xf32, #tpu.memory_space<vmem>> -> memref<1024xf32, #tpu.memory_space<vmem>>
      %dma_start3A_223 = arith.constant 0 : i32
      %dma_start3A_224 = tpu.memref_slice %arg3[%add3A_220, %dma_start3A_223] : memref<2047x1024xf32, #tpu.memory_space<hbm>> -> memref<1x1024xf32, #tpu.memory_space<hbm>>
      %dma_start3A_225 = tpu.memref_squeeze %dma_start3A_224 : memref<1x1024xf32, #tpu.memory_space<hbm>> -> memref<1024xf32, #tpu.memory_space<hbm>>
      %dma_start3A_226 = arith.constant 3072 : i32
      %dma_start3A_227 = tpu.memref_slice %arg19[%dma_start3A_226] : memref<4096xf32, #tpu.memory_space<vmem>> -> memref<1024xf32, #tpu.memory_space<vmem>>
      %dma_start3A_228 = arith.constant 0 : i32
      %dma_start3A_229 = tpu.memref_slice %arg3[%add3A_220, %dma_start3A_228] : memref<2047x1024xf32, #tpu.memory_space<hbm>> -> memref<1x1024xf32, #tpu.memory_space<hbm>>
      %dma_start3A_230 = tpu.memref_squeeze %dma_start3A_229 : memref<1x1024xf32, #tpu.memory_space<hbm>> -> memref<1024xf32, #tpu.memory_space<hbm>>
      tpu.enqueue_dma source(%dma_start3A_230 : memref<1024xf32, #tpu.memory_space<hbm>>) target(%dma_start3A_227 : memref<1024xf32, #tpu.memory_space<vmem>>) target_semaphore(%arg26 : memref<!tpu.dma_semaphore, #tpu.memory_space<semaphore_mem>>)
      %add3A_231 = arith.constant 1 : i32
      %add3A_232 = arith.addi %add3A_231, %convert_element_type3A_174 : i32
      %mul3A_233 = arith.constant 1024 : i32
      %mul3A_234 = arith.muli %add3A_232, %mul3A_233 : i32
      %broadcast_in_dim3A_235 = arith.constant 0.000000e+00 : f32
      %broadcast_in_dim3A_236 = vector.broadcast %broadcast_in_dim3A_235 : f32 to vector<16xf32>
      %scan3A_237 = arith.constant 0 : i32
      %scan3A_238 = arith.constant 8 : i32
      %scan3A_239 = arith.addi %scan3A_237, %scan3A_238 : i32
      %scan3A_240 = arith.constant 1 : i32
      %scan3A_241 = scf.for %scan3A_1544 = %scan3A_237 to %scan3A_239 step %scan3A_240 iter_args(%scan3A_1545 = %broadcast_in_dim3A_236) -> (vector<16xf32>)  : i32 {
        %mul3A_1546 = arith.constant 128 : i32
        %mul3A_1547 = arith.muli %scan3A_1544, %mul3A_1546 : i32
        %multiple_of3A = tpu.assume_multiple %mul3A_1547, 16 : i32
        %add3A_1548 = arith.constant 0 : i32
        %add3A_1549 = arith.addi %multiple_of3A, %add3A_1548 : i32
        %get3A = arith.index_cast %add3A_1549 : i32 to index
        %get3A_1550 = tpu.vector_load %arg10[%get3A] {strides = array<i32>} : memref<1024xf32, #tpu.memory_space<vmem>>, vector<16xf32>,
        %add3A_1551 = arith.addi %mul3A_234, %add3A_1549 : i32
        %multiple_of3A_1552 = tpu.assume_multiple %add3A_1551, 16 : i32
        %get3A_1553 = arith.index_cast %multiple_of3A_1552 : i32 to index
        %get3A_1554 = tpu.vector_load %arg21[%get3A_1553] {strides = array<i32>} : memref<4096xf32, #tpu.memory_space<vmem>>, vector<16xf32>,
        %mul3A_1555 = arith.mulf %get3A_1550, %get3A_1554 : vector<16xf32>
        %add3A_1556 = arith.addf %scan3A_1545, %mul3A_1555 : vector<16xf32>
        %add3A_1557 = arith.constant 16 : i32
        %add3A_1558 = arith.addi %multiple_of3A, %add3A_1557 : i32
        %get3A_1559 = arith.index_cast %add3A_1558 : i32 to index
        %get3A_1560 = tpu.vector_load %arg10[%get3A_1559] {strides = array<i32>} : memref<1024xf32, #tpu.memory_space<vmem>>, vector<16xf32>,
        %add3A_1561 = arith.addi %mul3A_234, %add3A_1558 : i32
        %multiple_of3A_1562 = tpu.assume_multiple %add3A_1561, 16 : i32
        %get3A_1563 = arith.index_cast %multiple_of3A_1562 : i32 to index
        %get3A_1564 = tpu.vector_load %arg21[%get3A_1563] {strides = array<i32>} : memref<4096xf32, #tpu.memory_space<vmem>>, vector<16xf32>,
        %mul3A_1565 = arith.mulf %get3A_1560, %get3A_1564 : vector<16xf32>
        %add3A_1566 = arith.addf %add3A_1556, %mul3A_1565 : vector<16xf32>
        %add3A_1567 = arith.constant 32 : i32
        %add3A_1568 = arith.addi %multiple_of3A, %add3A_1567 : i32
        %get3A_1569 = arith.index_cast %add3A_1568 : i32 to index
        %get3A_1570 = tpu.vector_load %arg10[%get3A_1569] {strides = array<i32>} : memref<1024xf32, #tpu.memory_space<vmem>>, vector<16xf32>,
        %add3A_1571 = arith.addi %mul3A_234, %add3A_1568 : i32
        %multiple_of3A_1572 = tpu.assume_multiple %add3A_1571, 16 : i32
        %get3A_1573 = arith.index_cast %multiple_of3A_1572 : i32 to index
        %get3A_1574 = tpu.vector_load %arg21[%get3A_1573] {strides = array<i32>} : memref<4096xf32, #tpu.memory_space<vmem>>, vector<16xf32>,
        %mul3A_1575 = arith.mulf %get3A_1570, %get3A_1574 : vector<16xf32>
        %add3A_1576 = arith.addf %add3A_1566, %mul3A_1575 : vector<16xf32>
        %add3A_1577 = arith.constant 48 : i32
        %add3A_1578 = arith.addi %multiple_of3A, %add3A_1577 : i32
        %get3A_1579 = arith.index_cast %add3A_1578 : i32 to index
        %get3A_1580 = tpu.vector_load %arg10[%get3A_1579] {strides = array<i32>} : memref<1024xf32, #tpu.memory_space<vmem>>, vector<16xf32>,
        %add3A_1581 = arith.addi %mul3A_234, %add3A_1578 : i32
        %multiple_of3A_1582 = tpu.assume_multiple %add3A_1581, 16 : i32
        %get3A_1583 = arith.index_cast %multiple_of3A_1582 : i32 to index
        %get3A_1584 = tpu.vector_load %arg21[%get3A_1583] {strides = array<i32>} : memref<4096xf32, #tpu.memory_space<vmem>>, vector<16xf32>,
        %mul3A_1585 = arith.mulf %get3A_1580, %get3A_1584 : vector<16xf32>
        %add3A_1586 = arith.addf %add3A_1576, %mul3A_1585 : vector<16xf32>
        %add3A_1587 = arith.constant 64 : i32
        %add3A_1588 = arith.addi %multiple_of3A, %add3A_1587 : i32
        %get3A_1589 = arith.index_cast %add3A_1588 : i32 to index
        %get3A_1590 = tpu.vector_load %arg10[%get3A_1589] {strides = array<i32>} : memref<1024xf32, #tpu.memory_space<vmem>>, vector<16xf32>,
        %add3A_1591 = arith.addi %mul3A_234, %add3A_1588 : i32
        %multiple_of3A_1592 = tpu.assume_multiple %add3A_1591, 16 : i32
        %get3A_1593 = arith.index_cast %multiple_of3A_1592 : i32 to index
        %get3A_1594 = tpu.vector_load %arg21[%get3A_1593] {strides = array<i32>} : memref<4096xf32, #tpu.memory_space<vmem>>, vector<16xf32>,
        %mul3A_1595 = arith.mulf %get3A_1590, %get3A_1594 : vector<16xf32>
        %add3A_1596 = arith.addf %add3A_1586, %mul3A_1595 : vector<16xf32>
        %add3A_1597 = arith.constant 80 : i32
        %add3A_1598 = arith.addi %multiple_of3A, %add3A_1597 : i32
        %get3A_1599 = arith.index_cast %add3A_1598 : i32 to index
        %get3A_1600 = tpu.vector_load %arg10[%get3A_1599] {strides = array<i32>} : memref<1024xf32, #tpu.memory_space<vmem>>, vector<16xf32>,
        %add3A_1601 = arith.addi %mul3A_234, %add3A_1598 : i32
        %multiple_of3A_1602 = tpu.assume_multiple %add3A_1601, 16 : i32
        %get3A_1603 = arith.index_cast %multiple_of3A_1602 : i32 to index
        %get3A_1604 = tpu.vector_load %arg21[%get3A_1603] {strides = array<i32>} : memref<4096xf32, #tpu.memory_space<vmem>>, vector<16xf32>,
        %mul3A_1605 = arith.mulf %get3A_1600, %get3A_1604 : vector<16xf32>
        %add3A_1606 = arith.addf %add3A_1596, %mul3A_1605 : vector<16xf32>
        %add3A_1607 = arith.constant 96 : i32
        %add3A_1608 = arith.addi %multiple_of3A, %add3A_1607 : i32
        %get3A_1609 = arith.index_cast %add3A_1608 : i32 to index
        %get3A_1610 = tpu.vector_load %arg10[%get3A_1609] {strides = array<i32>} : memref<1024xf32, #tpu.memory_space<vmem>>, vector<16xf32>,
        %add3A_1611 = arith.addi %mul3A_234, %add3A_1608 : i32
        %multiple_of3A_1612 = tpu.assume_multiple %add3A_1611, 16 : i32
        %get3A_1613 = arith.index_cast %multiple_of3A_1612 : i32 to index
        %get3A_1614 = tpu.vector_load %arg21[%get3A_1613] {strides = array<i32>} : memref<4096xf32, #tpu.memory_space<vmem>>, vector<16xf32>,
        %mul3A_1615 = arith.mulf %get3A_1610, %get3A_1614 : vector<16xf32>
        %add3A_1616 = arith.addf %add3A_1606, %mul3A_1615 : vector<16xf32>
        %add3A_1617 = arith.constant 112 : i32
        %add3A_1618 = arith.addi %multiple_of3A, %add3A_1617 : i32
        %get3A_1619 = arith.index_cast %add3A_1618 : i32 to index
        %get3A_1620 = tpu.vector_load %arg10[%get3A_1619] {strides = array<i32>} : memref<1024xf32, #tpu.memory_space<vmem>>, vector<16xf32>,
        %add3A_1621 = arith.addi %mul3A_234, %add3A_1618 : i32
        %multiple_of3A_1622 = tpu.assume_multiple %add3A_1621, 16 : i32
        %get3A_1623 = arith.index_cast %multiple_of3A_1622 : i32 to index
        %get3A_1624 = tpu.vector_load %arg21[%get3A_1623] {strides = array<i32>} : memref<4096xf32, #tpu.memory_space<vmem>>, vector<16xf32>,
        %mul3A_1625 = arith.mulf %get3A_1620, %get3A_1624 : vector<16xf32>
        %add3A_1626 = arith.addf %add3A_1616, %mul3A_1625 : vector<16xf32>
        scf.yield %add3A_1626 : vector<16xf32>
      }
      %scan3A_242 = arith.constant 8 : i32
      %add3A_243 = arith.constant 1 : i32
      %add3A_244 = arith.addi %add3A_243, %add3A_178 : i32
      %broadcast_in_dim3A_245 = vector.broadcast %add3A_244 : i32 to vector<16xi32>
      %gather3A_246 = tpu.vector_load_idx %arg11[%broadcast_in_dim3A_245] : memref<2047xf32, #tpu.memory_space<vmem>>[vector<16xi32>], vector<16xf32>,
      %reduce_sum3A_247 = arith.constant true
      %reduce_sum3A_248 = vector.broadcast %reduce_sum3A_247 : i1 to vector<16xi1>
      %reduce_sum3A_249 = tpu.scan <sum>, %scan3A_241 masked %reduce_sum3A_248 : vector<16xf32>, vector<16xi1> -> vector<16xf32>
      %reduce_sum3A_250 = vector.extract %reduce_sum3A_249[15] : f32 from vector<16xf32>
      %slice3A_251 = vector.extract_strided_slice %gather3A_246 {offsets = [0], sizes = [1], strides = [1]} : vector<16xf32> to vector<1xf32>
      %squeeze3A_252 = vector.extract %slice3A_251[0] : f32 from vector<1xf32>
      %add3A_253 = arith.addf %reduce_sum3A_250, %squeeze3A_252 : f32
      %gt3A_254 = arith.constant 0.000000e+00 : f32
      %gt3A_255 = arith.cmpf ogt, %add3A_253, %gt3A_254 : f32
      %convert_element_type3A_256 = arith.extui %gt3A_255 : i1 to i32
      %mul3A_257 = arith.constant 2 : i32
      %mul3A_258 = arith.muli %mul3A_257, %add3A_178 : i32
      %add3A_259 = arith.addi %mul3A_258, %convert_element_type3A_256 : i32
      %mul3A_260 = arith.constant 4 : i32
      %mul3A_261 = arith.muli %mul3A_260, %add3A_259 : i32
      %add3A_262 = arith.constant 15 : i32
      %add3A_263 = arith.addi %add3A_262, %mul3A_261 : i32
      %add3A_264 = arith.constant 0 : i32
      %add3A_265 = arith.addi %add3A_263, %add3A_264 : i32
      %dma_start3A_266 = arith.constant 0 : i32
      %dma_start3A_267 = tpu.memref_slice %arg20[%dma_start3A_266] : memref<4096xf32, #tpu.memory_space<vmem>> -> memref<1024xf32, #tpu.memory_space<vmem>>
      %dma_start3A_268 = arith.constant 0 : i32
      %dma_start3A_269 = tpu.memref_slice %arg3[%add3A_265, %dma_start3A_268] : memref<2047x1024xf32, #tpu.memory_space<hbm>> -> memref<1x1024xf32, #tpu.memory_space<hbm>>
      %dma_start3A_270 = tpu.memref_squeeze %dma_start3A_269 : memref<1x1024xf32, #tpu.memory_space<hbm>> -> memref<1024xf32, #tpu.memory_space<hbm>>
      %dma_start3A_271 = arith.constant 0 : i32
      %dma_start3A_272 = tpu.memref_slice %arg20[%dma_start3A_271] : memref<4096xf32, #tpu.memory_space<vmem>> -> memref<1024xf32, #tpu.memory_space<vmem>>
      %dma_start3A_273 = arith.constant 0 : i32
      %dma_start3A_274 = tpu.memref_slice %arg3[%add3A_265, %dma_start3A_273] : memref<2047x1024xf32, #tpu.memory_space<hbm>> -> memref<1x1024xf32, #tpu.memory_space<hbm>>
      %dma_start3A_275 = tpu.memref_squeeze %dma_start3A_274 : memref<1x1024xf32, #tpu.memory_space<hbm>> -> memref<1024xf32, #tpu.memory_space<hbm>>
      tpu.enqueue_dma source(%dma_start3A_275 : memref<1024xf32, #tpu.memory_space<hbm>>) target(%dma_start3A_272 : memref<1024xf32, #tpu.memory_space<vmem>>) target_semaphore(%arg27 : memref<!tpu.dma_semaphore, #tpu.memory_space<semaphore_mem>>)
      %add3A_276 = arith.constant 1 : i32
      %add3A_277 = arith.addi %add3A_263, %add3A_276 : i32
      %dma_start3A_278 = arith.constant 1024 : i32
      %dma_start3A_279 = tpu.memref_slice %arg20[%dma_start3A_278] : memref<4096xf32, #tpu.memory_space<vmem>> -> memref<1024xf32, #tpu.memory_space<vmem>>
      %dma_start3A_280 = arith.constant 0 : i32
      %dma_start3A_281 = tpu.memref_slice %arg3[%add3A_277, %dma_start3A_280] : memref<2047x1024xf32, #tpu.memory_space<hbm>> -> memref<1x1024xf32, #tpu.memory_space<hbm>>
      %dma_start3A_282 = tpu.memref_squeeze %dma_start3A_281 : memref<1x1024xf32, #tpu.memory_space<hbm>> -> memref<1024xf32, #tpu.memory_space<hbm>>
      %dma_start3A_283 = arith.constant 1024 : i32
      %dma_start3A_284 = tpu.memref_slice %arg20[%dma_start3A_283] : memref<4096xf32, #tpu.memory_space<vmem>> -> memref<1024xf32, #tpu.memory_space<vmem>>
      %dma_start3A_285 = arith.constant 0 : i32
      %dma_start3A_286 = tpu.memref_slice %arg3[%add3A_277, %dma_start3A_285] : memref<2047x1024xf32, #tpu.memory_space<hbm>> -> memref<1x1024xf32, #tpu.memory_space<hbm>>
      %dma_start3A_287 = tpu.memref_squeeze %dma_start3A_286 : memref<1x1024xf32, #tpu.memory_space<hbm>> -> memref<1024xf32, #tpu.memory_space<hbm>>
      tpu.enqueue_dma source(%dma_start3A_287 : memref<1024xf32, #tpu.memory_space<hbm>>) target(%dma_start3A_284 : memref<1024xf32, #tpu.memory_space<vmem>>) target_semaphore(%arg27 : memref<!tpu.dma_semaphore, #tpu.memory_space<semaphore_mem>>)
      %add3A_288 = arith.constant 2 : i32
      %add3A_289 = arith.addi %add3A_263, %add3A_288 : i32
      %dma_start3A_290 = arith.constant 2048 : i32
      %dma_start3A_291 = tpu.memref_slice %arg20[%dma_start3A_290] : memref<4096xf32, #tpu.memory_space<vmem>> -> memref<1024xf32, #tpu.memory_space<vmem>>
      %dma_start3A_292 = arith.constant 0 : i32
      %dma_start3A_293 = tpu.memref_slice %arg3[%add3A_289, %dma_start3A_292] : memref<2047x1024xf32, #tpu.memory_space<hbm>> -> memref<1x1024xf32, #tpu.memory_space<hbm>>
      %dma_start3A_294 = tpu.memref_squeeze %dma_start3A_293 : memref<1x1024xf32, #tpu.memory_space<hbm>> -> memref<1024xf32, #tpu.memory_space<hbm>>
      %dma_start3A_295 = arith.constant 2048 : i32
      %dma_start3A_296 = tpu.memref_slice %arg20[%dma_start3A_295] : memref<4096xf32, #tpu.memory_space<vmem>> -> memref<1024xf32, #tpu.memory_space<vmem>>
      %dma_start3A_297 = arith.constant 0 : i32
      %dma_start3A_298 = tpu.memref_slice %arg3[%add3A_289, %dma_start3A_297] : memref<2047x1024xf32, #tpu.memory_space<hbm>> -> memref<1x1024xf32, #tpu.memory_space<hbm>>
      %dma_start3A_299 = tpu.memref_squeeze %dma_start3A_298 : memref<1x1024xf32, #tpu.memory_space<hbm>> -> memref<1024xf32, #tpu.memory_space<hbm>>
      tpu.enqueue_dma source(%dma_start3A_299 : memref<1024xf32, #tpu.memory_space<hbm>>) target(%dma_start3A_296 : memref<1024xf32, #tpu.memory_space<vmem>>) target_semaphore(%arg27 : memref<!tpu.dma_semaphore, #tpu.memory_space<semaphore_mem>>)
      %add3A_300 = arith.constant 3 : i32
      %add3A_301 = arith.addi %add3A_263, %add3A_300 : i32
      %dma_start3A_302 = arith.constant 3072 : i32
      %dma_start3A_303 = tpu.memref_slice %arg20[%dma_start3A_302] : memref<4096xf32, #tpu.memory_space<vmem>> -> memref<1024xf32, #tpu.memory_space<vmem>>
      %dma_start3A_304 = arith.constant 0 : i32
      %dma_start3A_305 = tpu.memref_slice %arg3[%add3A_301, %dma_start3A_304] : memref<2047x1024xf32, #tpu.memory_space<hbm>> -> memref<1x1024xf32, #tpu.memory_space<hbm>>
      %dma_start3A_306 = tpu.memref_squeeze %dma_start3A_305 : memref<1x1024xf32, #tpu.memory_space<hbm>> -> memref<1024xf32, #tpu.memory_space<hbm>>
      %dma_start3A_307 = arith.constant 3072 : i32
      %dma_start3A_308 = tpu.memref_slice %arg20[%dma_start3A_307] : memref<4096xf32, #tpu.memory_space<vmem>> -> memref<1024xf32, #tpu.memory_space<vmem>>
      %dma_start3A_309 = arith.constant 0 : i32
      %dma_start3A_310 = tpu.memref_slice %arg3[%add3A_301, %dma_start3A_309] : memref<2047x1024xf32, #tpu.memory_space<hbm>> -> memref<1x1024xf32, #tpu.memory_space<hbm>>
      %dma_start3A_311 = tpu.memref_squeeze %dma_start3A_310 : memref<1x1024xf32, #tpu.memory_space<hbm>> -> memref<1024xf32, #tpu.memory_space<hbm>>
      tpu.enqueue_dma source(%dma_start3A_311 : memref<1024xf32, #tpu.memory_space<hbm>>) target(%dma_start3A_308 : memref<1024xf32, #tpu.memory_space<vmem>>) target_semaphore(%arg27 : memref<!tpu.dma_semaphore, #tpu.memory_space<semaphore_mem>>)
      %dma_wait3A_312 = arith.constant 0 : i32
      %dma_wait3A_313 = tpu.memref_slice %arg18[%dma_wait3A_312] : memref<4096xf32, #tpu.memory_space<vmem>> -> memref<1024xf32, #tpu.memory_space<vmem>>
      %dma_wait3A_314 = arith.constant 0 : i32
      %dma_wait3A_315 = tpu.memref_slice %arg3[%add3A_69, %dma_wait3A_314] : memref<2047x1024xf32, #tpu.memory_space<hbm>> -> memref<1x1024xf32, #tpu.memory_space<hbm>>
      %dma_wait3A_316 = tpu.memref_squeeze %dma_wait3A_315 : memref<1x1024xf32, #tpu.memory_space<hbm>> -> memref<1024xf32, #tpu.memory_space<hbm>>
      %dma_wait3A_317 = arith.constant 0 : i32
      %dma_wait3A_318 = tpu.memref_slice %arg18[%dma_wait3A_317] : memref<4096xf32, #tpu.memory_space<vmem>> -> memref<1024xf32, #tpu.memory_space<vmem>>
      %dma_wait3A_319 = arith.constant 0 : i32
      %dma_wait3A_320 = tpu.memref_slice %arg3[%add3A_69, %dma_wait3A_319] : memref<2047x1024xf32, #tpu.memory_space<hbm>> -> memref<1x1024xf32, #tpu.memory_space<hbm>>
      %dma_wait3A_321 = tpu.memref_squeeze %dma_wait3A_320 : memref<1x1024xf32, #tpu.memory_space<hbm>> -> memref<1024xf32, #tpu.memory_space<hbm>>
      tpu.wait_dma2 semaphore(%arg25 : memref<!tpu.dma_semaphore, #tpu.memory_space<semaphore_mem>>) src(%dma_wait3A_321 : memref<1024xf32, #tpu.memory_space<hbm>>) dst(%dma_wait3A_318 : memref<1024xf32, #tpu.memory_space<vmem>>)
      %dma_wait3A_322 = arith.constant 1024 : i32
      %dma_wait3A_323 = tpu.memref_slice %arg18[%dma_wait3A_322] : memref<4096xf32, #tpu.memory_space<vmem>> -> memref<1024xf32, #tpu.memory_space<vmem>>
      %dma_wait3A_324 = arith.constant 0 : i32
      %dma_wait3A_325 = tpu.memref_slice %arg3[%add3A_81, %dma_wait3A_324] : memref<2047x1024xf32, #tpu.memory_space<hbm>> -> memref<1x1024xf32, #tpu.memory_space<hbm>>
      %dma_wait3A_326 = tpu.memref_squeeze %dma_wait3A_325 : memref<1x1024xf32, #tpu.memory_space<hbm>> -> memref<1024xf32, #tpu.memory_space<hbm>>
      %dma_wait3A_327 = arith.constant 1024 : i32
      %dma_wait3A_328 = tpu.memref_slice %arg18[%dma_wait3A_327] : memref<4096xf32, #tpu.memory_space<vmem>> -> memref<1024xf32, #tpu.memory_space<vmem>>
      %dma_wait3A_329 = arith.constant 0 : i32
      %dma_wait3A_330 = tpu.memref_slice %arg3[%add3A_81, %dma_wait3A_329] : memref<2047x1024xf32, #tpu.memory_space<hbm>> -> memref<1x1024xf32, #tpu.memory_space<hbm>>
      %dma_wait3A_331 = tpu.memref_squeeze %dma_wait3A_330 : memref<1x1024xf32, #tpu.memory_space<hbm>> -> memref<1024xf32, #tpu.memory_space<hbm>>
      tpu.wait_dma2 semaphore(%arg25 : memref<!tpu.dma_semaphore, #tpu.memory_space<semaphore_mem>>) src(%dma_wait3A_331 : memref<1024xf32, #tpu.memory_space<hbm>>) dst(%dma_wait3A_328 : memref<1024xf32, #tpu.memory_space<vmem>>)
      %dma_wait3A_332 = arith.constant 2048 : i32
      %dma_wait3A_333 = tpu.memref_slice %arg18[%dma_wait3A_332] : memref<4096xf32, #tpu.memory_space<vmem>> -> memref<1024xf32, #tpu.memory_space<vmem>>
      %dma_wait3A_334 = arith.constant 0 : i32
      %dma_wait3A_335 = tpu.memref_slice %arg3[%add3A_93, %dma_wait3A_334] : memref<2047x1024xf32, #tpu.memory_space<hbm>> -> memref<1x1024xf32, #tpu.memory_space<hbm>>
      %dma_wait3A_336 = tpu.memref_squeeze %dma_wait3A_335 : memref<1x1024xf32, #tpu.memory_space<hbm>> -> memref<1024xf32, #tpu.memory_space<hbm>>
      %dma_wait3A_337 = arith.constant 2048 : i32
      %dma_wait3A_338 = tpu.memref_slice %arg18[%dma_wait3A_337] : memref<4096xf32, #tpu.memory_space<vmem>> -> memref<1024xf32, #tpu.memory_space<vmem>>
      %dma_wait3A_339 = arith.constant 0 : i32
      %dma_wait3A_340 = tpu.memref_slice %arg3[%add3A_93, %dma_wait3A_339] : memref<2047x1024xf32, #tpu.memory_space<hbm>> -> memref<1x1024xf32, #tpu.memory_space<hbm>>
      %dma_wait3A_341 = tpu.memref_squeeze %dma_wait3A_340 : memref<1x1024xf32, #tpu.memory_space<hbm>> -> memref<1024xf32, #tpu.memory_space<hbm>>
      tpu.wait_dma2 semaphore(%arg25 : memref<!tpu.dma_semaphore, #tpu.memory_space<semaphore_mem>>) src(%dma_wait3A_341 : memref<1024xf32, #tpu.memory_space<hbm>>) dst(%dma_wait3A_338 : memref<1024xf32, #tpu.memory_space<vmem>>)
      %dma_wait3A_342 = arith.constant 3072 : i32
      %dma_wait3A_343 = tpu.memref_slice %arg18[%dma_wait3A_342] : memref<4096xf32, #tpu.memory_space<vmem>> -> memref<1024xf32, #tpu.memory_space<vmem>>
      %dma_wait3A_344 = arith.constant 0 : i32
      %dma_wait3A_345 = tpu.memref_slice %arg3[%add3A_105, %dma_wait3A_344] : memref<2047x1024xf32, #tpu.memory_space<hbm>> -> memref<1x1024xf32, #tpu.memory_space<hbm>>
      %dma_wait3A_346 = tpu.memref_squeeze %dma_wait3A_345 : memref<1x1024xf32, #tpu.memory_space<hbm>> -> memref<1024xf32, #tpu.memory_space<hbm>>
      %dma_wait3A_347 = arith.constant 3072 : i32
      %dma_wait3A_348 = tpu.memref_slice %arg18[%dma_wait3A_347] : memref<4096xf32, #tpu.memory_space<vmem>> -> memref<1024xf32, #tpu.memory_space<vmem>>
      %dma_wait3A_349 = arith.constant 0 : i32
      %dma_wait3A_350 = tpu.memref_slice %arg3[%add3A_105, %dma_wait3A_349] : memref<2047x1024xf32, #tpu.memory_space<hbm>> -> memref<1x1024xf32, #tpu.memory_space<hbm>>
      %dma_wait3A_351 = tpu.memref_squeeze %dma_wait3A_350 : memref<1x1024xf32, #tpu.memory_space<hbm>> -> memref<1024xf32, #tpu.memory_space<hbm>>
      tpu.wait_dma2 semaphore(%arg25 : memref<!tpu.dma_semaphore, #tpu.memory_space<semaphore_mem>>) src(%dma_wait3A_351 : memref<1024xf32, #tpu.memory_space<hbm>>) dst(%dma_wait3A_348 : memref<1024xf32, #tpu.memory_space<vmem>>)
      %mul3A_352 = arith.constant 2 : i32
      %mul3A_353 = arith.muli %mul3A_352, %convert_element_type3A_174 : i32
      %add3A_354 = arith.addi %mul3A_353, %convert_element_type3A_256 : i32
      %mul3A_355 = arith.constant 1024 : i32
      %mul3A_356 = arith.muli %add3A_354, %mul3A_355 : i32
      %broadcast_in_dim3A_357 = arith.constant 0.000000e+00 : f32
      %broadcast_in_dim3A_358 = vector.broadcast %broadcast_in_dim3A_357 : f32 to vector<16xf32>
      %scan3A_359 = arith.constant 0 : i32
      %scan3A_360 = arith.constant 8 : i32
      %scan3A_361 = arith.addi %scan3A_359, %scan3A_360 : i32
      %scan3A_362 = arith.constant 1 : i32
      %scan3A_363 = scf.for %scan3A_1544 = %scan3A_359 to %scan3A_361 step %scan3A_362 iter_args(%scan3A_1545 = %broadcast_in_dim3A_358) -> (vector<16xf32>)  : i32 {
        %mul3A_1546 = arith.constant 128 : i32
        %mul3A_1547 = arith.muli %scan3A_1544, %mul3A_1546 : i32
        %multiple_of3A = tpu.assume_multiple %mul3A_1547, 16 : i32
        %add3A_1548 = arith.constant 0 : i32
        %add3A_1549 = arith.addi %multiple_of3A, %add3A_1548 : i32
        %get3A = arith.index_cast %add3A_1549 : i32 to index
        %get3A_1550 = tpu.vector_load %arg10[%get3A] {strides = array<i32>} : memref<1024xf32, #tpu.memory_space<vmem>>, vector<16xf32>,
        %add3A_1551 = arith.addi %mul3A_356, %add3A_1549 : i32
        %multiple_of3A_1552 = tpu.assume_multiple %add3A_1551, 16 : i32
        %get3A_1553 = arith.index_cast %multiple_of3A_1552 : i32 to index
        %get3A_1554 = tpu.vector_load %arg18[%get3A_1553] {strides = array<i32>} : memref<4096xf32, #tpu.memory_space<vmem>>, vector<16xf32>,
        %mul3A_1555 = arith.mulf %get3A_1550, %get3A_1554 : vector<16xf32>
        %add3A_1556 = arith.addf %scan3A_1545, %mul3A_1555 : vector<16xf32>
        %add3A_1557 = arith.constant 16 : i32
        %add3A_1558 = arith.addi %multiple_of3A, %add3A_1557 : i32
        %get3A_1559 = arith.index_cast %add3A_1558 : i32 to index
        %get3A_1560 = tpu.vector_load %arg10[%get3A_1559] {strides = array<i32>} : memref<1024xf32, #tpu.memory_space<vmem>>, vector<16xf32>,
        %add3A_1561 = arith.addi %mul3A_356, %add3A_1558 : i32
        %multiple_of3A_1562 = tpu.assume_multiple %add3A_1561, 16 : i32
        %get3A_1563 = arith.index_cast %multiple_of3A_1562 : i32 to index
        %get3A_1564 = tpu.vector_load %arg18[%get3A_1563] {strides = array<i32>} : memref<4096xf32, #tpu.memory_space<vmem>>, vector<16xf32>,
        %mul3A_1565 = arith.mulf %get3A_1560, %get3A_1564 : vector<16xf32>
        %add3A_1566 = arith.addf %add3A_1556, %mul3A_1565 : vector<16xf32>
        %add3A_1567 = arith.constant 32 : i32
        %add3A_1568 = arith.addi %multiple_of3A, %add3A_1567 : i32
        %get3A_1569 = arith.index_cast %add3A_1568 : i32 to index
        %get3A_1570 = tpu.vector_load %arg10[%get3A_1569] {strides = array<i32>} : memref<1024xf32, #tpu.memory_space<vmem>>, vector<16xf32>,
        %add3A_1571 = arith.addi %mul3A_356, %add3A_1568 : i32
        %multiple_of3A_1572 = tpu.assume_multiple %add3A_1571, 16 : i32
        %get3A_1573 = arith.index_cast %multiple_of3A_1572 : i32 to index
        %get3A_1574 = tpu.vector_load %arg18[%get3A_1573] {strides = array<i32>} : memref<4096xf32, #tpu.memory_space<vmem>>, vector<16xf32>,
        %mul3A_1575 = arith.mulf %get3A_1570, %get3A_1574 : vector<16xf32>
        %add3A_1576 = arith.addf %add3A_1566, %mul3A_1575 : vector<16xf32>
        %add3A_1577 = arith.constant 48 : i32
        %add3A_1578 = arith.addi %multiple_of3A, %add3A_1577 : i32
        %get3A_1579 = arith.index_cast %add3A_1578 : i32 to index
        %get3A_1580 = tpu.vector_load %arg10[%get3A_1579] {strides = array<i32>} : memref<1024xf32, #tpu.memory_space<vmem>>, vector<16xf32>,
        %add3A_1581 = arith.addi %mul3A_356, %add3A_1578 : i32
        %multiple_of3A_1582 = tpu.assume_multiple %add3A_1581, 16 : i32
        %get3A_1583 = arith.index_cast %multiple_of3A_1582 : i32 to index
        %get3A_1584 = tpu.vector_load %arg18[%get3A_1583] {strides = array<i32>} : memref<4096xf32, #tpu.memory_space<vmem>>, vector<16xf32>,
        %mul3A_1585 = arith.mulf %get3A_1580, %get3A_1584 : vector<16xf32>
        %add3A_1586 = arith.addf %add3A_1576, %mul3A_1585 : vector<16xf32>
        %add3A_1587 = arith.constant 64 : i32
        %add3A_1588 = arith.addi %multiple_of3A, %add3A_1587 : i32
        %get3A_1589 = arith.index_cast %add3A_1588 : i32 to index
        %get3A_1590 = tpu.vector_load %arg10[%get3A_1589] {strides = array<i32>} : memref<1024xf32, #tpu.memory_space<vmem>>, vector<16xf32>,
        %add3A_1591 = arith.addi %mul3A_356, %add3A_1588 : i32
        %multiple_of3A_1592 = tpu.assume_multiple %add3A_1591, 16 : i32
        %get3A_1593 = arith.index_cast %multiple_of3A_1592 : i32 to index
        %get3A_1594 = tpu.vector_load %arg18[%get3A_1593] {strides = array<i32>} : memref<4096xf32, #tpu.memory_space<vmem>>, vector<16xf32>,
        %mul3A_1595 = arith.mulf %get3A_1590, %get3A_1594 : vector<16xf32>
        %add3A_1596 = arith.addf %add3A_1586, %mul3A_1595 : vector<16xf32>
        %add3A_1597 = arith.constant 80 : i32
        %add3A_1598 = arith.addi %multiple_of3A, %add3A_1597 : i32
        %get3A_1599 = arith.index_cast %add3A_1598 : i32 to index
        %get3A_1600 = tpu.vector_load %arg10[%get3A_1599] {strides = array<i32>} : memref<1024xf32, #tpu.memory_space<vmem>>, vector<16xf32>,
        %add3A_1601 = arith.addi %mul3A_356, %add3A_1598 : i32
        %multiple_of3A_1602 = tpu.assume_multiple %add3A_1601, 16 : i32
        %get3A_1603 = arith.index_cast %multiple_of3A_1602 : i32 to index
        %get3A_1604 = tpu.vector_load %arg18[%get3A_1603] {strides = array<i32>} : memref<4096xf32, #tpu.memory_space<vmem>>, vector<16xf32>,
        %mul3A_1605 = arith.mulf %get3A_1600, %get3A_1604 : vector<16xf32>
        %add3A_1606 = arith.addf %add3A_1596, %mul3A_1605 : vector<16xf32>
        %add3A_1607 = arith.constant 96 : i32
        %add3A_1608 = arith.addi %multiple_of3A, %add3A_1607 : i32
        %get3A_1609 = arith.index_cast %add3A_1608 : i32 to index
        %get3A_1610 = tpu.vector_load %arg10[%get3A_1609] {strides = array<i32>} : memref<1024xf32, #tpu.memory_space<vmem>>, vector<16xf32>,
        %add3A_1611 = arith.addi %mul3A_356, %add3A_1608 : i32
        %multiple_of3A_1612 = tpu.assume_multiple %add3A_1611, 16 : i32
        %get3A_1613 = arith.index_cast %multiple_of3A_1612 : i32 to index
        %get3A_1614 = tpu.vector_load %arg18[%get3A_1613] {strides = array<i32>} : memref<4096xf32, #tpu.memory_space<vmem>>, vector<16xf32>,
        %mul3A_1615 = arith.mulf %get3A_1610, %get3A_1614 : vector<16xf32>
        %add3A_1616 = arith.addf %add3A_1606, %mul3A_1615 : vector<16xf32>
        %add3A_1617 = arith.constant 112 : i32
        %add3A_1618 = arith.addi %multiple_of3A, %add3A_1617 : i32
        %get3A_1619 = arith.index_cast %add3A_1618 : i32 to index
        %get3A_1620 = tpu.vector_load %arg10[%get3A_1619] {strides = array<i32>} : memref<1024xf32, #tpu.memory_space<vmem>>, vector<16xf32>,
        %add3A_1621 = arith.addi %mul3A_356, %add3A_1618 : i32
        %multiple_of3A_1622 = tpu.assume_multiple %add3A_1621, 16 : i32
        %get3A_1623 = arith.index_cast %multiple_of3A_1622 : i32 to index
        %get3A_1624 = tpu.vector_load %arg18[%get3A_1623] {strides = array<i32>} : memref<4096xf32, #tpu.memory_space<vmem>>, vector<16xf32>,
        %mul3A_1625 = arith.mulf %get3A_1620, %get3A_1624 : vector<16xf32>
        %add3A_1626 = arith.addf %add3A_1616, %mul3A_1625 : vector<16xf32>
        scf.yield %add3A_1626 : vector<16xf32>
      }
      %scan3A_364 = arith.constant 8 : i32
      %add3A_365 = arith.constant 3 : i32
      %add3A_366 = arith.addi %add3A_365, %add3A_259 : i32
      %broadcast_in_dim3A_367 = vector.broadcast %add3A_366 : i32 to vector<16xi32>
      %gather3A_368 = tpu.vector_load_idx %arg11[%broadcast_in_dim3A_367] : memref<2047xf32, #tpu.memory_space<vmem>>[vector<16xi32>], vector<16xf32>,
      %reduce_sum3A_369 = arith.constant true
      %reduce_sum3A_370 = vector.broadcast %reduce_sum3A_369 : i1 to vector<16xi1>
      %reduce_sum3A_371 = tpu.scan <sum>, %scan3A_363 masked %reduce_sum3A_370 : vector<16xf32>, vector<16xi1> -> vector<16xf32>
      %reduce_sum3A_372 = vector.extract %reduce_sum3A_371[15] : f32 from vector<16xf32>
      %slice3A_373 = vector.extract_strided_slice %gather3A_368 {offsets = [0], sizes = [1], strides = [1]} : vector<16xf32> to vector<1xf32>
      %squeeze3A_374 = vector.extract %slice3A_373[0] : f32 from vector<1xf32>
      %add3A_375 = arith.addf %reduce_sum3A_372, %squeeze3A_374 : f32
      %gt3A_376 = arith.constant 0.000000e+00 : f32
      %gt3A_377 = arith.cmpf ogt, %add3A_375, %gt3A_376 : f32
      %convert_element_type3A_378 = arith.extui %gt3A_377 : i1 to i32
      %mul3A_379 = arith.constant 2 : i32
      %mul3A_380 = arith.muli %mul3A_379, %add3A_259 : i32
      %add3A_381 = arith.addi %mul3A_380, %convert_element_type3A_378 : i32
      %mul3A_382 = arith.constant 4 : i32
      %mul3A_383 = arith.muli %mul3A_382, %add3A_381 : i32
      %add3A_384 = arith.constant 31 : i32
      %add3A_385 = arith.addi %add3A_384, %mul3A_383 : i32
      %add3A_386 = arith.constant 0 : i32
      %add3A_387 = arith.addi %add3A_385, %add3A_386 : i32
      %dma_start3A_388 = arith.constant 0 : i32
      %dma_start3A_389 = tpu.memref_slice %arg18[%dma_start3A_388] : memref<4096xf32, #tpu.memory_space<vmem>> -> memref<1024xf32, #tpu.memory_space<vmem>>
      %dma_start3A_390 = arith.constant 0 : i32
      %dma_start3A_391 = tpu.memref_slice %arg3[%add3A_387, %dma_start3A_390] : memref<2047x1024xf32, #tpu.memory_space<hbm>> -> memref<1x1024xf32, #tpu.memory_space<hbm>>
      %dma_start3A_392 = tpu.memref_squeeze %dma_start3A_391 : memref<1x1024xf32, #tpu.memory_space<hbm>> -> memref<1024xf32, #tpu.memory_space<hbm>>
      %dma_start3A_393 = arith.constant 0 : i32
      %dma_start3A_394 = tpu.memref_slice %arg18[%dma_start3A_393] : memref<4096xf32, #tpu.memory_space<vmem>> -> memref<1024xf32, #tpu.memory_space<vmem>>
      %dma_start3A_395 = arith.constant 0 : i32
      %dma_start3A_396 = tpu.memref_slice %arg3[%add3A_387, %dma_start3A_395] : memref<2047x1024xf32, #tpu.memory_space<hbm>> -> memref<1x1024xf32, #tpu.memory_space<hbm>>
      %dma_start3A_397 = tpu.memref_squeeze %dma_start3A_396 : memref<1x1024xf32, #tpu.memory_space<hbm>> -> memref<1024xf32, #tpu.memory_space<hbm>>
      tpu.enqueue_dma source(%dma_start3A_397 : memref<1024xf32, #tpu.memory_space<hbm>>) target(%dma_start3A_394 : memref<1024xf32, #tpu.memory_space<vmem>>) target_semaphore(%arg25 : memref<!tpu.dma_semaphore, #tpu.memory_space<semaphore_mem>>)
      %add3A_398 = arith.constant 1 : i32
      %add3A_399 = arith.addi %add3A_385, %add3A_398 : i32
      %dma_start3A_400 = arith.constant 1024 : i32
      %dma_start3A_401 = tpu.memref_slice %arg18[%dma_start3A_400] : memref<4096xf32, #tpu.memory_space<vmem>> -> memref<1024xf32, #tpu.memory_space<vmem>>
      %dma_start3A_402 = arith.constant 0 : i32
      %dma_start3A_403 = tpu.memref_slice %arg3[%add3A_399, %dma_start3A_402] : memref<2047x1024xf32, #tpu.memory_space<hbm>> -> memref<1x1024xf32, #tpu.memory_space<hbm>>
      %dma_start3A_404 = tpu.memref_squeeze %dma_start3A_403 : memref<1x1024xf32, #tpu.memory_space<hbm>> -> memref<1024xf32, #tpu.memory_space<hbm>>
      %dma_start3A_405 = arith.constant 1024 : i32
      %dma_start3A_406 = tpu.memref_slice %arg18[%dma_start3A_405] : memref<4096xf32, #tpu.memory_space<vmem>> -> memref<1024xf32, #tpu.memory_space<vmem>>
      %dma_start3A_407 = arith.constant 0 : i32
      %dma_start3A_408 = tpu.memref_slice %arg3[%add3A_399, %dma_start3A_407] : memref<2047x1024xf32, #tpu.memory_space<hbm>> -> memref<1x1024xf32, #tpu.memory_space<hbm>>
      %dma_start3A_409 = tpu.memref_squeeze %dma_start3A_408 : memref<1x1024xf32, #tpu.memory_space<hbm>> -> memref<1024xf32, #tpu.memory_space<hbm>>
      tpu.enqueue_dma source(%dma_start3A_409 : memref<1024xf32, #tpu.memory_space<hbm>>) target(%dma_start3A_406 : memref<1024xf32, #tpu.memory_space<vmem>>) target_semaphore(%arg25 : memref<!tpu.dma_semaphore, #tpu.memory_space<semaphore_mem>>)
      %add3A_410 = arith.constant 2 : i32
      %add3A_411 = arith.addi %add3A_385, %add3A_410 : i32
      %dma_start3A_412 = arith.constant 2048 : i32
      %dma_start3A_413 = tpu.memref_slice %arg18[%dma_start3A_412] : memref<4096xf32, #tpu.memory_space<vmem>> -> memref<1024xf32, #tpu.memory_space<vmem>>
      %dma_start3A_414 = arith.constant 0 : i32
      %dma_start3A_415 = tpu.memref_slice %arg3[%add3A_411, %dma_start3A_414] : memref<2047x1024xf32, #tpu.memory_space<hbm>> -> memref<1x1024xf32, #tpu.memory_space<hbm>>
      %dma_start3A_416 = tpu.memref_squeeze %dma_start3A_415 : memref<1x1024xf32, #tpu.memory_space<hbm>> -> memref<1024xf32, #tpu.memory_space<hbm>>
      %dma_start3A_417 = arith.constant 2048 : i32
      %dma_start3A_418 = tpu.memref_slice %arg18[%dma_start3A_417] : memref<4096xf32, #tpu.memory_space<vmem>> -> memref<1024xf32, #tpu.memory_space<vmem>>
      %dma_start3A_419 = arith.constant 0 : i32
      %dma_start3A_420 = tpu.memref_slice %arg3[%add3A_411, %dma_start3A_419] : memref<2047x1024xf32, #tpu.memory_space<hbm>> -> memref<1x1024xf32, #tpu.memory_space<hbm>>
      %dma_start3A_421 = tpu.memref_squeeze %dma_start3A_420 : memref<1x1024xf32, #tpu.memory_space<hbm>> -> memref<1024xf32, #tpu.memory_space<hbm>>
      tpu.enqueue_dma source(%dma_start3A_421 : memref<1024xf32, #tpu.memory_space<hbm>>) target(%dma_start3A_418 : memref<1024xf32, #tpu.memory_space<vmem>>) target_semaphore(%arg25 : memref<!tpu.dma_semaphore, #tpu.memory_space<semaphore_mem>>)
      %add3A_422 = arith.constant 3 : i32
      %add3A_423 = arith.addi %add3A_385, %add3A_422 : i32
      %dma_start3A_424 = arith.constant 3072 : i32
      %dma_start3A_425 = tpu.memref_slice %arg18[%dma_start3A_424] : memref<4096xf32, #tpu.memory_space<vmem>> -> memref<1024xf32, #tpu.memory_space<vmem>>
      %dma_start3A_426 = arith.constant 0 : i32
      %dma_start3A_427 = tpu.memref_slice %arg3[%add3A_423, %dma_start3A_426] : memref<2047x1024xf32, #tpu.memory_space<hbm>> -> memref<1x1024xf32, #tpu.memory_space<hbm>>
      %dma_start3A_428 = tpu.memref_squeeze %dma_start3A_427 : memref<1x1024xf32, #tpu.memory_space<hbm>> -> memref<1024xf32, #tpu.memory_space<hbm>>
      %dma_start3A_429 = arith.constant 3072 : i32
      %dma_start3A_430 = tpu.memref_slice %arg18[%dma_start3A_429] : memref<4096xf32, #tpu.memory_space<vmem>> -> memref<1024xf32, #tpu.memory_space<vmem>>
      %dma_start3A_431 = arith.constant 0 : i32
      %dma_start3A_432 = tpu.memref_slice %arg3[%add3A_423, %dma_start3A_431] : memref<2047x1024xf32, #tpu.memory_space<hbm>> -> memref<1x1024xf32, #tpu.memory_space<hbm>>
      %dma_start3A_433 = tpu.memref_squeeze %dma_start3A_432 : memref<1x1024xf32, #tpu.memory_space<hbm>> -> memref<1024xf32, #tpu.memory_space<hbm>>
      tpu.enqueue_dma source(%dma_start3A_433 : memref<1024xf32, #tpu.memory_space<hbm>>) target(%dma_start3A_430 : memref<1024xf32, #tpu.memory_space<vmem>>) target_semaphore(%arg25 : memref<!tpu.dma_semaphore, #tpu.memory_space<semaphore_mem>>)
      %dma_wait3A_434 = arith.constant 0 : i32
      %dma_wait3A_435 = tpu.memref_slice %arg19[%dma_wait3A_434] : memref<4096xf32, #tpu.memory_space<vmem>> -> memref<1024xf32, #tpu.memory_space<vmem>>
      %dma_wait3A_436 = arith.constant 0 : i32
      %dma_wait3A_437 = tpu.memref_slice %arg3[%add3A_184, %dma_wait3A_436] : memref<2047x1024xf32, #tpu.memory_space<hbm>> -> memref<1x1024xf32, #tpu.memory_space<hbm>>
      %dma_wait3A_438 = tpu.memref_squeeze %dma_wait3A_437 : memref<1x1024xf32, #tpu.memory_space<hbm>> -> memref<1024xf32, #tpu.memory_space<hbm>>
      %dma_wait3A_439 = arith.constant 0 : i32
      %dma_wait3A_440 = tpu.memref_slice %arg19[%dma_wait3A_439] : memref<4096xf32, #tpu.memory_space<vmem>> -> memref<1024xf32, #tpu.memory_space<vmem>>
      %dma_wait3A_441 = arith.constant 0 : i32
      %dma_wait3A_442 = tpu.memref_slice %arg3[%add3A_184, %dma_wait3A_441] : memref<2047x1024xf32, #tpu.memory_space<hbm>> -> memref<1x1024xf32, #tpu.memory_space<hbm>>
      %dma_wait3A_443 = tpu.memref_squeeze %dma_wait3A_442 : memref<1x1024xf32, #tpu.memory_space<hbm>> -> memref<1024xf32, #tpu.memory_space<hbm>>
      tpu.wait_dma2 semaphore(%arg26 : memref<!tpu.dma_semaphore, #tpu.memory_space<semaphore_mem>>) src(%dma_wait3A_443 : memref<1024xf32, #tpu.memory_space<hbm>>) dst(%dma_wait3A_440 : memref<1024xf32, #tpu.memory_space<vmem>>)
      %dma_wait3A_444 = arith.constant 1024 : i32
      %dma_wait3A_445 = tpu.memref_slice %arg19[%dma_wait3A_444] : memref<4096xf32, #tpu.memory_space<vmem>> -> memref<1024xf32, #tpu.memory_space<vmem>>
      %dma_wait3A_446 = arith.constant 0 : i32
      %dma_wait3A_447 = tpu.memref_slice %arg3[%add3A_196, %dma_wait3A_446] : memref<2047x1024xf32, #tpu.memory_space<hbm>> -> memref<1x1024xf32, #tpu.memory_space<hbm>>
      %dma_wait3A_448 = tpu.memref_squeeze %dma_wait3A_447 : memref<1x1024xf32, #tpu.memory_space<hbm>> -> memref<1024xf32, #tpu.memory_space<hbm>>
      %dma_wait3A_449 = arith.constant 1024 : i32
      %dma_wait3A_450 = tpu.memref_slice %arg19[%dma_wait3A_449] : memref<4096xf32, #tpu.memory_space<vmem>> -> memref<1024xf32, #tpu.memory_space<vmem>>
      %dma_wait3A_451 = arith.constant 0 : i32
      %dma_wait3A_452 = tpu.memref_slice %arg3[%add3A_196, %dma_wait3A_451] : memref<2047x1024xf32, #tpu.memory_space<hbm>> -> memref<1x1024xf32, #tpu.memory_space<hbm>>
      %dma_wait3A_453 = tpu.memref_squeeze %dma_wait3A_452 : memref<1x1024xf32, #tpu.memory_space<hbm>> -> memref<1024xf32, #tpu.memory_space<hbm>>
      tpu.wait_dma2 semaphore(%arg26 : memref<!tpu.dma_semaphore, #tpu.memory_space<semaphore_mem>>) src(%dma_wait3A_453 : memref<1024xf32, #tpu.memory_space<hbm>>) dst(%dma_wait3A_450 : memref<1024xf32, #tpu.memory_space<vmem>>)
      %dma_wait3A_454 = arith.constant 2048 : i32
      %dma_wait3A_455 = tpu.memref_slice %arg19[%dma_wait3A_454] : memref<4096xf32, #tpu.memory_space<vmem>> -> memref<1024xf32, #tpu.memory_space<vmem>>
      %dma_wait3A_456 = arith.constant 0 : i32
      %dma_wait3A_457 = tpu.memref_slice %arg3[%add3A_208, %dma_wait3A_456] : memref<2047x1024xf32, #tpu.memory_space<hbm>> -> memref<1x1024xf32, #tpu.memory_space<hbm>>
      %dma_wait3A_458 = tpu.memref_squeeze %dma_wait3A_457 : memref<1x1024xf32, #tpu.memory_space<hbm>> -> memref<1024xf32, #tpu.memory_space<hbm>>
      %dma_wait3A_459 = arith.constant 2048 : i32
      %dma_wait3A_460 = tpu.memref_slice %arg19[%dma_wait3A_459] : memref<4096xf32, #tpu.memory_space<vmem>> -> memref<1024xf32, #tpu.memory_space<vmem>>
      %dma_wait3A_461 = arith.constant 0 : i32
      %dma_wait3A_462 = tpu.memref_slice %arg3[%add3A_208, %dma_wait3A_461] : memref<2047x1024xf32, #tpu.memory_space<hbm>> -> memref<1x1024xf32, #tpu.memory_space<hbm>>
      %dma_wait3A_463 = tpu.memref_squeeze %dma_wait3A_462 : memref<1x1024xf32, #tpu.memory_space<hbm>> -> memref<1024xf32, #tpu.memory_space<hbm>>
      tpu.wait_dma2 semaphore(%arg26 : memref<!tpu.dma_semaphore, #tpu.memory_space<semaphore_mem>>) src(%dma_wait3A_463 : memref<1024xf32, #tpu.memory_space<hbm>>) dst(%dma_wait3A_460 : memref<1024xf32, #tpu.memory_space<vmem>>)
      %dma_wait3A_464 = arith.constant 3072 : i32
      %dma_wait3A_465 = tpu.memref_slice %arg19[%dma_wait3A_464] : memref<4096xf32, #tpu.memory_space<vmem>> -> memref<1024xf32, #tpu.memory_space<vmem>>
      %dma_wait3A_466 = arith.constant 0 : i32
      %dma_wait3A_467 = tpu.memref_slice %arg3[%add3A_220, %dma_wait3A_466] : memref<2047x1024xf32, #tpu.memory_space<hbm>> -> memref<1x1024xf32, #tpu.memory_space<hbm>>
      %dma_wait3A_468 = tpu.memref_squeeze %dma_wait3A_467 : memref<1x1024xf32, #tpu.memory_space<hbm>> -> memref<1024xf32, #tpu.memory_space<hbm>>
      %dma_wait3A_469 = arith.constant 3072 : i32
      %dma_wait3A_470 = tpu.memref_slice %arg19[%dma_wait3A_469] : memref<4096xf32, #tpu.memory_space<vmem>> -> memref<1024xf32, #tpu.memory_space<vmem>>
      %dma_wait3A_471 = arith.constant 0 : i32
      %dma_wait3A_472 = tpu.memref_slice %arg3[%add3A_220, %dma_wait3A_471] : memref<2047x1024xf32, #tpu.memory_space<hbm>> -> memref<1x1024xf32, #tpu.memory_space<hbm>>
      %dma_wait3A_473 = tpu.memref_squeeze %dma_wait3A_472 : memref<1x1024xf32, #tpu.memory_space<hbm>> -> memref<1024xf32, #tpu.memory_space<hbm>>
      tpu.wait_dma2 semaphore(%arg26 : memref<!tpu.dma_semaphore, #tpu.memory_space<semaphore_mem>>) src(%dma_wait3A_473 : memref<1024xf32, #tpu.memory_space<hbm>>) dst(%dma_wait3A_470 : memref<1024xf32, #tpu.memory_space<vmem>>)
      %mul3A_474 = arith.constant 2 : i32
      %mul3A_475 = arith.muli %mul3A_474, %convert_element_type3A_256 : i32
      %add3A_476 = arith.addi %mul3A_475, %convert_element_type3A_378 : i32
      %mul3A_477 = arith.constant 1024 : i32
      %mul3A_478 = arith.muli %add3A_476, %mul3A_477 : i32
      %broadcast_in_dim3A_479 = arith.constant 0.000000e+00 : f32
      %broadcast_in_dim3A_480 = vector.broadcast %broadcast_in_dim3A_479 : f32 to vector<16xf32>
      %scan3A_481 = arith.constant 0 : i32
      %scan3A_482 = arith.constant 8 : i32
      %scan3A_483 = arith.addi %scan3A_481, %scan3A_482 : i32
      %scan3A_484 = arith.constant 1 : i32
      %scan3A_485 = scf.for %scan3A_1544 = %scan3A_481 to %scan3A_483 step %scan3A_484 iter_args(%scan3A_1545 = %broadcast_in_dim3A_480) -> (vector<16xf32>)  : i32 {
        %mul3A_1546 = arith.constant 128 : i32
        %mul3A_1547 = arith.muli %scan3A_1544, %mul3A_1546 : i32
        %multiple_of3A = tpu.assume_multiple %mul3A_1547, 16 : i32
        %add3A_1548 = arith.constant 0 : i32
        %add3A_1549 = arith.addi %multiple_of3A, %add3A_1548 : i32
        %get3A = arith.index_cast %add3A_1549 : i32 to index
        %get3A_1550 = tpu.vector_load %arg10[%get3A] {strides = array<i32>} : memref<1024xf32, #tpu.memory_space<vmem>>, vector<16xf32>,
        %add3A_1551 = arith.addi %mul3A_478, %add3A_1549 : i32
        %multiple_of3A_1552 = tpu.assume_multiple %add3A_1551, 16 : i32
        %get3A_1553 = arith.index_cast %multiple_of3A_1552 : i32 to index
        %get3A_1554 = tpu.vector_load %arg19[%get3A_1553] {strides = array<i32>} : memref<4096xf32, #tpu.memory_space<vmem>>, vector<16xf32>,
        %mul3A_1555 = arith.mulf %get3A_1550, %get3A_1554 : vector<16xf32>
        %add3A_1556 = arith.addf %scan3A_1545, %mul3A_1555 : vector<16xf32>
        %add3A_1557 = arith.constant 16 : i32
        %add3A_1558 = arith.addi %multiple_of3A, %add3A_1557 : i32
        %get3A_1559 = arith.index_cast %add3A_1558 : i32 to index
        %get3A_1560 = tpu.vector_load %arg10[%get3A_1559] {strides = array<i32>} : memref<1024xf32, #tpu.memory_space<vmem>>, vector<16xf32>,
        %add3A_1561 = arith.addi %mul3A_478, %add3A_1558 : i32
        %multiple_of3A_1562 = tpu.assume_multiple %add3A_1561, 16 : i32
        %get3A_1563 = arith.index_cast %multiple_of3A_1562 : i32 to index
        %get3A_1564 = tpu.vector_load %arg19[%get3A_1563] {strides = array<i32>} : memref<4096xf32, #tpu.memory_space<vmem>>, vector<16xf32>,
        %mul3A_1565 = arith.mulf %get3A_1560, %get3A_1564 : vector<16xf32>
        %add3A_1566 = arith.addf %add3A_1556, %mul3A_1565 : vector<16xf32>
        %add3A_1567 = arith.constant 32 : i32
        %add3A_1568 = arith.addi %multiple_of3A, %add3A_1567 : i32
        %get3A_1569 = arith.index_cast %add3A_1568 : i32 to index
        %get3A_1570 = tpu.vector_load %arg10[%get3A_1569] {strides = array<i32>} : memref<1024xf32, #tpu.memory_space<vmem>>, vector<16xf32>,
        %add3A_1571 = arith.addi %mul3A_478, %add3A_1568 : i32
        %multiple_of3A_1572 = tpu.assume_multiple %add3A_1571, 16 : i32
        %get3A_1573 = arith.index_cast %multiple_of3A_1572 : i32 to index
        %get3A_1574 = tpu.vector_load %arg19[%get3A_1573] {strides = array<i32>} : memref<4096xf32, #tpu.memory_space<vmem>>, vector<16xf32>,
        %mul3A_1575 = arith.mulf %get3A_1570, %get3A_1574 : vector<16xf32>
        %add3A_1576 = arith.addf %add3A_1566, %mul3A_1575 : vector<16xf32>
        %add3A_1577 = arith.constant 48 : i32
        %add3A_1578 = arith.addi %multiple_of3A, %add3A_1577 : i32
        %get3A_1579 = arith.index_cast %add3A_1578 : i32 to index
        %get3A_1580 = tpu.vector_load %arg10[%get3A_1579] {strides = array<i32>} : memref<1024xf32, #tpu.memory_space<vmem>>, vector<16xf32>,
        %add3A_1581 = arith.addi %mul3A_478, %add3A_1578 : i32
        %multiple_of3A_1582 = tpu.assume_multiple %add3A_1581, 16 : i32
        %get3A_1583 = arith.index_cast %multiple_of3A_1582 : i32 to index
        %get3A_1584 = tpu.vector_load %arg19[%get3A_1583] {strides = array<i32>} : memref<4096xf32, #tpu.memory_space<vmem>>, vector<16xf32>,
        %mul3A_1585 = arith.mulf %get3A_1580, %get3A_1584 : vector<16xf32>
        %add3A_1586 = arith.addf %add3A_1576, %mul3A_1585 : vector<16xf32>
        %add3A_1587 = arith.constant 64 : i32
        %add3A_1588 = arith.addi %multiple_of3A, %add3A_1587 : i32
        %get3A_1589 = arith.index_cast %add3A_1588 : i32 to index
        %get3A_1590 = tpu.vector_load %arg10[%get3A_1589] {strides = array<i32>} : memref<1024xf32, #tpu.memory_space<vmem>>, vector<16xf32>,
        %add3A_1591 = arith.addi %mul3A_478, %add3A_1588 : i32
        %multiple_of3A_1592 = tpu.assume_multiple %add3A_1591, 16 : i32
        %get3A_1593 = arith.index_cast %multiple_of3A_1592 : i32 to index
        %get3A_1594 = tpu.vector_load %arg19[%get3A_1593] {strides = array<i32>} : memref<4096xf32, #tpu.memory_space<vmem>>, vector<16xf32>,
        %mul3A_1595 = arith.mulf %get3A_1590, %get3A_1594 : vector<16xf32>
        %add3A_1596 = arith.addf %add3A_1586, %mul3A_1595 : vector<16xf32>
        %add3A_1597 = arith.constant 80 : i32
        %add3A_1598 = arith.addi %multiple_of3A, %add3A_1597 : i32
        %get3A_1599 = arith.index_cast %add3A_1598 : i32 to index
        %get3A_1600 = tpu.vector_load %arg10[%get3A_1599] {strides = array<i32>} : memref<1024xf32, #tpu.memory_space<vmem>>, vector<16xf32>,
        %add3A_1601 = arith.addi %mul3A_478, %add3A_1598 : i32
        %multiple_of3A_1602 = tpu.assume_multiple %add3A_1601, 16 : i32
        %get3A_1603 = arith.index_cast %multiple_of3A_1602 : i32 to index
        %get3A_1604 = tpu.vector_load %arg19[%get3A_1603] {strides = array<i32>} : memref<4096xf32, #tpu.memory_space<vmem>>, vector<16xf32>,
        %mul3A_1605 = arith.mulf %get3A_1600, %get3A_1604 : vector<16xf32>
        %add3A_1606 = arith.addf %add3A_1596, %mul3A_1605 : vector<16xf32>
        %add3A_1607 = arith.constant 96 : i32
        %add3A_1608 = arith.addi %multiple_of3A, %add3A_1607 : i32
        %get3A_1609 = arith.index_cast %add3A_1608 : i32 to index
        %get3A_1610 = tpu.vector_load %arg10[%get3A_1609] {strides = array<i32>} : memref<1024xf32, #tpu.memory_space<vmem>>, vector<16xf32>,
        %add3A_1611 = arith.addi %mul3A_478, %add3A_1608 : i32
        %multiple_of3A_1612 = tpu.assume_multiple %add3A_1611, 16 : i32
        %get3A_1613 = arith.index_cast %multiple_of3A_1612 : i32 to index
        %get3A_1614 = tpu.vector_load %arg19[%get3A_1613] {strides = array<i32>} : memref<4096xf32, #tpu.memory_space<vmem>>, vector<16xf32>,
        %mul3A_1615 = arith.mulf %get3A_1610, %get3A_1614 : vector<16xf32>
        %add3A_1616 = arith.addf %add3A_1606, %mul3A_1615 : vector<16xf32>
        %add3A_1617 = arith.constant 112 : i32
        %add3A_1618 = arith.addi %multiple_of3A, %add3A_1617 : i32
        %get3A_1619 = arith.index_cast %add3A_1618 : i32 to index
        %get3A_1620 = tpu.vector_load %arg10[%get3A_1619] {strides = array<i32>} : memref<1024xf32, #tpu.memory_space<vmem>>, vector<16xf32>,
        %add3A_1621 = arith.addi %mul3A_478, %add3A_1618 : i32
        %multiple_of3A_1622 = tpu.assume_multiple %add3A_1621, 16 : i32
        %get3A_1623 = arith.index_cast %multiple_of3A_1622 : i32 to index
        %get3A_1624 = tpu.vector_load %arg19[%get3A_1623] {strides = array<i32>} : memref<4096xf32, #tpu.memory_space<vmem>>, vector<16xf32>,
        %mul3A_1625 = arith.mulf %get3A_1620, %get3A_1624 : vector<16xf32>
        %add3A_1626 = arith.addf %add3A_1616, %mul3A_1625 : vector<16xf32>
        scf.yield %add3A_1626 : vector<16xf32>
      }
      %scan3A_486 = arith.constant 8 : i32
      %add3A_487 = arith.constant 7 : i32
      %add3A_488 = arith.addi %add3A_487, %add3A_381 : i32
      %broadcast_in_dim3A_489 = vector.broadcast %add3A_488 : i32 to vector<16xi32>
      %gather3A_490 = tpu.vector_load_idx %arg11[%broadcast_in_dim3A_489] : memref<2047xf32, #tpu.memory_space<vmem>>[vector<16xi32>], vector<16xf32>,
      %reduce_sum3A_491 = arith.constant true
      %reduce_sum3A_492 = vector.broadcast %reduce_sum3A_491 : i1 to vector<16xi1>
      %reduce_sum3A_493 = tpu.scan <sum>, %scan3A_485 masked %reduce_sum3A_492 : vector<16xf32>, vector<16xi1> -> vector<16xf32>
      %reduce_sum3A_494 = vector.extract %reduce_sum3A_493[15] : f32 from vector<16xf32>
      %slice3A_495 = vector.extract_strided_slice %gather3A_490 {offsets = [0], sizes = [1], strides = [1]} : vector<16xf32> to vector<1xf32>
      %squeeze3A_496 = vector.extract %slice3A_495[0] : f32 from vector<1xf32>
      %add3A_497 = arith.addf %reduce_sum3A_494, %squeeze3A_496 : f32
      %gt3A_498 = arith.constant 0.000000e+00 : f32
      %gt3A_499 = arith.cmpf ogt, %add3A_497, %gt3A_498 : f32
      %convert_element_type3A_500 = arith.extui %gt3A_499 : i1 to i32
      %mul3A_501 = arith.constant 2 : i32
      %mul3A_502 = arith.muli %mul3A_501, %add3A_381 : i32
      %add3A_503 = arith.addi %mul3A_502, %convert_element_type3A_500 : i32
      %mul3A_504 = arith.constant 4 : i32
      %mul3A_505 = arith.muli %mul3A_504, %add3A_503 : i32
      %add3A_506 = arith.constant 63 : i32
      %add3A_507 = arith.addi %add3A_506, %mul3A_505 : i32
      %add3A_508 = arith.constant 0 : i32
      %add3A_509 = arith.addi %add3A_507, %add3A_508 : i32
      %dma_start3A_510 = arith.constant 0 : i32
      %dma_start3A_511 = tpu.memref_slice %arg19[%dma_start3A_510] : memref<4096xf32, #tpu.memory_space<vmem>> -> memref<1024xf32, #tpu.memory_space<vmem>>
      %dma_start3A_512 = arith.constant 0 : i32
      %dma_start3A_513 = tpu.memref_slice %arg3[%add3A_509, %dma_start3A_512] : memref<2047x1024xf32, #tpu.memory_space<hbm>> -> memref<1x1024xf32, #tpu.memory_space<hbm>>
      %dma_start3A_514 = tpu.memref_squeeze %dma_start3A_513 : memref<1x1024xf32, #tpu.memory_space<hbm>> -> memref<1024xf32, #tpu.memory_space<hbm>>
      %dma_start3A_515 = arith.constant 0 : i32
      %dma_start3A_516 = tpu.memref_slice %arg19[%dma_start3A_515] : memref<4096xf32, #tpu.memory_space<vmem>> -> memref<1024xf32, #tpu.memory_space<vmem>>
      %dma_start3A_517 = arith.constant 0 : i32
      %dma_start3A_518 = tpu.memref_slice %arg3[%add3A_509, %dma_start3A_517] : memref<2047x1024xf32, #tpu.memory_space<hbm>> -> memref<1x1024xf32, #tpu.memory_space<hbm>>
      %dma_start3A_519 = tpu.memref_squeeze %dma_start3A_518 : memref<1x1024xf32, #tpu.memory_space<hbm>> -> memref<1024xf32, #tpu.memory_space<hbm>>
      tpu.enqueue_dma source(%dma_start3A_519 : memref<1024xf32, #tpu.memory_space<hbm>>) target(%dma_start3A_516 : memref<1024xf32, #tpu.memory_space<vmem>>) target_semaphore(%arg26 : memref<!tpu.dma_semaphore, #tpu.memory_space<semaphore_mem>>)
      %add3A_520 = arith.constant 1 : i32
      %add3A_521 = arith.addi %add3A_507, %add3A_520 : i32
      %dma_start3A_522 = arith.constant 1024 : i32
      %dma_start3A_523 = tpu.memref_slice %arg19[%dma_start3A_522] : memref<4096xf32, #tpu.memory_space<vmem>> -> memref<1024xf32, #tpu.memory_space<vmem>>
      %dma_start3A_524 = arith.constant 0 : i32
      %dma_start3A_525 = tpu.memref_slice %arg3[%add3A_521, %dma_start3A_524] : memref<2047x1024xf32, #tpu.memory_space<hbm>> -> memref<1x1024xf32, #tpu.memory_space<hbm>>
      %dma_start3A_526 = tpu.memref_squeeze %dma_start3A_525 : memref<1x1024xf32, #tpu.memory_space<hbm>> -> memref<1024xf32, #tpu.memory_space<hbm>>
      %dma_start3A_527 = arith.constant 1024 : i32
      %dma_start3A_528 = tpu.memref_slice %arg19[%dma_start3A_527] : memref<4096xf32, #tpu.memory_space<vmem>> -> memref<1024xf32, #tpu.memory_space<vmem>>
      %dma_start3A_529 = arith.constant 0 : i32
      %dma_start3A_530 = tpu.memref_slice %arg3[%add3A_521, %dma_start3A_529] : memref<2047x1024xf32, #tpu.memory_space<hbm>> -> memref<1x1024xf32, #tpu.memory_space<hbm>>
      %dma_start3A_531 = tpu.memref_squeeze %dma_start3A_530 : memref<1x1024xf32, #tpu.memory_space<hbm>> -> memref<1024xf32, #tpu.memory_space<hbm>>
      tpu.enqueue_dma source(%dma_start3A_531 : memref<1024xf32, #tpu.memory_space<hbm>>) target(%dma_start3A_528 : memref<1024xf32, #tpu.memory_space<vmem>>) target_semaphore(%arg26 : memref<!tpu.dma_semaphore, #tpu.memory_space<semaphore_mem>>)
      %add3A_532 = arith.constant 2 : i32
      %add3A_533 = arith.addi %add3A_507, %add3A_532 : i32
      %dma_start3A_534 = arith.constant 2048 : i32
      %dma_start3A_535 = tpu.memref_slice %arg19[%dma_start3A_534] : memref<4096xf32, #tpu.memory_space<vmem>> -> memref<1024xf32, #tpu.memory_space<vmem>>
      %dma_start3A_536 = arith.constant 0 : i32
      %dma_start3A_537 = tpu.memref_slice %arg3[%add3A_533, %dma_start3A_536] : memref<2047x1024xf32, #tpu.memory_space<hbm>> -> memref<1x1024xf32, #tpu.memory_space<hbm>>
      %dma_start3A_538 = tpu.memref_squeeze %dma_start3A_537 : memref<1x1024xf32, #tpu.memory_space<hbm>> -> memref<1024xf32, #tpu.memory_space<hbm>>
      %dma_start3A_539 = arith.constant 2048 : i32
      %dma_start3A_540 = tpu.memref_slice %arg19[%dma_start3A_539] : memref<4096xf32, #tpu.memory_space<vmem>> -> memref<1024xf32, #tpu.memory_space<vmem>>
      %dma_start3A_541 = arith.constant 0 : i32
      %dma_start3A_542 = tpu.memref_slice %arg3[%add3A_533, %dma_start3A_541] : memref<2047x1024xf32, #tpu.memory_space<hbm>> -> memref<1x1024xf32, #tpu.memory_space<hbm>>
      %dma_start3A_543 = tpu.memref_squeeze %dma_start3A_542 : memref<1x1024xf32, #tpu.memory_space<hbm>> -> memref<1024xf32, #tpu.memory_space<hbm>>
      tpu.enqueue_dma source(%dma_start3A_543 : memref<1024xf32, #tpu.memory_space<hbm>>) target(%dma_start3A_540 : memref<1024xf32, #tpu.memory_space<vmem>>) target_semaphore(%arg26 : memref<!tpu.dma_semaphore, #tpu.memory_space<semaphore_mem>>)
      %add3A_544 = arith.constant 3 : i32
      %add3A_545 = arith.addi %add3A_507, %add3A_544 : i32
      %dma_start3A_546 = arith.constant 3072 : i32
      %dma_start3A_547 = tpu.memref_slice %arg19[%dma_start3A_546] : memref<4096xf32, #tpu.memory_space<vmem>> -> memref<1024xf32, #tpu.memory_space<vmem>>
      %dma_start3A_548 = arith.constant 0 : i32
      %dma_start3A_549 = tpu.memref_slice %arg3[%add3A_545, %dma_start3A_548] : memref<2047x1024xf32, #tpu.memory_space<hbm>> -> memref<1x1024xf32, #tpu.memory_space<hbm>>
      %dma_start3A_550 = tpu.memref_squeeze %dma_start3A_549 : memref<1x1024xf32, #tpu.memory_space<hbm>> -> memref<1024xf32, #tpu.memory_space<hbm>>
      %dma_start3A_551 = arith.constant 3072 : i32
      %dma_start3A_552 = tpu.memref_slice %arg19[%dma_start3A_551] : memref<4096xf32, #tpu.memory_space<vmem>> -> memref<1024xf32, #tpu.memory_space<vmem>>
      %dma_start3A_553 = arith.constant 0 : i32
      %dma_start3A_554 = tpu.memref_slice %arg3[%add3A_545, %dma_start3A_553] : memref<2047x1024xf32, #tpu.memory_space<hbm>> -> memref<1x1024xf32, #tpu.memory_space<hbm>>
      %dma_start3A_555 = tpu.memref_squeeze %dma_start3A_554 : memref<1x1024xf32, #tpu.memory_space<hbm>> -> memref<1024xf32, #tpu.memory_space<hbm>>
      tpu.enqueue_dma source(%dma_start3A_555 : memref<1024xf32, #tpu.memory_space<hbm>>) target(%dma_start3A_552 : memref<1024xf32, #tpu.memory_space<vmem>>) target_semaphore(%arg26 : memref<!tpu.dma_semaphore, #tpu.memory_space<semaphore_mem>>)
      %dma_wait3A_556 = arith.constant 0 : i32
      %dma_wait3A_557 = tpu.memref_slice %arg20[%dma_wait3A_556] : memref<4096xf32, #tpu.memory_space<vmem>> -> memref<1024xf32, #tpu.memory_space<vmem>>
      %dma_wait3A_558 = arith.constant 0 : i32
      %dma_wait3A_559 = tpu.memref_slice %arg3[%add3A_265, %dma_wait3A_558] : memref<2047x1024xf32, #tpu.memory_space<hbm>> -> memref<1x1024xf32, #tpu.memory_space<hbm>>
      %dma_wait3A_560 = tpu.memref_squeeze %dma_wait3A_559 : memref<1x1024xf32, #tpu.memory_space<hbm>> -> memref<1024xf32, #tpu.memory_space<hbm>>
      %dma_wait3A_561 = arith.constant 0 : i32
      %dma_wait3A_562 = tpu.memref_slice %arg20[%dma_wait3A_561] : memref<4096xf32, #tpu.memory_space<vmem>> -> memref<1024xf32, #tpu.memory_space<vmem>>
      %dma_wait3A_563 = arith.constant 0 : i32
      %dma_wait3A_564 = tpu.memref_slice %arg3[%add3A_265, %dma_wait3A_563] : memref<2047x1024xf32, #tpu.memory_space<hbm>> -> memref<1x1024xf32, #tpu.memory_space<hbm>>
      %dma_wait3A_565 = tpu.memref_squeeze %dma_wait3A_564 : memref<1x1024xf32, #tpu.memory_space<hbm>> -> memref<1024xf32, #tpu.memory_space<hbm>>
      tpu.wait_dma2 semaphore(%arg27 : memref<!tpu.dma_semaphore, #tpu.memory_space<semaphore_mem>>) src(%dma_wait3A_565 : memref<1024xf32, #tpu.memory_space<hbm>>) dst(%dma_wait3A_562 : memref<1024xf32, #tpu.memory_space<vmem>>)
      %dma_wait3A_566 = arith.constant 1024 : i32
      %dma_wait3A_567 = tpu.memref_slice %arg20[%dma_wait3A_566] : memref<4096xf32, #tpu.memory_space<vmem>> -> memref<1024xf32, #tpu.memory_space<vmem>>
      %dma_wait3A_568 = arith.constant 0 : i32
      %dma_wait3A_569 = tpu.memref_slice %arg3[%add3A_277, %dma_wait3A_568] : memref<2047x1024xf32, #tpu.memory_space<hbm>> -> memref<1x1024xf32, #tpu.memory_space<hbm>>
      %dma_wait3A_570 = tpu.memref_squeeze %dma_wait3A_569 : memref<1x1024xf32, #tpu.memory_space<hbm>> -> memref<1024xf32, #tpu.memory_space<hbm>>
      %dma_wait3A_571 = arith.constant 1024 : i32
      %dma_wait3A_572 = tpu.memref_slice %arg20[%dma_wait3A_571] : memref<4096xf32, #tpu.memory_space<vmem>> -> memref<1024xf32, #tpu.memory_space<vmem>>
      %dma_wait3A_573 = arith.constant 0 : i32
      %dma_wait3A_574 = tpu.memref_slice %arg3[%add3A_277, %dma_wait3A_573] : memref<2047x1024xf32, #tpu.memory_space<hbm>> -> memref<1x1024xf32, #tpu.memory_space<hbm>>
      %dma_wait3A_575 = tpu.memref_squeeze %dma_wait3A_574 : memref<1x1024xf32, #tpu.memory_space<hbm>> -> memref<1024xf32, #tpu.memory_space<hbm>>
      tpu.wait_dma2 semaphore(%arg27 : memref<!tpu.dma_semaphore, #tpu.memory_space<semaphore_mem>>) src(%dma_wait3A_575 : memref<1024xf32, #tpu.memory_space<hbm>>) dst(%dma_wait3A_572 : memref<1024xf32, #tpu.memory_space<vmem>>)
      %dma_wait3A_576 = arith.constant 2048 : i32
      %dma_wait3A_577 = tpu.memref_slice %arg20[%dma_wait3A_576] : memref<4096xf32, #tpu.memory_space<vmem>> -> memref<1024xf32, #tpu.memory_space<vmem>>
      %dma_wait3A_578 = arith.constant 0 : i32
      %dma_wait3A_579 = tpu.memref_slice %arg3[%add3A_289, %dma_wait3A_578] : memref<2047x1024xf32, #tpu.memory_space<hbm>> -> memref<1x1024xf32, #tpu.memory_space<hbm>>
      %dma_wait3A_580 = tpu.memref_squeeze %dma_wait3A_579 : memref<1x1024xf32, #tpu.memory_space<hbm>> -> memref<1024xf32, #tpu.memory_space<hbm>>
      %dma_wait3A_581 = arith.constant 2048 : i32
      %dma_wait3A_582 = tpu.memref_slice %arg20[%dma_wait3A_581] : memref<4096xf32, #tpu.memory_space<vmem>> -> memref<1024xf32, #tpu.memory_space<vmem>>
      %dma_wait3A_583 = arith.constant 0 : i32
      %dma_wait3A_584 = tpu.memref_slice %arg3[%add3A_289, %dma_wait3A_583] : memref<2047x1024xf32, #tpu.memory_space<hbm>> -> memref<1x1024xf32, #tpu.memory_space<hbm>>
      %dma_wait3A_585 = tpu.memref_squeeze %dma_wait3A_584 : memref<1x1024xf32, #tpu.memory_space<hbm>> -> memref<1024xf32, #tpu.memory_space<hbm>>
      tpu.wait_dma2 semaphore(%arg27 : memref<!tpu.dma_semaphore, #tpu.memory_space<semaphore_mem>>) src(%dma_wait3A_585 : memref<1024xf32, #tpu.memory_space<hbm>>) dst(%dma_wait3A_582 : memref<1024xf32, #tpu.memory_space<vmem>>)
      %dma_wait3A_586 = arith.constant 3072 : i32
      %dma_wait3A_587 = tpu.memref_slice %arg20[%dma_wait3A_586] : memref<4096xf32, #tpu.memory_space<vmem>> -> memref<1024xf32, #tpu.memory_space<vmem>>
      %dma_wait3A_588 = arith.constant 0 : i32
      %dma_wait3A_589 = tpu.memref_slice %arg3[%add3A_301, %dma_wait3A_588] : memref<2047x1024xf32, #tpu.memory_space<hbm>> -> memref<1x1024xf32, #tpu.memory_space<hbm>>
      %dma_wait3A_590 = tpu.memref_squeeze %dma_wait3A_589 : memref<1x1024xf32, #tpu.memory_space<hbm>> -> memref<1024xf32, #tpu.memory_space<hbm>>
      %dma_wait3A_591 = arith.constant 3072 : i32
      %dma_wait3A_592 = tpu.memref_slice %arg20[%dma_wait3A_591] : memref<4096xf32, #tpu.memory_space<vmem>> -> memref<1024xf32, #tpu.memory_space<vmem>>
      %dma_wait3A_593 = arith.constant 0 : i32
      %dma_wait3A_594 = tpu.memref_slice %arg3[%add3A_301, %dma_wait3A_593] : memref<2047x1024xf32, #tpu.memory_space<hbm>> -> memref<1x1024xf32, #tpu.memory_space<hbm>>
      %dma_wait3A_595 = tpu.memref_squeeze %dma_wait3A_594 : memref<1x1024xf32, #tpu.memory_space<hbm>> -> memref<1024xf32, #tpu.memory_space<hbm>>
      tpu.wait_dma2 semaphore(%arg27 : memref<!tpu.dma_semaphore, #tpu.memory_space<semaphore_mem>>) src(%dma_wait3A_595 : memref<1024xf32, #tpu.memory_space<hbm>>) dst(%dma_wait3A_592 : memref<1024xf32, #tpu.memory_space<vmem>>)
      %mul3A_596 = arith.constant 2 : i32
      %mul3A_597 = arith.muli %mul3A_596, %convert_element_type3A_378 : i32
      %add3A_598 = arith.addi %mul3A_597, %convert_element_type3A_500 : i32
      %mul3A_599 = arith.constant 1024 : i32
      %mul3A_600 = arith.muli %add3A_598, %mul3A_599 : i32
      %broadcast_in_dim3A_601 = arith.constant 0.000000e+00 : f32
      %broadcast_in_dim3A_602 = vector.broadcast %broadcast_in_dim3A_601 : f32 to vector<16xf32>
      %scan3A_603 = arith.constant 0 : i32
      %scan3A_604 = arith.constant 8 : i32
      %scan3A_605 = arith.addi %scan3A_603, %scan3A_604 : i32
      %scan3A_606 = arith.constant 1 : i32
      %scan3A_607 = scf.for %scan3A_1544 = %scan3A_603 to %scan3A_605 step %scan3A_606 iter_args(%scan3A_1545 = %broadcast_in_dim3A_602) -> (vector<16xf32>)  : i32 {
        %mul3A_1546 = arith.constant 128 : i32
        %mul3A_1547 = arith.muli %scan3A_1544, %mul3A_1546 : i32
        %multiple_of3A = tpu.assume_multiple %mul3A_1547, 16 : i32
        %add3A_1548 = arith.constant 0 : i32
        %add3A_1549 = arith.addi %multiple_of3A, %add3A_1548 : i32
        %get3A = arith.index_cast %add3A_1549 : i32 to index
        %get3A_1550 = tpu.vector_load %arg10[%get3A] {strides = array<i32>} : memref<1024xf32, #tpu.memory_space<vmem>>, vector<16xf32>,
        %add3A_1551 = arith.addi %mul3A_600, %add3A_1549 : i32
        %multiple_of3A_1552 = tpu.assume_multiple %add3A_1551, 16 : i32
        %get3A_1553 = arith.index_cast %multiple_of3A_1552 : i32 to index
        %get3A_1554 = tpu.vector_load %arg20[%get3A_1553] {strides = array<i32>} : memref<4096xf32, #tpu.memory_space<vmem>>, vector<16xf32>,
        %mul3A_1555 = arith.mulf %get3A_1550, %get3A_1554 : vector<16xf32>
        %add3A_1556 = arith.addf %scan3A_1545, %mul3A_1555 : vector<16xf32>
        %add3A_1557 = arith.constant 16 : i32
        %add3A_1558 = arith.addi %multiple_of3A, %add3A_1557 : i32
        %get3A_1559 = arith.index_cast %add3A_1558 : i32 to index
        %get3A_1560 = tpu.vector_load %arg10[%get3A_1559] {strides = array<i32>} : memref<1024xf32, #tpu.memory_space<vmem>>, vector<16xf32>,
        %add3A_1561 = arith.addi %mul3A_600, %add3A_1558 : i32
        %multiple_of3A_1562 = tpu.assume_multiple %add3A_1561, 16 : i32
        %get3A_1563 = arith.index_cast %multiple_of3A_1562 : i32 to index
        %get3A_1564 = tpu.vector_load %arg20[%get3A_1563] {strides = array<i32>} : memref<4096xf32, #tpu.memory_space<vmem>>, vector<16xf32>,
        %mul3A_1565 = arith.mulf %get3A_1560, %get3A_1564 : vector<16xf32>
        %add3A_1566 = arith.addf %add3A_1556, %mul3A_1565 : vector<16xf32>
        %add3A_1567 = arith.constant 32 : i32
        %add3A_1568 = arith.addi %multiple_of3A, %add3A_1567 : i32
        %get3A_1569 = arith.index_cast %add3A_1568 : i32 to index
        %get3A_1570 = tpu.vector_load %arg10[%get3A_1569] {strides = array<i32>} : memref<1024xf32, #tpu.memory_space<vmem>>, vector<16xf32>,
        %add3A_1571 = arith.addi %mul3A_600, %add3A_1568 : i32
        %multiple_of3A_1572 = tpu.assume_multiple %add3A_1571, 16 : i32
        %get3A_1573 = arith.index_cast %multiple_of3A_1572 : i32 to index
        %get3A_1574 = tpu.vector_load %arg20[%get3A_1573] {strides = array<i32>} : memref<4096xf32, #tpu.memory_space<vmem>>, vector<16xf32>,
        %mul3A_1575 = arith.mulf %get3A_1570, %get3A_1574 : vector<16xf32>
        %add3A_1576 = arith.addf %add3A_1566, %mul3A_1575 : vector<16xf32>
        %add3A_1577 = arith.constant 48 : i32
        %add3A_1578 = arith.addi %multiple_of3A, %add3A_1577 : i32
        %get3A_1579 = arith.index_cast %add3A_1578 : i32 to index
        %get3A_1580 = tpu.vector_load %arg10[%get3A_1579] {strides = array<i32>} : memref<1024xf32, #tpu.memory_space<vmem>>, vector<16xf32>,
        %add3A_1581 = arith.addi %mul3A_600, %add3A_1578 : i32
        %multiple_of3A_1582 = tpu.assume_multiple %add3A_1581, 16 : i32
        %get3A_1583 = arith.index_cast %multiple_of3A_1582 : i32 to index
        %get3A_1584 = tpu.vector_load %arg20[%get3A_1583] {strides = array<i32>} : memref<4096xf32, #tpu.memory_space<vmem>>, vector<16xf32>,
        %mul3A_1585 = arith.mulf %get3A_1580, %get3A_1584 : vector<16xf32>
        %add3A_1586 = arith.addf %add3A_1576, %mul3A_1585 : vector<16xf32>
        %add3A_1587 = arith.constant 64 : i32
        %add3A_1588 = arith.addi %multiple_of3A, %add3A_1587 : i32
        %get3A_1589 = arith.index_cast %add3A_1588 : i32 to index
        %get3A_1590 = tpu.vector_load %arg10[%get3A_1589] {strides = array<i32>} : memref<1024xf32, #tpu.memory_space<vmem>>, vector<16xf32>,
        %add3A_1591 = arith.addi %mul3A_600, %add3A_1588 : i32
        %multiple_of3A_1592 = tpu.assume_multiple %add3A_1591, 16 : i32
        %get3A_1593 = arith.index_cast %multiple_of3A_1592 : i32 to index
        %get3A_1594 = tpu.vector_load %arg20[%get3A_1593] {strides = array<i32>} : memref<4096xf32, #tpu.memory_space<vmem>>, vector<16xf32>,
        %mul3A_1595 = arith.mulf %get3A_1590, %get3A_1594 : vector<16xf32>
        %add3A_1596 = arith.addf %add3A_1586, %mul3A_1595 : vector<16xf32>
        %add3A_1597 = arith.constant 80 : i32
        %add3A_1598 = arith.addi %multiple_of3A, %add3A_1597 : i32
        %get3A_1599 = arith.index_cast %add3A_1598 : i32 to index
        %get3A_1600 = tpu.vector_load %arg10[%get3A_1599] {strides = array<i32>} : memref<1024xf32, #tpu.memory_space<vmem>>, vector<16xf32>,
        %add3A_1601 = arith.addi %mul3A_600, %add3A_1598 : i32
        %multiple_of3A_1602 = tpu.assume_multiple %add3A_1601, 16 : i32
        %get3A_1603 = arith.index_cast %multiple_of3A_1602 : i32 to index
        %get3A_1604 = tpu.vector_load %arg20[%get3A_1603] {strides = array<i32>} : memref<4096xf32, #tpu.memory_space<vmem>>, vector<16xf32>,
        %mul3A_1605 = arith.mulf %get3A_1600, %get3A_1604 : vector<16xf32>
        %add3A_1606 = arith.addf %add3A_1596, %mul3A_1605 : vector<16xf32>
        %add3A_1607 = arith.constant 96 : i32
        %add3A_1608 = arith.addi %multiple_of3A, %add3A_1607 : i32
        %get3A_1609 = arith.index_cast %add3A_1608 : i32 to index
        %get3A_1610 = tpu.vector_load %arg10[%get3A_1609] {strides = array<i32>} : memref<1024xf32, #tpu.memory_space<vmem>>, vector<16xf32>,
        %add3A_1611 = arith.addi %mul3A_600, %add3A_1608 : i32
        %multiple_of3A_1612 = tpu.assume_multiple %add3A_1611, 16 : i32
        %get3A_1613 = arith.index_cast %multiple_of3A_1612 : i32 to index
        %get3A_1614 = tpu.vector_load %arg20[%get3A_1613] {strides = array<i32>} : memref<4096xf32, #tpu.memory_space<vmem>>, vector<16xf32>,
        %mul3A_1615 = arith.mulf %get3A_1610, %get3A_1614 : vector<16xf32>
        %add3A_1616 = arith.addf %add3A_1606, %mul3A_1615 : vector<16xf32>
        %add3A_1617 = arith.constant 112 : i32
        %add3A_1618 = arith.addi %multiple_of3A, %add3A_1617 : i32
        %get3A_1619 = arith.index_cast %add3A_1618 : i32 to index
        %get3A_1620 = tpu.vector_load %arg10[%get3A_1619] {strides = array<i32>} : memref<1024xf32, #tpu.memory_space<vmem>>, vector<16xf32>,
        %add3A_1621 = arith.addi %mul3A_600, %add3A_1618 : i32
        %multiple_of3A_1622 = tpu.assume_multiple %add3A_1621, 16 : i32
        %get3A_1623 = arith.index_cast %multiple_of3A_1622 : i32 to index
        %get3A_1624 = tpu.vector_load %arg20[%get3A_1623] {strides = array<i32>} : memref<4096xf32, #tpu.memory_space<vmem>>, vector<16xf32>,
        %mul3A_1625 = arith.mulf %get3A_1620, %get3A_1624 : vector<16xf32>
        %add3A_1626 = arith.addf %add3A_1616, %mul3A_1625 : vector<16xf32>
        scf.yield %add3A_1626 : vector<16xf32>
      }
      %scan3A_608 = arith.constant 8 : i32
      %add3A_609 = arith.constant 15 : i32
      %add3A_610 = arith.addi %add3A_609, %add3A_503 : i32
      %broadcast_in_dim3A_611 = vector.broadcast %add3A_610 : i32 to vector<16xi32>
      %gather3A_612 = tpu.vector_load_idx %arg11[%broadcast_in_dim3A_611] : memref<2047xf32, #tpu.memory_space<vmem>>[vector<16xi32>], vector<16xf32>,
      %reduce_sum3A_613 = arith.constant true
      %reduce_sum3A_614 = vector.broadcast %reduce_sum3A_613 : i1 to vector<16xi1>
      %reduce_sum3A_615 = tpu.scan <sum>, %scan3A_607 masked %reduce_sum3A_614 : vector<16xf32>, vector<16xi1> -> vector<16xf32>
      %reduce_sum3A_616 = vector.extract %reduce_sum3A_615[15] : f32 from vector<16xf32>
      %slice3A_617 = vector.extract_strided_slice %gather3A_612 {offsets = [0], sizes = [1], strides = [1]} : vector<16xf32> to vector<1xf32>
      %squeeze3A_618 = vector.extract %slice3A_617[0] : f32 from vector<1xf32>
      %add3A_619 = arith.addf %reduce_sum3A_616, %squeeze3A_618 : f32
      %gt3A_620 = arith.constant 0.000000e+00 : f32
      %gt3A_621 = arith.cmpf ogt, %add3A_619, %gt3A_620 : f32
      %convert_element_type3A_622 = arith.extui %gt3A_621 : i1 to i32
      %mul3A_623 = arith.constant 2 : i32
      %mul3A_624 = arith.muli %mul3A_623, %add3A_503 : i32
      %add3A_625 = arith.addi %mul3A_624, %convert_element_type3A_622 : i32
      %mul3A_626 = arith.constant 4 : i32
      %mul3A_627 = arith.muli %mul3A_626, %add3A_625 : i32
      %add3A_628 = arith.constant 127 : i32
      %add3A_629 = arith.addi %add3A_628, %mul3A_627 : i32
      %add3A_630 = arith.constant 0 : i32
      %add3A_631 = arith.addi %add3A_629, %add3A_630 : i32
      %dma_start3A_632 = arith.constant 0 : i32
      %dma_start3A_633 = tpu.memref_slice %arg20[%dma_start3A_632] : memref<4096xf32, #tpu.memory_space<vmem>> -> memref<1024xf32, #tpu.memory_space<vmem>>
      %dma_start3A_634 = arith.constant 0 : i32
      %dma_start3A_635 = tpu.memref_slice %arg3[%add3A_631, %dma_start3A_634] : memref<2047x1024xf32, #tpu.memory_space<hbm>> -> memref<1x1024xf32, #tpu.memory_space<hbm>>
      %dma_start3A_636 = tpu.memref_squeeze %dma_start3A_635 : memref<1x1024xf32, #tpu.memory_space<hbm>> -> memref<1024xf32, #tpu.memory_space<hbm>>
      %dma_start3A_637 = arith.constant 0 : i32
      %dma_start3A_638 = tpu.memref_slice %arg20[%dma_start3A_637] : memref<4096xf32, #tpu.memory_space<vmem>> -> memref<1024xf32, #tpu.memory_space<vmem>>
      %dma_start3A_639 = arith.constant 0 : i32
      %dma_start3A_640 = tpu.memref_slice %arg3[%add3A_631, %dma_start3A_639] : memref<2047x1024xf32, #tpu.memory_space<hbm>> -> memref<1x1024xf32, #tpu.memory_space<hbm>>
      %dma_start3A_641 = tpu.memref_squeeze %dma_start3A_640 : memref<1x1024xf32, #tpu.memory_space<hbm>> -> memref<1024xf32, #tpu.memory_space<hbm>>
      tpu.enqueue_dma source(%dma_start3A_641 : memref<1024xf32, #tpu.memory_space<hbm>>) target(%dma_start3A_638 : memref<1024xf32, #tpu.memory_space<vmem>>) target_semaphore(%arg27 : memref<!tpu.dma_semaphore, #tpu.memory_space<semaphore_mem>>)
      %add3A_642 = arith.constant 1 : i32
      %add3A_643 = arith.addi %add3A_629, %add3A_642 : i32
      %dma_start3A_644 = arith.constant 1024 : i32
      %dma_start3A_645 = tpu.memref_slice %arg20[%dma_start3A_644] : memref<4096xf32, #tpu.memory_space<vmem>> -> memref<1024xf32, #tpu.memory_space<vmem>>
      %dma_start3A_646 = arith.constant 0 : i32
      %dma_start3A_647 = tpu.memref_slice %arg3[%add3A_643, %dma_start3A_646] : memref<2047x1024xf32, #tpu.memory_space<hbm>> -> memref<1x1024xf32, #tpu.memory_space<hbm>>
      %dma_start3A_648 = tpu.memref_squeeze %dma_start3A_647 : memref<1x1024xf32, #tpu.memory_space<hbm>> -> memref<1024xf32, #tpu.memory_space<hbm>>
      %dma_start3A_649 = arith.constant 1024 : i32
      %dma_start3A_650 = tpu.memref_slice %arg20[%dma_start3A_649] : memref<4096xf32, #tpu.memory_space<vmem>> -> memref<1024xf32, #tpu.memory_space<vmem>>
      %dma_start3A_651 = arith.constant 0 : i32
      %dma_start3A_652 = tpu.memref_slice %arg3[%add3A_643, %dma_start3A_651] : memref<2047x1024xf32, #tpu.memory_space<hbm>> -> memref<1x1024xf32, #tpu.memory_space<hbm>>
      %dma_start3A_653 = tpu.memref_squeeze %dma_start3A_652 : memref<1x1024xf32, #tpu.memory_space<hbm>> -> memref<1024xf32, #tpu.memory_space<hbm>>
      tpu.enqueue_dma source(%dma_start3A_653 : memref<1024xf32, #tpu.memory_space<hbm>>) target(%dma_start3A_650 : memref<1024xf32, #tpu.memory_space<vmem>>) target_semaphore(%arg27 : memref<!tpu.dma_semaphore, #tpu.memory_space<semaphore_mem>>)
      %add3A_654 = arith.constant 2 : i32
      %add3A_655 = arith.addi %add3A_629, %add3A_654 : i32
      %dma_start3A_656 = arith.constant 2048 : i32
      %dma_start3A_657 = tpu.memref_slice %arg20[%dma_start3A_656] : memref<4096xf32, #tpu.memory_space<vmem>> -> memref<1024xf32, #tpu.memory_space<vmem>>
      %dma_start3A_658 = arith.constant 0 : i32
      %dma_start3A_659 = tpu.memref_slice %arg3[%add3A_655, %dma_start3A_658] : memref<2047x1024xf32, #tpu.memory_space<hbm>> -> memref<1x1024xf32, #tpu.memory_space<hbm>>
      %dma_start3A_660 = tpu.memref_squeeze %dma_start3A_659 : memref<1x1024xf32, #tpu.memory_space<hbm>> -> memref<1024xf32, #tpu.memory_space<hbm>>
      %dma_start3A_661 = arith.constant 2048 : i32
      %dma_start3A_662 = tpu.memref_slice %arg20[%dma_start3A_661] : memref<4096xf32, #tpu.memory_space<vmem>> -> memref<1024xf32, #tpu.memory_space<vmem>>
      %dma_start3A_663 = arith.constant 0 : i32
      %dma_start3A_664 = tpu.memref_slice %arg3[%add3A_655, %dma_start3A_663] : memref<2047x1024xf32, #tpu.memory_space<hbm>> -> memref<1x1024xf32, #tpu.memory_space<hbm>>
      %dma_start3A_665 = tpu.memref_squeeze %dma_start3A_664 : memref<1x1024xf32, #tpu.memory_space<hbm>> -> memref<1024xf32, #tpu.memory_space<hbm>>
      tpu.enqueue_dma source(%dma_start3A_665 : memref<1024xf32, #tpu.memory_space<hbm>>) target(%dma_start3A_662 : memref<1024xf32, #tpu.memory_space<vmem>>) target_semaphore(%arg27 : memref<!tpu.dma_semaphore, #tpu.memory_space<semaphore_mem>>)
      %add3A_666 = arith.constant 3 : i32
      %add3A_667 = arith.addi %add3A_629, %add3A_666 : i32
      %dma_start3A_668 = arith.constant 3072 : i32
      %dma_start3A_669 = tpu.memref_slice %arg20[%dma_start3A_668] : memref<4096xf32, #tpu.memory_space<vmem>> -> memref<1024xf32, #tpu.memory_space<vmem>>
      %dma_start3A_670 = arith.constant 0 : i32
      %dma_start3A_671 = tpu.memref_slice %arg3[%add3A_667, %dma_start3A_670] : memref<2047x1024xf32, #tpu.memory_space<hbm>> -> memref<1x1024xf32, #tpu.memory_space<hbm>>
      %dma_start3A_672 = tpu.memref_squeeze %dma_start3A_671 : memref<1x1024xf32, #tpu.memory_space<hbm>> -> memref<1024xf32, #tpu.memory_space<hbm>>
      %dma_start3A_673 = arith.constant 3072 : i32
      %dma_start3A_674 = tpu.memref_slice %arg20[%dma_start3A_673] : memref<4096xf32, #tpu.memory_space<vmem>> -> memref<1024xf32, #tpu.memory_space<vmem>>
      %dma_start3A_675 = arith.constant 0 : i32
      %dma_start3A_676 = tpu.memref_slice %arg3[%add3A_667, %dma_start3A_675] : memref<2047x1024xf32, #tpu.memory_space<hbm>> -> memref<1x1024xf32, #tpu.memory_space<hbm>>
      %dma_start3A_677 = tpu.memref_squeeze %dma_start3A_676 : memref<1x1024xf32, #tpu.memory_space<hbm>> -> memref<1024xf32, #tpu.memory_space<hbm>>
      tpu.enqueue_dma source(%dma_start3A_677 : memref<1024xf32, #tpu.memory_space<hbm>>) target(%dma_start3A_674 : memref<1024xf32, #tpu.memory_space<vmem>>) target_semaphore(%arg27 : memref<!tpu.dma_semaphore, #tpu.memory_space<semaphore_mem>>)
      %dma_wait3A_678 = arith.constant 0 : i32
      %dma_wait3A_679 = tpu.memref_slice %arg18[%dma_wait3A_678] : memref<4096xf32, #tpu.memory_space<vmem>> -> memref<1024xf32, #tpu.memory_space<vmem>>
      %dma_wait3A_680 = arith.constant 0 : i32
      %dma_wait3A_681 = tpu.memref_slice %arg3[%add3A_387, %dma_wait3A_680] : memref<2047x1024xf32, #tpu.memory_space<hbm>> -> memref<1x1024xf32, #tpu.memory_space<hbm>>
      %dma_wait3A_682 = tpu.memref_squeeze %dma_wait3A_681 : memref<1x1024xf32, #tpu.memory_space<hbm>> -> memref<1024xf32, #tpu.memory_space<hbm>>
      %dma_wait3A_683 = arith.constant 0 : i32
      %dma_wait3A_684 = tpu.memref_slice %arg18[%dma_wait3A_683] : memref<4096xf32, #tpu.memory_space<vmem>> -> memref<1024xf32, #tpu.memory_space<vmem>>
      %dma_wait3A_685 = arith.constant 0 : i32
      %dma_wait3A_686 = tpu.memref_slice %arg3[%add3A_387, %dma_wait3A_685] : memref<2047x1024xf32, #tpu.memory_space<hbm>> -> memref<1x1024xf32, #tpu.memory_space<hbm>>
      %dma_wait3A_687 = tpu.memref_squeeze %dma_wait3A_686 : memref<1x1024xf32, #tpu.memory_space<hbm>> -> memref<1024xf32, #tpu.memory_space<hbm>>
      tpu.wait_dma2 semaphore(%arg25 : memref<!tpu.dma_semaphore, #tpu.memory_space<semaphore_mem>>) src(%dma_wait3A_687 : memref<1024xf32, #tpu.memory_space<hbm>>) dst(%dma_wait3A_684 : memref<1024xf32, #tpu.memory_space<vmem>>)
      %dma_wait3A_688 = arith.constant 1024 : i32
      %dma_wait3A_689 = tpu.memref_slice %arg18[%dma_wait3A_688] : memref<4096xf32, #tpu.memory_space<vmem>> -> memref<1024xf32, #tpu.memory_space<vmem>>
      %dma_wait3A_690 = arith.constant 0 : i32
      %dma_wait3A_691 = tpu.memref_slice %arg3[%add3A_399, %dma_wait3A_690] : memref<2047x1024xf32, #tpu.memory_space<hbm>> -> memref<1x1024xf32, #tpu.memory_space<hbm>>
      %dma_wait3A_692 = tpu.memref_squeeze %dma_wait3A_691 : memref<1x1024xf32, #tpu.memory_space<hbm>> -> memref<1024xf32, #tpu.memory_space<hbm>>
      %dma_wait3A_693 = arith.constant 1024 : i32
      %dma_wait3A_694 = tpu.memref_slice %arg18[%dma_wait3A_693] : memref<4096xf32, #tpu.memory_space<vmem>> -> memref<1024xf32, #tpu.memory_space<vmem>>
      %dma_wait3A_695 = arith.constant 0 : i32
      %dma_wait3A_696 = tpu.memref_slice %arg3[%add3A_399, %dma_wait3A_695] : memref<2047x1024xf32, #tpu.memory_space<hbm>> -> memref<1x1024xf32, #tpu.memory_space<hbm>>
      %dma_wait3A_697 = tpu.memref_squeeze %dma_wait3A_696 : memref<1x1024xf32, #tpu.memory_space<hbm>> -> memref<1024xf32, #tpu.memory_space<hbm>>
      tpu.wait_dma2 semaphore(%arg25 : memref<!tpu.dma_semaphore, #tpu.memory_space<semaphore_mem>>) src(%dma_wait3A_697 : memref<1024xf32, #tpu.memory_space<hbm>>) dst(%dma_wait3A_694 : memref<1024xf32, #tpu.memory_space<vmem>>)
      %dma_wait3A_698 = arith.constant 2048 : i32
      %dma_wait3A_699 = tpu.memref_slice %arg18[%dma_wait3A_698] : memref<4096xf32, #tpu.memory_space<vmem>> -> memref<1024xf32, #tpu.memory_space<vmem>>
      %dma_wait3A_700 = arith.constant 0 : i32
      %dma_wait3A_701 = tpu.memref_slice %arg3[%add3A_411, %dma_wait3A_700] : memref<2047x1024xf32, #tpu.memory_space<hbm>> -> memref<1x1024xf32, #tpu.memory_space<hbm>>
      %dma_wait3A_702 = tpu.memref_squeeze %dma_wait3A_701 : memref<1x1024xf32, #tpu.memory_space<hbm>> -> memref<1024xf32, #tpu.memory_space<hbm>>
      %dma_wait3A_703 = arith.constant 2048 : i32
      %dma_wait3A_704 = tpu.memref_slice %arg18[%dma_wait3A_703] : memref<4096xf32, #tpu.memory_space<vmem>> -> memref<1024xf32, #tpu.memory_space<vmem>>
      %dma_wait3A_705 = arith.constant 0 : i32
      %dma_wait3A_706 = tpu.memref_slice %arg3[%add3A_411, %dma_wait3A_705] : memref<2047x1024xf32, #tpu.memory_space<hbm>> -> memref<1x1024xf32, #tpu.memory_space<hbm>>
      %dma_wait3A_707 = tpu.memref_squeeze %dma_wait3A_706 : memref<1x1024xf32, #tpu.memory_space<hbm>> -> memref<1024xf32, #tpu.memory_space<hbm>>
      tpu.wait_dma2 semaphore(%arg25 : memref<!tpu.dma_semaphore, #tpu.memory_space<semaphore_mem>>) src(%dma_wait3A_707 : memref<1024xf32, #tpu.memory_space<hbm>>) dst(%dma_wait3A_704 : memref<1024xf32, #tpu.memory_space<vmem>>)
      %dma_wait3A_708 = arith.constant 3072 : i32
      %dma_wait3A_709 = tpu.memref_slice %arg18[%dma_wait3A_708] : memref<4096xf32, #tpu.memory_space<vmem>> -> memref<1024xf32, #tpu.memory_space<vmem>>
      %dma_wait3A_710 = arith.constant 0 : i32
      %dma_wait3A_711 = tpu.memref_slice %arg3[%add3A_423, %dma_wait3A_710] : memref<2047x1024xf32, #tpu.memory_space<hbm>> -> memref<1x1024xf32, #tpu.memory_space<hbm>>
      %dma_wait3A_712 = tpu.memref_squeeze %dma_wait3A_711 : memref<1x1024xf32, #tpu.memory_space<hbm>> -> memref<1024xf32, #tpu.memory_space<hbm>>
      %dma_wait3A_713 = arith.constant 3072 : i32
      %dma_wait3A_714 = tpu.memref_slice %arg18[%dma_wait3A_713] : memref<4096xf32, #tpu.memory_space<vmem>> -> memref<1024xf32, #tpu.memory_space<vmem>>
      %dma_wait3A_715 = arith.constant 0 : i32
      %dma_wait3A_716 = tpu.memref_slice %arg3[%add3A_423, %dma_wait3A_715] : memref<2047x1024xf32, #tpu.memory_space<hbm>> -> memref<1x1024xf32, #tpu.memory_space<hbm>>
      %dma_wait3A_717 = tpu.memref_squeeze %dma_wait3A_716 : memref<1x1024xf32, #tpu.memory_space<hbm>> -> memref<1024xf32, #tpu.memory_space<hbm>>
      tpu.wait_dma2 semaphore(%arg25 : memref<!tpu.dma_semaphore, #tpu.memory_space<semaphore_mem>>) src(%dma_wait3A_717 : memref<1024xf32, #tpu.memory_space<hbm>>) dst(%dma_wait3A_714 : memref<1024xf32, #tpu.memory_space<vmem>>)
      %mul3A_718 = arith.constant 2 : i32
      %mul3A_719 = arith.muli %mul3A_718, %convert_element_type3A_500 : i32
      %add3A_720 = arith.addi %mul3A_719, %convert_element_type3A_622 : i32
      %mul3A_721 = arith.constant 1024 : i32
      %mul3A_722 = arith.muli %add3A_720, %mul3A_721 : i32
      %broadcast_in_dim3A_723 = arith.constant 0.000000e+00 : f32
      %broadcast_in_dim3A_724 = vector.broadcast %broadcast_in_dim3A_723 : f32 to vector<16xf32>
      %scan3A_725 = arith.constant 0 : i32
      %scan3A_726 = arith.constant 8 : i32
      %scan3A_727 = arith.addi %scan3A_725, %scan3A_726 : i32
      %scan3A_728 = arith.constant 1 : i32
      %scan3A_729 = scf.for %scan3A_1544 = %scan3A_725 to %scan3A_727 step %scan3A_728 iter_args(%scan3A_1545 = %broadcast_in_dim3A_724) -> (vector<16xf32>)  : i32 {
        %mul3A_1546 = arith.constant 128 : i32
        %mul3A_1547 = arith.muli %scan3A_1544, %mul3A_1546 : i32
        %multiple_of3A = tpu.assume_multiple %mul3A_1547, 16 : i32
        %add3A_1548 = arith.constant 0 : i32
        %add3A_1549 = arith.addi %multiple_of3A, %add3A_1548 : i32
        %get3A = arith.index_cast %add3A_1549 : i32 to index
        %get3A_1550 = tpu.vector_load %arg10[%get3A] {strides = array<i32>} : memref<1024xf32, #tpu.memory_space<vmem>>, vector<16xf32>,
        %add3A_1551 = arith.addi %mul3A_722, %add3A_1549 : i32
        %multiple_of3A_1552 = tpu.assume_multiple %add3A_1551, 16 : i32
        %get3A_1553 = arith.index_cast %multiple_of3A_1552 : i32 to index
        %get3A_1554 = tpu.vector_load %arg18[%get3A_1553] {strides = array<i32>} : memref<4096xf32, #tpu.memory_space<vmem>>, vector<16xf32>,
        %mul3A_1555 = arith.mulf %get3A_1550, %get3A_1554 : vector<16xf32>
        %add3A_1556 = arith.addf %scan3A_1545, %mul3A_1555 : vector<16xf32>
        %add3A_1557 = arith.constant 16 : i32
        %add3A_1558 = arith.addi %multiple_of3A, %add3A_1557 : i32
        %get3A_1559 = arith.index_cast %add3A_1558 : i32 to index
        %get3A_1560 = tpu.vector_load %arg10[%get3A_1559] {strides = array<i32>} : memref<1024xf32, #tpu.memory_space<vmem>>, vector<16xf32>,
        %add3A_1561 = arith.addi %mul3A_722, %add3A_1558 : i32
        %multiple_of3A_1562 = tpu.assume_multiple %add3A_1561, 16 : i32
        %get3A_1563 = arith.index_cast %multiple_of3A_1562 : i32 to index
        %get3A_1564 = tpu.vector_load %arg18[%get3A_1563] {strides = array<i32>} : memref<4096xf32, #tpu.memory_space<vmem>>, vector<16xf32>,
        %mul3A_1565 = arith.mulf %get3A_1560, %get3A_1564 : vector<16xf32>
        %add3A_1566 = arith.addf %add3A_1556, %mul3A_1565 : vector<16xf32>
        %add3A_1567 = arith.constant 32 : i32
        %add3A_1568 = arith.addi %multiple_of3A, %add3A_1567 : i32
        %get3A_1569 = arith.index_cast %add3A_1568 : i32 to index
        %get3A_1570 = tpu.vector_load %arg10[%get3A_1569] {strides = array<i32>} : memref<1024xf32, #tpu.memory_space<vmem>>, vector<16xf32>,
        %add3A_1571 = arith.addi %mul3A_722, %add3A_1568 : i32
        %multiple_of3A_1572 = tpu.assume_multiple %add3A_1571, 16 : i32
        %get3A_1573 = arith.index_cast %multiple_of3A_1572 : i32 to index
        %get3A_1574 = tpu.vector_load %arg18[%get3A_1573] {strides = array<i32>} : memref<4096xf32, #tpu.memory_space<vmem>>, vector<16xf32>,
        %mul3A_1575 = arith.mulf %get3A_1570, %get3A_1574 : vector<16xf32>
        %add3A_1576 = arith.addf %add3A_1566, %mul3A_1575 : vector<16xf32>
        %add3A_1577 = arith.constant 48 : i32
        %add3A_1578 = arith.addi %multiple_of3A, %add3A_1577 : i32
        %get3A_1579 = arith.index_cast %add3A_1578 : i32 to index
        %get3A_1580 = tpu.vector_load %arg10[%get3A_1579] {strides = array<i32>} : memref<1024xf32, #tpu.memory_space<vmem>>, vector<16xf32>,
        %add3A_1581 = arith.addi %mul3A_722, %add3A_1578 : i32
        %multiple_of3A_1582 = tpu.assume_multiple %add3A_1581, 16 : i32
        %get3A_1583 = arith.index_cast %multiple_of3A_1582 : i32 to index
        %get3A_1584 = tpu.vector_load %arg18[%get3A_1583] {strides = array<i32>} : memref<4096xf32, #tpu.memory_space<vmem>>, vector<16xf32>,
        %mul3A_1585 = arith.mulf %get3A_1580, %get3A_1584 : vector<16xf32>
        %add3A_1586 = arith.addf %add3A_1576, %mul3A_1585 : vector<16xf32>
        %add3A_1587 = arith.constant 64 : i32
        %add3A_1588 = arith.addi %multiple_of3A, %add3A_1587 : i32
        %get3A_1589 = arith.index_cast %add3A_1588 : i32 to index
        %get3A_1590 = tpu.vector_load %arg10[%get3A_1589] {strides = array<i32>} : memref<1024xf32, #tpu.memory_space<vmem>>, vector<16xf32>,
        %add3A_1591 = arith.addi %mul3A_722, %add3A_1588 : i32
        %multiple_of3A_1592 = tpu.assume_multiple %add3A_1591, 16 : i32
        %get3A_1593 = arith.index_cast %multiple_of3A_1592 : i32 to index
        %get3A_1594 = tpu.vector_load %arg18[%get3A_1593] {strides = array<i32>} : memref<4096xf32, #tpu.memory_space<vmem>>, vector<16xf32>,
        %mul3A_1595 = arith.mulf %get3A_1590, %get3A_1594 : vector<16xf32>
        %add3A_1596 = arith.addf %add3A_1586, %mul3A_1595 : vector<16xf32>
        %add3A_1597 = arith.constant 80 : i32
        %add3A_1598 = arith.addi %multiple_of3A, %add3A_1597 : i32
        %get3A_1599 = arith.index_cast %add3A_1598 : i32 to index
        %get3A_1600 = tpu.vector_load %arg10[%get3A_1599] {strides = array<i32>} : memref<1024xf32, #tpu.memory_space<vmem>>, vector<16xf32>,
        %add3A_1601 = arith.addi %mul3A_722, %add3A_1598 : i32
        %multiple_of3A_1602 = tpu.assume_multiple %add3A_1601, 16 : i32
        %get3A_1603 = arith.index_cast %multiple_of3A_1602 : i32 to index
        %get3A_1604 = tpu.vector_load %arg18[%get3A_1603] {strides = array<i32>} : memref<4096xf32, #tpu.memory_space<vmem>>, vector<16xf32>,
        %mul3A_1605 = arith.mulf %get3A_1600, %get3A_1604 : vector<16xf32>
        %add3A_1606 = arith.addf %add3A_1596, %mul3A_1605 : vector<16xf32>
        %add3A_1607 = arith.constant 96 : i32
        %add3A_1608 = arith.addi %multiple_of3A, %add3A_1607 : i32
        %get3A_1609 = arith.index_cast %add3A_1608 : i32 to index
        %get3A_1610 = tpu.vector_load %arg10[%get3A_1609] {strides = array<i32>} : memref<1024xf32, #tpu.memory_space<vmem>>, vector<16xf32>,
        %add3A_1611 = arith.addi %mul3A_722, %add3A_1608 : i32
        %multiple_of3A_1612 = tpu.assume_multiple %add3A_1611, 16 : i32
        %get3A_1613 = arith.index_cast %multiple_of3A_1612 : i32 to index
        %get3A_1614 = tpu.vector_load %arg18[%get3A_1613] {strides = array<i32>} : memref<4096xf32, #tpu.memory_space<vmem>>, vector<16xf32>,
        %mul3A_1615 = arith.mulf %get3A_1610, %get3A_1614 : vector<16xf32>
        %add3A_1616 = arith.addf %add3A_1606, %mul3A_1615 : vector<16xf32>
        %add3A_1617 = arith.constant 112 : i32
        %add3A_1618 = arith.addi %multiple_of3A, %add3A_1617 : i32
        %get3A_1619 = arith.index_cast %add3A_1618 : i32 to index
        %get3A_1620 = tpu.vector_load %arg10[%get3A_1619] {strides = array<i32>} : memref<1024xf32, #tpu.memory_space<vmem>>, vector<16xf32>,
        %add3A_1621 = arith.addi %mul3A_722, %add3A_1618 : i32
        %multiple_of3A_1622 = tpu.assume_multiple %add3A_1621, 16 : i32
        %get3A_1623 = arith.index_cast %multiple_of3A_1622 : i32 to index
        %get3A_1624 = tpu.vector_load %arg18[%get3A_1623] {strides = array<i32>} : memref<4096xf32, #tpu.memory_space<vmem>>, vector<16xf32>,
        %mul3A_1625 = arith.mulf %get3A_1620, %get3A_1624 : vector<16xf32>
        %add3A_1626 = arith.addf %add3A_1616, %mul3A_1625 : vector<16xf32>
        scf.yield %add3A_1626 : vector<16xf32>
      }
      %scan3A_730 = arith.constant 8 : i32
      %add3A_731 = arith.constant 31 : i32
      %add3A_732 = arith.addi %add3A_731, %add3A_625 : i32
      %broadcast_in_dim3A_733 = vector.broadcast %add3A_732 : i32 to vector<16xi32>
      %gather3A_734 = tpu.vector_load_idx %arg11[%broadcast_in_dim3A_733] : memref<2047xf32, #tpu.memory_space<vmem>>[vector<16xi32>], vector<16xf32>,
      %reduce_sum3A_735 = arith.constant true
      %reduce_sum3A_736 = vector.broadcast %reduce_sum3A_735 : i1 to vector<16xi1>
      %reduce_sum3A_737 = tpu.scan <sum>, %scan3A_729 masked %reduce_sum3A_736 : vector<16xf32>, vector<16xi1> -> vector<16xf32>
      %reduce_sum3A_738 = vector.extract %reduce_sum3A_737[15] : f32 from vector<16xf32>
      %slice3A_739 = vector.extract_strided_slice %gather3A_734 {offsets = [0], sizes = [1], strides = [1]} : vector<16xf32> to vector<1xf32>
      %squeeze3A_740 = vector.extract %slice3A_739[0] : f32 from vector<1xf32>
      %add3A_741 = arith.addf %reduce_sum3A_738, %squeeze3A_740 : f32
      %gt3A_742 = arith.constant 0.000000e+00 : f32
      %gt3A_743 = arith.cmpf ogt, %add3A_741, %gt3A_742 : f32
      %convert_element_type3A_744 = arith.extui %gt3A_743 : i1 to i32
      %mul3A_745 = arith.constant 2 : i32
      %mul3A_746 = arith.muli %mul3A_745, %add3A_625 : i32
      %add3A_747 = arith.addi %mul3A_746, %convert_element_type3A_744 : i32
      %mul3A_748 = arith.constant 4 : i32
      %mul3A_749 = arith.muli %mul3A_748, %add3A_747 : i32
      %add3A_750 = arith.constant 255 : i32
      %add3A_751 = arith.addi %add3A_750, %mul3A_749 : i32
      %add3A_752 = arith.constant 0 : i32
      %add3A_753 = arith.addi %add3A_751, %add3A_752 : i32
      %dma_start3A_754 = arith.constant 0 : i32
      %dma_start3A_755 = tpu.memref_slice %arg18[%dma_start3A_754] : memref<4096xf32, #tpu.memory_space<vmem>> -> memref<1024xf32, #tpu.memory_space<vmem>>
      %dma_start3A_756 = arith.constant 0 : i32
      %dma_start3A_757 = tpu.memref_slice %arg3[%add3A_753, %dma_start3A_756] : memref<2047x1024xf32, #tpu.memory_space<hbm>> -> memref<1x1024xf32, #tpu.memory_space<hbm>>
      %dma_start3A_758 = tpu.memref_squeeze %dma_start3A_757 : memref<1x1024xf32, #tpu.memory_space<hbm>> -> memref<1024xf32, #tpu.memory_space<hbm>>
      %dma_start3A_759 = arith.constant 0 : i32
      %dma_start3A_760 = tpu.memref_slice %arg18[%dma_start3A_759] : memref<4096xf32, #tpu.memory_space<vmem>> -> memref<1024xf32, #tpu.memory_space<vmem>>
      %dma_start3A_761 = arith.constant 0 : i32
      %dma_start3A_762 = tpu.memref_slice %arg3[%add3A_753, %dma_start3A_761] : memref<2047x1024xf32, #tpu.memory_space<hbm>> -> memref<1x1024xf32, #tpu.memory_space<hbm>>
      %dma_start3A_763 = tpu.memref_squeeze %dma_start3A_762 : memref<1x1024xf32, #tpu.memory_space<hbm>> -> memref<1024xf32, #tpu.memory_space<hbm>>
      tpu.enqueue_dma source(%dma_start3A_763 : memref<1024xf32, #tpu.memory_space<hbm>>) target(%dma_start3A_760 : memref<1024xf32, #tpu.memory_space<vmem>>) target_semaphore(%arg25 : memref<!tpu.dma_semaphore, #tpu.memory_space<semaphore_mem>>)
      %add3A_764 = arith.constant 1 : i32
      %add3A_765 = arith.addi %add3A_751, %add3A_764 : i32
      %dma_start3A_766 = arith.constant 1024 : i32
      %dma_start3A_767 = tpu.memref_slice %arg18[%dma_start3A_766] : memref<4096xf32, #tpu.memory_space<vmem>> -> memref<1024xf32, #tpu.memory_space<vmem>>
      %dma_start3A_768 = arith.constant 0 : i32
      %dma_start3A_769 = tpu.memref_slice %arg3[%add3A_765, %dma_start3A_768] : memref<2047x1024xf32, #tpu.memory_space<hbm>> -> memref<1x1024xf32, #tpu.memory_space<hbm>>
      %dma_start3A_770 = tpu.memref_squeeze %dma_start3A_769 : memref<1x1024xf32, #tpu.memory_space<hbm>> -> memref<1024xf32, #tpu.memory_space<hbm>>
      %dma_start3A_771 = arith.constant 1024 : i32
      %dma_start3A_772 = tpu.memref_slice %arg18[%dma_start3A_771] : memref<4096xf32, #tpu.memory_space<vmem>> -> memref<1024xf32, #tpu.memory_space<vmem>>
      %dma_start3A_773 = arith.constant 0 : i32
      %dma_start3A_774 = tpu.memref_slice %arg3[%add3A_765, %dma_start3A_773] : memref<2047x1024xf32, #tpu.memory_space<hbm>> -> memref<1x1024xf32, #tpu.memory_space<hbm>>
      %dma_start3A_775 = tpu.memref_squeeze %dma_start3A_774 : memref<1x1024xf32, #tpu.memory_space<hbm>> -> memref<1024xf32, #tpu.memory_space<hbm>>
      tpu.enqueue_dma source(%dma_start3A_775 : memref<1024xf32, #tpu.memory_space<hbm>>) target(%dma_start3A_772 : memref<1024xf32, #tpu.memory_space<vmem>>) target_semaphore(%arg25 : memref<!tpu.dma_semaphore, #tpu.memory_space<semaphore_mem>>)
      %add3A_776 = arith.constant 2 : i32
      %add3A_777 = arith.addi %add3A_751, %add3A_776 : i32
      %dma_start3A_778 = arith.constant 2048 : i32
      %dma_start3A_779 = tpu.memref_slice %arg18[%dma_start3A_778] : memref<4096xf32, #tpu.memory_space<vmem>> -> memref<1024xf32, #tpu.memory_space<vmem>>
      %dma_start3A_780 = arith.constant 0 : i32
      %dma_start3A_781 = tpu.memref_slice %arg3[%add3A_777, %dma_start3A_780] : memref<2047x1024xf32, #tpu.memory_space<hbm>> -> memref<1x1024xf32, #tpu.memory_space<hbm>>
      %dma_start3A_782 = tpu.memref_squeeze %dma_start3A_781 : memref<1x1024xf32, #tpu.memory_space<hbm>> -> memref<1024xf32, #tpu.memory_space<hbm>>
      %dma_start3A_783 = arith.constant 2048 : i32
      %dma_start3A_784 = tpu.memref_slice %arg18[%dma_start3A_783] : memref<4096xf32, #tpu.memory_space<vmem>> -> memref<1024xf32, #tpu.memory_space<vmem>>
      %dma_start3A_785 = arith.constant 0 : i32
      %dma_start3A_786 = tpu.memref_slice %arg3[%add3A_777, %dma_start3A_785] : memref<2047x1024xf32, #tpu.memory_space<hbm>> -> memref<1x1024xf32, #tpu.memory_space<hbm>>
      %dma_start3A_787 = tpu.memref_squeeze %dma_start3A_786 : memref<1x1024xf32, #tpu.memory_space<hbm>> -> memref<1024xf32, #tpu.memory_space<hbm>>
      tpu.enqueue_dma source(%dma_start3A_787 : memref<1024xf32, #tpu.memory_space<hbm>>) target(%dma_start3A_784 : memref<1024xf32, #tpu.memory_space<vmem>>) target_semaphore(%arg25 : memref<!tpu.dma_semaphore, #tpu.memory_space<semaphore_mem>>)
      %add3A_788 = arith.constant 3 : i32
      %add3A_789 = arith.addi %add3A_751, %add3A_788 : i32
      %dma_start3A_790 = arith.constant 3072 : i32
      %dma_start3A_791 = tpu.memref_slice %arg18[%dma_start3A_790] : memref<4096xf32, #tpu.memory_space<vmem>> -> memref<1024xf32, #tpu.memory_space<vmem>>
      %dma_start3A_792 = arith.constant 0 : i32
      %dma_start3A_793 = tpu.memref_slice %arg3[%add3A_789, %dma_start3A_792] : memref<2047x1024xf32, #tpu.memory_space<hbm>> -> memref<1x1024xf32, #tpu.memory_space<hbm>>
      %dma_start3A_794 = tpu.memref_squeeze %dma_start3A_793 : memref<1x1024xf32, #tpu.memory_space<hbm>> -> memref<1024xf32, #tpu.memory_space<hbm>>
      %dma_start3A_795 = arith.constant 3072 : i32
      %dma_start3A_796 = tpu.memref_slice %arg18[%dma_start3A_795] : memref<4096xf32, #tpu.memory_space<vmem>> -> memref<1024xf32, #tpu.memory_space<vmem>>
      %dma_start3A_797 = arith.constant 0 : i32
      %dma_start3A_798 = tpu.memref_slice %arg3[%add3A_789, %dma_start3A_797] : memref<2047x1024xf32, #tpu.memory_space<hbm>> -> memref<1x1024xf32, #tpu.memory_space<hbm>>
      %dma_start3A_799 = tpu.memref_squeeze %dma_start3A_798 : memref<1x1024xf32, #tpu.memory_space<hbm>> -> memref<1024xf32, #tpu.memory_space<hbm>>
      tpu.enqueue_dma source(%dma_start3A_799 : memref<1024xf32, #tpu.memory_space<hbm>>) target(%dma_start3A_796 : memref<1024xf32, #tpu.memory_space<vmem>>) target_semaphore(%arg25 : memref<!tpu.dma_semaphore, #tpu.memory_space<semaphore_mem>>)
      %dma_wait3A_800 = arith.constant 0 : i32
      %dma_wait3A_801 = tpu.memref_slice %arg19[%dma_wait3A_800] : memref<4096xf32, #tpu.memory_space<vmem>> -> memref<1024xf32, #tpu.memory_space<vmem>>
      %dma_wait3A_802 = arith.constant 0 : i32
      %dma_wait3A_803 = tpu.memref_slice %arg3[%add3A_509, %dma_wait3A_802] : memref<2047x1024xf32, #tpu.memory_space<hbm>> -> memref<1x1024xf32, #tpu.memory_space<hbm>>
      %dma_wait3A_804 = tpu.memref_squeeze %dma_wait3A_803 : memref<1x1024xf32, #tpu.memory_space<hbm>> -> memref<1024xf32, #tpu.memory_space<hbm>>
      %dma_wait3A_805 = arith.constant 0 : i32
      %dma_wait3A_806 = tpu.memref_slice %arg19[%dma_wait3A_805] : memref<4096xf32, #tpu.memory_space<vmem>> -> memref<1024xf32, #tpu.memory_space<vmem>>
      %dma_wait3A_807 = arith.constant 0 : i32
      %dma_wait3A_808 = tpu.memref_slice %arg3[%add3A_509, %dma_wait3A_807] : memref<2047x1024xf32, #tpu.memory_space<hbm>> -> memref<1x1024xf32, #tpu.memory_space<hbm>>
      %dma_wait3A_809 = tpu.memref_squeeze %dma_wait3A_808 : memref<1x1024xf32, #tpu.memory_space<hbm>> -> memref<1024xf32, #tpu.memory_space<hbm>>
      tpu.wait_dma2 semaphore(%arg26 : memref<!tpu.dma_semaphore, #tpu.memory_space<semaphore_mem>>) src(%dma_wait3A_809 : memref<1024xf32, #tpu.memory_space<hbm>>) dst(%dma_wait3A_806 : memref<1024xf32, #tpu.memory_space<vmem>>)
      %dma_wait3A_810 = arith.constant 1024 : i32
      %dma_wait3A_811 = tpu.memref_slice %arg19[%dma_wait3A_810] : memref<4096xf32, #tpu.memory_space<vmem>> -> memref<1024xf32, #tpu.memory_space<vmem>>
      %dma_wait3A_812 = arith.constant 0 : i32
      %dma_wait3A_813 = tpu.memref_slice %arg3[%add3A_521, %dma_wait3A_812] : memref<2047x1024xf32, #tpu.memory_space<hbm>> -> memref<1x1024xf32, #tpu.memory_space<hbm>>
      %dma_wait3A_814 = tpu.memref_squeeze %dma_wait3A_813 : memref<1x1024xf32, #tpu.memory_space<hbm>> -> memref<1024xf32, #tpu.memory_space<hbm>>
      %dma_wait3A_815 = arith.constant 1024 : i32
      %dma_wait3A_816 = tpu.memref_slice %arg19[%dma_wait3A_815] : memref<4096xf32, #tpu.memory_space<vmem>> -> memref<1024xf32, #tpu.memory_space<vmem>>
      %dma_wait3A_817 = arith.constant 0 : i32
      %dma_wait3A_818 = tpu.memref_slice %arg3[%add3A_521, %dma_wait3A_817] : memref<2047x1024xf32, #tpu.memory_space<hbm>> -> memref<1x1024xf32, #tpu.memory_space<hbm>>
      %dma_wait3A_819 = tpu.memref_squeeze %dma_wait3A_818 : memref<1x1024xf32, #tpu.memory_space<hbm>> -> memref<1024xf32, #tpu.memory_space<hbm>>
      tpu.wait_dma2 semaphore(%arg26 : memref<!tpu.dma_semaphore, #tpu.memory_space<semaphore_mem>>) src(%dma_wait3A_819 : memref<1024xf32, #tpu.memory_space<hbm>>) dst(%dma_wait3A_816 : memref<1024xf32, #tpu.memory_space<vmem>>)
      %dma_wait3A_820 = arith.constant 2048 : i32
      %dma_wait3A_821 = tpu.memref_slice %arg19[%dma_wait3A_820] : memref<4096xf32, #tpu.memory_space<vmem>> -> memref<1024xf32, #tpu.memory_space<vmem>>
      %dma_wait3A_822 = arith.constant 0 : i32
      %dma_wait3A_823 = tpu.memref_slice %arg3[%add3A_533, %dma_wait3A_822] : memref<2047x1024xf32, #tpu.memory_space<hbm>> -> memref<1x1024xf32, #tpu.memory_space<hbm>>
      %dma_wait3A_824 = tpu.memref_squeeze %dma_wait3A_823 : memref<1x1024xf32, #tpu.memory_space<hbm>> -> memref<1024xf32, #tpu.memory_space<hbm>>
      %dma_wait3A_825 = arith.constant 2048 : i32
      %dma_wait3A_826 = tpu.memref_slice %arg19[%dma_wait3A_825] : memref<4096xf32, #tpu.memory_space<vmem>> -> memref<1024xf32, #tpu.memory_space<vmem>>
      %dma_wait3A_827 = arith.constant 0 : i32
      %dma_wait3A_828 = tpu.memref_slice %arg3[%add3A_533, %dma_wait3A_827] : memref<2047x1024xf32, #tpu.memory_space<hbm>> -> memref<1x1024xf32, #tpu.memory_space<hbm>>
      %dma_wait3A_829 = tpu.memref_squeeze %dma_wait3A_828 : memref<1x1024xf32, #tpu.memory_space<hbm>> -> memref<1024xf32, #tpu.memory_space<hbm>>
      tpu.wait_dma2 semaphore(%arg26 : memref<!tpu.dma_semaphore, #tpu.memory_space<semaphore_mem>>) src(%dma_wait3A_829 : memref<1024xf32, #tpu.memory_space<hbm>>) dst(%dma_wait3A_826 : memref<1024xf32, #tpu.memory_space<vmem>>)
      %dma_wait3A_830 = arith.constant 3072 : i32
      %dma_wait3A_831 = tpu.memref_slice %arg19[%dma_wait3A_830] : memref<4096xf32, #tpu.memory_space<vmem>> -> memref<1024xf32, #tpu.memory_space<vmem>>
      %dma_wait3A_832 = arith.constant 0 : i32
      %dma_wait3A_833 = tpu.memref_slice %arg3[%add3A_545, %dma_wait3A_832] : memref<2047x1024xf32, #tpu.memory_space<hbm>> -> memref<1x1024xf32, #tpu.memory_space<hbm>>
      %dma_wait3A_834 = tpu.memref_squeeze %dma_wait3A_833 : memref<1x1024xf32, #tpu.memory_space<hbm>> -> memref<1024xf32, #tpu.memory_space<hbm>>
      %dma_wait3A_835 = arith.constant 3072 : i32
      %dma_wait3A_836 = tpu.memref_slice %arg19[%dma_wait3A_835] : memref<4096xf32, #tpu.memory_space<vmem>> -> memref<1024xf32, #tpu.memory_space<vmem>>
      %dma_wait3A_837 = arith.constant 0 : i32
      %dma_wait3A_838 = tpu.memref_slice %arg3[%add3A_545, %dma_wait3A_837] : memref<2047x1024xf32, #tpu.memory_space<hbm>> -> memref<1x1024xf32, #tpu.memory_space<hbm>>
      %dma_wait3A_839 = tpu.memref_squeeze %dma_wait3A_838 : memref<1x1024xf32, #tpu.memory_space<hbm>> -> memref<1024xf32, #tpu.memory_space<hbm>>
      tpu.wait_dma2 semaphore(%arg26 : memref<!tpu.dma_semaphore, #tpu.memory_space<semaphore_mem>>) src(%dma_wait3A_839 : memref<1024xf32, #tpu.memory_space<hbm>>) dst(%dma_wait3A_836 : memref<1024xf32, #tpu.memory_space<vmem>>)
      %mul3A_840 = arith.constant 2 : i32
      %mul3A_841 = arith.muli %mul3A_840, %convert_element_type3A_622 : i32
      %add3A_842 = arith.addi %mul3A_841, %convert_element_type3A_744 : i32
      %mul3A_843 = arith.constant 1024 : i32
      %mul3A_844 = arith.muli %add3A_842, %mul3A_843 : i32
      %broadcast_in_dim3A_845 = arith.constant 0.000000e+00 : f32
      %broadcast_in_dim3A_846 = vector.broadcast %broadcast_in_dim3A_845 : f32 to vector<16xf32>
      %scan3A_847 = arith.constant 0 : i32
      %scan3A_848 = arith.constant 8 : i32
      %scan3A_849 = arith.addi %scan3A_847, %scan3A_848 : i32
      %scan3A_850 = arith.constant 1 : i32
      %scan3A_851 = scf.for %scan3A_1544 = %scan3A_847 to %scan3A_849 step %scan3A_850 iter_args(%scan3A_1545 = %broadcast_in_dim3A_846) -> (vector<16xf32>)  : i32 {
        %mul3A_1546 = arith.constant 128 : i32
        %mul3A_1547 = arith.muli %scan3A_1544, %mul3A_1546 : i32
        %multiple_of3A = tpu.assume_multiple %mul3A_1547, 16 : i32
        %add3A_1548 = arith.constant 0 : i32
        %add3A_1549 = arith.addi %multiple_of3A, %add3A_1548 : i32
        %get3A = arith.index_cast %add3A_1549 : i32 to index
        %get3A_1550 = tpu.vector_load %arg10[%get3A] {strides = array<i32>} : memref<1024xf32, #tpu.memory_space<vmem>>, vector<16xf32>,
        %add3A_1551 = arith.addi %mul3A_844, %add3A_1549 : i32
        %multiple_of3A_1552 = tpu.assume_multiple %add3A_1551, 16 : i32
        %get3A_1553 = arith.index_cast %multiple_of3A_1552 : i32 to index
        %get3A_1554 = tpu.vector_load %arg19[%get3A_1553] {strides = array<i32>} : memref<4096xf32, #tpu.memory_space<vmem>>, vector<16xf32>,
        %mul3A_1555 = arith.mulf %get3A_1550, %get3A_1554 : vector<16xf32>
        %add3A_1556 = arith.addf %scan3A_1545, %mul3A_1555 : vector<16xf32>
        %add3A_1557 = arith.constant 16 : i32
        %add3A_1558 = arith.addi %multiple_of3A, %add3A_1557 : i32
        %get3A_1559 = arith.index_cast %add3A_1558 : i32 to index
        %get3A_1560 = tpu.vector_load %arg10[%get3A_1559] {strides = array<i32>} : memref<1024xf32, #tpu.memory_space<vmem>>, vector<16xf32>,
        %add3A_1561 = arith.addi %mul3A_844, %add3A_1558 : i32
        %multiple_of3A_1562 = tpu.assume_multiple %add3A_1561, 16 : i32
        %get3A_1563 = arith.index_cast %multiple_of3A_1562 : i32 to index
        %get3A_1564 = tpu.vector_load %arg19[%get3A_1563] {strides = array<i32>} : memref<4096xf32, #tpu.memory_space<vmem>>, vector<16xf32>,
        %mul3A_1565 = arith.mulf %get3A_1560, %get3A_1564 : vector<16xf32>
        %add3A_1566 = arith.addf %add3A_1556, %mul3A_1565 : vector<16xf32>
        %add3A_1567 = arith.constant 32 : i32
        %add3A_1568 = arith.addi %multiple_of3A, %add3A_1567 : i32
        %get3A_1569 = arith.index_cast %add3A_1568 : i32 to index
        %get3A_1570 = tpu.vector_load %arg10[%get3A_1569] {strides = array<i32>} : memref<1024xf32, #tpu.memory_space<vmem>>, vector<16xf32>,
        %add3A_1571 = arith.addi %mul3A_844, %add3A_1568 : i32
        %multiple_of3A_1572 = tpu.assume_multiple %add3A_1571, 16 : i32
        %get3A_1573 = arith.index_cast %multiple_of3A_1572 : i32 to index
        %get3A_1574 = tpu.vector_load %arg19[%get3A_1573] {strides = array<i32>} : memref<4096xf32, #tpu.memory_space<vmem>>, vector<16xf32>,
        %mul3A_1575 = arith.mulf %get3A_1570, %get3A_1574 : vector<16xf32>
        %add3A_1576 = arith.addf %add3A_1566, %mul3A_1575 : vector<16xf32>
        %add3A_1577 = arith.constant 48 : i32
        %add3A_1578 = arith.addi %multiple_of3A, %add3A_1577 : i32
        %get3A_1579 = arith.index_cast %add3A_1578 : i32 to index
        %get3A_1580 = tpu.vector_load %arg10[%get3A_1579] {strides = array<i32>} : memref<1024xf32, #tpu.memory_space<vmem>>, vector<16xf32>,
        %add3A_1581 = arith.addi %mul3A_844, %add3A_1578 : i32
        %multiple_of3A_1582 = tpu.assume_multiple %add3A_1581, 16 : i32
        %get3A_1583 = arith.index_cast %multiple_of3A_1582 : i32 to index
        %get3A_1584 = tpu.vector_load %arg19[%get3A_1583] {strides = array<i32>} : memref<4096xf32, #tpu.memory_space<vmem>>, vector<16xf32>,
        %mul3A_1585 = arith.mulf %get3A_1580, %get3A_1584 : vector<16xf32>
        %add3A_1586 = arith.addf %add3A_1576, %mul3A_1585 : vector<16xf32>
        %add3A_1587 = arith.constant 64 : i32
        %add3A_1588 = arith.addi %multiple_of3A, %add3A_1587 : i32
        %get3A_1589 = arith.index_cast %add3A_1588 : i32 to index
        %get3A_1590 = tpu.vector_load %arg10[%get3A_1589] {strides = array<i32>} : memref<1024xf32, #tpu.memory_space<vmem>>, vector<16xf32>,
        %add3A_1591 = arith.addi %mul3A_844, %add3A_1588 : i32
        %multiple_of3A_1592 = tpu.assume_multiple %add3A_1591, 16 : i32
        %get3A_1593 = arith.index_cast %multiple_of3A_1592 : i32 to index
        %get3A_1594 = tpu.vector_load %arg19[%get3A_1593] {strides = array<i32>} : memref<4096xf32, #tpu.memory_space<vmem>>, vector<16xf32>,
        %mul3A_1595 = arith.mulf %get3A_1590, %get3A_1594 : vector<16xf32>
        %add3A_1596 = arith.addf %add3A_1586, %mul3A_1595 : vector<16xf32>
        %add3A_1597 = arith.constant 80 : i32
        %add3A_1598 = arith.addi %multiple_of3A, %add3A_1597 : i32
        %get3A_1599 = arith.index_cast %add3A_1598 : i32 to index
        %get3A_1600 = tpu.vector_load %arg10[%get3A_1599] {strides = array<i32>} : memref<1024xf32, #tpu.memory_space<vmem>>, vector<16xf32>,
        %add3A_1601 = arith.addi %mul3A_844, %add3A_1598 : i32
        %multiple_of3A_1602 = tpu.assume_multiple %add3A_1601, 16 : i32
        %get3A_1603 = arith.index_cast %multiple_of3A_1602 : i32 to index
        %get3A_1604 = tpu.vector_load %arg19[%get3A_1603] {strides = array<i32>} : memref<4096xf32, #tpu.memory_space<vmem>>, vector<16xf32>,
        %mul3A_1605 = arith.mulf %get3A_1600, %get3A_1604 : vector<16xf32>
        %add3A_1606 = arith.addf %add3A_1596, %mul3A_1605 : vector<16xf32>
        %add3A_1607 = arith.constant 96 : i32
        %add3A_1608 = arith.addi %multiple_of3A, %add3A_1607 : i32
        %get3A_1609 = arith.index_cast %add3A_1608 : i32 to index
        %get3A_1610 = tpu.vector_load %arg10[%get3A_1609] {strides = array<i32>} : memref<1024xf32, #tpu.memory_space<vmem>>, vector<16xf32>,
        %add3A_1611 = arith.addi %mul3A_844, %add3A_1608 : i32
        %multiple_of3A_1612 = tpu.assume_multiple %add3A_1611, 16 : i32
        %get3A_1613 = arith.index_cast %multiple_of3A_1612 : i32 to index
        %get3A_1614 = tpu.vector_load %arg19[%get3A_1613] {strides = array<i32>} : memref<4096xf32, #tpu.memory_space<vmem>>, vector<16xf32>,
        %mul3A_1615 = arith.mulf %get3A_1610, %get3A_1614 : vector<16xf32>
        %add3A_1616 = arith.addf %add3A_1606, %mul3A_1615 : vector<16xf32>
        %add3A_1617 = arith.constant 112 : i32
        %add3A_1618 = arith.addi %multiple_of3A, %add3A_1617 : i32
        %get3A_1619 = arith.index_cast %add3A_1618 : i32 to index
        %get3A_1620 = tpu.vector_load %arg10[%get3A_1619] {strides = array<i32>} : memref<1024xf32, #tpu.memory_space<vmem>>, vector<16xf32>,
        %add3A_1621 = arith.addi %mul3A_844, %add3A_1618 : i32
        %multiple_of3A_1622 = tpu.assume_multiple %add3A_1621, 16 : i32
        %get3A_1623 = arith.index_cast %multiple_of3A_1622 : i32 to index
        %get3A_1624 = tpu.vector_load %arg19[%get3A_1623] {strides = array<i32>} : memref<4096xf32, #tpu.memory_space<vmem>>, vector<16xf32>,
        %mul3A_1625 = arith.mulf %get3A_1620, %get3A_1624 : vector<16xf32>
        %add3A_1626 = arith.addf %add3A_1616, %mul3A_1625 : vector<16xf32>
        scf.yield %add3A_1626 : vector<16xf32>
      }
      %scan3A_852 = arith.constant 8 : i32
      %add3A_853 = arith.constant 63 : i32
      %add3A_854 = arith.addi %add3A_853, %add3A_747 : i32
      %broadcast_in_dim3A_855 = vector.broadcast %add3A_854 : i32 to vector<16xi32>
      %gather3A_856 = tpu.vector_load_idx %arg11[%broadcast_in_dim3A_855] : memref<2047xf32, #tpu.memory_space<vmem>>[vector<16xi32>], vector<16xf32>,
      %reduce_sum3A_857 = arith.constant true
      %reduce_sum3A_858 = vector.broadcast %reduce_sum3A_857 : i1 to vector<16xi1>
      %reduce_sum3A_859 = tpu.scan <sum>, %scan3A_851 masked %reduce_sum3A_858 : vector<16xf32>, vector<16xi1> -> vector<16xf32>
      %reduce_sum3A_860 = vector.extract %reduce_sum3A_859[15] : f32 from vector<16xf32>
      %slice3A_861 = vector.extract_strided_slice %gather3A_856 {offsets = [0], sizes = [1], strides = [1]} : vector<16xf32> to vector<1xf32>
      %squeeze3A_862 = vector.extract %slice3A_861[0] : f32 from vector<1xf32>
      %add3A_863 = arith.addf %reduce_sum3A_860, %squeeze3A_862 : f32
      %gt3A_864 = arith.constant 0.000000e+00 : f32
      %gt3A_865 = arith.cmpf ogt, %add3A_863, %gt3A_864 : f32
      %convert_element_type3A_866 = arith.extui %gt3A_865 : i1 to i32
      %mul3A_867 = arith.constant 2 : i32
      %mul3A_868 = arith.muli %mul3A_867, %add3A_747 : i32
      %add3A_869 = arith.addi %mul3A_868, %convert_element_type3A_866 : i32
      %mul3A_870 = arith.constant 4 : i32
      %mul3A_871 = arith.muli %mul3A_870, %add3A_869 : i32
      %add3A_872 = arith.constant 511 : i32
      %add3A_873 = arith.addi %add3A_872, %mul3A_871 : i32
      %add3A_874 = arith.constant 0 : i32
      %add3A_875 = arith.addi %add3A_873, %add3A_874 : i32
      %dma_start3A_876 = arith.constant 0 : i32
      %dma_start3A_877 = tpu.memref_slice %arg19[%dma_start3A_876] : memref<4096xf32, #tpu.memory_space<vmem>> -> memref<1024xf32, #tpu.memory_space<vmem>>
      %dma_start3A_878 = arith.constant 0 : i32
      %dma_start3A_879 = tpu.memref_slice %arg3[%add3A_875, %dma_start3A_878] : memref<2047x1024xf32, #tpu.memory_space<hbm>> -> memref<1x1024xf32, #tpu.memory_space<hbm>>
      %dma_start3A_880 = tpu.memref_squeeze %dma_start3A_879 : memref<1x1024xf32, #tpu.memory_space<hbm>> -> memref<1024xf32, #tpu.memory_space<hbm>>
      %dma_start3A_881 = arith.constant 0 : i32
      %dma_start3A_882 = tpu.memref_slice %arg19[%dma_start3A_881] : memref<4096xf32, #tpu.memory_space<vmem>> -> memref<1024xf32, #tpu.memory_space<vmem>>
      %dma_start3A_883 = arith.constant 0 : i32
      %dma_start3A_884 = tpu.memref_slice %arg3[%add3A_875, %dma_start3A_883] : memref<2047x1024xf32, #tpu.memory_space<hbm>> -> memref<1x1024xf32, #tpu.memory_space<hbm>>
      %dma_start3A_885 = tpu.memref_squeeze %dma_start3A_884 : memref<1x1024xf32, #tpu.memory_space<hbm>> -> memref<1024xf32, #tpu.memory_space<hbm>>
      tpu.enqueue_dma source(%dma_start3A_885 : memref<1024xf32, #tpu.memory_space<hbm>>) target(%dma_start3A_882 : memref<1024xf32, #tpu.memory_space<vmem>>) target_semaphore(%arg26 : memref<!tpu.dma_semaphore, #tpu.memory_space<semaphore_mem>>)
      %add3A_886 = arith.constant 1 : i32
      %add3A_887 = arith.addi %add3A_873, %add3A_886 : i32
      %dma_start3A_888 = arith.constant 1024 : i32
      %dma_start3A_889 = tpu.memref_slice %arg19[%dma_start3A_888] : memref<4096xf32, #tpu.memory_space<vmem>> -> memref<1024xf32, #tpu.memory_space<vmem>>
      %dma_start3A_890 = arith.constant 0 : i32
      %dma_start3A_891 = tpu.memref_slice %arg3[%add3A_887, %dma_start3A_890] : memref<2047x1024xf32, #tpu.memory_space<hbm>> -> memref<1x1024xf32, #tpu.memory_space<hbm>>
      %dma_start3A_892 = tpu.memref_squeeze %dma_start3A_891 : memref<1x1024xf32, #tpu.memory_space<hbm>> -> memref<1024xf32, #tpu.memory_space<hbm>>
      %dma_start3A_893 = arith.constant 1024 : i32
      %dma_start3A_894 = tpu.memref_slice %arg19[%dma_start3A_893] : memref<4096xf32, #tpu.memory_space<vmem>> -> memref<1024xf32, #tpu.memory_space<vmem>>
      %dma_start3A_895 = arith.constant 0 : i32
      %dma_start3A_896 = tpu.memref_slice %arg3[%add3A_887, %dma_start3A_895] : memref<2047x1024xf32, #tpu.memory_space<hbm>> -> memref<1x1024xf32, #tpu.memory_space<hbm>>
      %dma_start3A_897 = tpu.memref_squeeze %dma_start3A_896 : memref<1x1024xf32, #tpu.memory_space<hbm>> -> memref<1024xf32, #tpu.memory_space<hbm>>
      tpu.enqueue_dma source(%dma_start3A_897 : memref<1024xf32, #tpu.memory_space<hbm>>) target(%dma_start3A_894 : memref<1024xf32, #tpu.memory_space<vmem>>) target_semaphore(%arg26 : memref<!tpu.dma_semaphore, #tpu.memory_space<semaphore_mem>>)
      %add3A_898 = arith.constant 2 : i32
      %add3A_899 = arith.addi %add3A_873, %add3A_898 : i32
      %dma_start3A_900 = arith.constant 2048 : i32
      %dma_start3A_901 = tpu.memref_slice %arg19[%dma_start3A_900] : memref<4096xf32, #tpu.memory_space<vmem>> -> memref<1024xf32, #tpu.memory_space<vmem>>
      %dma_start3A_902 = arith.constant 0 : i32
      %dma_start3A_903 = tpu.memref_slice %arg3[%add3A_899, %dma_start3A_902] : memref<2047x1024xf32, #tpu.memory_space<hbm>> -> memref<1x1024xf32, #tpu.memory_space<hbm>>
      %dma_start3A_904 = tpu.memref_squeeze %dma_start3A_903 : memref<1x1024xf32, #tpu.memory_space<hbm>> -> memref<1024xf32, #tpu.memory_space<hbm>>
      %dma_start3A_905 = arith.constant 2048 : i32
      %dma_start3A_906 = tpu.memref_slice %arg19[%dma_start3A_905] : memref<4096xf32, #tpu.memory_space<vmem>> -> memref<1024xf32, #tpu.memory_space<vmem>>
      %dma_start3A_907 = arith.constant 0 : i32
      %dma_start3A_908 = tpu.memref_slice %arg3[%add3A_899, %dma_start3A_907] : memref<2047x1024xf32, #tpu.memory_space<hbm>> -> memref<1x1024xf32, #tpu.memory_space<hbm>>
      %dma_start3A_909 = tpu.memref_squeeze %dma_start3A_908 : memref<1x1024xf32, #tpu.memory_space<hbm>> -> memref<1024xf32, #tpu.memory_space<hbm>>
      tpu.enqueue_dma source(%dma_start3A_909 : memref<1024xf32, #tpu.memory_space<hbm>>) target(%dma_start3A_906 : memref<1024xf32, #tpu.memory_space<vmem>>) target_semaphore(%arg26 : memref<!tpu.dma_semaphore, #tpu.memory_space<semaphore_mem>>)
      %add3A_910 = arith.constant 3 : i32
      %add3A_911 = arith.addi %add3A_873, %add3A_910 : i32
      %dma_start3A_912 = arith.constant 3072 : i32
      %dma_start3A_913 = tpu.memref_slice %arg19[%dma_start3A_912] : memref<4096xf32, #tpu.memory_space<vmem>> -> memref<1024xf32, #tpu.memory_space<vmem>>
      %dma_start3A_914 = arith.constant 0 : i32
      %dma_start3A_915 = tpu.memref_slice %arg3[%add3A_911, %dma_start3A_914] : memref<2047x1024xf32, #tpu.memory_space<hbm>> -> memref<1x1024xf32, #tpu.memory_space<hbm>>
      %dma_start3A_916 = tpu.memref_squeeze %dma_start3A_915 : memref<1x1024xf32, #tpu.memory_space<hbm>> -> memref<1024xf32, #tpu.memory_space<hbm>>
      %dma_start3A_917 = arith.constant 3072 : i32
      %dma_start3A_918 = tpu.memref_slice %arg19[%dma_start3A_917] : memref<4096xf32, #tpu.memory_space<vmem>> -> memref<1024xf32, #tpu.memory_space<vmem>>
      %dma_start3A_919 = arith.constant 0 : i32
      %dma_start3A_920 = tpu.memref_slice %arg3[%add3A_911, %dma_start3A_919] : memref<2047x1024xf32, #tpu.memory_space<hbm>> -> memref<1x1024xf32, #tpu.memory_space<hbm>>
      %dma_start3A_921 = tpu.memref_squeeze %dma_start3A_920 : memref<1x1024xf32, #tpu.memory_space<hbm>> -> memref<1024xf32, #tpu.memory_space<hbm>>
      tpu.enqueue_dma source(%dma_start3A_921 : memref<1024xf32, #tpu.memory_space<hbm>>) target(%dma_start3A_918 : memref<1024xf32, #tpu.memory_space<vmem>>) target_semaphore(%arg26 : memref<!tpu.dma_semaphore, #tpu.memory_space<semaphore_mem>>)
      %dma_wait3A_922 = arith.constant 0 : i32
      %dma_wait3A_923 = tpu.memref_slice %arg20[%dma_wait3A_922] : memref<4096xf32, #tpu.memory_space<vmem>> -> memref<1024xf32, #tpu.memory_space<vmem>>
      %dma_wait3A_924 = arith.constant 0 : i32
      %dma_wait3A_925 = tpu.memref_slice %arg3[%add3A_631, %dma_wait3A_924] : memref<2047x1024xf32, #tpu.memory_space<hbm>> -> memref<1x1024xf32, #tpu.memory_space<hbm>>
      %dma_wait3A_926 = tpu.memref_squeeze %dma_wait3A_925 : memref<1x1024xf32, #tpu.memory_space<hbm>> -> memref<1024xf32, #tpu.memory_space<hbm>>
      %dma_wait3A_927 = arith.constant 0 : i32
      %dma_wait3A_928 = tpu.memref_slice %arg20[%dma_wait3A_927] : memref<4096xf32, #tpu.memory_space<vmem>> -> memref<1024xf32, #tpu.memory_space<vmem>>
      %dma_wait3A_929 = arith.constant 0 : i32
      %dma_wait3A_930 = tpu.memref_slice %arg3[%add3A_631, %dma_wait3A_929] : memref<2047x1024xf32, #tpu.memory_space<hbm>> -> memref<1x1024xf32, #tpu.memory_space<hbm>>
      %dma_wait3A_931 = tpu.memref_squeeze %dma_wait3A_930 : memref<1x1024xf32, #tpu.memory_space<hbm>> -> memref<1024xf32, #tpu.memory_space<hbm>>
      tpu.wait_dma2 semaphore(%arg27 : memref<!tpu.dma_semaphore, #tpu.memory_space<semaphore_mem>>) src(%dma_wait3A_931 : memref<1024xf32, #tpu.memory_space<hbm>>) dst(%dma_wait3A_928 : memref<1024xf32, #tpu.memory_space<vmem>>)
      %dma_wait3A_932 = arith.constant 1024 : i32
      %dma_wait3A_933 = tpu.memref_slice %arg20[%dma_wait3A_932] : memref<4096xf32, #tpu.memory_space<vmem>> -> memref<1024xf32, #tpu.memory_space<vmem>>
      %dma_wait3A_934 = arith.constant 0 : i32
      %dma_wait3A_935 = tpu.memref_slice %arg3[%add3A_643, %dma_wait3A_934] : memref<2047x1024xf32, #tpu.memory_space<hbm>> -> memref<1x1024xf32, #tpu.memory_space<hbm>>
      %dma_wait3A_936 = tpu.memref_squeeze %dma_wait3A_935 : memref<1x1024xf32, #tpu.memory_space<hbm>> -> memref<1024xf32, #tpu.memory_space<hbm>>
      %dma_wait3A_937 = arith.constant 1024 : i32
      %dma_wait3A_938 = tpu.memref_slice %arg20[%dma_wait3A_937] : memref<4096xf32, #tpu.memory_space<vmem>> -> memref<1024xf32, #tpu.memory_space<vmem>>
      %dma_wait3A_939 = arith.constant 0 : i32
      %dma_wait3A_940 = tpu.memref_slice %arg3[%add3A_643, %dma_wait3A_939] : memref<2047x1024xf32, #tpu.memory_space<hbm>> -> memref<1x1024xf32, #tpu.memory_space<hbm>>
      %dma_wait3A_941 = tpu.memref_squeeze %dma_wait3A_940 : memref<1x1024xf32, #tpu.memory_space<hbm>> -> memref<1024xf32, #tpu.memory_space<hbm>>
      tpu.wait_dma2 semaphore(%arg27 : memref<!tpu.dma_semaphore, #tpu.memory_space<semaphore_mem>>) src(%dma_wait3A_941 : memref<1024xf32, #tpu.memory_space<hbm>>) dst(%dma_wait3A_938 : memref<1024xf32, #tpu.memory_space<vmem>>)
      %dma_wait3A_942 = arith.constant 2048 : i32
      %dma_wait3A_943 = tpu.memref_slice %arg20[%dma_wait3A_942] : memref<4096xf32, #tpu.memory_space<vmem>> -> memref<1024xf32, #tpu.memory_space<vmem>>
      %dma_wait3A_944 = arith.constant 0 : i32
      %dma_wait3A_945 = tpu.memref_slice %arg3[%add3A_655, %dma_wait3A_944] : memref<2047x1024xf32, #tpu.memory_space<hbm>> -> memref<1x1024xf32, #tpu.memory_space<hbm>>
      %dma_wait3A_946 = tpu.memref_squeeze %dma_wait3A_945 : memref<1x1024xf32, #tpu.memory_space<hbm>> -> memref<1024xf32, #tpu.memory_space<hbm>>
      %dma_wait3A_947 = arith.constant 2048 : i32
      %dma_wait3A_948 = tpu.memref_slice %arg20[%dma_wait3A_947] : memref<4096xf32, #tpu.memory_space<vmem>> -> memref<1024xf32, #tpu.memory_space<vmem>>
      %dma_wait3A_949 = arith.constant 0 : i32
      %dma_wait3A_950 = tpu.memref_slice %arg3[%add3A_655, %dma_wait3A_949] : memref<2047x1024xf32, #tpu.memory_space<hbm>> -> memref<1x1024xf32, #tpu.memory_space<hbm>>
      %dma_wait3A_951 = tpu.memref_squeeze %dma_wait3A_950 : memref<1x1024xf32, #tpu.memory_space<hbm>> -> memref<1024xf32, #tpu.memory_space<hbm>>
      tpu.wait_dma2 semaphore(%arg27 : memref<!tpu.dma_semaphore, #tpu.memory_space<semaphore_mem>>) src(%dma_wait3A_951 : memref<1024xf32, #tpu.memory_space<hbm>>) dst(%dma_wait3A_948 : memref<1024xf32, #tpu.memory_space<vmem>>)
      %dma_wait3A_952 = arith.constant 3072 : i32
      %dma_wait3A_953 = tpu.memref_slice %arg20[%dma_wait3A_952] : memref<4096xf32, #tpu.memory_space<vmem>> -> memref<1024xf32, #tpu.memory_space<vmem>>
      %dma_wait3A_954 = arith.constant 0 : i32
      %dma_wait3A_955 = tpu.memref_slice %arg3[%add3A_667, %dma_wait3A_954] : memref<2047x1024xf32, #tpu.memory_space<hbm>> -> memref<1x1024xf32, #tpu.memory_space<hbm>>
      %dma_wait3A_956 = tpu.memref_squeeze %dma_wait3A_955 : memref<1x1024xf32, #tpu.memory_space<hbm>> -> memref<1024xf32, #tpu.memory_space<hbm>>
      %dma_wait3A_957 = arith.constant 3072 : i32
      %dma_wait3A_958 = tpu.memref_slice %arg20[%dma_wait3A_957] : memref<4096xf32, #tpu.memory_space<vmem>> -> memref<1024xf32, #tpu.memory_space<vmem>>
      %dma_wait3A_959 = arith.constant 0 : i32
      %dma_wait3A_960 = tpu.memref_slice %arg3[%add3A_667, %dma_wait3A_959] : memref<2047x1024xf32, #tpu.memory_space<hbm>> -> memref<1x1024xf32, #tpu.memory_space<hbm>>
      %dma_wait3A_961 = tpu.memref_squeeze %dma_wait3A_960 : memref<1x1024xf32, #tpu.memory_space<hbm>> -> memref<1024xf32, #tpu.memory_space<hbm>>
      tpu.wait_dma2 semaphore(%arg27 : memref<!tpu.dma_semaphore, #tpu.memory_space<semaphore_mem>>) src(%dma_wait3A_961 : memref<1024xf32, #tpu.memory_space<hbm>>) dst(%dma_wait3A_958 : memref<1024xf32, #tpu.memory_space<vmem>>)
      %mul3A_962 = arith.constant 2 : i32
      %mul3A_963 = arith.muli %mul3A_962, %convert_element_type3A_744 : i32
      %add3A_964 = arith.addi %mul3A_963, %convert_element_type3A_866 : i32
      %mul3A_965 = arith.constant 1024 : i32
      %mul3A_966 = arith.muli %add3A_964, %mul3A_965 : i32
      %broadcast_in_dim3A_967 = arith.constant 0.000000e+00 : f32
      %broadcast_in_dim3A_968 = vector.broadcast %broadcast_in_dim3A_967 : f32 to vector<16xf32>
      %scan3A_969 = arith.constant 0 : i32
      %scan3A_970 = arith.constant 8 : i32
      %scan3A_971 = arith.addi %scan3A_969, %scan3A_970 : i32
      %scan3A_972 = arith.constant 1 : i32
      %scan3A_973 = scf.for %scan3A_1544 = %scan3A_969 to %scan3A_971 step %scan3A_972 iter_args(%scan3A_1545 = %broadcast_in_dim3A_968) -> (vector<16xf32>)  : i32 {
        %mul3A_1546 = arith.constant 128 : i32
        %mul3A_1547 = arith.muli %scan3A_1544, %mul3A_1546 : i32
        %multiple_of3A = tpu.assume_multiple %mul3A_1547, 16 : i32
        %add3A_1548 = arith.constant 0 : i32
        %add3A_1549 = arith.addi %multiple_of3A, %add3A_1548 : i32
        %get3A = arith.index_cast %add3A_1549 : i32 to index
        %get3A_1550 = tpu.vector_load %arg10[%get3A] {strides = array<i32>} : memref<1024xf32, #tpu.memory_space<vmem>>, vector<16xf32>,
        %add3A_1551 = arith.addi %mul3A_966, %add3A_1549 : i32
        %multiple_of3A_1552 = tpu.assume_multiple %add3A_1551, 16 : i32
        %get3A_1553 = arith.index_cast %multiple_of3A_1552 : i32 to index
        %get3A_1554 = tpu.vector_load %arg20[%get3A_1553] {strides = array<i32>} : memref<4096xf32, #tpu.memory_space<vmem>>, vector<16xf32>,
        %mul3A_1555 = arith.mulf %get3A_1550, %get3A_1554 : vector<16xf32>
        %add3A_1556 = arith.addf %scan3A_1545, %mul3A_1555 : vector<16xf32>
        %add3A_1557 = arith.constant 16 : i32
        %add3A_1558 = arith.addi %multiple_of3A, %add3A_1557 : i32
        %get3A_1559 = arith.index_cast %add3A_1558 : i32 to index
        %get3A_1560 = tpu.vector_load %arg10[%get3A_1559] {strides = array<i32>} : memref<1024xf32, #tpu.memory_space<vmem>>, vector<16xf32>,
        %add3A_1561 = arith.addi %mul3A_966, %add3A_1558 : i32
        %multiple_of3A_1562 = tpu.assume_multiple %add3A_1561, 16 : i32
        %get3A_1563 = arith.index_cast %multiple_of3A_1562 : i32 to index
        %get3A_1564 = tpu.vector_load %arg20[%get3A_1563] {strides = array<i32>} : memref<4096xf32, #tpu.memory_space<vmem>>, vector<16xf32>,
        %mul3A_1565 = arith.mulf %get3A_1560, %get3A_1564 : vector<16xf32>
        %add3A_1566 = arith.addf %add3A_1556, %mul3A_1565 : vector<16xf32>
        %add3A_1567 = arith.constant 32 : i32
        %add3A_1568 = arith.addi %multiple_of3A, %add3A_1567 : i32
        %get3A_1569 = arith.index_cast %add3A_1568 : i32 to index
        %get3A_1570 = tpu.vector_load %arg10[%get3A_1569] {strides = array<i32>} : memref<1024xf32, #tpu.memory_space<vmem>>, vector<16xf32>,
        %add3A_1571 = arith.addi %mul3A_966, %add3A_1568 : i32
        %multiple_of3A_1572 = tpu.assume_multiple %add3A_1571, 16 : i32
        %get3A_1573 = arith.index_cast %multiple_of3A_1572 : i32 to index
        %get3A_1574 = tpu.vector_load %arg20[%get3A_1573] {strides = array<i32>} : memref<4096xf32, #tpu.memory_space<vmem>>, vector<16xf32>,
        %mul3A_1575 = arith.mulf %get3A_1570, %get3A_1574 : vector<16xf32>
        %add3A_1576 = arith.addf %add3A_1566, %mul3A_1575 : vector<16xf32>
        %add3A_1577 = arith.constant 48 : i32
        %add3A_1578 = arith.addi %multiple_of3A, %add3A_1577 : i32
        %get3A_1579 = arith.index_cast %add3A_1578 : i32 to index
        %get3A_1580 = tpu.vector_load %arg10[%get3A_1579] {strides = array<i32>} : memref<1024xf32, #tpu.memory_space<vmem>>, vector<16xf32>,
        %add3A_1581 = arith.addi %mul3A_966, %add3A_1578 : i32
        %multiple_of3A_1582 = tpu.assume_multiple %add3A_1581, 16 : i32
        %get3A_1583 = arith.index_cast %multiple_of3A_1582 : i32 to index
        %get3A_1584 = tpu.vector_load %arg20[%get3A_1583] {strides = array<i32>} : memref<4096xf32, #tpu.memory_space<vmem>>, vector<16xf32>,
        %mul3A_1585 = arith.mulf %get3A_1580, %get3A_1584 : vector<16xf32>
        %add3A_1586 = arith.addf %add3A_1576, %mul3A_1585 : vector<16xf32>
        %add3A_1587 = arith.constant 64 : i32
        %add3A_1588 = arith.addi %multiple_of3A, %add3A_1587 : i32
        %get3A_1589 = arith.index_cast %add3A_1588 : i32 to index
        %get3A_1590 = tpu.vector_load %arg10[%get3A_1589] {strides = array<i32>} : memref<1024xf32, #tpu.memory_space<vmem>>, vector<16xf32>,
        %add3A_1591 = arith.addi %mul3A_966, %add3A_1588 : i32
        %multiple_of3A_1592 = tpu.assume_multiple %add3A_1591, 16 : i32
        %get3A_1593 = arith.index_cast %multiple_of3A_1592 : i32 to index
        %get3A_1594 = tpu.vector_load %arg20[%get3A_1593] {strides = array<i32>} : memref<4096xf32, #tpu.memory_space<vmem>>, vector<16xf32>,
        %mul3A_1595 = arith.mulf %get3A_1590, %get3A_1594 : vector<16xf32>
        %add3A_1596 = arith.addf %add3A_1586, %mul3A_1595 : vector<16xf32>
        %add3A_1597 = arith.constant 80 : i32
        %add3A_1598 = arith.addi %multiple_of3A, %add3A_1597 : i32
        %get3A_1599 = arith.index_cast %add3A_1598 : i32 to index
        %get3A_1600 = tpu.vector_load %arg10[%get3A_1599] {strides = array<i32>} : memref<1024xf32, #tpu.memory_space<vmem>>, vector<16xf32>,
        %add3A_1601 = arith.addi %mul3A_966, %add3A_1598 : i32
        %multiple_of3A_1602 = tpu.assume_multiple %add3A_1601, 16 : i32
        %get3A_1603 = arith.index_cast %multiple_of3A_1602 : i32 to index
        %get3A_1604 = tpu.vector_load %arg20[%get3A_1603] {strides = array<i32>} : memref<4096xf32, #tpu.memory_space<vmem>>, vector<16xf32>,
        %mul3A_1605 = arith.mulf %get3A_1600, %get3A_1604 : vector<16xf32>
        %add3A_1606 = arith.addf %add3A_1596, %mul3A_1605 : vector<16xf32>
        %add3A_1607 = arith.constant 96 : i32
        %add3A_1608 = arith.addi %multiple_of3A, %add3A_1607 : i32
        %get3A_1609 = arith.index_cast %add3A_1608 : i32 to index
        %get3A_1610 = tpu.vector_load %arg10[%get3A_1609] {strides = array<i32>} : memref<1024xf32, #tpu.memory_space<vmem>>, vector<16xf32>,
        %add3A_1611 = arith.addi %mul3A_966, %add3A_1608 : i32
        %multiple_of3A_1612 = tpu.assume_multiple %add3A_1611, 16 : i32
        %get3A_1613 = arith.index_cast %multiple_of3A_1612 : i32 to index
        %get3A_1614 = tpu.vector_load %arg20[%get3A_1613] {strides = array<i32>} : memref<4096xf32, #tpu.memory_space<vmem>>, vector<16xf32>,
        %mul3A_1615 = arith.mulf %get3A_1610, %get3A_1614 : vector<16xf32>
        %add3A_1616 = arith.addf %add3A_1606, %mul3A_1615 : vector<16xf32>
        %add3A_1617 = arith.constant 112 : i32
        %add3A_1618 = arith.addi %multiple_of3A, %add3A_1617 : i32
        %get3A_1619 = arith.index_cast %add3A_1618 : i32 to index
        %get3A_1620 = tpu.vector_load %arg10[%get3A_1619] {strides = array<i32>} : memref<1024xf32, #tpu.memory_space<vmem>>, vector<16xf32>,
        %add3A_1621 = arith.addi %mul3A_966, %add3A_1618 : i32
        %multiple_of3A_1622 = tpu.assume_multiple %add3A_1621, 16 : i32
        %get3A_1623 = arith.index_cast %multiple_of3A_1622 : i32 to index
        %get3A_1624 = tpu.vector_load %arg20[%get3A_1623] {strides = array<i32>} : memref<4096xf32, #tpu.memory_space<vmem>>, vector<16xf32>,
        %mul3A_1625 = arith.mulf %get3A_1620, %get3A_1624 : vector<16xf32>
        %add3A_1626 = arith.addf %add3A_1616, %mul3A_1625 : vector<16xf32>
        scf.yield %add3A_1626 : vector<16xf32>
      }
      %scan3A_974 = arith.constant 8 : i32
      %add3A_975 = arith.constant 127 : i32
      %add3A_976 = arith.addi %add3A_975, %add3A_869 : i32
      %broadcast_in_dim3A_977 = vector.broadcast %add3A_976 : i32 to vector<16xi32>
      %gather3A_978 = tpu.vector_load_idx %arg11[%broadcast_in_dim3A_977] : memref<2047xf32, #tpu.memory_space<vmem>>[vector<16xi32>], vector<16xf32>,
      %reduce_sum3A_979 = arith.constant true
      %reduce_sum3A_980 = vector.broadcast %reduce_sum3A_979 : i1 to vector<16xi1>
      %reduce_sum3A_981 = tpu.scan <sum>, %scan3A_973 masked %reduce_sum3A_980 : vector<16xf32>, vector<16xi1> -> vector<16xf32>
      %reduce_sum3A_982 = vector.extract %reduce_sum3A_981[15] : f32 from vector<16xf32>
      %slice3A_983 = vector.extract_strided_slice %gather3A_978 {offsets = [0], sizes = [1], strides = [1]} : vector<16xf32> to vector<1xf32>
      %squeeze3A_984 = vector.extract %slice3A_983[0] : f32 from vector<1xf32>
      %add3A_985 = arith.addf %reduce_sum3A_982, %squeeze3A_984 : f32
      %gt3A_986 = arith.constant 0.000000e+00 : f32
      %gt3A_987 = arith.cmpf ogt, %add3A_985, %gt3A_986 : f32
      %convert_element_type3A_988 = arith.extui %gt3A_987 : i1 to i32
      %mul3A_989 = arith.constant 2 : i32
      %mul3A_990 = arith.muli %mul3A_989, %add3A_869 : i32
      %add3A_991 = arith.addi %mul3A_990, %convert_element_type3A_988 : i32
      %mul3A_992 = arith.constant 4 : i32
      %mul3A_993 = arith.muli %mul3A_992, %add3A_991 : i32
      %add3A_994 = arith.constant 1023 : i32
      %add3A_995 = arith.addi %add3A_994, %mul3A_993 : i32
      %add3A_996 = arith.constant 0 : i32
      %add3A_997 = arith.addi %add3A_995, %add3A_996 : i32
      %dma_start3A_998 = arith.constant 0 : i32
      %dma_start3A_999 = tpu.memref_slice %arg20[%dma_start3A_998] : memref<4096xf32, #tpu.memory_space<vmem>> -> memref<1024xf32, #tpu.memory_space<vmem>>
      %dma_start3A_1000 = arith.constant 0 : i32
      %dma_start3A_1001 = tpu.memref_slice %arg3[%add3A_997, %dma_start3A_1000] : memref<2047x1024xf32, #tpu.memory_space<hbm>> -> memref<1x1024xf32, #tpu.memory_space<hbm>>
      %dma_start3A_1002 = tpu.memref_squeeze %dma_start3A_1001 : memref<1x1024xf32, #tpu.memory_space<hbm>> -> memref<1024xf32, #tpu.memory_space<hbm>>
      %dma_start3A_1003 = arith.constant 0 : i32
      %dma_start3A_1004 = tpu.memref_slice %arg20[%dma_start3A_1003] : memref<4096xf32, #tpu.memory_space<vmem>> -> memref<1024xf32, #tpu.memory_space<vmem>>
      %dma_start3A_1005 = arith.constant 0 : i32
      %dma_start3A_1006 = tpu.memref_slice %arg3[%add3A_997, %dma_start3A_1005] : memref<2047x1024xf32, #tpu.memory_space<hbm>> -> memref<1x1024xf32, #tpu.memory_space<hbm>>
      %dma_start3A_1007 = tpu.memref_squeeze %dma_start3A_1006 : memref<1x1024xf32, #tpu.memory_space<hbm>> -> memref<1024xf32, #tpu.memory_space<hbm>>
      tpu.enqueue_dma source(%dma_start3A_1007 : memref<1024xf32, #tpu.memory_space<hbm>>) target(%dma_start3A_1004 : memref<1024xf32, #tpu.memory_space<vmem>>) target_semaphore(%arg27 : memref<!tpu.dma_semaphore, #tpu.memory_space<semaphore_mem>>)
      %add3A_1008 = arith.constant 1 : i32
      %add3A_1009 = arith.addi %add3A_995, %add3A_1008 : i32
      %dma_start3A_1010 = arith.constant 1024 : i32
      %dma_start3A_1011 = tpu.memref_slice %arg20[%dma_start3A_1010] : memref<4096xf32, #tpu.memory_space<vmem>> -> memref<1024xf32, #tpu.memory_space<vmem>>
      %dma_start3A_1012 = arith.constant 0 : i32
      %dma_start3A_1013 = tpu.memref_slice %arg3[%add3A_1009, %dma_start3A_1012] : memref<2047x1024xf32, #tpu.memory_space<hbm>> -> memref<1x1024xf32, #tpu.memory_space<hbm>>
      %dma_start3A_1014 = tpu.memref_squeeze %dma_start3A_1013 : memref<1x1024xf32, #tpu.memory_space<hbm>> -> memref<1024xf32, #tpu.memory_space<hbm>>
      %dma_start3A_1015 = arith.constant 1024 : i32
      %dma_start3A_1016 = tpu.memref_slice %arg20[%dma_start3A_1015] : memref<4096xf32, #tpu.memory_space<vmem>> -> memref<1024xf32, #tpu.memory_space<vmem>>
      %dma_start3A_1017 = arith.constant 0 : i32
      %dma_start3A_1018 = tpu.memref_slice %arg3[%add3A_1009, %dma_start3A_1017] : memref<2047x1024xf32, #tpu.memory_space<hbm>> -> memref<1x1024xf32, #tpu.memory_space<hbm>>
      %dma_start3A_1019 = tpu.memref_squeeze %dma_start3A_1018 : memref<1x1024xf32, #tpu.memory_space<hbm>> -> memref<1024xf32, #tpu.memory_space<hbm>>
      tpu.enqueue_dma source(%dma_start3A_1019 : memref<1024xf32, #tpu.memory_space<hbm>>) target(%dma_start3A_1016 : memref<1024xf32, #tpu.memory_space<vmem>>) target_semaphore(%arg27 : memref<!tpu.dma_semaphore, #tpu.memory_space<semaphore_mem>>)
      %add3A_1020 = arith.constant 2 : i32
      %add3A_1021 = arith.addi %add3A_995, %add3A_1020 : i32
      %dma_start3A_1022 = arith.constant 2048 : i32
      %dma_start3A_1023 = tpu.memref_slice %arg20[%dma_start3A_1022] : memref<4096xf32, #tpu.memory_space<vmem>> -> memref<1024xf32, #tpu.memory_space<vmem>>
      %dma_start3A_1024 = arith.constant 0 : i32
      %dma_start3A_1025 = tpu.memref_slice %arg3[%add3A_1021, %dma_start3A_1024] : memref<2047x1024xf32, #tpu.memory_space<hbm>> -> memref<1x1024xf32, #tpu.memory_space<hbm>>
      %dma_start3A_1026 = tpu.memref_squeeze %dma_start3A_1025 : memref<1x1024xf32, #tpu.memory_space<hbm>> -> memref<1024xf32, #tpu.memory_space<hbm>>
      %dma_start3A_1027 = arith.constant 2048 : i32
      %dma_start3A_1028 = tpu.memref_slice %arg20[%dma_start3A_1027] : memref<4096xf32, #tpu.memory_space<vmem>> -> memref<1024xf32, #tpu.memory_space<vmem>>
      %dma_start3A_1029 = arith.constant 0 : i32
      %dma_start3A_1030 = tpu.memref_slice %arg3[%add3A_1021, %dma_start3A_1029] : memref<2047x1024xf32, #tpu.memory_space<hbm>> -> memref<1x1024xf32, #tpu.memory_space<hbm>>
      %dma_start3A_1031 = tpu.memref_squeeze %dma_start3A_1030 : memref<1x1024xf32, #tpu.memory_space<hbm>> -> memref<1024xf32, #tpu.memory_space<hbm>>
      tpu.enqueue_dma source(%dma_start3A_1031 : memref<1024xf32, #tpu.memory_space<hbm>>) target(%dma_start3A_1028 : memref<1024xf32, #tpu.memory_space<vmem>>) target_semaphore(%arg27 : memref<!tpu.dma_semaphore, #tpu.memory_space<semaphore_mem>>)
      %add3A_1032 = arith.constant 3 : i32
      %add3A_1033 = arith.addi %add3A_995, %add3A_1032 : i32
      %dma_start3A_1034 = arith.constant 3072 : i32
      %dma_start3A_1035 = tpu.memref_slice %arg20[%dma_start3A_1034] : memref<4096xf32, #tpu.memory_space<vmem>> -> memref<1024xf32, #tpu.memory_space<vmem>>
      %dma_start3A_1036 = arith.constant 0 : i32
      %dma_start3A_1037 = tpu.memref_slice %arg3[%add3A_1033, %dma_start3A_1036] : memref<2047x1024xf32, #tpu.memory_space<hbm>> -> memref<1x1024xf32, #tpu.memory_space<hbm>>
      %dma_start3A_1038 = tpu.memref_squeeze %dma_start3A_1037 : memref<1x1024xf32, #tpu.memory_space<hbm>> -> memref<1024xf32, #tpu.memory_space<hbm>>
      %dma_start3A_1039 = arith.constant 3072 : i32
      %dma_start3A_1040 = tpu.memref_slice %arg20[%dma_start3A_1039] : memref<4096xf32, #tpu.memory_space<vmem>> -> memref<1024xf32, #tpu.memory_space<vmem>>
      %dma_start3A_1041 = arith.constant 0 : i32
      %dma_start3A_1042 = tpu.memref_slice %arg3[%add3A_1033, %dma_start3A_1041] : memref<2047x1024xf32, #tpu.memory_space<hbm>> -> memref<1x1024xf32, #tpu.memory_space<hbm>>
      %dma_start3A_1043 = tpu.memref_squeeze %dma_start3A_1042 : memref<1x1024xf32, #tpu.memory_space<hbm>> -> memref<1024xf32, #tpu.memory_space<hbm>>
      tpu.enqueue_dma source(%dma_start3A_1043 : memref<1024xf32, #tpu.memory_space<hbm>>) target(%dma_start3A_1040 : memref<1024xf32, #tpu.memory_space<vmem>>) target_semaphore(%arg27 : memref<!tpu.dma_semaphore, #tpu.memory_space<semaphore_mem>>)
      %dma_wait3A_1044 = arith.constant 0 : i32
      %dma_wait3A_1045 = tpu.memref_slice %arg18[%dma_wait3A_1044] : memref<4096xf32, #tpu.memory_space<vmem>> -> memref<1024xf32, #tpu.memory_space<vmem>>
      %dma_wait3A_1046 = arith.constant 0 : i32
      %dma_wait3A_1047 = tpu.memref_slice %arg3[%add3A_753, %dma_wait3A_1046] : memref<2047x1024xf32, #tpu.memory_space<hbm>> -> memref<1x1024xf32, #tpu.memory_space<hbm>>
      %dma_wait3A_1048 = tpu.memref_squeeze %dma_wait3A_1047 : memref<1x1024xf32, #tpu.memory_space<hbm>> -> memref<1024xf32, #tpu.memory_space<hbm>>
      %dma_wait3A_1049 = arith.constant 0 : i32
      %dma_wait3A_1050 = tpu.memref_slice %arg18[%dma_wait3A_1049] : memref<4096xf32, #tpu.memory_space<vmem>> -> memref<1024xf32, #tpu.memory_space<vmem>>
      %dma_wait3A_1051 = arith.constant 0 : i32
      %dma_wait3A_1052 = tpu.memref_slice %arg3[%add3A_753, %dma_wait3A_1051] : memref<2047x1024xf32, #tpu.memory_space<hbm>> -> memref<1x1024xf32, #tpu.memory_space<hbm>>
      %dma_wait3A_1053 = tpu.memref_squeeze %dma_wait3A_1052 : memref<1x1024xf32, #tpu.memory_space<hbm>> -> memref<1024xf32, #tpu.memory_space<hbm>>
      tpu.wait_dma2 semaphore(%arg25 : memref<!tpu.dma_semaphore, #tpu.memory_space<semaphore_mem>>) src(%dma_wait3A_1053 : memref<1024xf32, #tpu.memory_space<hbm>>) dst(%dma_wait3A_1050 : memref<1024xf32, #tpu.memory_space<vmem>>)
      %dma_wait3A_1054 = arith.constant 1024 : i32
      %dma_wait3A_1055 = tpu.memref_slice %arg18[%dma_wait3A_1054] : memref<4096xf32, #tpu.memory_space<vmem>> -> memref<1024xf32, #tpu.memory_space<vmem>>
      %dma_wait3A_1056 = arith.constant 0 : i32
      %dma_wait3A_1057 = tpu.memref_slice %arg3[%add3A_765, %dma_wait3A_1056] : memref<2047x1024xf32, #tpu.memory_space<hbm>> -> memref<1x1024xf32, #tpu.memory_space<hbm>>
      %dma_wait3A_1058 = tpu.memref_squeeze %dma_wait3A_1057 : memref<1x1024xf32, #tpu.memory_space<hbm>> -> memref<1024xf32, #tpu.memory_space<hbm>>
      %dma_wait3A_1059 = arith.constant 1024 : i32
      %dma_wait3A_1060 = tpu.memref_slice %arg18[%dma_wait3A_1059] : memref<4096xf32, #tpu.memory_space<vmem>> -> memref<1024xf32, #tpu.memory_space<vmem>>
      %dma_wait3A_1061 = arith.constant 0 : i32
      %dma_wait3A_1062 = tpu.memref_slice %arg3[%add3A_765, %dma_wait3A_1061] : memref<2047x1024xf32, #tpu.memory_space<hbm>> -> memref<1x1024xf32, #tpu.memory_space<hbm>>
      %dma_wait3A_1063 = tpu.memref_squeeze %dma_wait3A_1062 : memref<1x1024xf32, #tpu.memory_space<hbm>> -> memref<1024xf32, #tpu.memory_space<hbm>>
      tpu.wait_dma2 semaphore(%arg25 : memref<!tpu.dma_semaphore, #tpu.memory_space<semaphore_mem>>) src(%dma_wait3A_1063 : memref<1024xf32, #tpu.memory_space<hbm>>) dst(%dma_wait3A_1060 : memref<1024xf32, #tpu.memory_space<vmem>>)
      %dma_wait3A_1064 = arith.constant 2048 : i32
      %dma_wait3A_1065 = tpu.memref_slice %arg18[%dma_wait3A_1064] : memref<4096xf32, #tpu.memory_space<vmem>> -> memref<1024xf32, #tpu.memory_space<vmem>>
      %dma_wait3A_1066 = arith.constant 0 : i32
      %dma_wait3A_1067 = tpu.memref_slice %arg3[%add3A_777, %dma_wait3A_1066] : memref<2047x1024xf32, #tpu.memory_space<hbm>> -> memref<1x1024xf32, #tpu.memory_space<hbm>>
      %dma_wait3A_1068 = tpu.memref_squeeze %dma_wait3A_1067 : memref<1x1024xf32, #tpu.memory_space<hbm>> -> memref<1024xf32, #tpu.memory_space<hbm>>
      %dma_wait3A_1069 = arith.constant 2048 : i32
      %dma_wait3A_1070 = tpu.memref_slice %arg18[%dma_wait3A_1069] : memref<4096xf32, #tpu.memory_space<vmem>> -> memref<1024xf32, #tpu.memory_space<vmem>>
      %dma_wait3A_1071 = arith.constant 0 : i32
      %dma_wait3A_1072 = tpu.memref_slice %arg3[%add3A_777, %dma_wait3A_1071] : memref<2047x1024xf32, #tpu.memory_space<hbm>> -> memref<1x1024xf32, #tpu.memory_space<hbm>>
      %dma_wait3A_1073 = tpu.memref_squeeze %dma_wait3A_1072 : memref<1x1024xf32, #tpu.memory_space<hbm>> -> memref<1024xf32, #tpu.memory_space<hbm>>
      tpu.wait_dma2 semaphore(%arg25 : memref<!tpu.dma_semaphore, #tpu.memory_space<semaphore_mem>>) src(%dma_wait3A_1073 : memref<1024xf32, #tpu.memory_space<hbm>>) dst(%dma_wait3A_1070 : memref<1024xf32, #tpu.memory_space<vmem>>)
      %dma_wait3A_1074 = arith.constant 3072 : i32
      %dma_wait3A_1075 = tpu.memref_slice %arg18[%dma_wait3A_1074] : memref<4096xf32, #tpu.memory_space<vmem>> -> memref<1024xf32, #tpu.memory_space<vmem>>
      %dma_wait3A_1076 = arith.constant 0 : i32
      %dma_wait3A_1077 = tpu.memref_slice %arg3[%add3A_789, %dma_wait3A_1076] : memref<2047x1024xf32, #tpu.memory_space<hbm>> -> memref<1x1024xf32, #tpu.memory_space<hbm>>
      %dma_wait3A_1078 = tpu.memref_squeeze %dma_wait3A_1077 : memref<1x1024xf32, #tpu.memory_space<hbm>> -> memref<1024xf32, #tpu.memory_space<hbm>>
      %dma_wait3A_1079 = arith.constant 3072 : i32
      %dma_wait3A_1080 = tpu.memref_slice %arg18[%dma_wait3A_1079] : memref<4096xf32, #tpu.memory_space<vmem>> -> memref<1024xf32, #tpu.memory_space<vmem>>
      %dma_wait3A_1081 = arith.constant 0 : i32
      %dma_wait3A_1082 = tpu.memref_slice %arg3[%add3A_789, %dma_wait3A_1081] : memref<2047x1024xf32, #tpu.memory_space<hbm>> -> memref<1x1024xf32, #tpu.memory_space<hbm>>
      %dma_wait3A_1083 = tpu.memref_squeeze %dma_wait3A_1082 : memref<1x1024xf32, #tpu.memory_space<hbm>> -> memref<1024xf32, #tpu.memory_space<hbm>>
      tpu.wait_dma2 semaphore(%arg25 : memref<!tpu.dma_semaphore, #tpu.memory_space<semaphore_mem>>) src(%dma_wait3A_1083 : memref<1024xf32, #tpu.memory_space<hbm>>) dst(%dma_wait3A_1080 : memref<1024xf32, #tpu.memory_space<vmem>>)
      %mul3A_1084 = arith.constant 2 : i32
      %mul3A_1085 = arith.muli %mul3A_1084, %convert_element_type3A_866 : i32
      %add3A_1086 = arith.addi %mul3A_1085, %convert_element_type3A_988 : i32
      %mul3A_1087 = arith.constant 1024 : i32
      %mul3A_1088 = arith.muli %add3A_1086, %mul3A_1087 : i32
      %broadcast_in_dim3A_1089 = arith.constant 0.000000e+00 : f32
      %broadcast_in_dim3A_1090 = vector.broadcast %broadcast_in_dim3A_1089 : f32 to vector<16xf32>
      %scan3A_1091 = arith.constant 0 : i32
      %scan3A_1092 = arith.constant 8 : i32
      %scan3A_1093 = arith.addi %scan3A_1091, %scan3A_1092 : i32
      %scan3A_1094 = arith.constant 1 : i32
      %scan3A_1095 = scf.for %scan3A_1544 = %scan3A_1091 to %scan3A_1093 step %scan3A_1094 iter_args(%scan3A_1545 = %broadcast_in_dim3A_1090) -> (vector<16xf32>)  : i32 {
        %mul3A_1546 = arith.constant 128 : i32
        %mul3A_1547 = arith.muli %scan3A_1544, %mul3A_1546 : i32
        %multiple_of3A = tpu.assume_multiple %mul3A_1547, 16 : i32
        %add3A_1548 = arith.constant 0 : i32
        %add3A_1549 = arith.addi %multiple_of3A, %add3A_1548 : i32
        %get3A = arith.index_cast %add3A_1549 : i32 to index
        %get3A_1550 = tpu.vector_load %arg10[%get3A] {strides = array<i32>} : memref<1024xf32, #tpu.memory_space<vmem>>, vector<16xf32>,
        %add3A_1551 = arith.addi %mul3A_1088, %add3A_1549 : i32
        %multiple_of3A_1552 = tpu.assume_multiple %add3A_1551, 16 : i32
        %get3A_1553 = arith.index_cast %multiple_of3A_1552 : i32 to index
        %get3A_1554 = tpu.vector_load %arg18[%get3A_1553] {strides = array<i32>} : memref<4096xf32, #tpu.memory_space<vmem>>, vector<16xf32>,
        %mul3A_1555 = arith.mulf %get3A_1550, %get3A_1554 : vector<16xf32>
        %add3A_1556 = arith.addf %scan3A_1545, %mul3A_1555 : vector<16xf32>
        %add3A_1557 = arith.constant 16 : i32
        %add3A_1558 = arith.addi %multiple_of3A, %add3A_1557 : i32
        %get3A_1559 = arith.index_cast %add3A_1558 : i32 to index
        %get3A_1560 = tpu.vector_load %arg10[%get3A_1559] {strides = array<i32>} : memref<1024xf32, #tpu.memory_space<vmem>>, vector<16xf32>,
        %add3A_1561 = arith.addi %mul3A_1088, %add3A_1558 : i32
        %multiple_of3A_1562 = tpu.assume_multiple %add3A_1561, 16 : i32
        %get3A_1563 = arith.index_cast %multiple_of3A_1562 : i32 to index
        %get3A_1564 = tpu.vector_load %arg18[%get3A_1563] {strides = array<i32>} : memref<4096xf32, #tpu.memory_space<vmem>>, vector<16xf32>,
        %mul3A_1565 = arith.mulf %get3A_1560, %get3A_1564 : vector<16xf32>
        %add3A_1566 = arith.addf %add3A_1556, %mul3A_1565 : vector<16xf32>
        %add3A_1567 = arith.constant 32 : i32
        %add3A_1568 = arith.addi %multiple_of3A, %add3A_1567 : i32
        %get3A_1569 = arith.index_cast %add3A_1568 : i32 to index
        %get3A_1570 = tpu.vector_load %arg10[%get3A_1569] {strides = array<i32>} : memref<1024xf32, #tpu.memory_space<vmem>>, vector<16xf32>,
        %add3A_1571 = arith.addi %mul3A_1088, %add3A_1568 : i32
        %multiple_of3A_1572 = tpu.assume_multiple %add3A_1571, 16 : i32
        %get3A_1573 = arith.index_cast %multiple_of3A_1572 : i32 to index
        %get3A_1574 = tpu.vector_load %arg18[%get3A_1573] {strides = array<i32>} : memref<4096xf32, #tpu.memory_space<vmem>>, vector<16xf32>,
        %mul3A_1575 = arith.mulf %get3A_1570, %get3A_1574 : vector<16xf32>
        %add3A_1576 = arith.addf %add3A_1566, %mul3A_1575 : vector<16xf32>
        %add3A_1577 = arith.constant 48 : i32
        %add3A_1578 = arith.addi %multiple_of3A, %add3A_1577 : i32
        %get3A_1579 = arith.index_cast %add3A_1578 : i32 to index
        %get3A_1580 = tpu.vector_load %arg10[%get3A_1579] {strides = array<i32>} : memref<1024xf32, #tpu.memory_space<vmem>>, vector<16xf32>,
        %add3A_1581 = arith.addi %mul3A_1088, %add3A_1578 : i32
        %multiple_of3A_1582 = tpu.assume_multiple %add3A_1581, 16 : i32
        %get3A_1583 = arith.index_cast %multiple_of3A_1582 : i32 to index
        %get3A_1584 = tpu.vector_load %arg18[%get3A_1583] {strides = array<i32>} : memref<4096xf32, #tpu.memory_space<vmem>>, vector<16xf32>,
        %mul3A_1585 = arith.mulf %get3A_1580, %get3A_1584 : vector<16xf32>
        %add3A_1586 = arith.addf %add3A_1576, %mul3A_1585 : vector<16xf32>
        %add3A_1587 = arith.constant 64 : i32
        %add3A_1588 = arith.addi %multiple_of3A, %add3A_1587 : i32
        %get3A_1589 = arith.index_cast %add3A_1588 : i32 to index
        %get3A_1590 = tpu.vector_load %arg10[%get3A_1589] {strides = array<i32>} : memref<1024xf32, #tpu.memory_space<vmem>>, vector<16xf32>,
        %add3A_1591 = arith.addi %mul3A_1088, %add3A_1588 : i32
        %multiple_of3A_1592 = tpu.assume_multiple %add3A_1591, 16 : i32
        %get3A_1593 = arith.index_cast %multiple_of3A_1592 : i32 to index
        %get3A_1594 = tpu.vector_load %arg18[%get3A_1593] {strides = array<i32>} : memref<4096xf32, #tpu.memory_space<vmem>>, vector<16xf32>,
        %mul3A_1595 = arith.mulf %get3A_1590, %get3A_1594 : vector<16xf32>
        %add3A_1596 = arith.addf %add3A_1586, %mul3A_1595 : vector<16xf32>
        %add3A_1597 = arith.constant 80 : i32
        %add3A_1598 = arith.addi %multiple_of3A, %add3A_1597 : i32
        %get3A_1599 = arith.index_cast %add3A_1598 : i32 to index
        %get3A_1600 = tpu.vector_load %arg10[%get3A_1599] {strides = array<i32>} : memref<1024xf32, #tpu.memory_space<vmem>>, vector<16xf32>,
        %add3A_1601 = arith.addi %mul3A_1088, %add3A_1598 : i32
        %multiple_of3A_1602 = tpu.assume_multiple %add3A_1601, 16 : i32
        %get3A_1603 = arith.index_cast %multiple_of3A_1602 : i32 to index
        %get3A_1604 = tpu.vector_load %arg18[%get3A_1603] {strides = array<i32>} : memref<4096xf32, #tpu.memory_space<vmem>>, vector<16xf32>,
        %mul3A_1605 = arith.mulf %get3A_1600, %get3A_1604 : vector<16xf32>
        %add3A_1606 = arith.addf %add3A_1596, %mul3A_1605 : vector<16xf32>
        %add3A_1607 = arith.constant 96 : i32
        %add3A_1608 = arith.addi %multiple_of3A, %add3A_1607 : i32
        %get3A_1609 = arith.index_cast %add3A_1608 : i32 to index
        %get3A_1610 = tpu.vector_load %arg10[%get3A_1609] {strides = array<i32>} : memref<1024xf32, #tpu.memory_space<vmem>>, vector<16xf32>,
        %add3A_1611 = arith.addi %mul3A_1088, %add3A_1608 : i32
        %multiple_of3A_1612 = tpu.assume_multiple %add3A_1611, 16 : i32
        %get3A_1613 = arith.index_cast %multiple_of3A_1612 : i32 to index
        %get3A_1614 = tpu.vector_load %arg18[%get3A_1613] {strides = array<i32>} : memref<4096xf32, #tpu.memory_space<vmem>>, vector<16xf32>,
        %mul3A_1615 = arith.mulf %get3A_1610, %get3A_1614 : vector<16xf32>
        %add3A_1616 = arith.addf %add3A_1606, %mul3A_1615 : vector<16xf32>
        %add3A_1617 = arith.constant 112 : i32
        %add3A_1618 = arith.addi %multiple_of3A, %add3A_1617 : i32
        %get3A_1619 = arith.index_cast %add3A_1618 : i32 to index
        %get3A_1620 = tpu.vector_load %arg10[%get3A_1619] {strides = array<i32>} : memref<1024xf32, #tpu.memory_space<vmem>>, vector<16xf32>,
        %add3A_1621 = arith.addi %mul3A_1088, %add3A_1618 : i32
        %multiple_of3A_1622 = tpu.assume_multiple %add3A_1621, 16 : i32
        %get3A_1623 = arith.index_cast %multiple_of3A_1622 : i32 to index
        %get3A_1624 = tpu.vector_load %arg18[%get3A_1623] {strides = array<i32>} : memref<4096xf32, #tpu.memory_space<vmem>>, vector<16xf32>,
        %mul3A_1625 = arith.mulf %get3A_1620, %get3A_1624 : vector<16xf32>
        %add3A_1626 = arith.addf %add3A_1616, %mul3A_1625 : vector<16xf32>
        scf.yield %add3A_1626 : vector<16xf32>
      }
      %scan3A_1096 = arith.constant 8 : i32
      %add3A_1097 = arith.constant 255 : i32
      %add3A_1098 = arith.addi %add3A_1097, %add3A_991 : i32
      %broadcast_in_dim3A_1099 = vector.broadcast %add3A_1098 : i32 to vector<16xi32>
      %gather3A_1100 = tpu.vector_load_idx %arg11[%broadcast_in_dim3A_1099] : memref<2047xf32, #tpu.memory_space<vmem>>[vector<16xi32>], vector<16xf32>,
      %reduce_sum3A_1101 = arith.constant true
      %reduce_sum3A_1102 = vector.broadcast %reduce_sum3A_1101 : i1 to vector<16xi1>
      %reduce_sum3A_1103 = tpu.scan <sum>, %scan3A_1095 masked %reduce_sum3A_1102 : vector<16xf32>, vector<16xi1> -> vector<16xf32>
      %reduce_sum3A_1104 = vector.extract %reduce_sum3A_1103[15] : f32 from vector<16xf32>
      %slice3A_1105 = vector.extract_strided_slice %gather3A_1100 {offsets = [0], sizes = [1], strides = [1]} : vector<16xf32> to vector<1xf32>
      %squeeze3A_1106 = vector.extract %slice3A_1105[0] : f32 from vector<1xf32>
      %add3A_1107 = arith.addf %reduce_sum3A_1104, %squeeze3A_1106 : f32
      %gt3A_1108 = arith.constant 0.000000e+00 : f32
      %gt3A_1109 = arith.cmpf ogt, %add3A_1107, %gt3A_1108 : f32
      %convert_element_type3A_1110 = arith.extui %gt3A_1109 : i1 to i32
      %mul3A_1111 = arith.constant 2 : i32
      %mul3A_1112 = arith.muli %mul3A_1111, %add3A_991 : i32
      %add3A_1113 = arith.addi %mul3A_1112, %convert_element_type3A_1110 : i32
      %dma_wait3A_1114 = arith.constant 0 : i32
      %dma_wait3A_1115 = tpu.memref_slice %arg19[%dma_wait3A_1114] : memref<4096xf32, #tpu.memory_space<vmem>> -> memref<1024xf32, #tpu.memory_space<vmem>>
      %dma_wait3A_1116 = arith.constant 0 : i32
      %dma_wait3A_1117 = tpu.memref_slice %arg3[%add3A_875, %dma_wait3A_1116] : memref<2047x1024xf32, #tpu.memory_space<hbm>> -> memref<1x1024xf32, #tpu.memory_space<hbm>>
      %dma_wait3A_1118 = tpu.memref_squeeze %dma_wait3A_1117 : memref<1x1024xf32, #tpu.memory_space<hbm>> -> memref<1024xf32, #tpu.memory_space<hbm>>
      %dma_wait3A_1119 = arith.constant 0 : i32
      %dma_wait3A_1120 = tpu.memref_slice %arg19[%dma_wait3A_1119] : memref<4096xf32, #tpu.memory_space<vmem>> -> memref<1024xf32, #tpu.memory_space<vmem>>
      %dma_wait3A_1121 = arith.constant 0 : i32
      %dma_wait3A_1122 = tpu.memref_slice %arg3[%add3A_875, %dma_wait3A_1121] : memref<2047x1024xf32, #tpu.memory_space<hbm>> -> memref<1x1024xf32, #tpu.memory_space<hbm>>
      %dma_wait3A_1123 = tpu.memref_squeeze %dma_wait3A_1122 : memref<1x1024xf32, #tpu.memory_space<hbm>> -> memref<1024xf32, #tpu.memory_space<hbm>>
      tpu.wait_dma2 semaphore(%arg26 : memref<!tpu.dma_semaphore, #tpu.memory_space<semaphore_mem>>) src(%dma_wait3A_1123 : memref<1024xf32, #tpu.memory_space<hbm>>) dst(%dma_wait3A_1120 : memref<1024xf32, #tpu.memory_space<vmem>>)
      %dma_wait3A_1124 = arith.constant 1024 : i32
      %dma_wait3A_1125 = tpu.memref_slice %arg19[%dma_wait3A_1124] : memref<4096xf32, #tpu.memory_space<vmem>> -> memref<1024xf32, #tpu.memory_space<vmem>>
      %dma_wait3A_1126 = arith.constant 0 : i32
      %dma_wait3A_1127 = tpu.memref_slice %arg3[%add3A_887, %dma_wait3A_1126] : memref<2047x1024xf32, #tpu.memory_space<hbm>> -> memref<1x1024xf32, #tpu.memory_space<hbm>>
      %dma_wait3A_1128 = tpu.memref_squeeze %dma_wait3A_1127 : memref<1x1024xf32, #tpu.memory_space<hbm>> -> memref<1024xf32, #tpu.memory_space<hbm>>
      %dma_wait3A_1129 = arith.constant 1024 : i32
      %dma_wait3A_1130 = tpu.memref_slice %arg19[%dma_wait3A_1129] : memref<4096xf32, #tpu.memory_space<vmem>> -> memref<1024xf32, #tpu.memory_space<vmem>>
      %dma_wait3A_1131 = arith.constant 0 : i32
      %dma_wait3A_1132 = tpu.memref_slice %arg3[%add3A_887, %dma_wait3A_1131] : memref<2047x1024xf32, #tpu.memory_space<hbm>> -> memref<1x1024xf32, #tpu.memory_space<hbm>>
      %dma_wait3A_1133 = tpu.memref_squeeze %dma_wait3A_1132 : memref<1x1024xf32, #tpu.memory_space<hbm>> -> memref<1024xf32, #tpu.memory_space<hbm>>
      tpu.wait_dma2 semaphore(%arg26 : memref<!tpu.dma_semaphore, #tpu.memory_space<semaphore_mem>>) src(%dma_wait3A_1133 : memref<1024xf32, #tpu.memory_space<hbm>>) dst(%dma_wait3A_1130 : memref<1024xf32, #tpu.memory_space<vmem>>)
      %dma_wait3A_1134 = arith.constant 2048 : i32
      %dma_wait3A_1135 = tpu.memref_slice %arg19[%dma_wait3A_1134] : memref<4096xf32, #tpu.memory_space<vmem>> -> memref<1024xf32, #tpu.memory_space<vmem>>
      %dma_wait3A_1136 = arith.constant 0 : i32
      %dma_wait3A_1137 = tpu.memref_slice %arg3[%add3A_899, %dma_wait3A_1136] : memref<2047x1024xf32, #tpu.memory_space<hbm>> -> memref<1x1024xf32, #tpu.memory_space<hbm>>
      %dma_wait3A_1138 = tpu.memref_squeeze %dma_wait3A_1137 : memref<1x1024xf32, #tpu.memory_space<hbm>> -> memref<1024xf32, #tpu.memory_space<hbm>>
      %dma_wait3A_1139 = arith.constant 2048 : i32
      %dma_wait3A_1140 = tpu.memref_slice %arg19[%dma_wait3A_1139] : memref<4096xf32, #tpu.memory_space<vmem>> -> memref<1024xf32, #tpu.memory_space<vmem>>
      %dma_wait3A_1141 = arith.constant 0 : i32
      %dma_wait3A_1142 = tpu.memref_slice %arg3[%add3A_899, %dma_wait3A_1141] : memref<2047x1024xf32, #tpu.memory_space<hbm>> -> memref<1x1024xf32, #tpu.memory_space<hbm>>
      %dma_wait3A_1143 = tpu.memref_squeeze %dma_wait3A_1142 : memref<1x1024xf32, #tpu.memory_space<hbm>> -> memref<1024xf32, #tpu.memory_space<hbm>>
      tpu.wait_dma2 semaphore(%arg26 : memref<!tpu.dma_semaphore, #tpu.memory_space<semaphore_mem>>) src(%dma_wait3A_1143 : memref<1024xf32, #tpu.memory_space<hbm>>) dst(%dma_wait3A_1140 : memref<1024xf32, #tpu.memory_space<vmem>>)
      %dma_wait3A_1144 = arith.constant 3072 : i32
      %dma_wait3A_1145 = tpu.memref_slice %arg19[%dma_wait3A_1144] : memref<4096xf32, #tpu.memory_space<vmem>> -> memref<1024xf32, #tpu.memory_space<vmem>>
      %dma_wait3A_1146 = arith.constant 0 : i32
      %dma_wait3A_1147 = tpu.memref_slice %arg3[%add3A_911, %dma_wait3A_1146] : memref<2047x1024xf32, #tpu.memory_space<hbm>> -> memref<1x1024xf32, #tpu.memory_space<hbm>>
      %dma_wait3A_1148 = tpu.memref_squeeze %dma_wait3A_1147 : memref<1x1024xf32, #tpu.memory_space<hbm>> -> memref<1024xf32, #tpu.memory_space<hbm>>
      %dma_wait3A_1149 = arith.constant 3072 : i32
      %dma_wait3A_1150 = tpu.memref_slice %arg19[%dma_wait3A_1149] : memref<4096xf32, #tpu.memory_space<vmem>> -> memref<1024xf32, #tpu.memory_space<vmem>>
      %dma_wait3A_1151 = arith.constant 0 : i32
      %dma_wait3A_1152 = tpu.memref_slice %arg3[%add3A_911, %dma_wait3A_1151] : memref<2047x1024xf32, #tpu.memory_space<hbm>> -> memref<1x1024xf32, #tpu.memory_space<hbm>>
      %dma_wait3A_1153 = tpu.memref_squeeze %dma_wait3A_1152 : memref<1x1024xf32, #tpu.memory_space<hbm>> -> memref<1024xf32, #tpu.memory_space<hbm>>
      tpu.wait_dma2 semaphore(%arg26 : memref<!tpu.dma_semaphore, #tpu.memory_space<semaphore_mem>>) src(%dma_wait3A_1153 : memref<1024xf32, #tpu.memory_space<hbm>>) dst(%dma_wait3A_1150 : memref<1024xf32, #tpu.memory_space<vmem>>)
      %mul3A_1154 = arith.constant 2 : i32
      %mul3A_1155 = arith.muli %mul3A_1154, %convert_element_type3A_988 : i32
      %add3A_1156 = arith.addi %mul3A_1155, %convert_element_type3A_1110 : i32
      %mul3A_1157 = arith.constant 1024 : i32
      %mul3A_1158 = arith.muli %add3A_1156, %mul3A_1157 : i32
      %broadcast_in_dim3A_1159 = arith.constant 0.000000e+00 : f32
      %broadcast_in_dim3A_1160 = vector.broadcast %broadcast_in_dim3A_1159 : f32 to vector<16xf32>
      %scan3A_1161 = arith.constant 0 : i32
      %scan3A_1162 = arith.constant 8 : i32
      %scan3A_1163 = arith.addi %scan3A_1161, %scan3A_1162 : i32
      %scan3A_1164 = arith.constant 1 : i32
      %scan3A_1165 = scf.for %scan3A_1544 = %scan3A_1161 to %scan3A_1163 step %scan3A_1164 iter_args(%scan3A_1545 = %broadcast_in_dim3A_1160) -> (vector<16xf32>)  : i32 {
        %mul3A_1546 = arith.constant 128 : i32
        %mul3A_1547 = arith.muli %scan3A_1544, %mul3A_1546 : i32
        %multiple_of3A = tpu.assume_multiple %mul3A_1547, 16 : i32
        %add3A_1548 = arith.constant 0 : i32
        %add3A_1549 = arith.addi %multiple_of3A, %add3A_1548 : i32
        %get3A = arith.index_cast %add3A_1549 : i32 to index
        %get3A_1550 = tpu.vector_load %arg10[%get3A] {strides = array<i32>} : memref<1024xf32, #tpu.memory_space<vmem>>, vector<16xf32>,
        %add3A_1551 = arith.addi %mul3A_1158, %add3A_1549 : i32
        %multiple_of3A_1552 = tpu.assume_multiple %add3A_1551, 16 : i32
        %get3A_1553 = arith.index_cast %multiple_of3A_1552 : i32 to index
        %get3A_1554 = tpu.vector_load %arg19[%get3A_1553] {strides = array<i32>} : memref<4096xf32, #tpu.memory_space<vmem>>, vector<16xf32>,
        %mul3A_1555 = arith.mulf %get3A_1550, %get3A_1554 : vector<16xf32>
        %add3A_1556 = arith.addf %scan3A_1545, %mul3A_1555 : vector<16xf32>
        %add3A_1557 = arith.constant 16 : i32
        %add3A_1558 = arith.addi %multiple_of3A, %add3A_1557 : i32
        %get3A_1559 = arith.index_cast %add3A_1558 : i32 to index
        %get3A_1560 = tpu.vector_load %arg10[%get3A_1559] {strides = array<i32>} : memref<1024xf32, #tpu.memory_space<vmem>>, vector<16xf32>,
        %add3A_1561 = arith.addi %mul3A_1158, %add3A_1558 : i32
        %multiple_of3A_1562 = tpu.assume_multiple %add3A_1561, 16 : i32
        %get3A_1563 = arith.index_cast %multiple_of3A_1562 : i32 to index
        %get3A_1564 = tpu.vector_load %arg19[%get3A_1563] {strides = array<i32>} : memref<4096xf32, #tpu.memory_space<vmem>>, vector<16xf32>,
        %mul3A_1565 = arith.mulf %get3A_1560, %get3A_1564 : vector<16xf32>
        %add3A_1566 = arith.addf %add3A_1556, %mul3A_1565 : vector<16xf32>
        %add3A_1567 = arith.constant 32 : i32
        %add3A_1568 = arith.addi %multiple_of3A, %add3A_1567 : i32
        %get3A_1569 = arith.index_cast %add3A_1568 : i32 to index
        %get3A_1570 = tpu.vector_load %arg10[%get3A_1569] {strides = array<i32>} : memref<1024xf32, #tpu.memory_space<vmem>>, vector<16xf32>,
        %add3A_1571 = arith.addi %mul3A_1158, %add3A_1568 : i32
        %multiple_of3A_1572 = tpu.assume_multiple %add3A_1571, 16 : i32
        %get3A_1573 = arith.index_cast %multiple_of3A_1572 : i32 to index
        %get3A_1574 = tpu.vector_load %arg19[%get3A_1573] {strides = array<i32>} : memref<4096xf32, #tpu.memory_space<vmem>>, vector<16xf32>,
        %mul3A_1575 = arith.mulf %get3A_1570, %get3A_1574 : vector<16xf32>
        %add3A_1576 = arith.addf %add3A_1566, %mul3A_1575 : vector<16xf32>
        %add3A_1577 = arith.constant 48 : i32
        %add3A_1578 = arith.addi %multiple_of3A, %add3A_1577 : i32
        %get3A_1579 = arith.index_cast %add3A_1578 : i32 to index
        %get3A_1580 = tpu.vector_load %arg10[%get3A_1579] {strides = array<i32>} : memref<1024xf32, #tpu.memory_space<vmem>>, vector<16xf32>,
        %add3A_1581 = arith.addi %mul3A_1158, %add3A_1578 : i32
        %multiple_of3A_1582 = tpu.assume_multiple %add3A_1581, 16 : i32
        %get3A_1583 = arith.index_cast %multiple_of3A_1582 : i32 to index
        %get3A_1584 = tpu.vector_load %arg19[%get3A_1583] {strides = array<i32>} : memref<4096xf32, #tpu.memory_space<vmem>>, vector<16xf32>,
        %mul3A_1585 = arith.mulf %get3A_1580, %get3A_1584 : vector<16xf32>
        %add3A_1586 = arith.addf %add3A_1576, %mul3A_1585 : vector<16xf32>
        %add3A_1587 = arith.constant 64 : i32
        %add3A_1588 = arith.addi %multiple_of3A, %add3A_1587 : i32
        %get3A_1589 = arith.index_cast %add3A_1588 : i32 to index
        %get3A_1590 = tpu.vector_load %arg10[%get3A_1589] {strides = array<i32>} : memref<1024xf32, #tpu.memory_space<vmem>>, vector<16xf32>,
        %add3A_1591 = arith.addi %mul3A_1158, %add3A_1588 : i32
        %multiple_of3A_1592 = tpu.assume_multiple %add3A_1591, 16 : i32
        %get3A_1593 = arith.index_cast %multiple_of3A_1592 : i32 to index
        %get3A_1594 = tpu.vector_load %arg19[%get3A_1593] {strides = array<i32>} : memref<4096xf32, #tpu.memory_space<vmem>>, vector<16xf32>,
        %mul3A_1595 = arith.mulf %get3A_1590, %get3A_1594 : vector<16xf32>
        %add3A_1596 = arith.addf %add3A_1586, %mul3A_1595 : vector<16xf32>
        %add3A_1597 = arith.constant 80 : i32
        %add3A_1598 = arith.addi %multiple_of3A, %add3A_1597 : i32
        %get3A_1599 = arith.index_cast %add3A_1598 : i32 to index
        %get3A_1600 = tpu.vector_load %arg10[%get3A_1599] {strides = array<i32>} : memref<1024xf32, #tpu.memory_space<vmem>>, vector<16xf32>,
        %add3A_1601 = arith.addi %mul3A_1158, %add3A_1598 : i32
        %multiple_of3A_1602 = tpu.assume_multiple %add3A_1601, 16 : i32
        %get3A_1603 = arith.index_cast %multiple_of3A_1602 : i32 to index
        %get3A_1604 = tpu.vector_load %arg19[%get3A_1603] {strides = array<i32>} : memref<4096xf32, #tpu.memory_space<vmem>>, vector<16xf32>,
        %mul3A_1605 = arith.mulf %get3A_1600, %get3A_1604 : vector<16xf32>
        %add3A_1606 = arith.addf %add3A_1596, %mul3A_1605 : vector<16xf32>
        %add3A_1607 = arith.constant 96 : i32
        %add3A_1608 = arith.addi %multiple_of3A, %add3A_1607 : i32
        %get3A_1609 = arith.index_cast %add3A_1608 : i32 to index
        %get3A_1610 = tpu.vector_load %arg10[%get3A_1609] {strides = array<i32>} : memref<1024xf32, #tpu.memory_space<vmem>>, vector<16xf32>,
        %add3A_1611 = arith.addi %mul3A_1158, %add3A_1608 : i32
        %multiple_of3A_1612 = tpu.assume_multiple %add3A_1611, 16 : i32
        %get3A_1613 = arith.index_cast %multiple_of3A_1612 : i32 to index
        %get3A_1614 = tpu.vector_load %arg19[%get3A_1613] {strides = array<i32>} : memref<4096xf32, #tpu.memory_space<vmem>>, vector<16xf32>,
        %mul3A_1615 = arith.mulf %get3A_1610, %get3A_1614 : vector<16xf32>
        %add3A_1616 = arith.addf %add3A_1606, %mul3A_1615 : vector<16xf32>
        %add3A_1617 = arith.constant 112 : i32
        %add3A_1618 = arith.addi %multiple_of3A, %add3A_1617 : i32
        %get3A_1619 = arith.index_cast %add3A_1618 : i32 to index
        %get3A_1620 = tpu.vector_load %arg10[%get3A_1619] {strides = array<i32>} : memref<1024xf32, #tpu.memory_space<vmem>>, vector<16xf32>,
        %add3A_1621 = arith.addi %mul3A_1158, %add3A_1618 : i32
        %multiple_of3A_1622 = tpu.assume_multiple %add3A_1621, 16 : i32
        %get3A_1623 = arith.index_cast %multiple_of3A_1622 : i32 to index
        %get3A_1624 = tpu.vector_load %arg19[%get3A_1623] {strides = array<i32>} : memref<4096xf32, #tpu.memory_space<vmem>>, vector<16xf32>,
        %mul3A_1625 = arith.mulf %get3A_1620, %get3A_1624 : vector<16xf32>
        %add3A_1626 = arith.addf %add3A_1616, %mul3A_1625 : vector<16xf32>
        scf.yield %add3A_1626 : vector<16xf32>
      }
      %scan3A_1166 = arith.constant 8 : i32
      %add3A_1167 = arith.constant 511 : i32
      %add3A_1168 = arith.addi %add3A_1167, %add3A_1113 : i32
      %broadcast_in_dim3A_1169 = vector.broadcast %add3A_1168 : i32 to vector<16xi32>
      %gather3A_1170 = tpu.vector_load_idx %arg11[%broadcast_in_dim3A_1169] : memref<2047xf32, #tpu.memory_space<vmem>>[vector<16xi32>], vector<16xf32>,
      %reduce_sum3A_1171 = arith.constant true
      %reduce_sum3A_1172 = vector.broadcast %reduce_sum3A_1171 : i1 to vector<16xi1>
      %reduce_sum3A_1173 = tpu.scan <sum>, %scan3A_1165 masked %reduce_sum3A_1172 : vector<16xf32>, vector<16xi1> -> vector<16xf32>
      %reduce_sum3A_1174 = vector.extract %reduce_sum3A_1173[15] : f32 from vector<16xf32>
      %slice3A_1175 = vector.extract_strided_slice %gather3A_1170 {offsets = [0], sizes = [1], strides = [1]} : vector<16xf32> to vector<1xf32>
      %squeeze3A_1176 = vector.extract %slice3A_1175[0] : f32 from vector<1xf32>
      %add3A_1177 = arith.addf %reduce_sum3A_1174, %squeeze3A_1176 : f32
      %gt3A_1178 = arith.constant 0.000000e+00 : f32
      %gt3A_1179 = arith.cmpf ogt, %add3A_1177, %gt3A_1178 : f32
      %convert_element_type3A_1180 = arith.extui %gt3A_1179 : i1 to i32
      %mul3A_1181 = arith.constant 2 : i32
      %mul3A_1182 = arith.muli %mul3A_1181, %add3A_1113 : i32
      %add3A_1183 = arith.addi %mul3A_1182, %convert_element_type3A_1180 : i32
      %dma_wait3A_1184 = arith.constant 0 : i32
      %dma_wait3A_1185 = tpu.memref_slice %arg20[%dma_wait3A_1184] : memref<4096xf32, #tpu.memory_space<vmem>> -> memref<1024xf32, #tpu.memory_space<vmem>>
      %dma_wait3A_1186 = arith.constant 0 : i32
      %dma_wait3A_1187 = tpu.memref_slice %arg3[%add3A_997, %dma_wait3A_1186] : memref<2047x1024xf32, #tpu.memory_space<hbm>> -> memref<1x1024xf32, #tpu.memory_space<hbm>>
      %dma_wait3A_1188 = tpu.memref_squeeze %dma_wait3A_1187 : memref<1x1024xf32, #tpu.memory_space<hbm>> -> memref<1024xf32, #tpu.memory_space<hbm>>
      %dma_wait3A_1189 = arith.constant 0 : i32
      %dma_wait3A_1190 = tpu.memref_slice %arg20[%dma_wait3A_1189] : memref<4096xf32, #tpu.memory_space<vmem>> -> memref<1024xf32, #tpu.memory_space<vmem>>
      %dma_wait3A_1191 = arith.constant 0 : i32
      %dma_wait3A_1192 = tpu.memref_slice %arg3[%add3A_997, %dma_wait3A_1191] : memref<2047x1024xf32, #tpu.memory_space<hbm>> -> memref<1x1024xf32, #tpu.memory_space<hbm>>
      %dma_wait3A_1193 = tpu.memref_squeeze %dma_wait3A_1192 : memref<1x1024xf32, #tpu.memory_space<hbm>> -> memref<1024xf32, #tpu.memory_space<hbm>>
      tpu.wait_dma2 semaphore(%arg27 : memref<!tpu.dma_semaphore, #tpu.memory_space<semaphore_mem>>) src(%dma_wait3A_1193 : memref<1024xf32, #tpu.memory_space<hbm>>) dst(%dma_wait3A_1190 : memref<1024xf32, #tpu.memory_space<vmem>>)
      %dma_wait3A_1194 = arith.constant 1024 : i32
      %dma_wait3A_1195 = tpu.memref_slice %arg20[%dma_wait3A_1194] : memref<4096xf32, #tpu.memory_space<vmem>> -> memref<1024xf32, #tpu.memory_space<vmem>>
      %dma_wait3A_1196 = arith.constant 0 : i32
      %dma_wait3A_1197 = tpu.memref_slice %arg3[%add3A_1009, %dma_wait3A_1196] : memref<2047x1024xf32, #tpu.memory_space<hbm>> -> memref<1x1024xf32, #tpu.memory_space<hbm>>
      %dma_wait3A_1198 = tpu.memref_squeeze %dma_wait3A_1197 : memref<1x1024xf32, #tpu.memory_space<hbm>> -> memref<1024xf32, #tpu.memory_space<hbm>>
      %dma_wait3A_1199 = arith.constant 1024 : i32
      %dma_wait3A_1200 = tpu.memref_slice %arg20[%dma_wait3A_1199] : memref<4096xf32, #tpu.memory_space<vmem>> -> memref<1024xf32, #tpu.memory_space<vmem>>
      %dma_wait3A_1201 = arith.constant 0 : i32
      %dma_wait3A_1202 = tpu.memref_slice %arg3[%add3A_1009, %dma_wait3A_1201] : memref<2047x1024xf32, #tpu.memory_space<hbm>> -> memref<1x1024xf32, #tpu.memory_space<hbm>>
      %dma_wait3A_1203 = tpu.memref_squeeze %dma_wait3A_1202 : memref<1x1024xf32, #tpu.memory_space<hbm>> -> memref<1024xf32, #tpu.memory_space<hbm>>
      tpu.wait_dma2 semaphore(%arg27 : memref<!tpu.dma_semaphore, #tpu.memory_space<semaphore_mem>>) src(%dma_wait3A_1203 : memref<1024xf32, #tpu.memory_space<hbm>>) dst(%dma_wait3A_1200 : memref<1024xf32, #tpu.memory_space<vmem>>)
      %dma_wait3A_1204 = arith.constant 2048 : i32
      %dma_wait3A_1205 = tpu.memref_slice %arg20[%dma_wait3A_1204] : memref<4096xf32, #tpu.memory_space<vmem>> -> memref<1024xf32, #tpu.memory_space<vmem>>
      %dma_wait3A_1206 = arith.constant 0 : i32
      %dma_wait3A_1207 = tpu.memref_slice %arg3[%add3A_1021, %dma_wait3A_1206] : memref<2047x1024xf32, #tpu.memory_space<hbm>> -> memref<1x1024xf32, #tpu.memory_space<hbm>>
      %dma_wait3A_1208 = tpu.memref_squeeze %dma_wait3A_1207 : memref<1x1024xf32, #tpu.memory_space<hbm>> -> memref<1024xf32, #tpu.memory_space<hbm>>
      %dma_wait3A_1209 = arith.constant 2048 : i32
      %dma_wait3A_1210 = tpu.memref_slice %arg20[%dma_wait3A_1209] : memref<4096xf32, #tpu.memory_space<vmem>> -> memref<1024xf32, #tpu.memory_space<vmem>>
      %dma_wait3A_1211 = arith.constant 0 : i32
      %dma_wait3A_1212 = tpu.memref_slice %arg3[%add3A_1021, %dma_wait3A_1211] : memref<2047x1024xf32, #tpu.memory_space<hbm>> -> memref<1x1024xf32, #tpu.memory_space<hbm>>
      %dma_wait3A_1213 = tpu.memref_squeeze %dma_wait3A_1212 : memref<1x1024xf32, #tpu.memory_space<hbm>> -> memref<1024xf32, #tpu.memory_space<hbm>>
      tpu.wait_dma2 semaphore(%arg27 : memref<!tpu.dma_semaphore, #tpu.memory_space<semaphore_mem>>) src(%dma_wait3A_1213 : memref<1024xf32, #tpu.memory_space<hbm>>) dst(%dma_wait3A_1210 : memref<1024xf32, #tpu.memory_space<vmem>>)
      %dma_wait3A_1214 = arith.constant 3072 : i32
      %dma_wait3A_1215 = tpu.memref_slice %arg20[%dma_wait3A_1214] : memref<4096xf32, #tpu.memory_space<vmem>> -> memref<1024xf32, #tpu.memory_space<vmem>>
      %dma_wait3A_1216 = arith.constant 0 : i32
      %dma_wait3A_1217 = tpu.memref_slice %arg3[%add3A_1033, %dma_wait3A_1216] : memref<2047x1024xf32, #tpu.memory_space<hbm>> -> memref<1x1024xf32, #tpu.memory_space<hbm>>
      %dma_wait3A_1218 = tpu.memref_squeeze %dma_wait3A_1217 : memref<1x1024xf32, #tpu.memory_space<hbm>> -> memref<1024xf32, #tpu.memory_space<hbm>>
      %dma_wait3A_1219 = arith.constant 3072 : i32
      %dma_wait3A_1220 = tpu.memref_slice %arg20[%dma_wait3A_1219] : memref<4096xf32, #tpu.memory_space<vmem>> -> memref<1024xf32, #tpu.memory_space<vmem>>
      %dma_wait3A_1221 = arith.constant 0 : i32
      %dma_wait3A_1222 = tpu.memref_slice %arg3[%add3A_1033, %dma_wait3A_1221] : memref<2047x1024xf32, #tpu.memory_space<hbm>> -> memref<1x1024xf32, #tpu.memory_space<hbm>>
      %dma_wait3A_1223 = tpu.memref_squeeze %dma_wait3A_1222 : memref<1x1024xf32, #tpu.memory_space<hbm>> -> memref<1024xf32, #tpu.memory_space<hbm>>
      tpu.wait_dma2 semaphore(%arg27 : memref<!tpu.dma_semaphore, #tpu.memory_space<semaphore_mem>>) src(%dma_wait3A_1223 : memref<1024xf32, #tpu.memory_space<hbm>>) dst(%dma_wait3A_1220 : memref<1024xf32, #tpu.memory_space<vmem>>)
      %mul3A_1224 = arith.constant 2 : i32
      %mul3A_1225 = arith.muli %mul3A_1224, %convert_element_type3A_1110 : i32
      %add3A_1226 = arith.addi %mul3A_1225, %convert_element_type3A_1180 : i32
      %mul3A_1227 = arith.constant 1024 : i32
      %mul3A_1228 = arith.muli %add3A_1226, %mul3A_1227 : i32
      %broadcast_in_dim3A_1229 = arith.constant 0.000000e+00 : f32
      %broadcast_in_dim3A_1230 = vector.broadcast %broadcast_in_dim3A_1229 : f32 to vector<16xf32>
      %scan3A_1231 = arith.constant 0 : i32
      %scan3A_1232 = arith.constant 8 : i32
      %scan3A_1233 = arith.addi %scan3A_1231, %scan3A_1232 : i32
      %scan3A_1234 = arith.constant 1 : i32
      %scan3A_1235 = scf.for %scan3A_1544 = %scan3A_1231 to %scan3A_1233 step %scan3A_1234 iter_args(%scan3A_1545 = %broadcast_in_dim3A_1230) -> (vector<16xf32>)  : i32 {
        %mul3A_1546 = arith.constant 128 : i32
        %mul3A_1547 = arith.muli %scan3A_1544, %mul3A_1546 : i32
        %multiple_of3A = tpu.assume_multiple %mul3A_1547, 16 : i32
        %add3A_1548 = arith.constant 0 : i32
        %add3A_1549 = arith.addi %multiple_of3A, %add3A_1548 : i32
        %get3A = arith.index_cast %add3A_1549 : i32 to index
        %get3A_1550 = tpu.vector_load %arg10[%get3A] {strides = array<i32>} : memref<1024xf32, #tpu.memory_space<vmem>>, vector<16xf32>,
        %add3A_1551 = arith.addi %mul3A_1228, %add3A_1549 : i32
        %multiple_of3A_1552 = tpu.assume_multiple %add3A_1551, 16 : i32
        %get3A_1553 = arith.index_cast %multiple_of3A_1552 : i32 to index
        %get3A_1554 = tpu.vector_load %arg20[%get3A_1553] {strides = array<i32>} : memref<4096xf32, #tpu.memory_space<vmem>>, vector<16xf32>,
        %mul3A_1555 = arith.mulf %get3A_1550, %get3A_1554 : vector<16xf32>
        %add3A_1556 = arith.addf %scan3A_1545, %mul3A_1555 : vector<16xf32>
        %add3A_1557 = arith.constant 16 : i32
        %add3A_1558 = arith.addi %multiple_of3A, %add3A_1557 : i32
        %get3A_1559 = arith.index_cast %add3A_1558 : i32 to index
        %get3A_1560 = tpu.vector_load %arg10[%get3A_1559] {strides = array<i32>} : memref<1024xf32, #tpu.memory_space<vmem>>, vector<16xf32>,
        %add3A_1561 = arith.addi %mul3A_1228, %add3A_1558 : i32
        %multiple_of3A_1562 = tpu.assume_multiple %add3A_1561, 16 : i32
        %get3A_1563 = arith.index_cast %multiple_of3A_1562 : i32 to index
        %get3A_1564 = tpu.vector_load %arg20[%get3A_1563] {strides = array<i32>} : memref<4096xf32, #tpu.memory_space<vmem>>, vector<16xf32>,
        %mul3A_1565 = arith.mulf %get3A_1560, %get3A_1564 : vector<16xf32>
        %add3A_1566 = arith.addf %add3A_1556, %mul3A_1565 : vector<16xf32>
        %add3A_1567 = arith.constant 32 : i32
        %add3A_1568 = arith.addi %multiple_of3A, %add3A_1567 : i32
        %get3A_1569 = arith.index_cast %add3A_1568 : i32 to index
        %get3A_1570 = tpu.vector_load %arg10[%get3A_1569] {strides = array<i32>} : memref<1024xf32, #tpu.memory_space<vmem>>, vector<16xf32>,
        %add3A_1571 = arith.addi %mul3A_1228, %add3A_1568 : i32
        %multiple_of3A_1572 = tpu.assume_multiple %add3A_1571, 16 : i32
        %get3A_1573 = arith.index_cast %multiple_of3A_1572 : i32 to index
        %get3A_1574 = tpu.vector_load %arg20[%get3A_1573] {strides = array<i32>} : memref<4096xf32, #tpu.memory_space<vmem>>, vector<16xf32>,
        %mul3A_1575 = arith.mulf %get3A_1570, %get3A_1574 : vector<16xf32>
        %add3A_1576 = arith.addf %add3A_1566, %mul3A_1575 : vector<16xf32>
        %add3A_1577 = arith.constant 48 : i32
        %add3A_1578 = arith.addi %multiple_of3A, %add3A_1577 : i32
        %get3A_1579 = arith.index_cast %add3A_1578 : i32 to index
        %get3A_1580 = tpu.vector_load %arg10[%get3A_1579] {strides = array<i32>} : memref<1024xf32, #tpu.memory_space<vmem>>, vector<16xf32>,
        %add3A_1581 = arith.addi %mul3A_1228, %add3A_1578 : i32
        %multiple_of3A_1582 = tpu.assume_multiple %add3A_1581, 16 : i32
        %get3A_1583 = arith.index_cast %multiple_of3A_1582 : i32 to index
        %get3A_1584 = tpu.vector_load %arg20[%get3A_1583] {strides = array<i32>} : memref<4096xf32, #tpu.memory_space<vmem>>, vector<16xf32>,
        %mul3A_1585 = arith.mulf %get3A_1580, %get3A_1584 : vector<16xf32>
        %add3A_1586 = arith.addf %add3A_1576, %mul3A_1585 : vector<16xf32>
        %add3A_1587 = arith.constant 64 : i32
        %add3A_1588 = arith.addi %multiple_of3A, %add3A_1587 : i32
        %get3A_1589 = arith.index_cast %add3A_1588 : i32 to index
        %get3A_1590 = tpu.vector_load %arg10[%get3A_1589] {strides = array<i32>} : memref<1024xf32, #tpu.memory_space<vmem>>, vector<16xf32>,
        %add3A_1591 = arith.addi %mul3A_1228, %add3A_1588 : i32
        %multiple_of3A_1592 = tpu.assume_multiple %add3A_1591, 16 : i32
        %get3A_1593 = arith.index_cast %multiple_of3A_1592 : i32 to index
        %get3A_1594 = tpu.vector_load %arg20[%get3A_1593] {strides = array<i32>} : memref<4096xf32, #tpu.memory_space<vmem>>, vector<16xf32>,
        %mul3A_1595 = arith.mulf %get3A_1590, %get3A_1594 : vector<16xf32>
        %add3A_1596 = arith.addf %add3A_1586, %mul3A_1595 : vector<16xf32>
        %add3A_1597 = arith.constant 80 : i32
        %add3A_1598 = arith.addi %multiple_of3A, %add3A_1597 : i32
        %get3A_1599 = arith.index_cast %add3A_1598 : i32 to index
        %get3A_1600 = tpu.vector_load %arg10[%get3A_1599] {strides = array<i32>} : memref<1024xf32, #tpu.memory_space<vmem>>, vector<16xf32>,
        %add3A_1601 = arith.addi %mul3A_1228, %add3A_1598 : i32
        %multiple_of3A_1602 = tpu.assume_multiple %add3A_1601, 16 : i32
        %get3A_1603 = arith.index_cast %multiple_of3A_1602 : i32 to index
        %get3A_1604 = tpu.vector_load %arg20[%get3A_1603] {strides = array<i32>} : memref<4096xf32, #tpu.memory_space<vmem>>, vector<16xf32>,
        %mul3A_1605 = arith.mulf %get3A_1600, %get3A_1604 : vector<16xf32>
        %add3A_1606 = arith.addf %add3A_1596, %mul3A_1605 : vector<16xf32>
        %add3A_1607 = arith.constant 96 : i32
        %add3A_1608 = arith.addi %multiple_of3A, %add3A_1607 : i32
        %get3A_1609 = arith.index_cast %add3A_1608 : i32 to index
        %get3A_1610 = tpu.vector_load %arg10[%get3A_1609] {strides = array<i32>} : memref<1024xf32, #tpu.memory_space<vmem>>, vector<16xf32>,
        %add3A_1611 = arith.addi %mul3A_1228, %add3A_1608 : i32
        %multiple_of3A_1612 = tpu.assume_multiple %add3A_1611, 16 : i32
        %get3A_1613 = arith.index_cast %multiple_of3A_1612 : i32 to index
        %get3A_1614 = tpu.vector_load %arg20[%get3A_1613] {strides = array<i32>} : memref<4096xf32, #tpu.memory_space<vmem>>, vector<16xf32>,
        %mul3A_1615 = arith.mulf %get3A_1610, %get3A_1614 : vector<16xf32>
        %add3A_1616 = arith.addf %add3A_1606, %mul3A_1615 : vector<16xf32>
        %add3A_1617 = arith.constant 112 : i32
        %add3A_1618 = arith.addi %multiple_of3A, %add3A_1617 : i32
        %get3A_1619 = arith.index_cast %add3A_1618 : i32 to index
        %get3A_1620 = tpu.vector_load %arg10[%get3A_1619] {strides = array<i32>} : memref<1024xf32, #tpu.memory_space<vmem>>, vector<16xf32>,
        %add3A_1621 = arith.addi %mul3A_1228, %add3A_1618 : i32
        %multiple_of3A_1622 = tpu.assume_multiple %add3A_1621, 16 : i32
        %get3A_1623 = arith.index_cast %multiple_of3A_1622 : i32 to index
        %get3A_1624 = tpu.vector_load %arg20[%get3A_1623] {strides = array<i32>} : memref<4096xf32, #tpu.memory_space<vmem>>, vector<16xf32>,
        %mul3A_1625 = arith.mulf %get3A_1620, %get3A_1624 : vector<16xf32>
        %add3A_1626 = arith.addf %add3A_1616, %mul3A_1625 : vector<16xf32>
        scf.yield %add3A_1626 : vector<16xf32>
      }
      %scan3A_1236 = arith.constant 8 : i32
      %add3A_1237 = arith.constant 1023 : i32
      %add3A_1238 = arith.addi %add3A_1237, %add3A_1183 : i32
      %broadcast_in_dim3A_1239 = vector.broadcast %add3A_1238 : i32 to vector<16xi32>
      %gather3A_1240 = tpu.vector_load_idx %arg11[%broadcast_in_dim3A_1239] : memref<2047xf32, #tpu.memory_space<vmem>>[vector<16xi32>], vector<16xf32>,
      %reduce_sum3A_1241 = arith.constant true
      %reduce_sum3A_1242 = vector.broadcast %reduce_sum3A_1241 : i1 to vector<16xi1>
      %reduce_sum3A_1243 = tpu.scan <sum>, %scan3A_1235 masked %reduce_sum3A_1242 : vector<16xf32>, vector<16xi1> -> vector<16xf32>
      %reduce_sum3A_1244 = vector.extract %reduce_sum3A_1243[15] : f32 from vector<16xf32>
      %slice3A_1245 = vector.extract_strided_slice %gather3A_1240 {offsets = [0], sizes = [1], strides = [1]} : vector<16xf32> to vector<1xf32>
      %squeeze3A_1246 = vector.extract %slice3A_1245[0] : f32 from vector<1xf32>
      %add3A_1247 = arith.addf %reduce_sum3A_1244, %squeeze3A_1246 : f32
      %gt3A_1248 = arith.constant 0.000000e+00 : f32
      %gt3A_1249 = arith.cmpf ogt, %add3A_1247, %gt3A_1248 : f32
      %convert_element_type3A_1250 = arith.extui %gt3A_1249 : i1 to i32
      %mul3A_1251 = arith.constant 2 : i32
      %mul3A_1252 = arith.muli %mul3A_1251, %add3A_1183 : i32
      %add3A_1253 = arith.addi %mul3A_1252, %convert_element_type3A_1250 : i32
      %dma_start3A_1254 = arith.constant 0 : i32
      %dma_start3A_1255 = arith.constant 0 : i32
      %dma_start3A_1256 = tpu.memref_slice %arg5[%add3A_1253, %dma_start3A_1254, %dma_start3A_1255] : memref<2048x16x1024xf32, #tpu.memory_space<hbm>> -> memref<1x16x1024xf32, #tpu.memory_space<hbm>>
      %dma_start3A_1257 = tpu.memref_squeeze %dma_start3A_1256 : memref<1x16x1024xf32, #tpu.memory_space<hbm>> -> memref<16x1024xf32, #tpu.memory_space<hbm>>
      %dma_start3A_1258 = arith.constant 0 : i32
      %dma_start3A_1259 = arith.constant 0 : i32
      %dma_start3A_1260 = tpu.memref_slice %arg5[%add3A_1253, %dma_start3A_1258, %dma_start3A_1259] : memref<2048x16x1024xf32, #tpu.memory_space<hbm>> -> memref<1x16x1024xf32, #tpu.memory_space<hbm>>
      %dma_start3A_1261 = tpu.memref_squeeze %dma_start3A_1260 : memref<1x16x1024xf32, #tpu.memory_space<hbm>> -> memref<16x1024xf32, #tpu.memory_space<hbm>>
      tpu.enqueue_dma source(%dma_start3A_1261 : memref<16x1024xf32, #tpu.memory_space<hbm>>) target(%arg13 : memref<16x1024xf32, #tpu.memory_space<vmem>>) target_semaphore(%arg22 : memref<!tpu.dma_semaphore, #tpu.memory_space<semaphore_mem>>)
      %dma_start3A_1262 = arith.constant 0 : i32
      %dma_start3A_1263 = arith.constant 0 : i32
      %dma_start3A_1264 = tpu.memref_slice %arg7[%add3A_1253, %dma_start3A_1262, %dma_start3A_1263] : memref<2048x16x1024xf32, #tpu.memory_space<hbm>> -> memref<1x16x1024xf32, #tpu.memory_space<hbm>>
      %dma_start3A_1265 = tpu.memref_squeeze %dma_start3A_1264 : memref<1x16x1024xf32, #tpu.memory_space<hbm>> -> memref<16x1024xf32, #tpu.memory_space<hbm>>
      %dma_start3A_1266 = arith.constant 0 : i32
      %dma_start3A_1267 = arith.constant 0 : i32
      %dma_start3A_1268 = tpu.memref_slice %arg7[%add3A_1253, %dma_start3A_1266, %dma_start3A_1267] : memref<2048x16x1024xf32, #tpu.memory_space<hbm>> -> memref<1x16x1024xf32, #tpu.memory_space<hbm>>
      %dma_start3A_1269 = tpu.memref_squeeze %dma_start3A_1268 : memref<1x16x1024xf32, #tpu.memory_space<hbm>> -> memref<16x1024xf32, #tpu.memory_space<hbm>>
      tpu.enqueue_dma source(%dma_start3A_1269 : memref<16x1024xf32, #tpu.memory_space<hbm>>) target(%arg14 : memref<16x1024xf32, #tpu.memory_space<vmem>>) target_semaphore(%arg23 : memref<!tpu.dma_semaphore, #tpu.memory_space<semaphore_mem>>)
      tpu.wait_dma2 semaphore(%arg24 : memref<!tpu.dma_semaphore, #tpu.memory_space<semaphore_mem>>) src(%arg6 : memref<16x2048xf32, #tpu.memory_space<hbm>>) dst(%arg12 : memref<16x2048xf32, #tpu.memory_space<vmem>>)
      %dma_wait3A_1270 = arith.constant 0 : i32
      %dma_wait3A_1271 = arith.constant 0 : i32
      %dma_wait3A_1272 = tpu.memref_slice %arg5[%add3A_1253, %dma_wait3A_1270, %dma_wait3A_1271] : memref<2048x16x1024xf32, #tpu.memory_space<hbm>> -> memref<1x16x1024xf32, #tpu.memory_space<hbm>>
      %dma_wait3A_1273 = tpu.memref_squeeze %dma_wait3A_1272 : memref<1x16x1024xf32, #tpu.memory_space<hbm>> -> memref<16x1024xf32, #tpu.memory_space<hbm>>
      %dma_wait3A_1274 = arith.constant 0 : i32
      %dma_wait3A_1275 = arith.constant 0 : i32
      %dma_wait3A_1276 = tpu.memref_slice %arg5[%add3A_1253, %dma_wait3A_1274, %dma_wait3A_1275] : memref<2048x16x1024xf32, #tpu.memory_space<hbm>> -> memref<1x16x1024xf32, #tpu.memory_space<hbm>>
      %dma_wait3A_1277 = tpu.memref_squeeze %dma_wait3A_1276 : memref<1x16x1024xf32, #tpu.memory_space<hbm>> -> memref<16x1024xf32, #tpu.memory_space<hbm>>
      tpu.wait_dma2 semaphore(%arg22 : memref<!tpu.dma_semaphore, #tpu.memory_space<semaphore_mem>>) src(%dma_wait3A_1277 : memref<16x1024xf32, #tpu.memory_space<hbm>>) dst(%arg13 : memref<16x1024xf32, #tpu.memory_space<vmem>>)
      %broadcast_in_dim3A_1278 = arith.constant 0.000000e+00 : f32
      %broadcast_in_dim3A_1279 = vector.broadcast %broadcast_in_dim3A_1278 : f32 to vector<16xf32>
      %broadcast_in_dim3A_1280 = arith.constant 0.000000e+00 : f32
      %broadcast_in_dim3A_1281 = vector.broadcast %broadcast_in_dim3A_1280 : f32 to vector<16xf32>
      %broadcast_in_dim3A_1282 = arith.constant 0.000000e+00 : f32
      %broadcast_in_dim3A_1283 = vector.broadcast %broadcast_in_dim3A_1282 : f32 to vector<16xf32>
      %broadcast_in_dim3A_1284 = arith.constant 0.000000e+00 : f32
      %broadcast_in_dim3A_1285 = vector.broadcast %broadcast_in_dim3A_1284 : f32 to vector<16xf32>
      %broadcast_in_dim3A_1286 = arith.constant 0.000000e+00 : f32
      %broadcast_in_dim3A_1287 = vector.broadcast %broadcast_in_dim3A_1286 : f32 to vector<16xf32>
      %broadcast_in_dim3A_1288 = arith.constant 0.000000e+00 : f32
      %broadcast_in_dim3A_1289 = vector.broadcast %broadcast_in_dim3A_1288 : f32 to vector<16xf32>
      %broadcast_in_dim3A_1290 = arith.constant 0.000000e+00 : f32
      %broadcast_in_dim3A_1291 = vector.broadcast %broadcast_in_dim3A_1290 : f32 to vector<16xf32>
      %broadcast_in_dim3A_1292 = arith.constant 0.000000e+00 : f32
      %broadcast_in_dim3A_1293 = vector.broadcast %broadcast_in_dim3A_1292 : f32 to vector<16xf32>
      %broadcast_in_dim3A_1294 = arith.constant 0.000000e+00 : f32
      %broadcast_in_dim3A_1295 = vector.broadcast %broadcast_in_dim3A_1294 : f32 to vector<16xf32>
      %broadcast_in_dim3A_1296 = arith.constant 0.000000e+00 : f32
      %broadcast_in_dim3A_1297 = vector.broadcast %broadcast_in_dim3A_1296 : f32 to vector<16xf32>
      %broadcast_in_dim3A_1298 = arith.constant 0.000000e+00 : f32
      %broadcast_in_dim3A_1299 = vector.broadcast %broadcast_in_dim3A_1298 : f32 to vector<16xf32>
      %broadcast_in_dim3A_1300 = arith.constant 0.000000e+00 : f32
      %broadcast_in_dim3A_1301 = vector.broadcast %broadcast_in_dim3A_1300 : f32 to vector<16xf32>
      %broadcast_in_dim3A_1302 = arith.constant 0.000000e+00 : f32
      %broadcast_in_dim3A_1303 = vector.broadcast %broadcast_in_dim3A_1302 : f32 to vector<16xf32>
      %broadcast_in_dim3A_1304 = arith.constant 0.000000e+00 : f32
      %broadcast_in_dim3A_1305 = vector.broadcast %broadcast_in_dim3A_1304 : f32 to vector<16xf32>
      %broadcast_in_dim3A_1306 = arith.constant 0.000000e+00 : f32
      %broadcast_in_dim3A_1307 = vector.broadcast %broadcast_in_dim3A_1306 : f32 to vector<16xf32>
      %broadcast_in_dim3A_1308 = arith.constant 0.000000e+00 : f32
      %broadcast_in_dim3A_1309 = vector.broadcast %broadcast_in_dim3A_1308 : f32 to vector<16xf32>
      %scan3A_1310 = arith.constant 0 : i32
      %scan3A_1311 = arith.constant 32 : i32
      %scan3A_1312 = arith.addi %scan3A_1310, %scan3A_1311 : i32
      %scan3A_1313 = arith.constant 1 : i32
      %scan3A_1314:16 = scf.for %scan3A_1544 = %scan3A_1310 to %scan3A_1312 step %scan3A_1313 iter_args(%scan3A_1545 = %broadcast_in_dim3A_1279, %scan3A_1546 = %broadcast_in_dim3A_1281, %scan3A_1547 = %broadcast_in_dim3A_1283, %scan3A_1548 = %broadcast_in_dim3A_1285, %scan3A_1549 = %broadcast_in_dim3A_1287, %scan3A_1550 = %broadcast_in_dim3A_1289, %scan3A_1551 = %broadcast_in_dim3A_1291, %scan3A_1552 = %broadcast_in_dim3A_1293, %scan3A_1553 = %broadcast_in_dim3A_1295, %scan3A_1554 = %broadcast_in_dim3A_1297, %scan3A_1555 = %broadcast_in_dim3A_1299, %scan3A_1556 = %broadcast_in_dim3A_1301, %scan3A_1557 = %broadcast_in_dim3A_1303, %scan3A_1558 = %broadcast_in_dim3A_1305, %scan3A_1559 = %broadcast_in_dim3A_1307, %scan3A_1560 = %broadcast_in_dim3A_1309) -> (vector<16xf32>, vector<16xf32>, vector<16xf32>, vector<16xf32>, vector<16xf32>, vector<16xf32>, vector<16xf32>, vector<16xf32>, vector<16xf32>, vector<16xf32>, vector<16xf32>, vector<16xf32>, vector<16xf32>, vector<16xf32>, vector<16xf32>, vector<16xf32>)  : i32 {
        %mul3A_1561 = arith.constant 32 : i32
        %mul3A_1562 = arith.muli %scan3A_1544, %mul3A_1561 : i32
        %multiple_of3A = tpu.assume_multiple %mul3A_1562, 16 : i32
        %add3A_1563 = arith.constant 0 : i32
        %add3A_1564 = arith.addi %multiple_of3A, %add3A_1563 : i32
        %get3A = arith.index_cast %add3A_1564 : i32 to index
        %get3A_1565 = tpu.vector_load %arg10[%get3A] {strides = array<i32>} : memref<1024xf32, #tpu.memory_space<vmem>>, vector<16xf32>,
        %get3A_1566 = arith.constant 0 : i32
        %get3A_1567 = arith.index_cast %get3A_1566 : i32 to index
        %get3A_1568 = arith.index_cast %add3A_1564 : i32 to index
        %get3A_1569 = tpu.vector_load %arg13[%get3A_1567, %get3A_1568] {strides = array<i32>} : memref<16x1024xf32, #tpu.memory_space<vmem>>, vector<16xf32>,
        %mul3A_1570 = arith.mulf %get3A_1565, %get3A_1569 : vector<16xf32>
        %add3A_1571 = arith.addf %scan3A_1545, %mul3A_1570 : vector<16xf32>
        %get3A_1572 = arith.constant 1 : i32
        %get3A_1573 = arith.index_cast %get3A_1572 : i32 to index
        %get3A_1574 = arith.index_cast %add3A_1564 : i32 to index
        %get3A_1575 = tpu.vector_load %arg13[%get3A_1573, %get3A_1574] {strides = array<i32>} : memref<16x1024xf32, #tpu.memory_space<vmem>>, vector<16xf32>,
        %mul3A_1576 = arith.mulf %get3A_1565, %get3A_1575 : vector<16xf32>
        %add3A_1577 = arith.addf %scan3A_1546, %mul3A_1576 : vector<16xf32>
        %get3A_1578 = arith.constant 2 : i32
        %get3A_1579 = arith.index_cast %get3A_1578 : i32 to index
        %get3A_1580 = arith.index_cast %add3A_1564 : i32 to index
        %get3A_1581 = tpu.vector_load %arg13[%get3A_1579, %get3A_1580] {strides = array<i32>} : memref<16x1024xf32, #tpu.memory_space<vmem>>, vector<16xf32>,
        %mul3A_1582 = arith.mulf %get3A_1565, %get3A_1581 : vector<16xf32>
        %add3A_1583 = arith.addf %scan3A_1547, %mul3A_1582 : vector<16xf32>
        %get3A_1584 = arith.constant 3 : i32
        %get3A_1585 = arith.index_cast %get3A_1584 : i32 to index
        %get3A_1586 = arith.index_cast %add3A_1564 : i32 to index
        %get3A_1587 = tpu.vector_load %arg13[%get3A_1585, %get3A_1586] {strides = array<i32>} : memref<16x1024xf32, #tpu.memory_space<vmem>>, vector<16xf32>,
        %mul3A_1588 = arith.mulf %get3A_1565, %get3A_1587 : vector<16xf32>
        %add3A_1589 = arith.addf %scan3A_1548, %mul3A_1588 : vector<16xf32>
        %get3A_1590 = arith.constant 4 : i32
        %get3A_1591 = arith.index_cast %get3A_1590 : i32 to index
        %get3A_1592 = arith.index_cast %add3A_1564 : i32 to index
        %get3A_1593 = tpu.vector_load %arg13[%get3A_1591, %get3A_1592] {strides = array<i32>} : memref<16x1024xf32, #tpu.memory_space<vmem>>, vector<16xf32>,
        %mul3A_1594 = arith.mulf %get3A_1565, %get3A_1593 : vector<16xf32>
        %add3A_1595 = arith.addf %scan3A_1549, %mul3A_1594 : vector<16xf32>
        %get3A_1596 = arith.constant 5 : i32
        %get3A_1597 = arith.index_cast %get3A_1596 : i32 to index
        %get3A_1598 = arith.index_cast %add3A_1564 : i32 to index
        %get3A_1599 = tpu.vector_load %arg13[%get3A_1597, %get3A_1598] {strides = array<i32>} : memref<16x1024xf32, #tpu.memory_space<vmem>>, vector<16xf32>,
        %mul3A_1600 = arith.mulf %get3A_1565, %get3A_1599 : vector<16xf32>
        %add3A_1601 = arith.addf %scan3A_1550, %mul3A_1600 : vector<16xf32>
        %get3A_1602 = arith.constant 6 : i32
        %get3A_1603 = arith.index_cast %get3A_1602 : i32 to index
        %get3A_1604 = arith.index_cast %add3A_1564 : i32 to index
        %get3A_1605 = tpu.vector_load %arg13[%get3A_1603, %get3A_1604] {strides = array<i32>} : memref<16x1024xf32, #tpu.memory_space<vmem>>, vector<16xf32>,
        %mul3A_1606 = arith.mulf %get3A_1565, %get3A_1605 : vector<16xf32>
        %add3A_1607 = arith.addf %scan3A_1551, %mul3A_1606 : vector<16xf32>
        %get3A_1608 = arith.constant 7 : i32
        %get3A_1609 = arith.index_cast %get3A_1608 : i32 to index
        %get3A_1610 = arith.index_cast %add3A_1564 : i32 to index
        %get3A_1611 = tpu.vector_load %arg13[%get3A_1609, %get3A_1610] {strides = array<i32>} : memref<16x1024xf32, #tpu.memory_space<vmem>>, vector<16xf32>,
        %mul3A_1612 = arith.mulf %get3A_1565, %get3A_1611 : vector<16xf32>
        %add3A_1613 = arith.addf %scan3A_1552, %mul3A_1612 : vector<16xf32>
        %get3A_1614 = arith.constant 8 : i32
        %get3A_1615 = arith.index_cast %get3A_1614 : i32 to index
        %get3A_1616 = arith.index_cast %add3A_1564 : i32 to index
        %get3A_1617 = tpu.vector_load %arg13[%get3A_1615, %get3A_1616] {strides = array<i32>} : memref<16x1024xf32, #tpu.memory_space<vmem>>, vector<16xf32>,
        %mul3A_1618 = arith.mulf %get3A_1565, %get3A_1617 : vector<16xf32>
        %add3A_1619 = arith.addf %scan3A_1553, %mul3A_1618 : vector<16xf32>
        %get3A_1620 = arith.constant 9 : i32
        %get3A_1621 = arith.index_cast %get3A_1620 : i32 to index
        %get3A_1622 = arith.index_cast %add3A_1564 : i32 to index
        %get3A_1623 = tpu.vector_load %arg13[%get3A_1621, %get3A_1622] {strides = array<i32>} : memref<16x1024xf32, #tpu.memory_space<vmem>>, vector<16xf32>,
        %mul3A_1624 = arith.mulf %get3A_1565, %get3A_1623 : vector<16xf32>
        %add3A_1625 = arith.addf %scan3A_1554, %mul3A_1624 : vector<16xf32>
        %get3A_1626 = arith.constant 10 : i32
        %get3A_1627 = arith.index_cast %get3A_1626 : i32 to index
        %get3A_1628 = arith.index_cast %add3A_1564 : i32 to index
        %get3A_1629 = tpu.vector_load %arg13[%get3A_1627, %get3A_1628] {strides = array<i32>} : memref<16x1024xf32, #tpu.memory_space<vmem>>, vector<16xf32>,
        %mul3A_1630 = arith.mulf %get3A_1565, %get3A_1629 : vector<16xf32>
        %add3A_1631 = arith.addf %scan3A_1555, %mul3A_1630 : vector<16xf32>
        %get3A_1632 = arith.constant 11 : i32
        %get3A_1633 = arith.index_cast %get3A_1632 : i32 to index
        %get3A_1634 = arith.index_cast %add3A_1564 : i32 to index
        %get3A_1635 = tpu.vector_load %arg13[%get3A_1633, %get3A_1634] {strides = array<i32>} : memref<16x1024xf32, #tpu.memory_space<vmem>>, vector<16xf32>,
        %mul3A_1636 = arith.mulf %get3A_1565, %get3A_1635 : vector<16xf32>
        %add3A_1637 = arith.addf %scan3A_1556, %mul3A_1636 : vector<16xf32>
        %get3A_1638 = arith.constant 12 : i32
        %get3A_1639 = arith.index_cast %get3A_1638 : i32 to index
        %get3A_1640 = arith.index_cast %add3A_1564 : i32 to index
        %get3A_1641 = tpu.vector_load %arg13[%get3A_1639, %get3A_1640] {strides = array<i32>} : memref<16x1024xf32, #tpu.memory_space<vmem>>, vector<16xf32>,
        %mul3A_1642 = arith.mulf %get3A_1565, %get3A_1641 : vector<16xf32>
        %add3A_1643 = arith.addf %scan3A_1557, %mul3A_1642 : vector<16xf32>
        %get3A_1644 = arith.constant 13 : i32
        %get3A_1645 = arith.index_cast %get3A_1644 : i32 to index
        %get3A_1646 = arith.index_cast %add3A_1564 : i32 to index
        %get3A_1647 = tpu.vector_load %arg13[%get3A_1645, %get3A_1646] {strides = array<i32>} : memref<16x1024xf32, #tpu.memory_space<vmem>>, vector<16xf32>,
        %mul3A_1648 = arith.mulf %get3A_1565, %get3A_1647 : vector<16xf32>
        %add3A_1649 = arith.addf %scan3A_1558, %mul3A_1648 : vector<16xf32>
        %get3A_1650 = arith.constant 14 : i32
        %get3A_1651 = arith.index_cast %get3A_1650 : i32 to index
        %get3A_1652 = arith.index_cast %add3A_1564 : i32 to index
        %get3A_1653 = tpu.vector_load %arg13[%get3A_1651, %get3A_1652] {strides = array<i32>} : memref<16x1024xf32, #tpu.memory_space<vmem>>, vector<16xf32>,
        %mul3A_1654 = arith.mulf %get3A_1565, %get3A_1653 : vector<16xf32>
        %add3A_1655 = arith.addf %scan3A_1559, %mul3A_1654 : vector<16xf32>
        %get3A_1656 = arith.constant 15 : i32
        %get3A_1657 = arith.index_cast %get3A_1656 : i32 to index
        %get3A_1658 = arith.index_cast %add3A_1564 : i32 to index
        %get3A_1659 = tpu.vector_load %arg13[%get3A_1657, %get3A_1658] {strides = array<i32>} : memref<16x1024xf32, #tpu.memory_space<vmem>>, vector<16xf32>,
        %mul3A_1660 = arith.mulf %get3A_1565, %get3A_1659 : vector<16xf32>
        %add3A_1661 = arith.addf %scan3A_1560, %mul3A_1660 : vector<16xf32>
        %add3A_1662 = arith.constant 16 : i32
        %add3A_1663 = arith.addi %multiple_of3A, %add3A_1662 : i32
        %get3A_1664 = arith.index_cast %add3A_1663 : i32 to index
        %get3A_1665 = tpu.vector_load %arg10[%get3A_1664] {strides = array<i32>} : memref<1024xf32, #tpu.memory_space<vmem>>, vector<16xf32>,
        %get3A_1666 = arith.constant 0 : i32
        %get3A_1667 = arith.index_cast %get3A_1666 : i32 to index
        %get3A_1668 = arith.index_cast %add3A_1663 : i32 to index
        %get3A_1669 = tpu.vector_load %arg13[%get3A_1667, %get3A_1668] {strides = array<i32>} : memref<16x1024xf32, #tpu.memory_space<vmem>>, vector<16xf32>,
        %mul3A_1670 = arith.mulf %get3A_1665, %get3A_1669 : vector<16xf32>
        %add3A_1671 = arith.addf %add3A_1571, %mul3A_1670 : vector<16xf32>
        %get3A_1672 = arith.constant 1 : i32
        %get3A_1673 = arith.index_cast %get3A_1672 : i32 to index
        %get3A_1674 = arith.index_cast %add3A_1663 : i32 to index
        %get3A_1675 = tpu.vector_load %arg13[%get3A_1673, %get3A_1674] {strides = array<i32>} : memref<16x1024xf32, #tpu.memory_space<vmem>>, vector<16xf32>,
        %mul3A_1676 = arith.mulf %get3A_1665, %get3A_1675 : vector<16xf32>
        %add3A_1677 = arith.addf %add3A_1577, %mul3A_1676 : vector<16xf32>
        %get3A_1678 = arith.constant 2 : i32
        %get3A_1679 = arith.index_cast %get3A_1678 : i32 to index
        %get3A_1680 = arith.index_cast %add3A_1663 : i32 to index
        %get3A_1681 = tpu.vector_load %arg13[%get3A_1679, %get3A_1680] {strides = array<i32>} : memref<16x1024xf32, #tpu.memory_space<vmem>>, vector<16xf32>,
        %mul3A_1682 = arith.mulf %get3A_1665, %get3A_1681 : vector<16xf32>
        %add3A_1683 = arith.addf %add3A_1583, %mul3A_1682 : vector<16xf32>
        %get3A_1684 = arith.constant 3 : i32
        %get3A_1685 = arith.index_cast %get3A_1684 : i32 to index
        %get3A_1686 = arith.index_cast %add3A_1663 : i32 to index
        %get3A_1687 = tpu.vector_load %arg13[%get3A_1685, %get3A_1686] {strides = array<i32>} : memref<16x1024xf32, #tpu.memory_space<vmem>>, vector<16xf32>,
        %mul3A_1688 = arith.mulf %get3A_1665, %get3A_1687 : vector<16xf32>
        %add3A_1689 = arith.addf %add3A_1589, %mul3A_1688 : vector<16xf32>
        %get3A_1690 = arith.constant 4 : i32
        %get3A_1691 = arith.index_cast %get3A_1690 : i32 to index
        %get3A_1692 = arith.index_cast %add3A_1663 : i32 to index
        %get3A_1693 = tpu.vector_load %arg13[%get3A_1691, %get3A_1692] {strides = array<i32>} : memref<16x1024xf32, #tpu.memory_space<vmem>>, vector<16xf32>,
        %mul3A_1694 = arith.mulf %get3A_1665, %get3A_1693 : vector<16xf32>
        %add3A_1695 = arith.addf %add3A_1595, %mul3A_1694 : vector<16xf32>
        %get3A_1696 = arith.constant 5 : i32
        %get3A_1697 = arith.index_cast %get3A_1696 : i32 to index
        %get3A_1698 = arith.index_cast %add3A_1663 : i32 to index
        %get3A_1699 = tpu.vector_load %arg13[%get3A_1697, %get3A_1698] {strides = array<i32>} : memref<16x1024xf32, #tpu.memory_space<vmem>>, vector<16xf32>,
        %mul3A_1700 = arith.mulf %get3A_1665, %get3A_1699 : vector<16xf32>
        %add3A_1701 = arith.addf %add3A_1601, %mul3A_1700 : vector<16xf32>
        %get3A_1702 = arith.constant 6 : i32
        %get3A_1703 = arith.index_cast %get3A_1702 : i32 to index
        %get3A_1704 = arith.index_cast %add3A_1663 : i32 to index
        %get3A_1705 = tpu.vector_load %arg13[%get3A_1703, %get3A_1704] {strides = array<i32>} : memref<16x1024xf32, #tpu.memory_space<vmem>>, vector<16xf32>,
        %mul3A_1706 = arith.mulf %get3A_1665, %get3A_1705 : vector<16xf32>
        %add3A_1707 = arith.addf %add3A_1607, %mul3A_1706 : vector<16xf32>
        %get3A_1708 = arith.constant 7 : i32
        %get3A_1709 = arith.index_cast %get3A_1708 : i32 to index
        %get3A_1710 = arith.index_cast %add3A_1663 : i32 to index
        %get3A_1711 = tpu.vector_load %arg13[%get3A_1709, %get3A_1710] {strides = array<i32>} : memref<16x1024xf32, #tpu.memory_space<vmem>>, vector<16xf32>,
        %mul3A_1712 = arith.mulf %get3A_1665, %get3A_1711 : vector<16xf32>
        %add3A_1713 = arith.addf %add3A_1613, %mul3A_1712 : vector<16xf32>
        %get3A_1714 = arith.constant 8 : i32
        %get3A_1715 = arith.index_cast %get3A_1714 : i32 to index
        %get3A_1716 = arith.index_cast %add3A_1663 : i32 to index
        %get3A_1717 = tpu.vector_load %arg13[%get3A_1715, %get3A_1716] {strides = array<i32>} : memref<16x1024xf32, #tpu.memory_space<vmem>>, vector<16xf32>,
        %mul3A_1718 = arith.mulf %get3A_1665, %get3A_1717 : vector<16xf32>
        %add3A_1719 = arith.addf %add3A_1619, %mul3A_1718 : vector<16xf32>
        %get3A_1720 = arith.constant 9 : i32
        %get3A_1721 = arith.index_cast %get3A_1720 : i32 to index
        %get3A_1722 = arith.index_cast %add3A_1663 : i32 to index
        %get3A_1723 = tpu.vector_load %arg13[%get3A_1721, %get3A_1722] {strides = array<i32>} : memref<16x1024xf32, #tpu.memory_space<vmem>>, vector<16xf32>,
        %mul3A_1724 = arith.mulf %get3A_1665, %get3A_1723 : vector<16xf32>
        %add3A_1725 = arith.addf %add3A_1625, %mul3A_1724 : vector<16xf32>
        %get3A_1726 = arith.constant 10 : i32
        %get3A_1727 = arith.index_cast %get3A_1726 : i32 to index
        %get3A_1728 = arith.index_cast %add3A_1663 : i32 to index
        %get3A_1729 = tpu.vector_load %arg13[%get3A_1727, %get3A_1728] {strides = array<i32>} : memref<16x1024xf32, #tpu.memory_space<vmem>>, vector<16xf32>,
        %mul3A_1730 = arith.mulf %get3A_1665, %get3A_1729 : vector<16xf32>
        %add3A_1731 = arith.addf %add3A_1631, %mul3A_1730 : vector<16xf32>
        %get3A_1732 = arith.constant 11 : i32
        %get3A_1733 = arith.index_cast %get3A_1732 : i32 to index
        %get3A_1734 = arith.index_cast %add3A_1663 : i32 to index
        %get3A_1735 = tpu.vector_load %arg13[%get3A_1733, %get3A_1734] {strides = array<i32>} : memref<16x1024xf32, #tpu.memory_space<vmem>>, vector<16xf32>,
        %mul3A_1736 = arith.mulf %get3A_1665, %get3A_1735 : vector<16xf32>
        %add3A_1737 = arith.addf %add3A_1637, %mul3A_1736 : vector<16xf32>
        %get3A_1738 = arith.constant 12 : i32
        %get3A_1739 = arith.index_cast %get3A_1738 : i32 to index
        %get3A_1740 = arith.index_cast %add3A_1663 : i32 to index
        %get3A_1741 = tpu.vector_load %arg13[%get3A_1739, %get3A_1740] {strides = array<i32>} : memref<16x1024xf32, #tpu.memory_space<vmem>>, vector<16xf32>,
        %mul3A_1742 = arith.mulf %get3A_1665, %get3A_1741 : vector<16xf32>
        %add3A_1743 = arith.addf %add3A_1643, %mul3A_1742 : vector<16xf32>
        %get3A_1744 = arith.constant 13 : i32
        %get3A_1745 = arith.index_cast %get3A_1744 : i32 to index
        %get3A_1746 = arith.index_cast %add3A_1663 : i32 to index
        %get3A_1747 = tpu.vector_load %arg13[%get3A_1745, %get3A_1746] {strides = array<i32>} : memref<16x1024xf32, #tpu.memory_space<vmem>>, vector<16xf32>,
        %mul3A_1748 = arith.mulf %get3A_1665, %get3A_1747 : vector<16xf32>
        %add3A_1749 = arith.addf %add3A_1649, %mul3A_1748 : vector<16xf32>
        %get3A_1750 = arith.constant 14 : i32
        %get3A_1751 = arith.index_cast %get3A_1750 : i32 to index
        %get3A_1752 = arith.index_cast %add3A_1663 : i32 to index
        %get3A_1753 = tpu.vector_load %arg13[%get3A_1751, %get3A_1752] {strides = array<i32>} : memref<16x1024xf32, #tpu.memory_space<vmem>>, vector<16xf32>,
        %mul3A_1754 = arith.mulf %get3A_1665, %get3A_1753 : vector<16xf32>
        %add3A_1755 = arith.addf %add3A_1655, %mul3A_1754 : vector<16xf32>
        %get3A_1756 = arith.constant 15 : i32
        %get3A_1757 = arith.index_cast %get3A_1756 : i32 to index
        %get3A_1758 = arith.index_cast %add3A_1663 : i32 to index
        %get3A_1759 = tpu.vector_load %arg13[%get3A_1757, %get3A_1758] {strides = array<i32>} : memref<16x1024xf32, #tpu.memory_space<vmem>>, vector<16xf32>,
        %mul3A_1760 = arith.mulf %get3A_1665, %get3A_1759 : vector<16xf32>
        %add3A_1761 = arith.addf %add3A_1661, %mul3A_1760 : vector<16xf32>
        scf.yield %add3A_1671, %add3A_1677, %add3A_1683, %add3A_1689, %add3A_1695, %add3A_1701, %add3A_1707, %add3A_1713, %add3A_1719, %add3A_1725, %add3A_1731, %add3A_1737, %add3A_1743, %add3A_1749, %add3A_1755, %add3A_1761 : vector<16xf32>, vector<16xf32>, vector<16xf32>, vector<16xf32>, vector<16xf32>, vector<16xf32>, vector<16xf32>, vector<16xf32>, vector<16xf32>, vector<16xf32>, vector<16xf32>, vector<16xf32>, vector<16xf32>, vector<16xf32>, vector<16xf32>, vector<16xf32>
      }
      %scan3A_1315 = arith.constant 32 : i32
      %iota3A = tpu.iota {dimensions = array<i32: 0>} : vector<16xi32>
      %broadcast_in_dim3A_1316 = vector.broadcast %add3A_1253 : i32 to vector<16xi32>
      %gather3A_1317 = tpu.vector_load_idx %arg12[%iota3A, %broadcast_in_dim3A_1316] : memref<16x2048xf32, #tpu.memory_space<vmem>>[vector<16xi32>, vector<16xi32>], vector<16xf32>,
      %reduce_sum3A_1318 = arith.constant true
      %reduce_sum3A_1319 = vector.broadcast %reduce_sum3A_1318 : i1 to vector<16xi1>
      %reduce_sum3A_1320 = tpu.scan <sum>, %scan3A_1314#0 masked %reduce_sum3A_1319 : vector<16xf32>, vector<16xi1> -> vector<16xf32>
      %reduce_sum3A_1321 = vector.extract %reduce_sum3A_1320[15] : f32 from vector<16xf32>
      %slice3A_1322 = vector.extract_strided_slice %gather3A_1317 {offsets = [0], sizes = [1], strides = [1]} : vector<16xf32> to vector<1xf32>
      %squeeze3A_1323 = vector.extract %slice3A_1322[0] : f32 from vector<1xf32>
      %add3A_1324 = arith.addf %reduce_sum3A_1321, %squeeze3A_1323 : f32
      %gt3A_1325 = arith.constant 0.000000e+00 : f32
      %gt3A_1326 = arith.cmpf ogt, %add3A_1324, %gt3A_1325 : f32
      %jit3A = arith.constant 0.000000e+00 : f32
      %select_n3A = arith.select %gt3A_1326, %add3A_1324, %jit3A : f32
      %reduce_sum3A_1327 = arith.constant true
      %reduce_sum3A_1328 = vector.broadcast %reduce_sum3A_1327 : i1 to vector<16xi1>
      %reduce_sum3A_1329 = tpu.scan <sum>, %scan3A_1314#1 masked %reduce_sum3A_1328 : vector<16xf32>, vector<16xi1> -> vector<16xf32>
      %reduce_sum3A_1330 = vector.extract %reduce_sum3A_1329[15] : f32 from vector<16xf32>
      %slice3A_1331 = vector.extract_strided_slice %gather3A_1317 {offsets = [1], sizes = [1], strides = [1]} : vector<16xf32> to vector<1xf32>
      %squeeze3A_1332 = vector.extract %slice3A_1331[0] : f32 from vector<1xf32>
      %add3A_1333 = arith.addf %reduce_sum3A_1330, %squeeze3A_1332 : f32
      %gt3A_1334 = arith.constant 0.000000e+00 : f32
      %gt3A_1335 = arith.cmpf ogt, %add3A_1333, %gt3A_1334 : f32
      %jit3A_1336 = arith.constant 0.000000e+00 : f32
      %select_n3A_1337 = arith.select %gt3A_1335, %add3A_1333, %jit3A_1336 : f32
      %reduce_sum3A_1338 = arith.constant true
      %reduce_sum3A_1339 = vector.broadcast %reduce_sum3A_1338 : i1 to vector<16xi1>
      %reduce_sum3A_1340 = tpu.scan <sum>, %scan3A_1314#2 masked %reduce_sum3A_1339 : vector<16xf32>, vector<16xi1> -> vector<16xf32>
      %reduce_sum3A_1341 = vector.extract %reduce_sum3A_1340[15] : f32 from vector<16xf32>
      %slice3A_1342 = vector.extract_strided_slice %gather3A_1317 {offsets = [2], sizes = [1], strides = [1]} : vector<16xf32> to vector<1xf32>
      %squeeze3A_1343 = vector.extract %slice3A_1342[0] : f32 from vector<1xf32>
      %add3A_1344 = arith.addf %reduce_sum3A_1341, %squeeze3A_1343 : f32
      %gt3A_1345 = arith.constant 0.000000e+00 : f32
      %gt3A_1346 = arith.cmpf ogt, %add3A_1344, %gt3A_1345 : f32
      %jit3A_1347 = arith.constant 0.000000e+00 : f32
      %select_n3A_1348 = arith.select %gt3A_1346, %add3A_1344, %jit3A_1347 : f32
      %reduce_sum3A_1349 = arith.constant true
      %reduce_sum3A_1350 = vector.broadcast %reduce_sum3A_1349 : i1 to vector<16xi1>
      %reduce_sum3A_1351 = tpu.scan <sum>, %scan3A_1314#3 masked %reduce_sum3A_1350 : vector<16xf32>, vector<16xi1> -> vector<16xf32>
      %reduce_sum3A_1352 = vector.extract %reduce_sum3A_1351[15] : f32 from vector<16xf32>
      %slice3A_1353 = vector.extract_strided_slice %gather3A_1317 {offsets = [3], sizes = [1], strides = [1]} : vector<16xf32> to vector<1xf32>
      %squeeze3A_1354 = vector.extract %slice3A_1353[0] : f32 from vector<1xf32>
      %add3A_1355 = arith.addf %reduce_sum3A_1352, %squeeze3A_1354 : f32
      %gt3A_1356 = arith.constant 0.000000e+00 : f32
      %gt3A_1357 = arith.cmpf ogt, %add3A_1355, %gt3A_1356 : f32
      %jit3A_1358 = arith.constant 0.000000e+00 : f32
      %select_n3A_1359 = arith.select %gt3A_1357, %add3A_1355, %jit3A_1358 : f32
      %reduce_sum3A_1360 = arith.constant true
      %reduce_sum3A_1361 = vector.broadcast %reduce_sum3A_1360 : i1 to vector<16xi1>
      %reduce_sum3A_1362 = tpu.scan <sum>, %scan3A_1314#4 masked %reduce_sum3A_1361 : vector<16xf32>, vector<16xi1> -> vector<16xf32>
      %reduce_sum3A_1363 = vector.extract %reduce_sum3A_1362[15] : f32 from vector<16xf32>
      %slice3A_1364 = vector.extract_strided_slice %gather3A_1317 {offsets = [4], sizes = [1], strides = [1]} : vector<16xf32> to vector<1xf32>
      %squeeze3A_1365 = vector.extract %slice3A_1364[0] : f32 from vector<1xf32>
      %add3A_1366 = arith.addf %reduce_sum3A_1363, %squeeze3A_1365 : f32
      %gt3A_1367 = arith.constant 0.000000e+00 : f32
      %gt3A_1368 = arith.cmpf ogt, %add3A_1366, %gt3A_1367 : f32
      %jit3A_1369 = arith.constant 0.000000e+00 : f32
      %select_n3A_1370 = arith.select %gt3A_1368, %add3A_1366, %jit3A_1369 : f32
      %reduce_sum3A_1371 = arith.constant true
      %reduce_sum3A_1372 = vector.broadcast %reduce_sum3A_1371 : i1 to vector<16xi1>
      %reduce_sum3A_1373 = tpu.scan <sum>, %scan3A_1314#5 masked %reduce_sum3A_1372 : vector<16xf32>, vector<16xi1> -> vector<16xf32>
      %reduce_sum3A_1374 = vector.extract %reduce_sum3A_1373[15] : f32 from vector<16xf32>
      %slice3A_1375 = vector.extract_strided_slice %gather3A_1317 {offsets = [5], sizes = [1], strides = [1]} : vector<16xf32> to vector<1xf32>
      %squeeze3A_1376 = vector.extract %slice3A_1375[0] : f32 from vector<1xf32>
      %add3A_1377 = arith.addf %reduce_sum3A_1374, %squeeze3A_1376 : f32
      %gt3A_1378 = arith.constant 0.000000e+00 : f32
      %gt3A_1379 = arith.cmpf ogt, %add3A_1377, %gt3A_1378 : f32
      %jit3A_1380 = arith.constant 0.000000e+00 : f32
      %select_n3A_1381 = arith.select %gt3A_1379, %add3A_1377, %jit3A_1380 : f32
      %reduce_sum3A_1382 = arith.constant true
      %reduce_sum3A_1383 = vector.broadcast %reduce_sum3A_1382 : i1 to vector<16xi1>
      %reduce_sum3A_1384 = tpu.scan <sum>, %scan3A_1314#6 masked %reduce_sum3A_1383 : vector<16xf32>, vector<16xi1> -> vector<16xf32>
      %reduce_sum3A_1385 = vector.extract %reduce_sum3A_1384[15] : f32 from vector<16xf32>
      %slice3A_1386 = vector.extract_strided_slice %gather3A_1317 {offsets = [6], sizes = [1], strides = [1]} : vector<16xf32> to vector<1xf32>
      %squeeze3A_1387 = vector.extract %slice3A_1386[0] : f32 from vector<1xf32>
      %add3A_1388 = arith.addf %reduce_sum3A_1385, %squeeze3A_1387 : f32
      %gt3A_1389 = arith.constant 0.000000e+00 : f32
      %gt3A_1390 = arith.cmpf ogt, %add3A_1388, %gt3A_1389 : f32
      %jit3A_1391 = arith.constant 0.000000e+00 : f32
      %select_n3A_1392 = arith.select %gt3A_1390, %add3A_1388, %jit3A_1391 : f32
      %reduce_sum3A_1393 = arith.constant true
      %reduce_sum3A_1394 = vector.broadcast %reduce_sum3A_1393 : i1 to vector<16xi1>
      %reduce_sum3A_1395 = tpu.scan <sum>, %scan3A_1314#7 masked %reduce_sum3A_1394 : vector<16xf32>, vector<16xi1> -> vector<16xf32>
      %reduce_sum3A_1396 = vector.extract %reduce_sum3A_1395[15] : f32 from vector<16xf32>
      %slice3A_1397 = vector.extract_strided_slice %gather3A_1317 {offsets = [7], sizes = [1], strides = [1]} : vector<16xf32> to vector<1xf32>
      %squeeze3A_1398 = vector.extract %slice3A_1397[0] : f32 from vector<1xf32>
      %add3A_1399 = arith.addf %reduce_sum3A_1396, %squeeze3A_1398 : f32
      %gt3A_1400 = arith.constant 0.000000e+00 : f32
      %gt3A_1401 = arith.cmpf ogt, %add3A_1399, %gt3A_1400 : f32
      %jit3A_1402 = arith.constant 0.000000e+00 : f32
      %select_n3A_1403 = arith.select %gt3A_1401, %add3A_1399, %jit3A_1402 : f32
      %reduce_sum3A_1404 = arith.constant true
      %reduce_sum3A_1405 = vector.broadcast %reduce_sum3A_1404 : i1 to vector<16xi1>
      %reduce_sum3A_1406 = tpu.scan <sum>, %scan3A_1314#8 masked %reduce_sum3A_1405 : vector<16xf32>, vector<16xi1> -> vector<16xf32>
      %reduce_sum3A_1407 = vector.extract %reduce_sum3A_1406[15] : f32 from vector<16xf32>
      %slice3A_1408 = vector.extract_strided_slice %gather3A_1317 {offsets = [8], sizes = [1], strides = [1]} : vector<16xf32> to vector<1xf32>
      %squeeze3A_1409 = vector.extract %slice3A_1408[0] : f32 from vector<1xf32>
      %add3A_1410 = arith.addf %reduce_sum3A_1407, %squeeze3A_1409 : f32
      %gt3A_1411 = arith.constant 0.000000e+00 : f32
      %gt3A_1412 = arith.cmpf ogt, %add3A_1410, %gt3A_1411 : f32
      %jit3A_1413 = arith.constant 0.000000e+00 : f32
      %select_n3A_1414 = arith.select %gt3A_1412, %add3A_1410, %jit3A_1413 : f32
      %reduce_sum3A_1415 = arith.constant true
      %reduce_sum3A_1416 = vector.broadcast %reduce_sum3A_1415 : i1 to vector<16xi1>
      %reduce_sum3A_1417 = tpu.scan <sum>, %scan3A_1314#9 masked %reduce_sum3A_1416 : vector<16xf32>, vector<16xi1> -> vector<16xf32>
      %reduce_sum3A_1418 = vector.extract %reduce_sum3A_1417[15] : f32 from vector<16xf32>
      %slice3A_1419 = vector.extract_strided_slice %gather3A_1317 {offsets = [9], sizes = [1], strides = [1]} : vector<16xf32> to vector<1xf32>
      %squeeze3A_1420 = vector.extract %slice3A_1419[0] : f32 from vector<1xf32>
      %add3A_1421 = arith.addf %reduce_sum3A_1418, %squeeze3A_1420 : f32
      %gt3A_1422 = arith.constant 0.000000e+00 : f32
      %gt3A_1423 = arith.cmpf ogt, %add3A_1421, %gt3A_1422 : f32
      %jit3A_1424 = arith.constant 0.000000e+00 : f32
      %select_n3A_1425 = arith.select %gt3A_1423, %add3A_1421, %jit3A_1424 : f32
      %reduce_sum3A_1426 = arith.constant true
      %reduce_sum3A_1427 = vector.broadcast %reduce_sum3A_1426 : i1 to vector<16xi1>
      %reduce_sum3A_1428 = tpu.scan <sum>, %scan3A_1314#10 masked %reduce_sum3A_1427 : vector<16xf32>, vector<16xi1> -> vector<16xf32>
      %reduce_sum3A_1429 = vector.extract %reduce_sum3A_1428[15] : f32 from vector<16xf32>
      %slice3A_1430 = vector.extract_strided_slice %gather3A_1317 {offsets = [10], sizes = [1], strides = [1]} : vector<16xf32> to vector<1xf32>
      %squeeze3A_1431 = vector.extract %slice3A_1430[0] : f32 from vector<1xf32>
      %add3A_1432 = arith.addf %reduce_sum3A_1429, %squeeze3A_1431 : f32
      %gt3A_1433 = arith.constant 0.000000e+00 : f32
      %gt3A_1434 = arith.cmpf ogt, %add3A_1432, %gt3A_1433 : f32
      %jit3A_1435 = arith.constant 0.000000e+00 : f32
      %select_n3A_1436 = arith.select %gt3A_1434, %add3A_1432, %jit3A_1435 : f32
      %reduce_sum3A_1437 = arith.constant true
      %reduce_sum3A_1438 = vector.broadcast %reduce_sum3A_1437 : i1 to vector<16xi1>
      %reduce_sum3A_1439 = tpu.scan <sum>, %scan3A_1314#11 masked %reduce_sum3A_1438 : vector<16xf32>, vector<16xi1> -> vector<16xf32>
      %reduce_sum3A_1440 = vector.extract %reduce_sum3A_1439[15] : f32 from vector<16xf32>
      %slice3A_1441 = vector.extract_strided_slice %gather3A_1317 {offsets = [11], sizes = [1], strides = [1]} : vector<16xf32> to vector<1xf32>
      %squeeze3A_1442 = vector.extract %slice3A_1441[0] : f32 from vector<1xf32>
      %add3A_1443 = arith.addf %reduce_sum3A_1440, %squeeze3A_1442 : f32
      %gt3A_1444 = arith.constant 0.000000e+00 : f32
      %gt3A_1445 = arith.cmpf ogt, %add3A_1443, %gt3A_1444 : f32
      %jit3A_1446 = arith.constant 0.000000e+00 : f32
      %select_n3A_1447 = arith.select %gt3A_1445, %add3A_1443, %jit3A_1446 : f32
      %reduce_sum3A_1448 = arith.constant true
      %reduce_sum3A_1449 = vector.broadcast %reduce_sum3A_1448 : i1 to vector<16xi1>
      %reduce_sum3A_1450 = tpu.scan <sum>, %scan3A_1314#12 masked %reduce_sum3A_1449 : vector<16xf32>, vector<16xi1> -> vector<16xf32>
      %reduce_sum3A_1451 = vector.extract %reduce_sum3A_1450[15] : f32 from vector<16xf32>
      %slice3A_1452 = vector.extract_strided_slice %gather3A_1317 {offsets = [12], sizes = [1], strides = [1]} : vector<16xf32> to vector<1xf32>
      %squeeze3A_1453 = vector.extract %slice3A_1452[0] : f32 from vector<1xf32>
      %add3A_1454 = arith.addf %reduce_sum3A_1451, %squeeze3A_1453 : f32
      %gt3A_1455 = arith.constant 0.000000e+00 : f32
      %gt3A_1456 = arith.cmpf ogt, %add3A_1454, %gt3A_1455 : f32
      %jit3A_1457 = arith.constant 0.000000e+00 : f32
      %select_n3A_1458 = arith.select %gt3A_1456, %add3A_1454, %jit3A_1457 : f32
      %reduce_sum3A_1459 = arith.constant true
      %reduce_sum3A_1460 = vector.broadcast %reduce_sum3A_1459 : i1 to vector<16xi1>
      %reduce_sum3A_1461 = tpu.scan <sum>, %scan3A_1314#13 masked %reduce_sum3A_1460 : vector<16xf32>, vector<16xi1> -> vector<16xf32>
      %reduce_sum3A_1462 = vector.extract %reduce_sum3A_1461[15] : f32 from vector<16xf32>
      %slice3A_1463 = vector.extract_strided_slice %gather3A_1317 {offsets = [13], sizes = [1], strides = [1]} : vector<16xf32> to vector<1xf32>
      %squeeze3A_1464 = vector.extract %slice3A_1463[0] : f32 from vector<1xf32>
      %add3A_1465 = arith.addf %reduce_sum3A_1462, %squeeze3A_1464 : f32
      %gt3A_1466 = arith.constant 0.000000e+00 : f32
      %gt3A_1467 = arith.cmpf ogt, %add3A_1465, %gt3A_1466 : f32
      %jit3A_1468 = arith.constant 0.000000e+00 : f32
      %select_n3A_1469 = arith.select %gt3A_1467, %add3A_1465, %jit3A_1468 : f32
      %reduce_sum3A_1470 = arith.constant true
      %reduce_sum3A_1471 = vector.broadcast %reduce_sum3A_1470 : i1 to vector<16xi1>
      %reduce_sum3A_1472 = tpu.scan <sum>, %scan3A_1314#14 masked %reduce_sum3A_1471 : vector<16xf32>, vector<16xi1> -> vector<16xf32>
      %reduce_sum3A_1473 = vector.extract %reduce_sum3A_1472[15] : f32 from vector<16xf32>
      %slice3A_1474 = vector.extract_strided_slice %gather3A_1317 {offsets = [14], sizes = [1], strides = [1]} : vector<16xf32> to vector<1xf32>
      %squeeze3A_1475 = vector.extract %slice3A_1474[0] : f32 from vector<1xf32>
      %add3A_1476 = arith.addf %reduce_sum3A_1473, %squeeze3A_1475 : f32
      %gt3A_1477 = arith.constant 0.000000e+00 : f32
      %gt3A_1478 = arith.cmpf ogt, %add3A_1476, %gt3A_1477 : f32
      %jit3A_1479 = arith.constant 0.000000e+00 : f32
      %select_n3A_1480 = arith.select %gt3A_1478, %add3A_1476, %jit3A_1479 : f32
      %reduce_sum3A_1481 = arith.constant true
      %reduce_sum3A_1482 = vector.broadcast %reduce_sum3A_1481 : i1 to vector<16xi1>
      %reduce_sum3A_1483 = tpu.scan <sum>, %scan3A_1314#15 masked %reduce_sum3A_1482 : vector<16xf32>, vector<16xi1> -> vector<16xf32>
      %reduce_sum3A_1484 = vector.extract %reduce_sum3A_1483[15] : f32 from vector<16xf32>
      %slice3A_1485 = vector.extract_strided_slice %gather3A_1317 {offsets = [15], sizes = [1], strides = [1]} : vector<16xf32> to vector<1xf32>
      %squeeze3A_1486 = vector.extract %slice3A_1485[0] : f32 from vector<1xf32>
      %add3A_1487 = arith.addf %reduce_sum3A_1484, %squeeze3A_1486 : f32
      %gt3A_1488 = arith.constant 0.000000e+00 : f32
      %gt3A_1489 = arith.cmpf ogt, %add3A_1487, %gt3A_1488 : f32
      %jit3A_1490 = arith.constant 0.000000e+00 : f32
      %select_n3A_1491 = arith.select %gt3A_1489, %add3A_1487, %jit3A_1490 : f32
      %dma_start3A_1492 = arith.constant 0 : i32
      %dma_start3A_1493 = tpu.memref_slice %arg8[%add3A_1253, %dma_start3A_1492] : memref<2048x1024xf32, #tpu.memory_space<hbm>> -> memref<1x1024xf32, #tpu.memory_space<hbm>>
      %dma_start3A_1494 = tpu.memref_squeeze %dma_start3A_1493 : memref<1x1024xf32, #tpu.memory_space<hbm>> -> memref<1024xf32, #tpu.memory_space<hbm>>
      %dma_start3A_1495 = arith.constant 0 : i32
      %dma_start3A_1496 = tpu.memref_slice %arg8[%add3A_1253, %dma_start3A_1495] : memref<2048x1024xf32, #tpu.memory_space<hbm>> -> memref<1x1024xf32, #tpu.memory_space<hbm>>
      %dma_start3A_1497 = tpu.memref_squeeze %dma_start3A_1496 : memref<1x1024xf32, #tpu.memory_space<hbm>> -> memref<1024xf32, #tpu.memory_space<hbm>>
      tpu.enqueue_dma source(%dma_start3A_1497 : memref<1024xf32, #tpu.memory_space<hbm>>) target(%arg15 : memref<1024xf32, #tpu.memory_space<vmem>>) target_semaphore(%arg24 : memref<!tpu.dma_semaphore, #tpu.memory_space<semaphore_mem>>)
      %dma_wait3A_1498 = arith.constant 0 : i32
      %dma_wait3A_1499 = arith.constant 0 : i32
      %dma_wait3A_1500 = tpu.memref_slice %arg7[%add3A_1253, %dma_wait3A_1498, %dma_wait3A_1499] : memref<2048x16x1024xf32, #tpu.memory_space<hbm>> -> memref<1x16x1024xf32, #tpu.memory_space<hbm>>
      %dma_wait3A_1501 = tpu.memref_squeeze %dma_wait3A_1500 : memref<1x16x1024xf32, #tpu.memory_space<hbm>> -> memref<16x1024xf32, #tpu.memory_space<hbm>>
      %dma_wait3A_1502 = arith.constant 0 : i32
      %dma_wait3A_1503 = arith.constant 0 : i32
      %dma_wait3A_1504 = tpu.memref_slice %arg7[%add3A_1253, %dma_wait3A_1502, %dma_wait3A_1503] : memref<2048x16x1024xf32, #tpu.memory_space<hbm>> -> memref<1x16x1024xf32, #tpu.memory_space<hbm>>
      %dma_wait3A_1505 = tpu.memref_squeeze %dma_wait3A_1504 : memref<1x16x1024xf32, #tpu.memory_space<hbm>> -> memref<16x1024xf32, #tpu.memory_space<hbm>>
      tpu.wait_dma2 semaphore(%arg23 : memref<!tpu.dma_semaphore, #tpu.memory_space<semaphore_mem>>) src(%dma_wait3A_1505 : memref<16x1024xf32, #tpu.memory_space<hbm>>) dst(%arg14 : memref<16x1024xf32, #tpu.memory_space<vmem>>)
      %dma_wait3A_1506 = arith.constant 0 : i32
      %dma_wait3A_1507 = tpu.memref_slice %arg8[%add3A_1253, %dma_wait3A_1506] : memref<2048x1024xf32, #tpu.memory_space<hbm>> -> memref<1x1024xf32, #tpu.memory_space<hbm>>
      %dma_wait3A_1508 = tpu.memref_squeeze %dma_wait3A_1507 : memref<1x1024xf32, #tpu.memory_space<hbm>> -> memref<1024xf32, #tpu.memory_space<hbm>>
      %dma_wait3A_1509 = arith.constant 0 : i32
      %dma_wait3A_1510 = tpu.memref_slice %arg8[%add3A_1253, %dma_wait3A_1509] : memref<2048x1024xf32, #tpu.memory_space<hbm>> -> memref<1x1024xf32, #tpu.memory_space<hbm>>
      %dma_wait3A_1511 = tpu.memref_squeeze %dma_wait3A_1510 : memref<1x1024xf32, #tpu.memory_space<hbm>> -> memref<1024xf32, #tpu.memory_space<hbm>>
      tpu.wait_dma2 semaphore(%arg24 : memref<!tpu.dma_semaphore, #tpu.memory_space<semaphore_mem>>) src(%dma_wait3A_1511 : memref<1024xf32, #tpu.memory_space<hbm>>) dst(%arg15 : memref<1024xf32, #tpu.memory_space<vmem>>)
      %broadcast_in_dim3A_1512 = arith.constant -3.000000e+38 : f32
      %broadcast_in_dim3A_1513 = vector.broadcast %broadcast_in_dim3A_1512 : f32 to vector<16xf32>
      %scan3A_1514 = arith.constant 0 : i32
      %scan3A_1515 = arith.constant 32 : i32
      %scan3A_1516 = arith.addi %scan3A_1514, %scan3A_1515 : i32
      %scan3A_1517 = arith.constant 1 : i32
      %scan3A_1518 = scf.for %scan3A_1544 = %scan3A_1514 to %scan3A_1516 step %scan3A_1517 iter_args(%scan3A_1545 = %broadcast_in_dim3A_1513) -> (vector<16xf32>)  : i32 {
        %mul3A_1546 = arith.constant 32 : i32
        %mul3A_1547 = arith.muli %scan3A_1544, %mul3A_1546 : i32
        %multiple_of3A = tpu.assume_multiple %mul3A_1547, 16 : i32
        %add3A_1548 = arith.constant 0 : i32
        %add3A_1549 = arith.addi %multiple_of3A, %add3A_1548 : i32
        %get3A = arith.index_cast %add3A_1549 : i32 to index
        %get3A_1550 = tpu.vector_load %arg15[%get3A] {strides = array<i32>} : memref<1024xf32, #tpu.memory_space<vmem>>, vector<16xf32>,
        %get3A_1551 = arith.constant 0 : i32
        %get3A_1552 = arith.index_cast %get3A_1551 : i32 to index
        %get3A_1553 = arith.index_cast %add3A_1549 : i32 to index
        %get3A_1554 = tpu.vector_load %arg14[%get3A_1552, %get3A_1553] {strides = array<i32>} : memref<16x1024xf32, #tpu.memory_space<vmem>>, vector<16xf32>,
        %mul3A_1555 = vector.broadcast %select_n3A : f32 to vector<16xf32>
        %mul3A_1556 = arith.mulf %get3A_1554, %mul3A_1555 : vector<16xf32>
        %add3A_1557 = arith.addf %get3A_1550, %mul3A_1556 : vector<16xf32>
        %get3A_1558 = arith.constant 1 : i32
        %get3A_1559 = arith.index_cast %get3A_1558 : i32 to index
        %get3A_1560 = arith.index_cast %add3A_1549 : i32 to index
        %get3A_1561 = tpu.vector_load %arg14[%get3A_1559, %get3A_1560] {strides = array<i32>} : memref<16x1024xf32, #tpu.memory_space<vmem>>, vector<16xf32>,
        %mul3A_1562 = vector.broadcast %select_n3A_1337 : f32 to vector<16xf32>
        %mul3A_1563 = arith.mulf %get3A_1561, %mul3A_1562 : vector<16xf32>
        %add3A_1564 = arith.addf %add3A_1557, %mul3A_1563 : vector<16xf32>
        %get3A_1565 = arith.constant 2 : i32
        %get3A_1566 = arith.index_cast %get3A_1565 : i32 to index
        %get3A_1567 = arith.index_cast %add3A_1549 : i32 to index
        %get3A_1568 = tpu.vector_load %arg14[%get3A_1566, %get3A_1567] {strides = array<i32>} : memref<16x1024xf32, #tpu.memory_space<vmem>>, vector<16xf32>,
        %mul3A_1569 = vector.broadcast %select_n3A_1348 : f32 to vector<16xf32>
        %mul3A_1570 = arith.mulf %get3A_1568, %mul3A_1569 : vector<16xf32>
        %add3A_1571 = arith.addf %add3A_1564, %mul3A_1570 : vector<16xf32>
        %get3A_1572 = arith.constant 3 : i32
        %get3A_1573 = arith.index_cast %get3A_1572 : i32 to index
        %get3A_1574 = arith.index_cast %add3A_1549 : i32 to index
        %get3A_1575 = tpu.vector_load %arg14[%get3A_1573, %get3A_1574] {strides = array<i32>} : memref<16x1024xf32, #tpu.memory_space<vmem>>, vector<16xf32>,
        %mul3A_1576 = vector.broadcast %select_n3A_1359 : f32 to vector<16xf32>
        %mul3A_1577 = arith.mulf %get3A_1575, %mul3A_1576 : vector<16xf32>
        %add3A_1578 = arith.addf %add3A_1571, %mul3A_1577 : vector<16xf32>
        %get3A_1579 = arith.constant 4 : i32
        %get3A_1580 = arith.index_cast %get3A_1579 : i32 to index
        %get3A_1581 = arith.index_cast %add3A_1549 : i32 to index
        %get3A_1582 = tpu.vector_load %arg14[%get3A_1580, %get3A_1581] {strides = array<i32>} : memref<16x1024xf32, #tpu.memory_space<vmem>>, vector<16xf32>,
        %mul3A_1583 = vector.broadcast %select_n3A_1370 : f32 to vector<16xf32>
        %mul3A_1584 = arith.mulf %get3A_1582, %mul3A_1583 : vector<16xf32>
        %add3A_1585 = arith.addf %add3A_1578, %mul3A_1584 : vector<16xf32>
        %get3A_1586 = arith.constant 5 : i32
        %get3A_1587 = arith.index_cast %get3A_1586 : i32 to index
        %get3A_1588 = arith.index_cast %add3A_1549 : i32 to index
        %get3A_1589 = tpu.vector_load %arg14[%get3A_1587, %get3A_1588] {strides = array<i32>} : memref<16x1024xf32, #tpu.memory_space<vmem>>, vector<16xf32>,
        %mul3A_1590 = vector.broadcast %select_n3A_1381 : f32 to vector<16xf32>
        %mul3A_1591 = arith.mulf %get3A_1589, %mul3A_1590 : vector<16xf32>
        %add3A_1592 = arith.addf %add3A_1585, %mul3A_1591 : vector<16xf32>
        %get3A_1593 = arith.constant 6 : i32
        %get3A_1594 = arith.index_cast %get3A_1593 : i32 to index
        %get3A_1595 = arith.index_cast %add3A_1549 : i32 to index
        %get3A_1596 = tpu.vector_load %arg14[%get3A_1594, %get3A_1595] {strides = array<i32>} : memref<16x1024xf32, #tpu.memory_space<vmem>>, vector<16xf32>,
        %mul3A_1597 = vector.broadcast %select_n3A_1392 : f32 to vector<16xf32>
        %mul3A_1598 = arith.mulf %get3A_1596, %mul3A_1597 : vector<16xf32>
        %add3A_1599 = arith.addf %add3A_1592, %mul3A_1598 : vector<16xf32>
        %get3A_1600 = arith.constant 7 : i32
        %get3A_1601 = arith.index_cast %get3A_1600 : i32 to index
        %get3A_1602 = arith.index_cast %add3A_1549 : i32 to index
        %get3A_1603 = tpu.vector_load %arg14[%get3A_1601, %get3A_1602] {strides = array<i32>} : memref<16x1024xf32, #tpu.memory_space<vmem>>, vector<16xf32>,
        %mul3A_1604 = vector.broadcast %select_n3A_1403 : f32 to vector<16xf32>
        %mul3A_1605 = arith.mulf %get3A_1603, %mul3A_1604 : vector<16xf32>
        %add3A_1606 = arith.addf %add3A_1599, %mul3A_1605 : vector<16xf32>
        %get3A_1607 = arith.constant 8 : i32
        %get3A_1608 = arith.index_cast %get3A_1607 : i32 to index
        %get3A_1609 = arith.index_cast %add3A_1549 : i32 to index
        %get3A_1610 = tpu.vector_load %arg14[%get3A_1608, %get3A_1609] {strides = array<i32>} : memref<16x1024xf32, #tpu.memory_space<vmem>>, vector<16xf32>,
        %mul3A_1611 = vector.broadcast %select_n3A_1414 : f32 to vector<16xf32>
        %mul3A_1612 = arith.mulf %get3A_1610, %mul3A_1611 : vector<16xf32>
        %add3A_1613 = arith.addf %add3A_1606, %mul3A_1612 : vector<16xf32>
        %get3A_1614 = arith.constant 9 : i32
        %get3A_1615 = arith.index_cast %get3A_1614 : i32 to index
        %get3A_1616 = arith.index_cast %add3A_1549 : i32 to index
        %get3A_1617 = tpu.vector_load %arg14[%get3A_1615, %get3A_1616] {strides = array<i32>} : memref<16x1024xf32, #tpu.memory_space<vmem>>, vector<16xf32>,
        %mul3A_1618 = vector.broadcast %select_n3A_1425 : f32 to vector<16xf32>
        %mul3A_1619 = arith.mulf %get3A_1617, %mul3A_1618 : vector<16xf32>
        %add3A_1620 = arith.addf %add3A_1613, %mul3A_1619 : vector<16xf32>
        %get3A_1621 = arith.constant 10 : i32
        %get3A_1622 = arith.index_cast %get3A_1621 : i32 to index
        %get3A_1623 = arith.index_cast %add3A_1549 : i32 to index
        %get3A_1624 = tpu.vector_load %arg14[%get3A_1622, %get3A_1623] {strides = array<i32>} : memref<16x1024xf32, #tpu.memory_space<vmem>>, vector<16xf32>,
        %mul3A_1625 = vector.broadcast %select_n3A_1436 : f32 to vector<16xf32>
        %mul3A_1626 = arith.mulf %get3A_1624, %mul3A_1625 : vector<16xf32>
        %add3A_1627 = arith.addf %add3A_1620, %mul3A_1626 : vector<16xf32>
        %get3A_1628 = arith.constant 11 : i32
        %get3A_1629 = arith.index_cast %get3A_1628 : i32 to index
        %get3A_1630 = arith.index_cast %add3A_1549 : i32 to index
        %get3A_1631 = tpu.vector_load %arg14[%get3A_1629, %get3A_1630] {strides = array<i32>} : memref<16x1024xf32, #tpu.memory_space<vmem>>, vector<16xf32>,
        %mul3A_1632 = vector.broadcast %select_n3A_1447 : f32 to vector<16xf32>
        %mul3A_1633 = arith.mulf %get3A_1631, %mul3A_1632 : vector<16xf32>
        %add3A_1634 = arith.addf %add3A_1627, %mul3A_1633 : vector<16xf32>
        %get3A_1635 = arith.constant 12 : i32
        %get3A_1636 = arith.index_cast %get3A_1635 : i32 to index
        %get3A_1637 = arith.index_cast %add3A_1549 : i32 to index
        %get3A_1638 = tpu.vector_load %arg14[%get3A_1636, %get3A_1637] {strides = array<i32>} : memref<16x1024xf32, #tpu.memory_space<vmem>>, vector<16xf32>,
        %mul3A_1639 = vector.broadcast %select_n3A_1458 : f32 to vector<16xf32>
        %mul3A_1640 = arith.mulf %get3A_1638, %mul3A_1639 : vector<16xf32>
        %add3A_1641 = arith.addf %add3A_1634, %mul3A_1640 : vector<16xf32>
        %get3A_1642 = arith.constant 13 : i32
        %get3A_1643 = arith.index_cast %get3A_1642 : i32 to index
        %get3A_1644 = arith.index_cast %add3A_1549 : i32 to index
        %get3A_1645 = tpu.vector_load %arg14[%get3A_1643, %get3A_1644] {strides = array<i32>} : memref<16x1024xf32, #tpu.memory_space<vmem>>, vector<16xf32>,
        %mul3A_1646 = vector.broadcast %select_n3A_1469 : f32 to vector<16xf32>
        %mul3A_1647 = arith.mulf %get3A_1645, %mul3A_1646 : vector<16xf32>
        %add3A_1648 = arith.addf %add3A_1641, %mul3A_1647 : vector<16xf32>
        %get3A_1649 = arith.constant 14 : i32
        %get3A_1650 = arith.index_cast %get3A_1649 : i32 to index
        %get3A_1651 = arith.index_cast %add3A_1549 : i32 to index
        %get3A_1652 = tpu.vector_load %arg14[%get3A_1650, %get3A_1651] {strides = array<i32>} : memref<16x1024xf32, #tpu.memory_space<vmem>>, vector<16xf32>,
        %mul3A_1653 = vector.broadcast %select_n3A_1480 : f32 to vector<16xf32>
        %mul3A_1654 = arith.mulf %get3A_1652, %mul3A_1653 : vector<16xf32>
        %add3A_1655 = arith.addf %add3A_1648, %mul3A_1654 : vector<16xf32>
        %get3A_1656 = arith.constant 15 : i32
        %get3A_1657 = arith.index_cast %get3A_1656 : i32 to index
        %get3A_1658 = arith.index_cast %add3A_1549 : i32 to index
        %get3A_1659 = tpu.vector_load %arg14[%get3A_1657, %get3A_1658] {strides = array<i32>} : memref<16x1024xf32, #tpu.memory_space<vmem>>, vector<16xf32>,
        %mul3A_1660 = vector.broadcast %select_n3A_1491 : f32 to vector<16xf32>
        %mul3A_1661 = arith.mulf %get3A_1659, %mul3A_1660 : vector<16xf32>
        %add3A_1662 = arith.addf %add3A_1655, %mul3A_1661 : vector<16xf32>
        %swap3A = arith.index_cast %add3A_1549 : i32 to index
        %swap3A_1663 = tpu.vector_load %arg16[%swap3A] {strides = array<i32>} : memref<1024xf32, #tpu.memory_space<vmem>>, vector<16xf32>,
        tpu.vector_store %arg16[%swap3A], %add3A_1662 {strides = array<i32>} : memref<1024xf32, #tpu.memory_space<vmem>>, vector<16xf32>,
        %max3A = arith.maximumf %scan3A_1545, %add3A_1662 : vector<16xf32>
        %add3A_1664 = arith.constant 16 : i32
        %add3A_1665 = arith.addi %multiple_of3A, %add3A_1664 : i32
        %get3A_1666 = arith.index_cast %add3A_1665 : i32 to index
        %get3A_1667 = tpu.vector_load %arg15[%get3A_1666] {strides = array<i32>} : memref<1024xf32, #tpu.memory_space<vmem>>, vector<16xf32>,
        %get3A_1668 = arith.constant 0 : i32
        %get3A_1669 = arith.index_cast %get3A_1668 : i32 to index
        %get3A_1670 = arith.index_cast %add3A_1665 : i32 to index
        %get3A_1671 = tpu.vector_load %arg14[%get3A_1669, %get3A_1670] {strides = array<i32>} : memref<16x1024xf32, #tpu.memory_space<vmem>>, vector<16xf32>,
        %mul3A_1672 = vector.broadcast %select_n3A : f32 to vector<16xf32>
        %mul3A_1673 = arith.mulf %get3A_1671, %mul3A_1672 : vector<16xf32>
        %add3A_1674 = arith.addf %get3A_1667, %mul3A_1673 : vector<16xf32>
        %get3A_1675 = arith.constant 1 : i32
        %get3A_1676 = arith.index_cast %get3A_1675 : i32 to index
        %get3A_1677 = arith.index_cast %add3A_1665 : i32 to index
        %get3A_1678 = tpu.vector_load %arg14[%get3A_1676, %get3A_1677] {strides = array<i32>} : memref<16x1024xf32, #tpu.memory_space<vmem>>, vector<16xf32>,
        %mul3A_1679 = vector.broadcast %select_n3A_1337 : f32 to vector<16xf32>
        %mul3A_1680 = arith.mulf %get3A_1678, %mul3A_1679 : vector<16xf32>
        %add3A_1681 = arith.addf %add3A_1674, %mul3A_1680 : vector<16xf32>
        %get3A_1682 = arith.constant 2 : i32
        %get3A_1683 = arith.index_cast %get3A_1682 : i32 to index
        %get3A_1684 = arith.index_cast %add3A_1665 : i32 to index
        %get3A_1685 = tpu.vector_load %arg14[%get3A_1683, %get3A_1684] {strides = array<i32>} : memref<16x1024xf32, #tpu.memory_space<vmem>>, vector<16xf32>,
        %mul3A_1686 = vector.broadcast %select_n3A_1348 : f32 to vector<16xf32>
        %mul3A_1687 = arith.mulf %get3A_1685, %mul3A_1686 : vector<16xf32>
        %add3A_1688 = arith.addf %add3A_1681, %mul3A_1687 : vector<16xf32>
        %get3A_1689 = arith.constant 3 : i32
        %get3A_1690 = arith.index_cast %get3A_1689 : i32 to index
        %get3A_1691 = arith.index_cast %add3A_1665 : i32 to index
        %get3A_1692 = tpu.vector_load %arg14[%get3A_1690, %get3A_1691] {strides = array<i32>} : memref<16x1024xf32, #tpu.memory_space<vmem>>, vector<16xf32>,
        %mul3A_1693 = vector.broadcast %select_n3A_1359 : f32 to vector<16xf32>
        %mul3A_1694 = arith.mulf %get3A_1692, %mul3A_1693 : vector<16xf32>
        %add3A_1695 = arith.addf %add3A_1688, %mul3A_1694 : vector<16xf32>
        %get3A_1696 = arith.constant 4 : i32
        %get3A_1697 = arith.index_cast %get3A_1696 : i32 to index
        %get3A_1698 = arith.index_cast %add3A_1665 : i32 to index
        %get3A_1699 = tpu.vector_load %arg14[%get3A_1697, %get3A_1698] {strides = array<i32>} : memref<16x1024xf32, #tpu.memory_space<vmem>>, vector<16xf32>,
        %mul3A_1700 = vector.broadcast %select_n3A_1370 : f32 to vector<16xf32>
        %mul3A_1701 = arith.mulf %get3A_1699, %mul3A_1700 : vector<16xf32>
        %add3A_1702 = arith.addf %add3A_1695, %mul3A_1701 : vector<16xf32>
        %get3A_1703 = arith.constant 5 : i32
        %get3A_1704 = arith.index_cast %get3A_1703 : i32 to index
        %get3A_1705 = arith.index_cast %add3A_1665 : i32 to index
        %get3A_1706 = tpu.vector_load %arg14[%get3A_1704, %get3A_1705] {strides = array<i32>} : memref<16x1024xf32, #tpu.memory_space<vmem>>, vector<16xf32>,
        %mul3A_1707 = vector.broadcast %select_n3A_1381 : f32 to vector<16xf32>
        %mul3A_1708 = arith.mulf %get3A_1706, %mul3A_1707 : vector<16xf32>
        %add3A_1709 = arith.addf %add3A_1702, %mul3A_1708 : vector<16xf32>
        %get3A_1710 = arith.constant 6 : i32
        %get3A_1711 = arith.index_cast %get3A_1710 : i32 to index
        %get3A_1712 = arith.index_cast %add3A_1665 : i32 to index
        %get3A_1713 = tpu.vector_load %arg14[%get3A_1711, %get3A_1712] {strides = array<i32>} : memref<16x1024xf32, #tpu.memory_space<vmem>>, vector<16xf32>,
        %mul3A_1714 = vector.broadcast %select_n3A_1392 : f32 to vector<16xf32>
        %mul3A_1715 = arith.mulf %get3A_1713, %mul3A_1714 : vector<16xf32>
        %add3A_1716 = arith.addf %add3A_1709, %mul3A_1715 : vector<16xf32>
        %get3A_1717 = arith.constant 7 : i32
        %get3A_1718 = arith.index_cast %get3A_1717 : i32 to index
        %get3A_1719 = arith.index_cast %add3A_1665 : i32 to index
        %get3A_1720 = tpu.vector_load %arg14[%get3A_1718, %get3A_1719] {strides = array<i32>} : memref<16x1024xf32, #tpu.memory_space<vmem>>, vector<16xf32>,
        %mul3A_1721 = vector.broadcast %select_n3A_1403 : f32 to vector<16xf32>
        %mul3A_1722 = arith.mulf %get3A_1720, %mul3A_1721 : vector<16xf32>
        %add3A_1723 = arith.addf %add3A_1716, %mul3A_1722 : vector<16xf32>
        %get3A_1724 = arith.constant 8 : i32
        %get3A_1725 = arith.index_cast %get3A_1724 : i32 to index
        %get3A_1726 = arith.index_cast %add3A_1665 : i32 to index
        %get3A_1727 = tpu.vector_load %arg14[%get3A_1725, %get3A_1726] {strides = array<i32>} : memref<16x1024xf32, #tpu.memory_space<vmem>>, vector<16xf32>,
        %mul3A_1728 = vector.broadcast %select_n3A_1414 : f32 to vector<16xf32>
        %mul3A_1729 = arith.mulf %get3A_1727, %mul3A_1728 : vector<16xf32>
        %add3A_1730 = arith.addf %add3A_1723, %mul3A_1729 : vector<16xf32>
        %get3A_1731 = arith.constant 9 : i32
        %get3A_1732 = arith.index_cast %get3A_1731 : i32 to index
        %get3A_1733 = arith.index_cast %add3A_1665 : i32 to index
        %get3A_1734 = tpu.vector_load %arg14[%get3A_1732, %get3A_1733] {strides = array<i32>} : memref<16x1024xf32, #tpu.memory_space<vmem>>, vector<16xf32>,
        %mul3A_1735 = vector.broadcast %select_n3A_1425 : f32 to vector<16xf32>
        %mul3A_1736 = arith.mulf %get3A_1734, %mul3A_1735 : vector<16xf32>
        %add3A_1737 = arith.addf %add3A_1730, %mul3A_1736 : vector<16xf32>
        %get3A_1738 = arith.constant 10 : i32
        %get3A_1739 = arith.index_cast %get3A_1738 : i32 to index
        %get3A_1740 = arith.index_cast %add3A_1665 : i32 to index
        %get3A_1741 = tpu.vector_load %arg14[%get3A_1739, %get3A_1740] {strides = array<i32>} : memref<16x1024xf32, #tpu.memory_space<vmem>>, vector<16xf32>,
        %mul3A_1742 = vector.broadcast %select_n3A_1436 : f32 to vector<16xf32>
        %mul3A_1743 = arith.mulf %get3A_1741, %mul3A_1742 : vector<16xf32>
        %add3A_1744 = arith.addf %add3A_1737, %mul3A_1743 : vector<16xf32>
        %get3A_1745 = arith.constant 11 : i32
        %get3A_1746 = arith.index_cast %get3A_1745 : i32 to index
        %get3A_1747 = arith.index_cast %add3A_1665 : i32 to index
        %get3A_1748 = tpu.vector_load %arg14[%get3A_1746, %get3A_1747] {strides = array<i32>} : memref<16x1024xf32, #tpu.memory_space<vmem>>, vector<16xf32>,
        %mul3A_1749 = vector.broadcast %select_n3A_1447 : f32 to vector<16xf32>
        %mul3A_1750 = arith.mulf %get3A_1748, %mul3A_1749 : vector<16xf32>
        %add3A_1751 = arith.addf %add3A_1744, %mul3A_1750 : vector<16xf32>
        %get3A_1752 = arith.constant 12 : i32
        %get3A_1753 = arith.index_cast %get3A_1752 : i32 to index
        %get3A_1754 = arith.index_cast %add3A_1665 : i32 to index
        %get3A_1755 = tpu.vector_load %arg14[%get3A_1753, %get3A_1754] {strides = array<i32>} : memref<16x1024xf32, #tpu.memory_space<vmem>>, vector<16xf32>,
        %mul3A_1756 = vector.broadcast %select_n3A_1458 : f32 to vector<16xf32>
        %mul3A_1757 = arith.mulf %get3A_1755, %mul3A_1756 : vector<16xf32>
        %add3A_1758 = arith.addf %add3A_1751, %mul3A_1757 : vector<16xf32>
        %get3A_1759 = arith.constant 13 : i32
        %get3A_1760 = arith.index_cast %get3A_1759 : i32 to index
        %get3A_1761 = arith.index_cast %add3A_1665 : i32 to index
        %get3A_1762 = tpu.vector_load %arg14[%get3A_1760, %get3A_1761] {strides = array<i32>} : memref<16x1024xf32, #tpu.memory_space<vmem>>, vector<16xf32>,
        %mul3A_1763 = vector.broadcast %select_n3A_1469 : f32 to vector<16xf32>
        %mul3A_1764 = arith.mulf %get3A_1762, %mul3A_1763 : vector<16xf32>
        %add3A_1765 = arith.addf %add3A_1758, %mul3A_1764 : vector<16xf32>
        %get3A_1766 = arith.constant 14 : i32
        %get3A_1767 = arith.index_cast %get3A_1766 : i32 to index
        %get3A_1768 = arith.index_cast %add3A_1665 : i32 to index
        %get3A_1769 = tpu.vector_load %arg14[%get3A_1767, %get3A_1768] {strides = array<i32>} : memref<16x1024xf32, #tpu.memory_space<vmem>>, vector<16xf32>,
        %mul3A_1770 = vector.broadcast %select_n3A_1480 : f32 to vector<16xf32>
        %mul3A_1771 = arith.mulf %get3A_1769, %mul3A_1770 : vector<16xf32>
        %add3A_1772 = arith.addf %add3A_1765, %mul3A_1771 : vector<16xf32>
        %get3A_1773 = arith.constant 15 : i32
        %get3A_1774 = arith.index_cast %get3A_1773 : i32 to index
        %get3A_1775 = arith.index_cast %add3A_1665 : i32 to index
        %get3A_1776 = tpu.vector_load %arg14[%get3A_1774, %get3A_1775] {strides = array<i32>} : memref<16x1024xf32, #tpu.memory_space<vmem>>, vector<16xf32>,
        %mul3A_1777 = vector.broadcast %select_n3A_1491 : f32 to vector<16xf32>
        %mul3A_1778 = arith.mulf %get3A_1776, %mul3A_1777 : vector<16xf32>
        %add3A_1779 = arith.addf %add3A_1772, %mul3A_1778 : vector<16xf32>
        %swap3A_1780 = arith.index_cast %add3A_1665 : i32 to index
        %swap3A_1781 = tpu.vector_load %arg16[%swap3A_1780] {strides = array<i32>} : memref<1024xf32, #tpu.memory_space<vmem>>, vector<16xf32>,
        tpu.vector_store %arg16[%swap3A_1780], %add3A_1779 {strides = array<i32>} : memref<1024xf32, #tpu.memory_space<vmem>>, vector<16xf32>,
        %max3A_1782 = arith.maximumf %max3A, %add3A_1779 : vector<16xf32>
        scf.yield %max3A_1782 : vector<16xf32>
      }
      %scan3A_1519 = arith.constant 32 : i32
      %reduce_max3A = arith.constant true
      %reduce_max3A_1520 = vector.broadcast %reduce_max3A : i1 to vector<16xi1>
      %reduce_max3A_1521 = tpu.scan <max>, %scan3A_1518 masked %reduce_max3A_1520 : vector<16xf32>, vector<16xi1> -> vector<16xf32>
      %reduce_max3A_1522 = vector.extract %reduce_max3A_1521[15] : f32 from vector<16xf32>
      %broadcast_in_dim3A_1523 = arith.constant 0.000000e+00 : f32
      %broadcast_in_dim3A_1524 = vector.broadcast %broadcast_in_dim3A_1523 : f32 to vector<16xf32>
      %scan3A_1525 = arith.constant 0 : i32
      %scan3A_1526 = arith.constant 8 : i32
      %scan3A_1527 = arith.addi %scan3A_1525, %scan3A_1526 : i32
      %scan3A_1528 = arith.constant 1 : i32
      %scan3A_1529 = scf.for %scan3A_1544 = %scan3A_1525 to %scan3A_1527 step %scan3A_1528 iter_args(%scan3A_1545 = %broadcast_in_dim3A_1524) -> (vector<16xf32>)  : i32 {
        %mul3A_1546 = arith.constant 128 : i32
        %mul3A_1547 = arith.muli %scan3A_1544, %mul3A_1546 : i32
        %multiple_of3A = tpu.assume_multiple %mul3A_1547, 16 : i32
        %add3A_1548 = arith.constant 0 : i32
        %add3A_1549 = arith.addi %multiple_of3A, %add3A_1548 : i32
        %get3A = arith.index_cast %add3A_1549 : i32 to index
        %get3A_1550 = tpu.vector_load %arg16[%get3A] {strides = array<i32>} : memref<1024xf32, #tpu.memory_space<vmem>>, vector<16xf32>,
        %sub3A = vector.broadcast %reduce_max3A_1522 : f32 to vector<16xf32>
        %sub3A_1551 = arith.subf %get3A_1550, %sub3A : vector<16xf32>
        %exp3A = math.exp %sub3A_1551 : vector<16xf32>
        %swap3A = arith.index_cast %add3A_1549 : i32 to index
        %swap3A_1552 = tpu.vector_load %arg17[%swap3A] {strides = array<i32>} : memref<1024xf32, #tpu.memory_space<vmem>>, vector<16xf32>,
        tpu.vector_store %arg17[%swap3A], %exp3A {strides = array<i32>} : memref<1024xf32, #tpu.memory_space<vmem>>, vector<16xf32>,
        %add3A_1553 = arith.addf %scan3A_1545, %exp3A : vector<16xf32>
        %add3A_1554 = arith.constant 16 : i32
        %add3A_1555 = arith.addi %multiple_of3A, %add3A_1554 : i32
        %get3A_1556 = arith.index_cast %add3A_1555 : i32 to index
        %get3A_1557 = tpu.vector_load %arg16[%get3A_1556] {strides = array<i32>} : memref<1024xf32, #tpu.memory_space<vmem>>, vector<16xf32>,
        %sub3A_1558 = vector.broadcast %reduce_max3A_1522 : f32 to vector<16xf32>
        %sub3A_1559 = arith.subf %get3A_1557, %sub3A_1558 : vector<16xf32>
        %exp3A_1560 = math.exp %sub3A_1559 : vector<16xf32>
        %swap3A_1561 = arith.index_cast %add3A_1555 : i32 to index
        %swap3A_1562 = tpu.vector_load %arg17[%swap3A_1561] {strides = array<i32>} : memref<1024xf32, #tpu.memory_space<vmem>>, vector<16xf32>,
        tpu.vector_store %arg17[%swap3A_1561], %exp3A_1560 {strides = array<i32>} : memref<1024xf32, #tpu.memory_space<vmem>>, vector<16xf32>,
        %add3A_1563 = arith.addf %add3A_1553, %exp3A_1560 : vector<16xf32>
        %add3A_1564 = arith.constant 32 : i32
        %add3A_1565 = arith.addi %multiple_of3A, %add3A_1564 : i32
        %get3A_1566 = arith.index_cast %add3A_1565 : i32 to index
        %get3A_1567 = tpu.vector_load %arg16[%get3A_1566] {strides = array<i32>} : memref<1024xf32, #tpu.memory_space<vmem>>, vector<16xf32>,
        %sub3A_1568 = vector.broadcast %reduce_max3A_1522 : f32 to vector<16xf32>
        %sub3A_1569 = arith.subf %get3A_1567, %sub3A_1568 : vector<16xf32>
        %exp3A_1570 = math.exp %sub3A_1569 : vector<16xf32>
        %swap3A_1571 = arith.index_cast %add3A_1565 : i32 to index
        %swap3A_1572 = tpu.vector_load %arg17[%swap3A_1571] {strides = array<i32>} : memref<1024xf32, #tpu.memory_space<vmem>>, vector<16xf32>,
        tpu.vector_store %arg17[%swap3A_1571], %exp3A_1570 {strides = array<i32>} : memref<1024xf32, #tpu.memory_space<vmem>>, vector<16xf32>,
        %add3A_1573 = arith.addf %add3A_1563, %exp3A_1570 : vector<16xf32>
        %add3A_1574 = arith.constant 48 : i32
        %add3A_1575 = arith.addi %multiple_of3A, %add3A_1574 : i32
        %get3A_1576 = arith.index_cast %add3A_1575 : i32 to index
        %get3A_1577 = tpu.vector_load %arg16[%get3A_1576] {strides = array<i32>} : memref<1024xf32, #tpu.memory_space<vmem>>, vector<16xf32>,
        %sub3A_1578 = vector.broadcast %reduce_max3A_1522 : f32 to vector<16xf32>
        %sub3A_1579 = arith.subf %get3A_1577, %sub3A_1578 : vector<16xf32>
        %exp3A_1580 = math.exp %sub3A_1579 : vector<16xf32>
        %swap3A_1581 = arith.index_cast %add3A_1575 : i32 to index
        %swap3A_1582 = tpu.vector_load %arg17[%swap3A_1581] {strides = array<i32>} : memref<1024xf32, #tpu.memory_space<vmem>>, vector<16xf32>,
        tpu.vector_store %arg17[%swap3A_1581], %exp3A_1580 {strides = array<i32>} : memref<1024xf32, #tpu.memory_space<vmem>>, vector<16xf32>,
        %add3A_1583 = arith.addf %add3A_1573, %exp3A_1580 : vector<16xf32>
        %add3A_1584 = arith.constant 64 : i32
        %add3A_1585 = arith.addi %multiple_of3A, %add3A_1584 : i32
        %get3A_1586 = arith.index_cast %add3A_1585 : i32 to index
        %get3A_1587 = tpu.vector_load %arg16[%get3A_1586] {strides = array<i32>} : memref<1024xf32, #tpu.memory_space<vmem>>, vector<16xf32>,
        %sub3A_1588 = vector.broadcast %reduce_max3A_1522 : f32 to vector<16xf32>
        %sub3A_1589 = arith.subf %get3A_1587, %sub3A_1588 : vector<16xf32>
        %exp3A_1590 = math.exp %sub3A_1589 : vector<16xf32>
        %swap3A_1591 = arith.index_cast %add3A_1585 : i32 to index
        %swap3A_1592 = tpu.vector_load %arg17[%swap3A_1591] {strides = array<i32>} : memref<1024xf32, #tpu.memory_space<vmem>>, vector<16xf32>,
        tpu.vector_store %arg17[%swap3A_1591], %exp3A_1590 {strides = array<i32>} : memref<1024xf32, #tpu.memory_space<vmem>>, vector<16xf32>,
        %add3A_1593 = arith.addf %add3A_1583, %exp3A_1590 : vector<16xf32>
        %add3A_1594 = arith.constant 80 : i32
        %add3A_1595 = arith.addi %multiple_of3A, %add3A_1594 : i32
        %get3A_1596 = arith.index_cast %add3A_1595 : i32 to index
        %get3A_1597 = tpu.vector_load %arg16[%get3A_1596] {strides = array<i32>} : memref<1024xf32, #tpu.memory_space<vmem>>, vector<16xf32>,
        %sub3A_1598 = vector.broadcast %reduce_max3A_1522 : f32 to vector<16xf32>
        %sub3A_1599 = arith.subf %get3A_1597, %sub3A_1598 : vector<16xf32>
        %exp3A_1600 = math.exp %sub3A_1599 : vector<16xf32>
        %swap3A_1601 = arith.index_cast %add3A_1595 : i32 to index
        %swap3A_1602 = tpu.vector_load %arg17[%swap3A_1601] {strides = array<i32>} : memref<1024xf32, #tpu.memory_space<vmem>>, vector<16xf32>,
        tpu.vector_store %arg17[%swap3A_1601], %exp3A_1600 {strides = array<i32>} : memref<1024xf32, #tpu.memory_space<vmem>>, vector<16xf32>,
        %add3A_1603 = arith.addf %add3A_1593, %exp3A_1600 : vector<16xf32>
        %add3A_1604 = arith.constant 96 : i32
        %add3A_1605 = arith.addi %multiple_of3A, %add3A_1604 : i32
        %get3A_1606 = arith.index_cast %add3A_1605 : i32 to index
        %get3A_1607 = tpu.vector_load %arg16[%get3A_1606] {strides = array<i32>} : memref<1024xf32, #tpu.memory_space<vmem>>, vector<16xf32>,
        %sub3A_1608 = vector.broadcast %reduce_max3A_1522 : f32 to vector<16xf32>
        %sub3A_1609 = arith.subf %get3A_1607, %sub3A_1608 : vector<16xf32>
        %exp3A_1610 = math.exp %sub3A_1609 : vector<16xf32>
        %swap3A_1611 = arith.index_cast %add3A_1605 : i32 to index
        %swap3A_1612 = tpu.vector_load %arg17[%swap3A_1611] {strides = array<i32>} : memref<1024xf32, #tpu.memory_space<vmem>>, vector<16xf32>,
        tpu.vector_store %arg17[%swap3A_1611], %exp3A_1610 {strides = array<i32>} : memref<1024xf32, #tpu.memory_space<vmem>>, vector<16xf32>,
        %add3A_1613 = arith.addf %add3A_1603, %exp3A_1610 : vector<16xf32>
        %add3A_1614 = arith.constant 112 : i32
        %add3A_1615 = arith.addi %multiple_of3A, %add3A_1614 : i32
        %get3A_1616 = arith.index_cast %add3A_1615 : i32 to index
        %get3A_1617 = tpu.vector_load %arg16[%get3A_1616] {strides = array<i32>} : memref<1024xf32, #tpu.memory_space<vmem>>, vector<16xf32>,
        %sub3A_1618 = vector.broadcast %reduce_max3A_1522 : f32 to vector<16xf32>
        %sub3A_1619 = arith.subf %get3A_1617, %sub3A_1618 : vector<16xf32>
        %exp3A_1620 = math.exp %sub3A_1619 : vector<16xf32>
        %swap3A_1621 = arith.index_cast %add3A_1615 : i32 to index
        %swap3A_1622 = tpu.vector_load %arg17[%swap3A_1621] {strides = array<i32>} : memref<1024xf32, #tpu.memory_space<vmem>>, vector<16xf32>,
        tpu.vector_store %arg17[%swap3A_1621], %exp3A_1620 {strides = array<i32>} : memref<1024xf32, #tpu.memory_space<vmem>>, vector<16xf32>,
        %add3A_1623 = arith.addf %add3A_1613, %exp3A_1620 : vector<16xf32>
        scf.yield %add3A_1623 : vector<16xf32>
      }
      %scan3A_1530 = arith.constant 8 : i32
      %reduce_sum3A_1531 = arith.constant true
      %reduce_sum3A_1532 = vector.broadcast %reduce_sum3A_1531 : i1 to vector<16xi1>
      %reduce_sum3A_1533 = tpu.scan <sum>, %scan3A_1529 masked %reduce_sum3A_1532 : vector<16xf32>, vector<16xi1> -> vector<16xf32>
      %reduce_sum3A_1534 = vector.extract %reduce_sum3A_1533[15] : f32 from vector<16xf32>
      %broadcast_in_dim3A_1535 = arith.constant 1.000000e+00 : f32
      %broadcast_in_dim3A_1536 = vector.broadcast %broadcast_in_dim3A_1535 : f32 to vector<16xf32>
      %broadcast_in_dim3A_1537 = vector.broadcast %reduce_sum3A_1534 : f32 to vector<16xf32>
      %div3A = arith.divf %broadcast_in_dim3A_1536, %broadcast_in_dim3A_1537 : vector<16xf32>
      %scan3A_1538 = arith.constant 0 : i32
      %scan3A_1539 = arith.constant 0 : i32
      %scan3A_1540 = arith.constant 8 : i32
      %scan3A_1541 = arith.addi %scan3A_1539, %scan3A_1540 : i32
      %scan3A_1542 = arith.constant 1 : i32
      scf.for %scan3A_1544 = %scan3A_1539 to %scan3A_1541 step %scan3A_1542  : i32 {
        %mul3A_1545 = arith.constant 128 : i32
        %mul3A_1546 = arith.muli %scan3A_1544, %mul3A_1545 : i32
        %multiple_of3A = tpu.assume_multiple %mul3A_1546, 16 : i32
        %add3A_1547 = arith.constant 0 : i32
        %add3A_1548 = arith.addi %multiple_of3A, %add3A_1547 : i32
        %get3A = arith.index_cast %add3A_1548 : i32 to index
        %get3A_1549 = tpu.vector_load %arg17[%get3A] {strides = array<i32>} : memref<1024xf32, #tpu.memory_space<vmem>>, vector<16xf32>,
        %mul3A_1550 = arith.mulf %get3A_1549, %div3A : vector<16xf32>
        %swap3A = arith.index_cast %add3A_1548 : i32 to index
        %swap3A_1551 = tpu.vector_load %arg17[%swap3A] {strides = array<i32>} : memref<1024xf32, #tpu.memory_space<vmem>>, vector<16xf32>,
        tpu.vector_store %arg17[%swap3A], %mul3A_1550 {strides = array<i32>} : memref<1024xf32, #tpu.memory_space<vmem>>, vector<16xf32>,
        %add3A_1552 = arith.constant 16 : i32
        %add3A_1553 = arith.addi %multiple_of3A, %add3A_1552 : i32
        %get3A_1554 = arith.index_cast %add3A_1553 : i32 to index
        %get3A_1555 = tpu.vector_load %arg17[%get3A_1554] {strides = array<i32>} : memref<1024xf32, #tpu.memory_space<vmem>>, vector<16xf32>,
        %mul3A_1556 = arith.mulf %get3A_1555, %div3A : vector<16xf32>
        %swap3A_1557 = arith.index_cast %add3A_1553 : i32 to index
        %swap3A_1558 = tpu.vector_load %arg17[%swap3A_1557] {strides = array<i32>} : memref<1024xf32, #tpu.memory_space<vmem>>, vector<16xf32>,
        tpu.vector_store %arg17[%swap3A_1557], %mul3A_1556 {strides = array<i32>} : memref<1024xf32, #tpu.memory_space<vmem>>, vector<16xf32>,
        %add3A_1559 = arith.constant 32 : i32
        %add3A_1560 = arith.addi %multiple_of3A, %add3A_1559 : i32
        %get3A_1561 = arith.index_cast %add3A_1560 : i32 to index
        %get3A_1562 = tpu.vector_load %arg17[%get3A_1561] {strides = array<i32>} : memref<1024xf32, #tpu.memory_space<vmem>>, vector<16xf32>,
        %mul3A_1563 = arith.mulf %get3A_1562, %div3A : vector<16xf32>
        %swap3A_1564 = arith.index_cast %add3A_1560 : i32 to index
        %swap3A_1565 = tpu.vector_load %arg17[%swap3A_1564] {strides = array<i32>} : memref<1024xf32, #tpu.memory_space<vmem>>, vector<16xf32>,
        tpu.vector_store %arg17[%swap3A_1564], %mul3A_1563 {strides = array<i32>} : memref<1024xf32, #tpu.memory_space<vmem>>, vector<16xf32>,
        %add3A_1566 = arith.constant 48 : i32
        %add3A_1567 = arith.addi %multiple_of3A, %add3A_1566 : i32
        %get3A_1568 = arith.index_cast %add3A_1567 : i32 to index
        %get3A_1569 = tpu.vector_load %arg17[%get3A_1568] {strides = array<i32>} : memref<1024xf32, #tpu.memory_space<vmem>>, vector<16xf32>,
        %mul3A_1570 = arith.mulf %get3A_1569, %div3A : vector<16xf32>
        %swap3A_1571 = arith.index_cast %add3A_1567 : i32 to index
        %swap3A_1572 = tpu.vector_load %arg17[%swap3A_1571] {strides = array<i32>} : memref<1024xf32, #tpu.memory_space<vmem>>, vector<16xf32>,
        tpu.vector_store %arg17[%swap3A_1571], %mul3A_1570 {strides = array<i32>} : memref<1024xf32, #tpu.memory_space<vmem>>, vector<16xf32>,
        %add3A_1573 = arith.constant 64 : i32
        %add3A_1574 = arith.addi %multiple_of3A, %add3A_1573 : i32
        %get3A_1575 = arith.index_cast %add3A_1574 : i32 to index
        %get3A_1576 = tpu.vector_load %arg17[%get3A_1575] {strides = array<i32>} : memref<1024xf32, #tpu.memory_space<vmem>>, vector<16xf32>,
        %mul3A_1577 = arith.mulf %get3A_1576, %div3A : vector<16xf32>
        %swap3A_1578 = arith.index_cast %add3A_1574 : i32 to index
        %swap3A_1579 = tpu.vector_load %arg17[%swap3A_1578] {strides = array<i32>} : memref<1024xf32, #tpu.memory_space<vmem>>, vector<16xf32>,
        tpu.vector_store %arg17[%swap3A_1578], %mul3A_1577 {strides = array<i32>} : memref<1024xf32, #tpu.memory_space<vmem>>, vector<16xf32>,
        %add3A_1580 = arith.constant 80 : i32
        %add3A_1581 = arith.addi %multiple_of3A, %add3A_1580 : i32
        %get3A_1582 = arith.index_cast %add3A_1581 : i32 to index
        %get3A_1583 = tpu.vector_load %arg17[%get3A_1582] {strides = array<i32>} : memref<1024xf32, #tpu.memory_space<vmem>>, vector<16xf32>,
        %mul3A_1584 = arith.mulf %get3A_1583, %div3A : vector<16xf32>
        %swap3A_1585 = arith.index_cast %add3A_1581 : i32 to index
        %swap3A_1586 = tpu.vector_load %arg17[%swap3A_1585] {strides = array<i32>} : memref<1024xf32, #tpu.memory_space<vmem>>, vector<16xf32>,
        tpu.vector_store %arg17[%swap3A_1585], %mul3A_1584 {strides = array<i32>} : memref<1024xf32, #tpu.memory_space<vmem>>, vector<16xf32>,
        %add3A_1587 = arith.constant 96 : i32
        %add3A_1588 = arith.addi %multiple_of3A, %add3A_1587 : i32
        %get3A_1589 = arith.index_cast %add3A_1588 : i32 to index
        %get3A_1590 = tpu.vector_load %arg17[%get3A_1589] {strides = array<i32>} : memref<1024xf32, #tpu.memory_space<vmem>>, vector<16xf32>,
        %mul3A_1591 = arith.mulf %get3A_1590, %div3A : vector<16xf32>
        %swap3A_1592 = arith.index_cast %add3A_1588 : i32 to index
        %swap3A_1593 = tpu.vector_load %arg17[%swap3A_1592] {strides = array<i32>} : memref<1024xf32, #tpu.memory_space<vmem>>, vector<16xf32>,
        tpu.vector_store %arg17[%swap3A_1592], %mul3A_1591 {strides = array<i32>} : memref<1024xf32, #tpu.memory_space<vmem>>, vector<16xf32>,
        %add3A_1594 = arith.constant 112 : i32
        %add3A_1595 = arith.addi %multiple_of3A, %add3A_1594 : i32
        %get3A_1596 = arith.index_cast %add3A_1595 : i32 to index
        %get3A_1597 = tpu.vector_load %arg17[%get3A_1596] {strides = array<i32>} : memref<1024xf32, #tpu.memory_space<vmem>>, vector<16xf32>,
        %mul3A_1598 = arith.mulf %get3A_1597, %div3A : vector<16xf32>
        %swap3A_1599 = arith.index_cast %add3A_1595 : i32 to index
        %swap3A_1600 = tpu.vector_load %arg17[%swap3A_1599] {strides = array<i32>} : memref<1024xf32, #tpu.memory_space<vmem>>, vector<16xf32>,
        tpu.vector_store %arg17[%swap3A_1599], %mul3A_1598 {strides = array<i32>} : memref<1024xf32, #tpu.memory_space<vmem>>, vector<16xf32>,
      }
      %scan3A_1543 = arith.constant 8 : i32
      "tpu.region"() ({
        %run_scoped3A = tpu.sem_alloc : memref<!tpu.dma_semaphore, #tpu.memory_space<semaphore_mem>>
        %dma_start3A_1544 = arith.constant 0 : i32
        %dma_start3A_1545 = tpu.memref_slice %arg9[%arg1, %dma_start3A_1544] : memref<8x1024xf32, #tpu.memory_space<hbm>> -> memref<1x1024xf32, #tpu.memory_space<hbm>>
        %dma_start3A_1546 = tpu.memref_squeeze %dma_start3A_1545 : memref<1x1024xf32, #tpu.memory_space<hbm>> -> memref<1024xf32, #tpu.memory_space<hbm>>
        %dma_start3A_1547 = arith.constant 0 : i32
        %dma_start3A_1548 = tpu.memref_slice %arg9[%arg1, %dma_start3A_1547] : memref<8x1024xf32, #tpu.memory_space<hbm>> -> memref<1x1024xf32, #tpu.memory_space<hbm>>
        %dma_start3A_1549 = tpu.memref_squeeze %dma_start3A_1548 : memref<1x1024xf32, #tpu.memory_space<hbm>> -> memref<1024xf32, #tpu.memory_space<hbm>>
        tpu.enqueue_dma source(%arg17 : memref<1024xf32, #tpu.memory_space<vmem>>) target(%dma_start3A_1549 : memref<1024xf32, #tpu.memory_space<hbm>>) target_semaphore(%run_scoped3A : memref<!tpu.dma_semaphore, #tpu.memory_space<semaphore_mem>>)
        %dma_wait3A_1550 = arith.constant 0 : i32
        %dma_wait3A_1551 = tpu.memref_slice %arg9[%arg1, %dma_wait3A_1550] : memref<8x1024xf32, #tpu.memory_space<hbm>> -> memref<1x1024xf32, #tpu.memory_space<hbm>>
        %dma_wait3A_1552 = tpu.memref_squeeze %dma_wait3A_1551 : memref<1x1024xf32, #tpu.memory_space<hbm>> -> memref<1024xf32, #tpu.memory_space<hbm>>
        %dma_wait3A_1553 = arith.constant 0 : i32
        %dma_wait3A_1554 = tpu.memref_slice %arg9[%arg1, %dma_wait3A_1553] : memref<8x1024xf32, #tpu.memory_space<hbm>> -> memref<1x1024xf32, #tpu.memory_space<hbm>>
        %dma_wait3A_1555 = tpu.memref_squeeze %dma_wait3A_1554 : memref<1x1024xf32, #tpu.memory_space<hbm>> -> memref<1024xf32, #tpu.memory_space<hbm>>
        tpu.wait_dma2 semaphore(%run_scoped3A : memref<!tpu.dma_semaphore, #tpu.memory_space<semaphore_mem>>) src(%arg17 : memref<1024xf32, #tpu.memory_space<vmem>>) dst(%dma_wait3A_1555 : memref<1024xf32, #tpu.memory_space<hbm>>)
        tpu.yield
      }) : () -> ()
    } else {
    }
    return
  }
}

</mosaic_0001>

<sc_bundles>
// kernel: kernel.3.cloned.1.call-start
scs
__scs_entry_jumppad:
0x0: {  	(pc) =	sbr.rel $0x88, $3  }
0x1: {  	(tag) =	ssettag $0x0;
	lr =	simm.s32 $0x1  }
0x2: {  	[smem:$0x3F9A] =	sst lr;
	_ =	strace $0xD0000000  }
0x3: {  	_ = 	snop  }
0x4: {  	_ = 	snop  }
0x5: {  	_ = 	snop  }
0x6: {  	_ = 	snop  }
0x7: {  	_ = 	snop  }
__scs_overlays_trampoline_lowered:
0x8: {  	[smem:$0x3FA9] =	sst s0  }
0x9: {  	[smem:$0x3FAA] =	sst s1  }
0xa: {  	[smem:$0x3FAB] =	sst s2  }
0xb: {  	[smem:$0x3FAC] =	sst s3  }
0xc: {  	[smem:$0x3FAD] =	sst s4  }
0xd: {  	[smem:$0x3FAE] =	sst s5  }
0xe: {  	[smem:$0x3FAF] =	sst s6  }
0xf: {  	[smem:$0x3FB0] =	sst s7  }
0x10: {  	[smem:$0x3FB1] =	sst s8  }
0x11: {  	[smem:$0x3FB2] =	sst s9;
	s0 =	simm.s32 @!p0 $0x0  }
0x12: {  	s1 =	sld [smem:$0x3F98];
	s0 =	simm.s32 @p0 $0x1  }
0x13: {  	[smem:$0x3FB3] =	sst s0;
	s0 =	simm.s32 @!p1 $0x0  }
0x14: {  	s2 =	sld [smem:$0x3F97];
	s0 =	simm.s32 @p1 $0x1  }
0x15: {  	[smem:$0x3FB4] =	sst s0;
	s0 =	simm.s32 @!p2 $0x0  }
0x16: {  	s3 =	sld [smem:$0x3FDB];
	s0 =	simm.s32 @p2 $0x1  }
0x17: {  	s4 =	simm.s32 $0x1BF5;
	[smem:$0x3FB6] =	sst s0  }
0x18: {  	s0 =	sld [smem:$0x3F99];
	_ =	swait.ge [sflag:s4], $0x0  }
0x19: {  	s7 =	sld [smem:$0x3F9A]  }
0x1a: {  	s8 =	sadd.s32 $0xFFFFE003, lr  }
0x1b: {  	s9 =	sadd.s32 $0xFFFFFEF7, lr;
	s5 =	simm.s32 $0xFFFFFFFF;
	p2 =	slt.u32 s8, $0xFFFFF086  }
0x1c: {  	p1 =	slt.u32 s9, $0xF7A;
	s5 =	simm.s32 @!p2 $0x0  }
0x1d: {  	s5 =	simm.s32 @p1 $0x1;
	p0 =	seq.s32 s7, s2  }
0x1e: {  	s7 =	smul.u32 @!p0 $0xF7A, s2;
	p2 =	seq.s32 @!p0 s5, $0x0  }
0x1f: {  	s9 =	smul.u32 $0xF7A, s1;
	s8 =	simm.s32 @!p0 $0x1BF5;
	p2 =	por !p2, p0  }
0x20: {  	[sflag:s8] =	ssyncset.s32 @!p0 $0xFFFFF086;
	s6 =	sadd.s32 @!p0 s3, s7;
	s7 =	simm.s32 @!p0 $0x108  }
0x21: {  	s3 =	sadd.s32 s3, s9;
	s6 =	sadd.s32 @!p0 $0x88, s6;
	s7 =	simm.s32 @p2 $0x1082  }
0x22: {  	[simem:s7], [sflag:s8] =	dma.local @!p0 [hbm:s6], $0xF7A  }
0x23: {  	s9 =	sor.u32 $0xD0000000, s2;
	s6 =	simm.s32 $0x108;
	_ =	swait.ge @!p0 [sflag:s8], $0x0  }
0x24: {  	s3 =	sadd.s32 $0x88, s3;
	s6 =	simm.s32 @!p1 $0x1082;
	[sflag:s4] =	ssyncset.s32 $0xFFFFF086  }
0x25: {  	[simem:s6], [sflag:s4] =	dma.local [hbm:s3], $0xF7A  }
0x26: {  	[smem:$0x3F9A] =	sst s1;
	(tag) =	ssettag s2;
	_ =	strace s9  }
0x27: {  	s1 =	sld [smem:$0x3FAA]  }
0x28: {  	s2 =	sld [smem:$0x3FAB]  }
0x29: {  	s4 =	sld [smem:$0x3FAD]  }
0x2a: {  	p0 =	seq.s32 s5, $0x0;
	s5 =	sld [smem:$0x3FAE]  }
0x2b: {  	s6 =	sld [smem:$0x3FAF]  }
0x2c: {  	s7 =	sld [smem:$0x3FB0]  }
0x2d: {  	s3 =	simm.s32 $0x108;
	s8 =	sld [smem:$0x3FB1]  }
0x2e: {  	s3 =	simm.s32 @!p0 $0x1082;
	s9 =	sld [smem:$0x3FB2]  }
0x2f: {  	lr =	sadd.s32 s0, s3;
	s0 =	sld [smem:$0x3FA9]  }
0x30: {  	s3 =	sld [smem:$0x3FAC]  }
0x31: {  	[smem:$0x3FB5] =	sst s10  }
0x32: {  	s10 =	sld [smem:$0x3FB3];
	_ =	sdelay $0x3  }
0x33: {  	p0 =	seq.s32 s10, $0x1;
	s10 =	sld [smem:$0x3FB5];
	_ =	sdelay $0x3  }
0x34: {  	[smem:$0x3FB5] =	sst s10  }
0x35: {  	s10 =	sld [smem:$0x3FB4];
	_ =	sdelay $0x3  }
0x36: {  	p1 =	seq.s32 s10, $0x1;
	s10 =	sld [smem:$0x3FB5];
	_ =	sdelay $0x3  }
0x37: {  	[smem:$0x3FB5] =	sst s10  }
0x38: {  	s10 =	sld [smem:$0x3FB6]  }
0x39: {  	_ = 	snop;
	(pc) =	sbr.ind lr, $3  }
0x3a: {  	_ = 	snop  }
0x3b: {  	_ = 	snop  }
0x3c: {  	p2 =	seq.s32 s10, $0x1;
	s10 =	sld [smem:$0x3FB5]  }
0x3d: {  	_ =	shalt  }
0x3e: {  	_ =	shalt  }
0x3f: {  	_ =	shalt  }
0x40: {  	_ =	shalt  }
0x41: {  	_ =	shalt  }
0x42: {  	_ =	shalt  }
0x43: {  	_ =	shalt  }
0x44: {  	_ =	shalt  }
0x45: {  	_ =	shalt  }
0x46: {  	_ =	shalt  }
0x47: {  	_ =	shalt  }
0x48: {  	_ =	shalt  }
0x49: {  	_ =	shalt  }
0x4a: {  	_ =	shalt  }
0x4b: {  	_ =	shalt  }
0x4c: {  	_ =	shalt  }
0x4d: {  	_ =	shalt  }
0x4e: {  	_ =	shalt  }
0x4f: {  	_ =	shalt  }
0x50: {  	_ =	shalt  }
0x51: {  	_ =	shalt  }
0x52: {  	_ =	shalt  }
0x53: {  	_ =	shalt  }
0x54: {  	_ =	shalt  }
0x55: {  	_ =	shalt  }
0x56: {  	_ =	shalt  }
0x57: {  	_ =	shalt  }
0x58: {  	_ =	shalt  }
0x59: {  	_ =	shalt  }
0x5a: {  	_ =	shalt  }
0x5b: {  	_ =	shalt  }
0x5c: {  	_ =	shalt  }
0x5d: {  	_ =	shalt  }
0x5e: {  	_ =	shalt  }
0x5f: {  	_ =	shalt  }
0x60: {  	_ =	shalt  }
0x61: {  	_ =	shalt  }
0x62: {  	_ =	shalt  }
0x63: {  	_ =	shalt  }
0x64: {  	_ =	shalt  }
0x65: {  	_ =	shalt  }
0x66: {  	_ =	shalt  }
0x67: {  	_ =	shalt  }
0x68: {  	_ =	shalt  }
0x69: {  	_ =	shalt  }
0x6a: {  	_ =	shalt  }
0x6b: {  	_ =	shalt  }
0x6c: {  	_ =	shalt  }
0x6d: {  	_ =	shalt  }
0x6e: {  	_ =	shalt  }
0x6f: {  	_ =	shalt  }
0x70: {  	_ =	shalt  }
0x71: {  	_ =	shalt  }
0x72: {  	_ =	shalt  }
0x73: {  	_ =	shalt  }
0x74: {  	_ =	shalt  }
0x75: {  	_ =	shalt  }
0x76: {  	_ =	shalt  }
0x77: {  	_ =	shalt  }
0x78: {  	_ =	shalt  }
0x79: {  	_ =	shalt  }
0x7a: {  	_ =	shalt  }
0x7b: {  	_ =	shalt  }
0x7c: {  	_ =	shalt  }
0x7d: {  	_ =	shalt  }
0x7e: {  	_ =	shalt  }
0x7f: {  	_ =	shalt  }
0x80: {  	_ =	shalt  }
0x81: {  	_ =	shalt  }
0x82: {  	_ =	shalt  }
0x83: {  	_ =	shalt  }
0x84: {  	_ =	shalt  }
0x85: {  	_ =	shalt  }
0x86: {  	_ =	shalt  }
0x87: {  	_ =	shalt  }
.Lfunc_end0:
.L_simem_size_0:
called_computation_lowered:
.L_overlay_start_0:
0x88: {  	s0 =	sld [smem:$0x3FD9]  }
0x89: {  	s1 =	sld [smem:$0x3FFE];
	_ =	sdelay $0x3  }
0x8a: {  	s0 =	sadd.s32 s1, s0  }
0x8b: {  	[smem:$0x3FC1] =	sst s0  }
0x8c: {  	_ = 	snop  }
0x8d: {  	s0 =	sld [smem:$0x3FC9]  }
0x8e: {  	s17 =	sld [smem:$0x3FC8]  }
0x8f: {  	s2 =	sld [smem:$0x3FC7]  }
0x90: {  	s3 =	sld [smem:$0x3FC6]  }
0x91: {  	s4 =	sld [smem:$0x3FC5]  }
0x92: {  	s5 =	sld [smem:$0x3FC4]  }
0x93: {  	s6 =	sld [smem:$0x3FC3]  }
0x94: {  	s7 =	sld [smem:$0x3FD0];
	(tm) =	ssettm $0x1  }
0x95: {  	s8 =	sld [smem:$0x3FFB];
	_ =	sdelay $0x3  }
0x96: {  	_ =	strace s8  }
0x97: {  	s8 =	sld [smem:$0x3FFC];
	_ =	sdelay $0x3  }
0x98: {  	_ =	strace s8  }
0x99: {  	s8 =	sld [smem:$0x3FFD];
	_ =	sdelay $0x3  }
0x9a: {  	_ =	strace s8  }
0x9b: {  	_ =	strace $0x8FFFFFFF  }
0x9c: {  	s18 =	sld [smem:$0x3FDB];
	_ =	sdelay $0x1  }
0x9d: {  	s9 =	simm.s32 $_scs_section_size  }
0x9e: {  	s10 =	simm.s32 $_size__tile_overlayer_lowered;
	s11 =	simm.s32 $_tile_overlayer_lowered  }
0x9f: {  	s21 =	simm.s32 $0x1BFF;
	s20 =	sshll.u32 s11, $0x1;
	s8 =	sadd.s32 s9, s18  }
0xa0: {  	s12 =	simm.s32 $0x0;
	s19 =	sshll.u32 s10, $0x1;
	s10 =	sadd.s32 s20, s8  }
0xa1: {  	[timem:s12], [sflag:s21] =	dma.local [hbm:s10], s19  }
0xa2: {  	_ =	swait.ge [sflag:s21], s19  }
0xa3: {  	s9 =	ssub.s32 $0x0, s19;
	[sflag:s21] =	ssyncset.done $0x0  }
0xa4: {  	[sflag:s21] =	ssyncadd.s32 s9;
	_ =	sdelay $0x1  }
0xa5: {  	s22 =	simm.s32 $0x1B8B  }
0xa6: {  	_ =	swait.ge [sflag:s22], $0x1  }
0xa7: {  	[sflag:s22] =	ssyncset.done $0x0  }
0xa8: {  	s23 =	simm.s32 $0x1B8E;
	[sflag:s22] =	ssyncadd.s32 $0xFFFFFFFF  }
0xa9: {  	s24 =	simm.s32 $execute0_lowered;
	[smem:$0x3FD2] =	sst s23  }
0xaa: {  	s9 =	sshll.u32 s24, $0x1;
	_ =	strace $0x80000046;
	[dreg:$0x1] =	wrdreg $0xFFFFFFFF  }
0xab: {  	s25 =	simm.s32 $_size_execute0_lowered;
	s8 =	sadd.s32 s8, s9;
	[dreg:$0x0] =	wrdreg $0x0  }
0xac: {  	s9 =	sshll.u32 s25, $0x1;
	[dreg:$0x2] =	wrdreg s8  }
0xad: {  	[dreg:$0x3] =	wrdreg s9  }
0xae: {  	[dreg:$0x4] =	wrdreg $0xC0  }
0xaf: {  	_ =	task [dreg:s12], $0x5FFFF  }
0xb0: {  	[dreg:$0x1] =	wrdreg $0xFFFFFFFF  }
0xb1: {  	[dreg:$0x0] =	wrdreg $0x60  }
0xb2: {  	[dreg:$0x2] =	wrdreg s0  }
0xb3: {  	[dreg:$0x3] =	wrdreg s17  }
0xb4: {  	[dreg:$0x4] =	wrdreg s2  }
0xb5: {  	[dreg:$0x5] =	wrdreg s3  }
0xb6: {  	[dreg:$0x6] =	wrdreg s4  }
0xb7: {  	[dreg:$0x7] =	wrdreg s5  }
0xb8: {  	[dreg:$0x8] =	wrdreg s6  }
0xb9: {  	[dreg:$0x9] =	wrdreg s7  }
0xba: {  	[dreg:$0xa] =	wrdreg $0x9  }
0xbb: {  	_ =	task.clear_ibuf [dreg:s12], $0xBFFFF;
	_ =	strace $0x90000046  }
0xbc: {  	s26 =	simm.s32 $0x9;
	_ =	strace $0x80000048  }
0xbd: {  	_ =	swait.ge [sflag:s26], $0x1  }
0xbe: {  	[sflag:s26] =	ssyncadd.s32 $0xFFFFFFFF  }
0xbf: {  	_ =	strace $0x90000048  }
0xc0: {  	_ =	sfence  }
0xc1: {  	s28 =	sld [smem:$0x0];
	_ =	sdelay $0x1  }
0xc2: {  	s29 =	srdreg.scid  }
0xc3: {  	s30 =	sshll.u32 s29, $0xD;
	s31 =	sshrl.u32 s29, $0x2  }
0xc4: {  	s1 =	sand.u32 $0x1, s29;
	s2 =	sand.u32 $0x4000, s30;
	s0 =	sadd.s32 s31, s28  }
0xc5: {  	s1 =	sor.u32 s2, s1;
	s0 =	sshll.u32 s0, $0x11  }
0xc6: {  	s0 =	sor.u32 s0, s1  }
0xc7: {  	s0 =	sadd.s32 $0x8F2B, s0  }
0xc8: {  	[sflag:s0] =	ssyncadd.remote.s32 $0x1  }
0xc9: {  	_ =	sfence.sel $0xFFFF  }
0xca: {  	[dreg:$0x0] =	wrdreg $0xFFFFFFFF;
	(pc) =	sbr.abs _section_cstart, $3  }
0xcb: {  	[dreg:$0x1] =	wrdreg $0xFFFFFFFF  }
0xcc: {  	_ =	task.clear_ibuf [dreg:s12], $0x2FFFF;
	_ =	strace $0x9FFFFFFF  }
0xcd: {  	(tm) =	ssettm $0x7FFFFFFF  }
tec
execute0_lowered:
.L_overlay_start_1:
0x0: {  	(tag) =	ssettag $0x1  }
0x1: {  	s3 =	rddreg [dreg:$0x0]  }
0x2: {  	s6 =	rddreg [dreg:$0x1]  }
0x3: {  	s0 =	rddreg [dreg:$0x2]  }
0x4: {  	s5 =	rddreg [dreg:$0x3];
	s8 =	stileid.u32  }
0x5: {  	s1 =	rddreg [dreg:$0x4];
	p0 =	sgt.u32 s8, $0x7  }
.Ltmp0:
0x6: {  	s4 =	rddreg [dreg:$0x5];
	(pc) =	sbr.rel @p0 .LBB2_30-.Ltmp0, $4  }
0x7: {  	s15 =	rddreg [dreg:$0x6]  }
0x8: {  	s2 =	rddreg [dreg:$0x7];
	s9 =	simm.s32 $0x0  }
0x9: {  	[smem:$0x7FF] =	sst s9  }
0xa: {  	s7 =	rddreg [dreg:$0x8];
	_ =	strace $0x80000047  }
0xb: {  	s10 =	sshll.u32 s8, $0x4  }
0xc: {  	s7 =	simm.s32 $0x80;
	s8 =	simm.s32 $0x400;
	s3 =	sadd.s32 s3, s10  }
0xd: {  	[tilespmem:s9], [sflag:$0x1] =	stream.strided.gather [hbm4b:s3+s7], $0x400, s8, s7, $0x38;
	[tilespmem:$0x15800] =	vst v63  }
0xe: {  	_ = 	snop  }
0xf: {  	[tilespmem:s8], [sflag:$0x2] =	stream.linear.gather [hbm4b:s0+s9], $0x800, $0x38;
	[tilespmem:$0x15800] =	vst v63  }
0x10: {  	s22 =	simm.s32 $0xC00;
	s23 =	simm.s32 $0x1  }
0x11: {  	[tilespmem:s22], [sflag:$0x3] =	stream.linear.gather [hbm4b:s1+s9], $0x8000, $0x38;
	[tilespmem:$0x15800] =	vst v63  }
0x12: {  	_ =	swait.ge [sflag:s23], $0x400  }
0x13: {  	[sflag:s23] =	ssyncset.done $0x0  }
0x14: {  	s9 =	simm.s32 $0x2;
	[sflag:s23] =	ssyncadd.s32 $0xFFFFFC00  }
0x15: {  	_ =	swait.ge [sflag:s9], $0x800  }
0x16: {  	[sflag:s9] =	ssyncset.done $0x0  }
0x17: {  	s24 =	simm.s32 $0x14800;
	[sflag:s9] =	ssyncadd.s32 $0xFFFFF800  }
0x18: {  	[tilespmem:s24], [sflag:$0x7] =	stream.strided.gather [hbm4b:s6+s7], $0x400, s8, s7, $0x38;
	[tilespmem:$0x15800] =	vst v63  }
0x19: {  	s25 =	sadd.s32 $0x10, s6;
	s26 =	simm.s32 $0x14C00  }
0x1a: {  	[tilespmem:s26], [sflag:$0x7] =	stream.strided.gather [hbm4b:s25+s7], $0x400, s8, s7, $0x38;
	[tilespmem:$0x15800] =	vst v63  }
0x1b: {  	s28 =	sadd.s32 $0x20, s6;
	s29 =	simm.s32 $0x15000  }
0x1c: {  	[tilespmem:s29], [sflag:$0x7] =	stream.strided.gather [hbm4b:s28+s7], $0x400, s8, s7, $0x38;
	[tilespmem:$0x15800] =	vst v63  }
0x1d: {  	s30 =	sadd.s32 $0x30, s6;
	s31 =	simm.s32 $0x15400  }
0x1e: {  	[tilespmem:s31], [sflag:$0x7] =	stream.strided.gather [hbm4b:s30+s7], $0x400, s8, s7, $0x38;
	[tilespmem:$0x15800] =	vst v63  }
0x1f: {  	s3 =	simm.s32 $0x11800  }
0x20: {  	[tilespmem:s3], [sflag:$0x4] =	stream.strided.gather [hbm4b:s30+s7], $0x400, s8, s7, $0x38;
	[tilespmem:$0x15800] =	vst v63  }
0x21: {  	s11 =	sadd.s32 $0x40, s6;
	s12 =	simm.s32 $0x11C00  }
0x22: {  	[tilespmem:s12], [sflag:$0x4] =	stream.strided.gather [hbm4b:s11+s7], $0x400, s8, s7, $0x38;
	[tilespmem:$0x15800] =	vst v63  }
0x23: {  	s13 =	sadd.s32 $0x50, s6;
	s14 =	simm.s32 $0x12000  }
0x24: {  	[tilespmem:s14], [sflag:$0x4] =	stream.strided.gather [hbm4b:s13+s7], $0x400, s8, s7, $0x38;
	[tilespmem:$0x15800] =	vst v63  }
0x25: {  	s16 =	sadd.s32 $0x60, s6;
	s17 =	simm.s32 $0x12400;
	s18 =	simm.s32 $0x7  }
0x26: {  	[tilespmem:s17], [sflag:$0x4] =	stream.strided.gather [hbm4b:s16+s7], $0x400, s8, s7, $0x38;
	[tilespmem:$0x15800] =	vst v63  }
0x27: {  	_ =	swait.ge [sflag:s18], $0x400  }
0x28: {  	[sflag:s18] =	ssyncset.done $0x0  }
0x29: {  	[sflag:s18] =	ssyncadd.s32 $0xFFFFFC00  }
0x2a: {  	_ =	swait.ge [sflag:s18], $0x400  }
0x2b: {  	[sflag:s18] =	ssyncset.done $0x0  }
0x2c: {  	[sflag:s18] =	ssyncadd.s32 $0xFFFFFC00  }
0x2d: {  	_ =	swait.ge [sflag:s18], $0x400  }
0x2e: {  	[sflag:s18] =	ssyncset.done $0x0  }
0x2f: {  	[sflag:s18] =	ssyncadd.s32 $0xFFFFFC00  }
0x30: {  	_ =	swait.ge [sflag:s18], $0x400  }
0x31: {  	[sflag:s18] =	ssyncset.done $0x0  }
0x32: {  	[sflag:s18] =	ssyncadd.s32 $0xFFFFFC00  }
0x33: {  	v0 =	vld [tilespmem:$0x0]  }
0x34: {  	v1 =	vld [tilespmem:$0x14800]  }
0x35: {  	v2 =	vld [tilespmem:$0x10]  }
0x36: {  	v3 =	vld [tilespmem:$0x14810]  }
0x37: {  	v4 =	vld [tilespmem:$0x20]  }
0x38: {  	v5 =	vld [tilespmem:$0x14820]  }
0x39: {  	v6 =	vld [tilespmem:$0x14830];
	v0 =	vmul.f32 v1, v0  }
0x3a: {  	v1 =	vld [tilespmem:$0x30]  }
0x3b: {  	v7 =	vld [tilespmem:$0x14840];
	v2 =	vmul.f32 v3, v2;
	v0 =	vadd.f32 $0.0e+00, v0  }
0x3c: {  	v3 =	vld [tilespmem:$0x40]  }
0x3d: {  	v0 =	vadd.f32 v2, v0;
	v2 =	vmul.f32 v5, v4;
	v4 =	vld [tilespmem:$0x50]  }
0x3e: {  	v5 =	vld [tilespmem:$0x14850]  }
0x3f: {  	v1 =	vmul.f32 v6, v1;
	v6 =	vld [tilespmem:$0x14860];
	v0 =	vadd.f32 v2, v0  }
0x40: {  	v2 =	vld [tilespmem:$0x60]  }
0x41: {  	v0 =	vadd.f32 v1, v0;
	v1 =	vmul.f32 v7, v3;
	v3 =	vld [tilespmem:$0x70]  }
0x42: {  	v7 =	vld [tilespmem:$0x14870]  }
0x43: {  	v0 =	vadd.f32 v1, v0;
	v1 =	vmul.f32 v5, v4;
	v4 =	vld [tilespmem:$0x80]  }
0x44: {  	v5 =	vld [tilespmem:$0x14880]  }
0x45: {  	v0 =	vadd.f32 v1, v0;
	v1 =	vmul.f32 v6, v2;
	v2 =	vld [tilespmem:$0x90]  }
0x46: {  	v6 =	vld [tilespmem:$0x14890]  }
0x47: {  	v0 =	vadd.f32 v1, v0;
	v1 =	vmul.f32 v7, v3;
	v3 =	vld [tilespmem:$0xA0]  }
0x48: {  	v7 =	vld [tilespmem:$0x148A0]  }
0x49: {  	v0 =	vadd.f32 v1, v0;
	v1 =	vmul.f32 v5, v4;
	v4 =	vld [tilespmem:$0xB0]  }
0x4a: {  	v5 =	vld [tilespmem:$0x148B0]  }
0x4b: {  	v0 =	vadd.f32 v1, v0;
	v1 =	vmul.f32 v6, v2;
	v2 =	vld [tilespmem:$0xC0]  }
0x4c: {  	v6 =	vld [tilespmem:$0x148C0]  }
0x4d: {  	v0 =	vadd.f32 v1, v0;
	v1 =	vmul.f32 v7, v3;
	v3 =	vld [tilespmem:$0xD0]  }
0x4e: {  	v7 =	vld [tilespmem:$0x148D0]  }
0x4f: {  	v0 =	vadd.f32 v1, v0;
	v1 =	vmul.f32 v5, v4;
	v4 =	vld [tilespmem:$0xE0]  }
0x50: {  	v5 =	vld [tilespmem:$0x148E0]  }
0x51: {  	v0 =	vadd.f32 v1, v0;
	v1 =	vmul.f32 v6, v2;
	v2 =	vld [tilespmem:$0xF0]  }
0x52: {  	v6 =	vld [tilespmem:$0x148F0]  }
0x53: {  	v0 =	vadd.f32 v1, v0;
	v1 =	vmul.f32 v7, v3;
	v3 =	vld [tilespmem:$0x100]  }
0x54: {  	v7 =	vld [tilespmem:$0x14900]  }
0x55: {  	v0 =	vadd.f32 v1, v0;
	v1 =	vmul.f32 v5, v4;
	v4 =	vld [tilespmem:$0x110]  }
0x56: {  	v5 =	vld [tilespmem:$0x14910]  }
0x57: {  	v0 =	vadd.f32 v1, v0;
	v1 =	vmul.f32 v6, v2;
	v2 =	vld [tilespmem:$0x120]  }
0x58: {  	v6 =	vld [tilespmem:$0x14920]  }
0x59: {  	v0 =	vadd.f32 v1, v0;
	v1 =	vmul.f32 v7, v3;
	v3 =	vld [tilespmem:$0x130]  }
0x5a: {  	v7 =	vld [tilespmem:$0x14930]  }
0x5b: {  	v0 =	vadd.f32 v1, v0;
	v1 =	vmul.f32 v5, v4;
	v4 =	vld [tilespmem:$0x140]  }
0x5c: {  	v5 =	vld [tilespmem:$0x14940]  }
0x5d: {  	v0 =	vadd.f32 v1, v0;
	v1 =	vmul.f32 v6, v2;
	v2 =	vld [tilespmem:$0x150]  }
0x5e: {  	v6 =	vld [tilespmem:$0x14950]  }
0x5f: {  	v0 =	vadd.f32 v1, v0;
	v1 =	vmul.f32 v7, v3;
	v3 =	vld [tilespmem:$0x160]  }
0x60: {  	v7 =	vld [tilespmem:$0x14960]  }
0x61: {  	v0 =	vadd.f32 v1, v0;
	v1 =	vmul.f32 v5, v4;
	v4 =	vld [tilespmem:$0x170]  }
0x62: {  	v5 =	vld [tilespmem:$0x14970]  }
0x63: {  	v0 =	vadd.f32 v1, v0;
	v1 =	vmul.f32 v6, v2;
	v2 =	vld [tilespmem:$0x180]  }
0x64: {  	v6 =	vld [tilespmem:$0x14980]  }
0x65: {  	v0 =	vadd.f32 v1, v0;
	v1 =	vmul.f32 v7, v3;
	v3 =	vld [tilespmem:$0x190]  }
0x66: {  	v7 =	vld [tilespmem:$0x14990]  }
0x67: {  	v0 =	vadd.f32 v1, v0;
	v1 =	vmul.f32 v5, v4;
	v4 =	vld [tilespmem:$0x1A0]  }
0x68: {  	v5 =	vld [tilespmem:$0x149A0]  }
0x69: {  	v0 =	vadd.f32 v1, v0;
	v1 =	vmul.f32 v6, v2;
	v2 =	vld [tilespmem:$0x1B0]  }
0x6a: {  	v6 =	vld [tilespmem:$0x149B0]  }
0x6b: {  	v0 =	vadd.f32 v1, v0;
	v1 =	vmul.f32 v7, v3;
	v3 =	vld [tilespmem:$0x1C0]  }
0x6c: {  	v7 =	vld [tilespmem:$0x149C0]  }
0x6d: {  	v0 =	vadd.f32 v1, v0;
	v1 =	vmul.f32 v5, v4;
	v4 =	vld [tilespmem:$0x1D0]  }
0x6e: {  	v5 =	vld [tilespmem:$0x149D0]  }
0x6f: {  	v0 =	vadd.f32 v1, v0;
	v1 =	vmul.f32 v6, v2;
	v2 =	vld [tilespmem:$0x1E0]  }
0x70: {  	v6 =	vld [tilespmem:$0x149E0]  }
0x71: {  	v0 =	vadd.f32 v1, v0;
	v1 =	vmul.f32 v7, v3;
	v3 =	vld [tilespmem:$0x1F0]  }
0x72: {  	v7 =	vld [tilespmem:$0x149F0]  }
0x73: {  	v0 =	vadd.f32 v1, v0;
	v1 =	vmul.f32 v5, v4;
	v4 =	vld [tilespmem:$0x200]  }
0x74: {  	v5 =	vld [tilespmem:$0x14A00]  }
0x75: {  	v0 =	vadd.f32 v1, v0;
	v1 =	vmul.f32 v6, v2;
	v2 =	vld [tilespmem:$0x210]  }
0x76: {  	v6 =	vld [tilespmem:$0x14A10]  }
0x77: {  	v0 =	vadd.f32 v1, v0;
	v1 =	vmul.f32 v7, v3;
	v3 =	vld [tilespmem:$0x220]  }
0x78: {  	v7 =	vld [tilespmem:$0x14A20]  }
0x79: {  	v0 =	vadd.f32 v1, v0;
	v1 =	vmul.f32 v5, v4;
	v4 =	vld [tilespmem:$0x230]  }
0x7a: {  	v5 =	vld [tilespmem:$0x14A30]  }
0x7b: {  	v0 =	vadd.f32 v1, v0;
	v1 =	vmul.f32 v6, v2;
	v2 =	vld [tilespmem:$0x240]  }
0x7c: {  	v6 =	vld [tilespmem:$0x14A40]  }
0x7d: {  	v0 =	vadd.f32 v1, v0;
	v1 =	vmul.f32 v7, v3;
	v3 =	vld [tilespmem:$0x250]  }
0x7e: {  	v7 =	vld [tilespmem:$0x14A50]  }
0x7f: {  	v0 =	vadd.f32 v1, v0;
	v1 =	vmul.f32 v5, v4;
	v4 =	vld [tilespmem:$0x260]  }
0x80: {  	v5 =	vld [tilespmem:$0x14A60]  }
0x81: {  	v0 =	vadd.f32 v1, v0;
	v1 =	vmul.f32 v6, v2;
	v2 =	vld [tilespmem:$0x270]  }
0x82: {  	v6 =	vld [tilespmem:$0x14A70]  }
0x83: {  	v0 =	vadd.f32 v1, v0;
	v1 =	vmul.f32 v7, v3;
	v3 =	vld [tilespmem:$0x280]  }
0x84: {  	v7 =	vld [tilespmem:$0x14A80]  }
0x85: {  	v0 =	vadd.f32 v1, v0;
	v1 =	vmul.f32 v5, v4;
	v4 =	vld [tilespmem:$0x290]  }
0x86: {  	v5 =	vld [tilespmem:$0x14A90]  }
0x87: {  	v0 =	vadd.f32 v1, v0;
	v1 =	vmul.f32 v6, v2;
	v2 =	vld [tilespmem:$0x2A0]  }
0x88: {  	v6 =	vld [tilespmem:$0x14AA0]  }
0x89: {  	v0 =	vadd.f32 v1, v0;
	v1 =	vmul.f32 v7, v3;
	v3 =	vld [tilespmem:$0x2B0]  }
0x8a: {  	v7 =	vld [tilespmem:$0x14AB0]  }
0x8b: {  	v0 =	vadd.f32 v1, v0;
	v1 =	vmul.f32 v5, v4;
	v4 =	vld [tilespmem:$0x2C0]  }
0x8c: {  	v5 =	vld [tilespmem:$0x14AC0]  }
0x8d: {  	v0 =	vadd.f32 v1, v0;
	v1 =	vmul.f32 v6, v2;
	v2 =	vld [tilespmem:$0x2D0]  }
0x8e: {  	v6 =	vld [tilespmem:$0x14AD0]  }
0x8f: {  	v0 =	vadd.f32 v1, v0;
	v1 =	vmul.f32 v7, v3;
	v3 =	vld [tilespmem:$0x2E0]  }
0x90: {  	v7 =	vld [tilespmem:$0x14AE0]  }
0x91: {  	v0 =	vadd.f32 v1, v0;
	v1 =	vmul.f32 v5, v4;
	v4 =	vld [tilespmem:$0x2F0]  }
0x92: {  	v5 =	vld [tilespmem:$0x14AF0]  }
0x93: {  	v0 =	vadd.f32 v1, v0;
	v1 =	vmul.f32 v6, v2;
	v2 =	vld [tilespmem:$0x300]  }
0x94: {  	v6 =	vld [tilespmem:$0x14B00]  }
0x95: {  	v0 =	vadd.f32 v1, v0;
	v1 =	vmul.f32 v7, v3;
	v3 =	vld [tilespmem:$0x310]  }
0x96: {  	v7 =	vld [tilespmem:$0x14B10]  }
0x97: {  	v0 =	vadd.f32 v1, v0;
	v1 =	vmul.f32 v5, v4;
	v4 =	vld [tilespmem:$0x320]  }
0x98: {  	v5 =	vld [tilespmem:$0x14B20]  }
0x99: {  	v0 =	vadd.f32 v1, v0;
	v1 =	vmul.f32 v6, v2;
	v2 =	vld [tilespmem:$0x330]  }
0x9a: {  	v6 =	vld [tilespmem:$0x14B30]  }
0x9b: {  	v0 =	vadd.f32 v1, v0;
	v1 =	vmul.f32 v7, v3;
	v3 =	vld [tilespmem:$0x340]  }
0x9c: {  	v7 =	vld [tilespmem:$0x14B40]  }
0x9d: {  	v0 =	vadd.f32 v1, v0;
	v1 =	vmul.f32 v5, v4;
	v4 =	vld [tilespmem:$0x350]  }
0x9e: {  	v5 =	vld [tilespmem:$0x14B50]  }
0x9f: {  	v0 =	vadd.f32 v1, v0;
	v1 =	vmul.f32 v6, v2;
	v2 =	vld [tilespmem:$0x360]  }
0xa0: {  	v6 =	vld [tilespmem:$0x14B60]  }
0xa1: {  	v0 =	vadd.f32 v1, v0;
	v1 =	vmul.f32 v7, v3;
	v3 =	vld [tilespmem:$0x370]  }
0xa2: {  	v7 =	vld [tilespmem:$0x14B70]  }
0xa3: {  	v0 =	vadd.f32 v1, v0;
	v1 =	vmul.f32 v5, v4;
	v4 =	vld [tilespmem:$0x380]  }
0xa4: {  	v5 =	vld [tilespmem:$0x14B80]  }
0xa5: {  	v0 =	vadd.f32 v1, v0;
	v1 =	vmul.f32 v6, v2;
	v2 =	vld [tilespmem:$0x390]  }
0xa6: {  	v6 =	vld [tilespmem:$0x14B90]  }
0xa7: {  	v0 =	vadd.f32 v1, v0;
	v1 =	vmul.f32 v7, v3;
	v3 =	vld [tilespmem:$0x3A0]  }
0xa8: {  	v7 =	vld [tilespmem:$0x14BA0]  }
0xa9: {  	v0 =	vadd.f32 v1, v0;
	v1 =	vmul.f32 v5, v4;
	v4 =	vld [tilespmem:$0x3B0]  }
0xaa: {  	v5 =	vld [tilespmem:$0x14BB0]  }
0xab: {  	v0 =	vadd.f32 v1, v0;
	v1 =	vmul.f32 v6, v2;
	v2 =	vld [tilespmem:$0x3C0]  }
0xac: {  	v6 =	vld [tilespmem:$0x14BC0]  }
0xad: {  	v0 =	vadd.f32 v1, v0;
	v1 =	vmul.f32 v7, v3;
	v3 =	vld [tilespmem:$0x3D0]  }
0xae: {  	v7 =	vld [tilespmem:$0x14BD0]  }
0xaf: {  	v0 =	vadd.f32 v1, v0;
	v1 =	vmul.f32 v5, v4;
	v4 =	vld [tilespmem:$0x3E0]  }
0xb0: {  	v5 =	vld [tilespmem:$0x14BE0]  }
0xb1: {  	v0 =	vadd.f32 v1, v0;
	v1 =	vmul.f32 v6, v2;
	v2 =	vld [tilespmem:$0x3F0]  }
0xb2: {  	v6 =	vld [tilespmem:$0x14BF0]  }
0xb3: {  	v0 =	vadd.f32 v1, v0;
	v1 =	vmul.f32 v7, v3;
	_ =	sdelay $0x1  }
0xb4: {  	v0 =	vadd.f32 v1, v0;
	v1 =	vmul.f32 v5, v4;
	_ =	sdelay $0x1  }
0xb5: {  	v0 =	vadd.f32 v1, v0;
	v1 =	vmul.f32 v6, v2;
	_ =	sdelay $0x1  }
0xb6: {  	v0 =	vadd.f32 v1, v0;
	_ =	sdelay $0x1  }
0xb7: {  	(xrf2) =	vadd.scan.msk.f32 $0xffff, v0;
	_ =	sdelay $0x6  }
0xb8: {  	v0 =	vld.msk [tilespmem:s8+$0x0], $0xffff;
	_ =	sdelay $0x2  }
0xb9: {  	v1, _, _ =	vpop (xrf2)  }
0xba: {  	(v2sf) =	vpush v1, $0xF  }
0xbb: {  	(v2sf) =	vpush v0, $0x0;
	_ =	sdelay $0xd  }
0xbc: {  	s19 =	spop (v2sf)  }
0xbd: {  	s20 =	spop (v2sf)  }
0xbe: {  	s0 =	sadd.f32 s20, s19;
	_ =	sdelay $0x1  }
0xbf: {  	p1 =	sgt.f32 s0, $0.0e+00  }
0xc0: {  	s0 =	simm.s32 $0x4  }
0xc1: {  	s0 =	simm.s32 @!p1 $0x0  }
0xc2: {  	s21 =	sadd.s32 $0x7, s0  }
0xc3: {  	s23 =	simm.s32 $0x12800;
	s22 =	sshll.u32 s21, $0x4  }
0xc4: {  	s9 =	simm.s32 @!p1 $0x1;
	s1 =	sshll.u32 s21, $0x7;
	s3 =	sand.u32 $0x70, s22  }
0xc5: {  	s0 =	sshll.u32 s0, $0x4;
	s1 =	sand.u32 $0x400, s1;
	s3 =	sadd.s32 s6, s3  }
0xc6: {  	s26 =	sshll.u32 s9, $0xA;
	s0 =	sadd.s32 s0, s6;
	s1 =	sadd.s32 s1, s3  }
0xc7: {  	[tilespmem:s23], [sflag:$0x5] =	stream.strided.gather [hbm4b:s1+s7], $0x400, s8, s7, $0x38;
	[tilespmem:$0x15800] =	vst v63  }
0xc8: {  	s25 =	simm.s32 $0x12C00;
	s24 =	sadd.s32 $0x400, s0;
	s1 =	sadd.s32 $0x14840, s26  }
0xc9: {  	v0 =	vmov s1;
	[tilespmem:s25], [sflag:$0x5] =	stream.strided.gather [hbm4b:s24+s7], $0x400, s8, s7, $0x38;
	[tilespmem:$0x15800] =	vst v63  }
0xca: {  	s11 =	simm.s32 $0x13000;
	s28 =	sadd.s32 $0x410, s0  }
0xcb: {  	[tilespmem:s11], [sflag:$0x5] =	stream.strided.gather [hbm4b:s28+s7], $0x400, s8, s7, $0x38;
	[tilespmem:$0x15800] =	vst v63  }
0xcc: {  	s29 =	simm.s32 $0x13400;
	s30 =	simm.s32 $0x0;
	s0 =	sadd.s32 $0x420, s0  }
0xcd: {  	[tilespmem:s29], [sflag:$0x5] =	stream.strided.gather [hbm4b:s0+s7], $0x400, s8, s7, $0x38;
	[tilespmem:$0x15800] =	vst v63  }
0xce: {  	v1 =	vld.idx.msk [tilespmem:v0+s30+$0xFFFFFFC0 ss:$0x1], $0xffff  }
0xcf: {  	v2 =	vld [tilespmem:s30+$0x0]  }
0xd0: {  	v3 =	vld.idx.msk [tilespmem:v0+s30+$0xFFFFFFD0 ss:$0x1], $0xffff  }
0xd1: {  	v4 =	vld [tilespmem:s30+$0x10]  }
0xd2: {  	v5 =	vld.idx.msk [tilespmem:v0+s30+$0xFFFFFFE0 ss:$0x1], $0xffff  }
0xd3: {  	v6 =	vld [tilespmem:s30+$0x20]  }
0xd4: {  	v7 =	vld.idx.msk [tilespmem:v0+s30+$0xFFFFFFF0 ss:$0x1], $0xffff;
	v1 =	vmul.f32 v1, v2  }
0xd5: {  	v8 =	vld [tilespmem:s30+$0x30];
	v2 =	vimm.f32 $0.0e+00  }
0xd6: {  	v9 =	vld.idx.msk [tilespmem:v0+s30+$0x0 ss:$0x1], $0xffff;
	v3 =	vmul.f32 v3, v4;
	v2 =	vadd.f32 v1, v2  }
0xd7: {  	v10 =	vld [tilespmem:s30+$0x40]  }
0xd8: {  	v5 =	vmul.f32 v5, v6;
	v4 =	vld [tilespmem:s30+$0x50];
	v3 =	vadd.f32 v3, v2  }
0xd9: {  	v1 =	vld.idx.msk [tilespmem:v0+s30+$0x10 ss:$0x1], $0xffff  }
0xda: {  	v7 =	vmul.f32 v7, v8;
	v2 =	vld.idx.msk [tilespmem:v0+s30+$0x20 ss:$0x1], $0xffff;
	v6 =	vadd.f32 v5, v3  }
0xdb: {  	s31 =	sadd.s32 s2, s10;
	s10 =	simm.s32 $0x80;
	v5 =	vld [tilespmem:s30+$0x60]  }
0xdc: {  	s12 =	sadd.s32 $0x800, s6;
	[dreg:$0x9] =	wrdreg s31;
	s11 =	sadd.s32 $0x1000, s6;
	v8 =	vmul.f32 v9, v10;
	v3 =	vld.idx.msk [tilespmem:v0+s30+$0x30 ss:$0x1], $0xffff;
	v7 =	vadd.f32 v7, v6  }
0xdd: {  	s8 =	sadd.s32 $0x2000, s6;
	s7 =	sadd.s32 $0x4000, s6;
	s0 =	simm.s32 $0x400;
	v6 =	vld [tilespmem:s30+$0x70]  }
.LBB2_2:
0xde: {  	p0 =	sne.s32 s0, $0xE00;
	v9 =	vld.idx.msk [tilespmem:v0+s10+$0xFFFFFFC0 ss:$0x1], $0xffff;
	v7 =	vadd.f32 v8, v7;
	v1 =	vmul.f32 v1, v4  }
0xdf: {  	v4 =	vld [tilespmem:s10+$0x0]  }
0xe0: {  	v8 =	vld.idx.msk [tilespmem:v0+s10+$0xFFFFFFD0 ss:$0x1], $0xffff;
	v1 =	vadd.f32 v1, v7;
	v2 =	vmul.f32 v2, v5  }
0xe1: {  	v5 =	vld [tilespmem:s10+$0x10]  }
0xe2: {  	v7 =	vld.idx.msk [tilespmem:v0+s10+$0xFFFFFFE0 ss:$0x1], $0xffff;
	v1 =	vadd.f32 v2, v1;
	v2 =	vmul.f32 v3, v6  }
0xe3: {  	v3 =	vld [tilespmem:s10+$0x20]  }
0xe4: {  	v4 =	vmul.f32 v9, v4;
	v6 =	vld.idx.msk [tilespmem:v0+s10+$0xFFFFFFF0 ss:$0x1], $0xffff;
	v1 =	vadd.f32 v2, v1  }
0xe5: {  	v2 =	vld [tilespmem:s10+$0x30]  }
0xe6: {  	v1 =	vadd.f32 v4, v1;
	v4 =	vmul.f32 v8, v5;
	v8 =	vld.idx.msk [tilespmem:v0+s10+$0x0 ss:$0x1], $0xffff  }
0xe7: {  	v9 =	vld [tilespmem:s10+$0x40]  }
0xe8: {  	v5 =	vadd.f32 v4, v1;
	v3 =	vmul.f32 v7, v3;
	v1 =	vld.idx.msk [tilespmem:v0+s10+$0x10 ss:$0x1], $0xffff  }
.Ltmp1:
0xe9: {  	v4 =	vld [tilespmem:s10+$0x50];
	(pc) =	sbr.rel @p0 .LBB2_2-.Ltmp1, $4  }
0xea: {  	v3 =	vadd.f32 v3, v5;
	v6 =	vmul.f32 v6, v2;
	v2 =	vld.idx.msk [tilespmem:v0+s10+$0x20 ss:$0x1], $0xffff  }
0xeb: {  	v5 =	vld [tilespmem:s10+$0x60]  }
0xec: {  	v7 =	vadd.f32 v6, v3;
	v8 =	vmul.f32 v8, v9;
	v3 =	vld.idx.msk [tilespmem:v0+s10+$0x30 ss:$0x1], $0xffff  }
0xed: {  	v6 =	vld [tilespmem:s10+$0x70];
	s10 =	sshra.s32 s0, $0x2;
	s0 =	sadd.s32 $0x200, s0  }
0xee: {  	_ =	sdelay $0x3  }
0xef: {  	v9 =	vld.idx.msk [tilespmem:v0+s10+$0xFFFFFFC0 ss:$0x1], $0xffff;
	v7 =	vadd.f32 v8, v7;
	v1 =	vmul.f32 v1, v4  }
0xf0: {  	v4 =	vld [tilespmem:s10+$0x0]  }
0xf1: {  	v8 =	vld.idx.msk [tilespmem:v0+s10+$0xFFFFFFD0 ss:$0x1], $0xffff;
	v1 =	vadd.f32 v1, v7;
	v2 =	vmul.f32 v2, v5  }
0xf2: {  	v5 =	vld [tilespmem:s10+$0x10]  }
0xf3: {  	v7 =	vld.idx.msk [tilespmem:v0+s10+$0xFFFFFFE0 ss:$0x1], $0xffff;
	v1 =	vadd.f32 v2, v1;
	v2 =	vmul.f32 v3, v6  }
0xf4: {  	v3 =	vld [tilespmem:s10+$0x20]  }
0xf5: {  	v6 =	vld.idx.msk [tilespmem:v0+s10+$0xFFFFFFF0 ss:$0x1], $0xffff;
	v4 =	vmul.f32 v9, v4;
	v1 =	vadd.f32 v2, v1  }
0xf6: {  	v2 =	vld [tilespmem:s10+$0x30]  }
0xf7: {  	v1 =	vadd.f32 v4, v1;
	v4 =	vmul.f32 v8, v5;
	v5 =	vld.idx.msk [tilespmem:v0+s10+$0x0 ss:$0x1], $0xffff  }
0xf8: {  	v8 =	vld [tilespmem:s10+$0x40]  }
0xf9: {  	v3 =	vmul.f32 v7, v3;
	v7 =	vld [tilespmem:s10+$0x50];
	v1 =	vadd.f32 v4, v1  }
0xfa: {  	v4 =	vld.idx.msk [tilespmem:v0+s10+$0x10 ss:$0x1], $0xffff  }
0xfb: {  	v2 =	vmul.f32 v6, v2;
	v6 =	vld [tilespmem:s10+$0x60];
	v1 =	vadd.f32 v3, v1  }
0xfc: {  	v3 =	vld.idx.msk [tilespmem:v0+s10+$0x20 ss:$0x1], $0xffff  }
0xfd: {  	v0 =	vld.idx.msk [tilespmem:v0+s10+$0x30 ss:$0x1], $0xffff;
	v1 =	vadd.f32 v2, v1;
	v2 =	vmul.f32 v5, v8  }
0xfe: {  	v5 =	vld [tilespmem:s10+$0x70]  }
0xff: {  	v1 =	vadd.f32 v2, v1;
	v2 =	vmul.f32 v4, v7;
	_ =	sdelay $0x1  }
0x100: {  	v1 =	vadd.f32 v2, v1;
	v2 =	vmul.f32 v3, v6;
	_ =	sdelay $0x1  }
0x101: {  	v0 =	vmul.f32 v0, v5;
	v1 =	vadd.f32 v2, v1;
	_ =	sdelay $0x1  }
0x102: {  	v0 =	vadd.f32 v0, v1;
	_ =	sdelay $0x1  }
0x103: {  	(xrf2) =	vadd.scan.msk.f32 $0xffff, v0;
	_ =	sdelay $0x1  }
0x104: {  	v0 =	vmov s9;
	_ =	sdelay $0x3  }
0x105: {  	s0 =	simm.s32 $0x400  }
0x106: {  	v0 =	vld.idx.msk [tilespmem:v0+s0+$0x0], $0xffff;
	_ =	sdelay $0x2  }
0x107: {  	v1, _, _ =	vpop (xrf2)  }
0x108: {  	(v2sf) =	vpush v1, $0xF  }
0x109: {  	(v2sf) =	vpush v0, $0x0;
	_ =	sdelay $0xd  }
0x10a: {  	s1 =	spop (v2sf)  }
0x10b: {  	s2 =	spop (v2sf)  }
0x10c: {  	s1 =	sadd.f32 s2, s1;
	_ =	sdelay $0x1  }
0x10d: {  	p0 =	sgt.f32 s1, $0.0e+00  }
0x10e: {  	s2 =	simm.s32 $0x2;
	s1 =	simm.s32 $0x1  }
0x10f: {  	s2 =	simm.s32 @!p1 $0x0;
	s1 =	simm.s32 @!p0 $0x0  }
0x110: {  	s9 =	sor.u32 s1, s2  }
0x111: {  	s1 =	sshll.u32 s9, $0x2  }
0x112: {  	s3 =	sadd.s32 $0xF, s1  }
0x113: {  	s20 =	sshll.u32 s3, $0x4  }
0x114: {  	s3 =	sshll.u32 s3, $0x7;
	s10 =	sand.u32 $0x70, s20  }
0x115: {  	s3 =	sand.u32 $0xC00, s3;
	s10 =	sadd.s32 s6, s10  }
0x116: {  	s21 =	simm.s32 $0x80;
	s13 =	simm.s32 $0x13800;
	s3 =	sadd.s32 s3, s10  }
0x117: {  	[tilespmem:s13], [sflag:$0x6] =	stream.strided.gather [hbm4b:s3+s21], $0x400, s0, s21, $0x38;
	[tilespmem:$0x15800] =	vst v63  }
0x118: {  	s2 =	sshll.u32 s2, $0x9;
	s3 =	simm.s32 $0x40  }
0x119: {  	s2 =	sadd.s32 s2, s12;
	s23 =	sor.u32 $0x11, s1;
	s3 =	simm.s32 @!p0 $0x0  }
0x11a: {  	s22 =	simm.s32 $0x13C00;
	s24 =	sshll.u32 s23, $0x4;
	s2 =	sadd.s32 s3, s2  }
0x11b: {  	[tilespmem:s22], [sflag:$0x6] =	stream.strided.gather [hbm4b:s2+s21], $0x400, s0, s21, $0x38;
	[tilespmem:$0x15800] =	vst v63  }
0x11c: {  	s3 =	sand.u32 $0x50, s24;
	s2 =	sshll.u32 s23, $0x7  }
0x11d: {  	s1 =	sor.u32 $0x12, s1;
	s3 =	sadd.s32 s6, s3;
	s2 =	sand.u32 $0xC00, s2  }
0x11e: {  	s25 =	simm.s32 $0x14000;
	s26 =	sshll.u32 s1, $0x4;
	s2 =	sadd.s32 s2, s3  }
0x11f: {  	[tilespmem:s25], [sflag:$0x6] =	stream.strided.gather [hbm4b:s2+s21], $0x400, s0, s21, $0x38;
	[tilespmem:$0x15800] =	vst v63  }
0x120: {  	s1 =	sshll.u32 s1, $0x7;
	s2 =	sand.u32 $0x60, s26  }
0x121: {  	s1 =	sand.u32 $0xC00, s1;
	s2 =	sadd.s32 s6, s2  }
0x122: {  	s28 =	simm.s32 $0x14400;
	s29 =	simm.s32 $0x4;
	s1 =	sadd.s32 s1, s2  }
0x123: {  	[tilespmem:s28], [sflag:$0x6] =	stream.strided.gather [hbm4b:s1+s21], $0x400, s0, s21, $0x38;
	[tilespmem:$0x15800] =	vst v63  }
0x124: {  	_ =	swait.ge [sflag:s29], $0x400  }
0x125: {  	[sflag:s29] =	ssyncset.done $0x0  }
0x126: {  	[sflag:s29] =	ssyncadd.s32 $0xFFFFFC00  }
0x127: {  	_ =	swait.ge [sflag:s29], $0x400  }
0x128: {  	[sflag:s29] =	ssyncset.done $0x0  }
0x129: {  	s12 =	sshll.u32 s9, $0xA;
	[sflag:s29] =	ssyncadd.s32 $0xFFFFFC00  }
0x12a: {  	s30 =	sadd.s32 $0x11840, s12;
	_ =	swait.ge [sflag:s29], $0x400  }
0x12b: {  	v0 =	vmov s30;
	[sflag:s29] =	ssyncset.done $0x0  }
0x12c: {  	[sflag:s29] =	ssyncadd.s32 $0xFFFFFC00  }
0x12d: {  	_ =	swait.ge [sflag:s29], $0x400  }
0x12e: {  	[sflag:s29] =	ssyncset.done $0x0  }
0x12f: {  	s31 =	simm.s32 $0x0;
	[sflag:s29] =	ssyncadd.s32 $0xFFFFFC00  }
0x130: {  	v1 =	vld.idx.msk [tilespmem:v0+s31+$0xFFFFFFC0 ss:$0x1], $0xffff  }
0x131: {  	v2 =	vld [tilespmem:s31+$0x0]  }
0x132: {  	v3 =	vld.idx.msk [tilespmem:v0+s31+$0xFFFFFFD0 ss:$0x1], $0xffff  }
0x133: {  	v4 =	vld [tilespmem:s31+$0x10]  }
0x134: {  	v5 =	vld.idx.msk [tilespmem:v0+s31+$0xFFFFFFE0 ss:$0x1], $0xffff  }
0x135: {  	v6 =	vld [tilespmem:s31+$0x20]  }
0x136: {  	v7 =	vld.idx.msk [tilespmem:v0+s31+$0xFFFFFFF0 ss:$0x1], $0xffff;
	v1 =	vmul.f32 v1, v2  }
0x137: {  	v8 =	vld [tilespmem:s31+$0x30];
	v2 =	vimm.f32 $0.0e+00  }
0x138: {  	v9 =	vld.idx.msk [tilespmem:v0+s31+$0x0 ss:$0x1], $0xffff;
	v3 =	vmul.f32 v3, v4;
	v2 =	vadd.f32 v1, v2  }
0x139: {  	v10 =	vld [tilespmem:s31+$0x40]  }
0x13a: {  	v5 =	vmul.f32 v5, v6;
	v4 =	vld [tilespmem:s31+$0x50];
	v3 =	vadd.f32 v3, v2  }
0x13b: {  	v1 =	vld.idx.msk [tilespmem:v0+s31+$0x10 ss:$0x1], $0xffff  }
0x13c: {  	v7 =	vmul.f32 v7, v8;
	v2 =	vld.idx.msk [tilespmem:v0+s31+$0x20 ss:$0x1], $0xffff;
	v6 =	vadd.f32 v5, v3  }
0x13d: {  	v5 =	vld [tilespmem:s31+$0x60]  }
0x13e: {  	v8 =	vmul.f32 v9, v10;
	v3 =	vld.idx.msk [tilespmem:v0+s31+$0x30 ss:$0x1], $0xffff;
	v7 =	vadd.f32 v7, v6  }
0x13f: {  	s10 =	simm.s32 $0x80;
	s0 =	simm.s32 $0x400;
	v6 =	vld [tilespmem:s31+$0x70]  }
.LBB2_4:
0x140: {  	p1 =	sne.s32 s0, $0xE00;
	v9 =	vld.idx.msk [tilespmem:v0+s10+$0xFFFFFFC0 ss:$0x1], $0xffff;
	v7 =	vadd.f32 v8, v7;
	v1 =	vmul.f32 v1, v4  }
0x141: {  	v4 =	vld [tilespmem:s10+$0x0]  }
0x142: {  	v8 =	vld.idx.msk [tilespmem:v0+s10+$0xFFFFFFD0 ss:$0x1], $0xffff;
	v1 =	vadd.f32 v1, v7;
	v2 =	vmul.f32 v2, v5  }
0x143: {  	v5 =	vld [tilespmem:s10+$0x10]  }
0x144: {  	v7 =	vld.idx.msk [tilespmem:v0+s10+$0xFFFFFFE0 ss:$0x1], $0xffff;
	v1 =	vadd.f32 v2, v1;
	v2 =	vmul.f32 v3, v6  }
0x145: {  	v3 =	vld [tilespmem:s10+$0x20]  }
0x146: {  	v4 =	vmul.f32 v9, v4;
	v6 =	vld.idx.msk [tilespmem:v0+s10+$0xFFFFFFF0 ss:$0x1], $0xffff;
	v1 =	vadd.f32 v2, v1  }
0x147: {  	v2 =	vld [tilespmem:s10+$0x30]  }
0x148: {  	v1 =	vadd.f32 v4, v1;
	v4 =	vmul.f32 v8, v5;
	v8 =	vld.idx.msk [tilespmem:v0+s10+$0x0 ss:$0x1], $0xffff  }
0x149: {  	v9 =	vld [tilespmem:s10+$0x40]  }
0x14a: {  	v5 =	vadd.f32 v4, v1;
	v3 =	vmul.f32 v7, v3;
	v1 =	vld.idx.msk [tilespmem:v0+s10+$0x10 ss:$0x1], $0xffff  }
.Ltmp2:
0x14b: {  	v4 =	vld [tilespmem:s10+$0x50];
	(pc) =	sbr.rel @p1 .LBB2_4-.Ltmp2, $4  }
0x14c: {  	v3 =	vadd.f32 v3, v5;
	v6 =	vmul.f32 v6, v2;
	v2 =	vld.idx.msk [tilespmem:v0+s10+$0x20 ss:$0x1], $0xffff  }
0x14d: {  	v5 =	vld [tilespmem:s10+$0x60]  }
0x14e: {  	v7 =	vadd.f32 v6, v3;
	v8 =	vmul.f32 v8, v9;
	v3 =	vld.idx.msk [tilespmem:v0+s10+$0x30 ss:$0x1], $0xffff  }
0x14f: {  	v6 =	vld [tilespmem:s10+$0x70];
	s10 =	sshra.s32 s0, $0x2;
	s0 =	sadd.s32 $0x200, s0  }
0x150: {  	_ =	sdelay $0x3  }
0x151: {  	v9 =	vld.idx.msk [tilespmem:v0+s10+$0xFFFFFFC0 ss:$0x1], $0xffff;
	v7 =	vadd.f32 v8, v7;
	v1 =	vmul.f32 v1, v4  }
0x152: {  	v4 =	vld [tilespmem:s10+$0x0]  }
0x153: {  	v8 =	vld.idx.msk [tilespmem:v0+s10+$0xFFFFFFD0 ss:$0x1], $0xffff;
	v1 =	vadd.f32 v1, v7;
	v2 =	vmul.f32 v2, v5  }
0x154: {  	v5 =	vld [tilespmem:s10+$0x10]  }
0x155: {  	v7 =	vld.idx.msk [tilespmem:v0+s10+$0xFFFFFFE0 ss:$0x1], $0xffff;
	v1 =	vadd.f32 v2, v1;
	v2 =	vmul.f32 v3, v6  }
0x156: {  	v3 =	vld [tilespmem:s10+$0x20]  }
0x157: {  	v6 =	vld.idx.msk [tilespmem:v0+s10+$0xFFFFFFF0 ss:$0x1], $0xffff;
	v4 =	vmul.f32 v9, v4;
	v1 =	vadd.f32 v2, v1  }
0x158: {  	v2 =	vld [tilespmem:s10+$0x30]  }
0x159: {  	v1 =	vadd.f32 v4, v1;
	v4 =	vmul.f32 v8, v5;
	v5 =	vld.idx.msk [tilespmem:v0+s10+$0x0 ss:$0x1], $0xffff  }
0x15a: {  	v8 =	vld [tilespmem:s10+$0x40]  }
0x15b: {  	v3 =	vmul.f32 v7, v3;
	v7 =	vld [tilespmem:s10+$0x50];
	v1 =	vadd.f32 v4, v1  }
0x15c: {  	v4 =	vld.idx.msk [tilespmem:v0+s10+$0x10 ss:$0x1], $0xffff  }
0x15d: {  	v2 =	vmul.f32 v6, v2;
	v6 =	vld [tilespmem:s10+$0x60];
	v1 =	vadd.f32 v3, v1  }
0x15e: {  	v3 =	vld.idx.msk [tilespmem:v0+s10+$0x20 ss:$0x1], $0xffff  }
0x15f: {  	v0 =	vld.idx.msk [tilespmem:v0+s10+$0x30 ss:$0x1], $0xffff;
	v1 =	vadd.f32 v2, v1;
	v2 =	vmul.f32 v5, v8  }
0x160: {  	v5 =	vld [tilespmem:s10+$0x70]  }
0x161: {  	v1 =	vadd.f32 v2, v1;
	v2 =	vmul.f32 v4, v7;
	_ =	sdelay $0x1  }
0x162: {  	v1 =	vadd.f32 v2, v1;
	v2 =	vmul.f32 v3, v6;
	_ =	sdelay $0x1  }
0x163: {  	v0 =	vmul.f32 v0, v5;
	v1 =	vadd.f32 v2, v1;
	_ =	sdelay $0x1  }
0x164: {  	v0 =	vadd.f32 v0, v1;
	_ =	sdelay $0x1  }
0x165: {  	(xrf2) =	vadd.scan.msk.f32 $0xffff, v0  }
0x166: {  	s0 =	sadd.s32 $0x3, s9  }
0x167: {  	v0 =	vmov s0;
	_ =	sdelay $0x3  }
0x168: {  	s19 =	simm.s32 $0x400  }
0x169: {  	v0 =	vld.idx.msk [tilespmem:v0+s19+$0x0], $0xffff;
	_ =	sdelay $0x2  }
0x16a: {  	v1, _, _ =	vpop (xrf2)  }
0x16b: {  	(v2sf) =	vpush v1, $0xF  }
0x16c: {  	(v2sf) =	vpush v0, $0x0;
	_ =	sdelay $0xd  }
0x16d: {  	s1 =	spop (v2sf)  }
0x16e: {  	s2 =	spop (v2sf)  }
0x16f: {  	s1 =	sadd.f32 s2, s1;
	_ =	sdelay $0x1  }
0x170: {  	p1 =	sgt.f32 s1, $0.0e+00  }
0x171: {  	s1 =	simm.s32 $0x1  }
0x172: {  	s20 =	sshll.u32 s9, $0x1;
	s1 =	simm.s32 @!p1 $0x0  }
0x173: {  	s10 =	sor.u32 s1, s20  }
0x174: {  	s2 =	sshll.u32 s10, $0x2  }
0x175: {  	s3 =	sadd.s32 $0x1F, s2  }
0x176: {  	s21 =	sshll.u32 s3, $0x4  }
0x177: {  	s3 =	sshll.u32 s3, $0x7;
	s9 =	sand.u32 $0x70, s21  }
0x178: {  	s3 =	sand.u32 $0x1C00, s3;
	s9 =	sadd.s32 s6, s9  }
0x179: {  	s22 =	simm.s32 $0x80;
	s13 =	simm.s32 $0x11800;
	s3 =	sadd.s32 s3, s9  }
0x17a: {  	[tilespmem:s13], [sflag:$0x4] =	stream.strided.gather [hbm4b:s3+s22], $0x400, s19, s22, $0x38;
	[tilespmem:$0x15800] =	vst v63  }
0x17b: {  	s3 =	simm.s32 $0x40  }
0x17c: {  	s3 =	simm.s32 @!p1 $0x0  }
0x17d: {  	s24 =	sor.u32 $0x21, s2;
	s3 =	sor.u32 s3, s12  }
0x17e: {  	s23 =	simm.s32 $0x11C00;
	s25 =	sshll.u32 s24, $0x4;
	s3 =	sadd.s32 s3, s11  }
0x17f: {  	[tilespmem:s23], [sflag:$0x4] =	stream.strided.gather [hbm4b:s3+s22], $0x400, s19, s22, $0x38;
	[tilespmem:$0x15800] =	vst v63  }
0x180: {  	s11 =	sand.u32 $0x50, s25;
	s3 =	sshll.u32 s24, $0x7  }
0x181: {  	s2 =	sor.u32 $0x22, s2;
	s11 =	sadd.s32 s6, s11;
	s3 =	sand.u32 $0x1C00, s3  }
0x182: {  	s26 =	simm.s32 $0x12000;
	s28 =	sshll.u32 s2, $0x4;
	s3 =	sadd.s32 s3, s11  }
0x183: {  	[tilespmem:s26], [sflag:$0x4] =	stream.strided.gather [hbm4b:s3+s22], $0x400, s19, s22, $0x38;
	[tilespmem:$0x15800] =	vst v63  }
0x184: {  	s2 =	sshll.u32 s2, $0x7;
	s3 =	sand.u32 $0x60, s28  }
0x185: {  	s2 =	sand.u32 $0x1C00, s2;
	s3 =	sadd.s32 s6, s3  }
0x186: {  	s29 =	simm.s32 $0x12400;
	s30 =	simm.s32 $0x5;
	s2 =	sadd.s32 s2, s3  }
0x187: {  	[tilespmem:s29], [sflag:$0x4] =	stream.strided.gather [hbm4b:s2+s22], $0x400, s19, s22, $0x38;
	[tilespmem:$0x15800] =	vst v63  }
0x188: {  	_ =	swait.ge [sflag:s30], $0x400  }
0x189: {  	[sflag:s30] =	ssyncset.done $0x0  }
0x18a: {  	s2 =	simm.s32 $0x2;
	[sflag:s30] =	ssyncadd.s32 $0xFFFFFC00  }
0x18b: {  	s2 =	simm.s32 @!p0 $0x0;
	_ =	swait.ge [sflag:s30], $0x400  }
0x18c: {  	s1 =	sor.u32 s1, s2;
	[sflag:s30] =	ssyncset.done $0x0  }
0x18d: {  	s1 =	sshll.u32 s1, $0xA;
	[sflag:s30] =	ssyncadd.s32 $0xFFFFFC00  }
0x18e: {  	s1 =	sadd.s32 $0x12840, s1;
	_ =	swait.ge [sflag:s30], $0x400  }
0x18f: {  	v0 =	vmov s1;
	[sflag:s30] =	ssyncset.done $0x0  }
0x190: {  	[sflag:s30] =	ssyncadd.s32 $0xFFFFFC00  }
0x191: {  	_ =	swait.ge [sflag:s30], $0x400  }
0x192: {  	[sflag:s30] =	ssyncset.done $0x0  }
0x193: {  	s31 =	simm.s32 $0x0;
	[sflag:s30] =	ssyncadd.s32 $0xFFFFFC00  }
0x194: {  	v1 =	vld.idx.msk [tilespmem:v0+s31+$0xFFFFFFC0 ss:$0x1], $0xffff  }
0x195: {  	v2 =	vld [tilespmem:s31+$0x0]  }
0x196: {  	v3 =	vld.idx.msk [tilespmem:v0+s31+$0xFFFFFFD0 ss:$0x1], $0xffff  }
0x197: {  	v4 =	vld [tilespmem:s31+$0x10]  }
0x198: {  	v5 =	vld.idx.msk [tilespmem:v0+s31+$0xFFFFFFE0 ss:$0x1], $0xffff  }
0x199: {  	v6 =	vld [tilespmem:s31+$0x20]  }
0x19a: {  	v7 =	vld.idx.msk [tilespmem:v0+s31+$0xFFFFFFF0 ss:$0x1], $0xffff;
	v1 =	vmul.f32 v1, v2  }
0x19b: {  	v8 =	vld [tilespmem:s31+$0x30];
	v2 =	vimm.f32 $0.0e+00  }
0x19c: {  	v9 =	vld.idx.msk [tilespmem:v0+s31+$0x0 ss:$0x1], $0xffff;
	v3 =	vmul.f32 v3, v4;
	v2 =	vadd.f32 v1, v2  }
0x19d: {  	v10 =	vld [tilespmem:s31+$0x40]  }
0x19e: {  	v5 =	vmul.f32 v5, v6;
	v4 =	vld [tilespmem:s31+$0x50];
	v3 =	vadd.f32 v3, v2  }
0x19f: {  	v1 =	vld.idx.msk [tilespmem:v0+s31+$0x10 ss:$0x1], $0xffff  }
0x1a0: {  	v7 =	vmul.f32 v7, v8;
	v2 =	vld.idx.msk [tilespmem:v0+s31+$0x20 ss:$0x1], $0xffff;
	v6 =	vadd.f32 v5, v3  }
0x1a1: {  	v5 =	vld [tilespmem:s31+$0x60]  }
0x1a2: {  	v8 =	vmul.f32 v9, v10;
	v3 =	vld.idx.msk [tilespmem:v0+s31+$0x30 ss:$0x1], $0xffff;
	v7 =	vadd.f32 v7, v6  }
0x1a3: {  	s0 =	simm.s32 $0x400;
	s9 =	simm.s32 $0x80;
	v6 =	vld [tilespmem:s31+$0x70]  }
.LBB2_6:
0x1a4: {  	p0 =	sne.s32 s0, $0xE00;
	v9 =	vld.idx.msk [tilespmem:v0+s9+$0xFFFFFFC0 ss:$0x1], $0xffff;
	v7 =	vadd.f32 v8, v7;
	v1 =	vmul.f32 v1, v4  }
0x1a5: {  	v4 =	vld [tilespmem:s9+$0x0]  }
0x1a6: {  	v8 =	vld.idx.msk [tilespmem:v0+s9+$0xFFFFFFD0 ss:$0x1], $0xffff;
	v1 =	vadd.f32 v1, v7;
	v2 =	vmul.f32 v2, v5  }
0x1a7: {  	v5 =	vld [tilespmem:s9+$0x10]  }
0x1a8: {  	v7 =	vld.idx.msk [tilespmem:v0+s9+$0xFFFFFFE0 ss:$0x1], $0xffff;
	v1 =	vadd.f32 v2, v1;
	v2 =	vmul.f32 v3, v6  }
0x1a9: {  	v3 =	vld [tilespmem:s9+$0x20]  }
0x1aa: {  	v4 =	vmul.f32 v9, v4;
	v6 =	vld.idx.msk [tilespmem:v0+s9+$0xFFFFFFF0 ss:$0x1], $0xffff;
	v1 =	vadd.f32 v2, v1  }
0x1ab: {  	v2 =	vld [tilespmem:s9+$0x30]  }
0x1ac: {  	v1 =	vadd.f32 v4, v1;
	v4 =	vmul.f32 v8, v5;
	v8 =	vld.idx.msk [tilespmem:v0+s9+$0x0 ss:$0x1], $0xffff  }
0x1ad: {  	v9 =	vld [tilespmem:s9+$0x40]  }
0x1ae: {  	v5 =	vadd.f32 v4, v1;
	v3 =	vmul.f32 v7, v3;
	v1 =	vld.idx.msk [tilespmem:v0+s9+$0x10 ss:$0x1], $0xffff  }
.Ltmp3:
0x1af: {  	v4 =	vld [tilespmem:s9+$0x50];
	(pc) =	sbr.rel @p0 .LBB2_6-.Ltmp3, $4  }
0x1b0: {  	v3 =	vadd.f32 v3, v5;
	v6 =	vmul.f32 v6, v2;
	v2 =	vld.idx.msk [tilespmem:v0+s9+$0x20 ss:$0x1], $0xffff  }
0x1b1: {  	v5 =	vld [tilespmem:s9+$0x60]  }
0x1b2: {  	v7 =	vadd.f32 v6, v3;
	v8 =	vmul.f32 v8, v9;
	v3 =	vld.idx.msk [tilespmem:v0+s9+$0x30 ss:$0x1], $0xffff  }
0x1b3: {  	v6 =	vld [tilespmem:s9+$0x70];
	s9 =	sshra.s32 s0, $0x2;
	s0 =	sadd.s32 $0x200, s0  }
0x1b4: {  	_ =	sdelay $0x3  }
0x1b5: {  	v9 =	vld.idx.msk [tilespmem:v0+s9+$0xFFFFFFC0 ss:$0x1], $0xffff;
	v7 =	vadd.f32 v8, v7;
	v1 =	vmul.f32 v1, v4  }
0x1b6: {  	v4 =	vld [tilespmem:s9+$0x0]  }
0x1b7: {  	v8 =	vld.idx.msk [tilespmem:v0+s9+$0xFFFFFFD0 ss:$0x1], $0xffff;
	v1 =	vadd.f32 v1, v7;
	v2 =	vmul.f32 v2, v5  }
0x1b8: {  	v5 =	vld [tilespmem:s9+$0x10]  }
0x1b9: {  	v7 =	vld.idx.msk [tilespmem:v0+s9+$0xFFFFFFE0 ss:$0x1], $0xffff;
	v1 =	vadd.f32 v2, v1;
	v2 =	vmul.f32 v3, v6  }
0x1ba: {  	v3 =	vld [tilespmem:s9+$0x20]  }
0x1bb: {  	v6 =	vld.idx.msk [tilespmem:v0+s9+$0xFFFFFFF0 ss:$0x1], $0xffff;
	v4 =	vmul.f32 v9, v4;
	v1 =	vadd.f32 v2, v1  }
0x1bc: {  	v2 =	vld [tilespmem:s9+$0x30]  }
0x1bd: {  	v1 =	vadd.f32 v4, v1;
	v4 =	vmul.f32 v8, v5;
	v5 =	vld.idx.msk [tilespmem:v0+s9+$0x0 ss:$0x1], $0xffff  }
0x1be: {  	v8 =	vld [tilespmem:s9+$0x40]  }
0x1bf: {  	v3 =	vmul.f32 v7, v3;
	v7 =	vld [tilespmem:s9+$0x50];
	v1 =	vadd.f32 v4, v1  }
0x1c0: {  	v4 =	vld.idx.msk [tilespmem:v0+s9+$0x10 ss:$0x1], $0xffff  }
0x1c1: {  	v2 =	vmul.f32 v6, v2;
	v6 =	vld [tilespmem:s9+$0x60];
	v1 =	vadd.f32 v3, v1  }
0x1c2: {  	v3 =	vld.idx.msk [tilespmem:v0+s9+$0x20 ss:$0x1], $0xffff  }
0x1c3: {  	v0 =	vld.idx.msk [tilespmem:v0+s9+$0x30 ss:$0x1], $0xffff;
	v1 =	vadd.f32 v2, v1;
	v2 =	vmul.f32 v5, v8  }
0x1c4: {  	v5 =	vld [tilespmem:s9+$0x70]  }
0x1c5: {  	v1 =	vadd.f32 v2, v1;
	v2 =	vmul.f32 v4, v7;
	_ =	sdelay $0x1  }
0x1c6: {  	v1 =	vadd.f32 v2, v1;
	v2 =	vmul.f32 v3, v6;
	_ =	sdelay $0x1  }
0x1c7: {  	v0 =	vmul.f32 v0, v5;
	v1 =	vadd.f32 v2, v1;
	_ =	sdelay $0x1  }
0x1c8: {  	v0 =	vadd.f32 v0, v1;
	_ =	sdelay $0x1  }
0x1c9: {  	(xrf2) =	vadd.scan.msk.f32 $0xffff, v0  }
0x1ca: {  	s0 =	sadd.s32 $0x7, s10  }
0x1cb: {  	v0 =	vmov s0;
	_ =	sdelay $0x3  }
0x1cc: {  	s18 =	simm.s32 $0x400  }
0x1cd: {  	v0 =	vld.idx.msk [tilespmem:v0+s18+$0x0], $0xffff;
	_ =	sdelay $0x2  }
0x1ce: {  	v1, _, _ =	vpop (xrf2)  }
0x1cf: {  	(v2sf) =	vpush v1, $0xF  }
0x1d0: {  	(v2sf) =	vpush v0, $0x0;
	_ =	sdelay $0xd  }
0x1d1: {  	s1 =	spop (v2sf)  }
0x1d2: {  	s2 =	spop (v2sf)  }
0x1d3: {  	s1 =	sadd.f32 s2, s1;
	_ =	sdelay $0x1  }
0x1d4: {  	p0 =	sgt.f32 s1, $0.0e+00  }
0x1d5: {  	s1 =	simm.s32 $0x1  }
0x1d6: {  	s19 =	sshll.u32 s10, $0x1;
	s1 =	simm.s32 @!p0 $0x0  }
0x1d7: {  	s9 =	sor.u32 s1, s19  }
0x1d8: {  	s2 =	sshll.u32 s9, $0x2  }
0x1d9: {  	s3 =	sadd.s32 $0x3F, s2  }
0x1da: {  	s11 =	sshll.u32 s3, $0xA;
	s3 =	sshll.u32 s3, $0x7  }
0x1db: {  	s11 =	sand.u32 $0x1E000, s11;
	s3 =	sand.u32 $0x380, s3  }
0x1dc: {  	s3 =	sor.u32 s3, s11  }
0x1dd: {  	s20 =	simm.s32 $0x80;
	s3 =	sshrl.u32 s3, $0x3  }
0x1de: {  	s12 =	simm.s32 $0x12800;
	s21 =	sshll.u32 s10, $0xA;
	s3 =	sadd.s32 s6, s3  }
0x1df: {  	[tilespmem:s12], [sflag:$0x5] =	stream.strided.gather [hbm4b:s3+s20], $0x400, s18, s20, $0x38;
	[tilespmem:$0x15800] =	vst v63  }
0x1e0: {  	s22 =	sshll.u32 s1, $0x6;
	s3 =	sadd.s32 s21, s8  }
0x1e1: {  	s23 =	simm.s32 $0x12C00;
	s24 =	sor.u32 $0x41, s2;
	s3 =	sadd.s32 s22, s3  }
0x1e2: {  	[tilespmem:s23], [sflag:$0x5] =	stream.strided.gather [hbm4b:s3+s20], $0x400, s18, s20, $0x38;
	[tilespmem:$0x15800] =	vst v63  }
0x1e3: {  	s25 =	sshll.u32 s24, $0xA;
	s3 =	sshll.u32 s24, $0x7  }
0x1e4: {  	s8 =	sand.u32 $0x1E000, s25;
	s3 =	sand.u32 $0x280, s3  }
0x1e5: {  	s3 =	sor.u32 s3, s8  }
0x1e6: {  	s26 =	simm.s32 $0x13000;
	s2 =	sor.u32 $0x42, s2;
	s3 =	sshrl.u32 s3, $0x3  }
0x1e7: {  	s28 =	sshll.u32 s2, $0xA;
	s2 =	sshll.u32 s2, $0x7;
	s3 =	sadd.s32 s6, s3  }
0x1e8: {  	[tilespmem:s26], [sflag:$0x5] =	stream.strided.gather [hbm4b:s3+s20], $0x400, s18, s20, $0x38;
	[tilespmem:$0x15800] =	vst v63  }
0x1e9: {  	s2 =	sand.u32 $0x300, s2;
	s3 =	sand.u32 $0x1E000, s28  }
0x1ea: {  	s2 =	sor.u32 s2, s3  }
0x1eb: {  	s2 =	sshrl.u32 s2, $0x3  }
0x1ec: {  	s29 =	simm.s32 $0x13400;
	s30 =	simm.s32 $0x6;
	s2 =	sadd.s32 s6, s2  }
0x1ed: {  	[tilespmem:s29], [sflag:$0x5] =	stream.strided.gather [hbm4b:s2+s20], $0x400, s18, s20, $0x38;
	[tilespmem:$0x15800] =	vst v63  }
0x1ee: {  	_ =	swait.ge [sflag:s30], $0x400  }
0x1ef: {  	[sflag:s30] =	ssyncset.done $0x0  }
0x1f0: {  	s2 =	simm.s32 $0x2;
	[sflag:s30] =	ssyncadd.s32 $0xFFFFFC00  }
0x1f1: {  	s2 =	simm.s32 @!p1 $0x0;
	_ =	swait.ge [sflag:s30], $0x400  }
0x1f2: {  	s1 =	sor.u32 s1, s2;
	[sflag:s30] =	ssyncset.done $0x0  }
0x1f3: {  	s1 =	sshll.u32 s1, $0xA;
	[sflag:s30] =	ssyncadd.s32 $0xFFFFFC00  }
0x1f4: {  	s1 =	sadd.s32 $0x13840, s1;
	_ =	swait.ge [sflag:s30], $0x400  }
0x1f5: {  	v0 =	vmov s1;
	[sflag:s30] =	ssyncset.done $0x0  }
0x1f6: {  	[sflag:s30] =	ssyncadd.s32 $0xFFFFFC00  }
0x1f7: {  	_ =	swait.ge [sflag:s30], $0x400  }
0x1f8: {  	[sflag:s30] =	ssyncset.done $0x0  }
0x1f9: {  	s31 =	simm.s32 $0x0;
	[sflag:s30] =	ssyncadd.s32 $0xFFFFFC00  }
0x1fa: {  	v1 =	vld.idx.msk [tilespmem:v0+s31+$0xFFFFFFC0 ss:$0x1], $0xffff  }
0x1fb: {  	v2 =	vld [tilespmem:s31+$0x0]  }
0x1fc: {  	v3 =	vld.idx.msk [tilespmem:v0+s31+$0xFFFFFFD0 ss:$0x1], $0xffff  }
0x1fd: {  	v4 =	vld [tilespmem:s31+$0x10]  }
0x1fe: {  	v5 =	vld.idx.msk [tilespmem:v0+s31+$0xFFFFFFE0 ss:$0x1], $0xffff  }
0x1ff: {  	v6 =	vld [tilespmem:s31+$0x20]  }
0x200: {  	v7 =	vld.idx.msk [tilespmem:v0+s31+$0xFFFFFFF0 ss:$0x1], $0xffff;
	v1 =	vmul.f32 v1, v2  }
0x201: {  	v8 =	vld [tilespmem:s31+$0x30];
	v2 =	vimm.f32 $0.0e+00  }
0x202: {  	v9 =	vld.idx.msk [tilespmem:v0+s31+$0x0 ss:$0x1], $0xffff;
	v3 =	vmul.f32 v3, v4;
	v2 =	vadd.f32 v1, v2  }
0x203: {  	v10 =	vld [tilespmem:s31+$0x40]  }
0x204: {  	v5 =	vmul.f32 v5, v6;
	v4 =	vld [tilespmem:s31+$0x50];
	v3 =	vadd.f32 v3, v2  }
0x205: {  	v1 =	vld.idx.msk [tilespmem:v0+s31+$0x10 ss:$0x1], $0xffff  }
0x206: {  	v7 =	vmul.f32 v7, v8;
	v2 =	vld.idx.msk [tilespmem:v0+s31+$0x20 ss:$0x1], $0xffff;
	v6 =	vadd.f32 v5, v3  }
0x207: {  	v5 =	vld [tilespmem:s31+$0x60]  }
0x208: {  	v8 =	vmul.f32 v9, v10;
	v3 =	vld.idx.msk [tilespmem:v0+s31+$0x30 ss:$0x1], $0xffff;
	v7 =	vadd.f32 v7, v6  }
0x209: {  	s0 =	simm.s32 $0x400;
	s8 =	simm.s32 $0x80;
	v6 =	vld [tilespmem:s31+$0x70]  }
.LBB2_8:
0x20a: {  	p1 =	sne.s32 s0, $0xE00;
	v9 =	vld.idx.msk [tilespmem:v0+s8+$0xFFFFFFC0 ss:$0x1], $0xffff;
	v7 =	vadd.f32 v8, v7;
	v1 =	vmul.f32 v1, v4  }
0x20b: {  	v4 =	vld [tilespmem:s8+$0x0]  }
0x20c: {  	v8 =	vld.idx.msk [tilespmem:v0+s8+$0xFFFFFFD0 ss:$0x1], $0xffff;
	v1 =	vadd.f32 v1, v7;
	v2 =	vmul.f32 v2, v5  }
0x20d: {  	v5 =	vld [tilespmem:s8+$0x10]  }
0x20e: {  	v7 =	vld.idx.msk [tilespmem:v0+s8+$0xFFFFFFE0 ss:$0x1], $0xffff;
	v1 =	vadd.f32 v2, v1;
	v2 =	vmul.f32 v3, v6  }
0x20f: {  	v3 =	vld [tilespmem:s8+$0x20]  }
0x210: {  	v4 =	vmul.f32 v9, v4;
	v6 =	vld.idx.msk [tilespmem:v0+s8+$0xFFFFFFF0 ss:$0x1], $0xffff;
	v1 =	vadd.f32 v2, v1  }
0x211: {  	v2 =	vld [tilespmem:s8+$0x30]  }
0x212: {  	v1 =	vadd.f32 v4, v1;
	v4 =	vmul.f32 v8, v5;
	v8 =	vld.idx.msk [tilespmem:v0+s8+$0x0 ss:$0x1], $0xffff  }
0x213: {  	v9 =	vld [tilespmem:s8+$0x40]  }
0x214: {  	v5 =	vadd.f32 v4, v1;
	v3 =	vmul.f32 v7, v3;
	v1 =	vld.idx.msk [tilespmem:v0+s8+$0x10 ss:$0x1], $0xffff  }
.Ltmp4:
0x215: {  	v4 =	vld [tilespmem:s8+$0x50];
	(pc) =	sbr.rel @p1 .LBB2_8-.Ltmp4, $4  }
0x216: {  	v3 =	vadd.f32 v3, v5;
	v6 =	vmul.f32 v6, v2;
	v2 =	vld.idx.msk [tilespmem:v0+s8+$0x20 ss:$0x1], $0xffff  }
0x217: {  	v5 =	vld [tilespmem:s8+$0x60]  }
0x218: {  	v7 =	vadd.f32 v6, v3;
	v8 =	vmul.f32 v8, v9;
	v3 =	vld.idx.msk [tilespmem:v0+s8+$0x30 ss:$0x1], $0xffff  }
0x219: {  	v6 =	vld [tilespmem:s8+$0x70];
	s8 =	sshra.s32 s0, $0x2;
	s0 =	sadd.s32 $0x200, s0  }
0x21a: {  	_ =	sdelay $0x3  }
0x21b: {  	v9 =	vld.idx.msk [tilespmem:v0+s8+$0xFFFFFFC0 ss:$0x1], $0xffff;
	v7 =	vadd.f32 v8, v7;
	v1 =	vmul.f32 v1, v4  }
0x21c: {  	v4 =	vld [tilespmem:s8+$0x0]  }
0x21d: {  	v8 =	vld.idx.msk [tilespmem:v0+s8+$0xFFFFFFD0 ss:$0x1], $0xffff;
	v1 =	vadd.f32 v1, v7;
	v2 =	vmul.f32 v2, v5  }
0x21e: {  	v5 =	vld [tilespmem:s8+$0x10]  }
0x21f: {  	v7 =	vld.idx.msk [tilespmem:v0+s8+$0xFFFFFFE0 ss:$0x1], $0xffff;
	v1 =	vadd.f32 v2, v1;
	v2 =	vmul.f32 v3, v6  }
0x220: {  	v3 =	vld [tilespmem:s8+$0x20]  }
0x221: {  	v6 =	vld.idx.msk [tilespmem:v0+s8+$0xFFFFFFF0 ss:$0x1], $0xffff;
	v4 =	vmul.f32 v9, v4;
	v1 =	vadd.f32 v2, v1  }
0x222: {  	v2 =	vld [tilespmem:s8+$0x30]  }
0x223: {  	v1 =	vadd.f32 v4, v1;
	v4 =	vmul.f32 v8, v5;
	v5 =	vld.idx.msk [tilespmem:v0+s8+$0x0 ss:$0x1], $0xffff  }
0x224: {  	v8 =	vld [tilespmem:s8+$0x40]  }
0x225: {  	v3 =	vmul.f32 v7, v3;
	v7 =	vld [tilespmem:s8+$0x50];
	v1 =	vadd.f32 v4, v1  }
0x226: {  	v4 =	vld.idx.msk [tilespmem:v0+s8+$0x10 ss:$0x1], $0xffff  }
0x227: {  	v2 =	vmul.f32 v6, v2;
	v6 =	vld [tilespmem:s8+$0x60];
	v1 =	vadd.f32 v3, v1  }
0x228: {  	v3 =	vld.idx.msk [tilespmem:v0+s8+$0x20 ss:$0x1], $0xffff  }
0x229: {  	v0 =	vld.idx.msk [tilespmem:v0+s8+$0x30 ss:$0x1], $0xffff;
	v1 =	vadd.f32 v2, v1;
	v2 =	vmul.f32 v5, v8  }
0x22a: {  	v5 =	vld [tilespmem:s8+$0x70]  }
0x22b: {  	v1 =	vadd.f32 v2, v1;
	v2 =	vmul.f32 v4, v7;
	_ =	sdelay $0x1  }
0x22c: {  	v1 =	vadd.f32 v2, v1;
	v2 =	vmul.f32 v3, v6;
	_ =	sdelay $0x1  }
0x22d: {  	v0 =	vmul.f32 v0, v5;
	v1 =	vadd.f32 v2, v1;
	_ =	sdelay $0x1  }
0x22e: {  	v0 =	vadd.f32 v0, v1  }
0x22f: {  	s0 =	sadd.s32 $0xF, s9  }
0x230: {  	v1 =	vmov s0;
	(xrf2) =	vadd.scan.msk.f32 $0xffff, v0  }
0x231: {  	v0 =	vbroadcast v1, $0x0;
	_ =	sdelay $0x4  }
0x232: {  	s19 =	simm.s32 $0x400  }
0x233: {  	v0 =	vld.idx.msk [tilespmem:v0+s19+$0x0], $0xffff;
	_ =	sdelay $0x2  }
0x234: {  	v1, _, _ =	vpop (xrf2)  }
0x235: {  	(v2sf) =	vpush v1, $0xF  }
0x236: {  	(v2sf) =	vpush v0, $0x0;
	_ =	sdelay $0xd  }
0x237: {  	s1 =	spop (v2sf)  }
0x238: {  	s2 =	spop (v2sf)  }
0x239: {  	s1 =	sadd.f32 s2, s1;
	_ =	sdelay $0x1  }
0x23a: {  	p1 =	sgt.f32 s1, $0.0e+00  }
0x23b: {  	s1 =	simm.s32 $0x1  }
0x23c: {  	s20 =	sshll.u32 s9, $0x1;
	s1 =	simm.s32 @!p1 $0x0  }
0x23d: {  	s8 =	sor.u32 s1, s20  }
0x23e: {  	s2 =	sshll.u32 s8, $0x2  }
0x23f: {  	s3 =	sadd.s32 $0x7F, s2  }
0x240: {  	s10 =	sshll.u32 s3, $0xA;
	s3 =	sshll.u32 s3, $0x7  }
0x241: {  	s10 =	sand.u32 $0x3E000, s10;
	s3 =	sand.u32 $0x380, s3  }
0x242: {  	s3 =	sor.u32 s3, s10  }
0x243: {  	s21 =	simm.s32 $0x80;
	s11 =	simm.s32 $0x13800;
	s3 =	sshrl.u32 s3, $0x3  }
0x244: {  	s22 =	sshll.u32 s9, $0xA;
	s9 =	simm.s32 $0x40;
	s3 =	sadd.s32 s6, s3  }
0x245: {  	[tilespmem:s11], [sflag:$0x6] =	stream.strided.gather [hbm4b:s3+s21], $0x400, s19, s21, $0x38;
	[tilespmem:$0x15800] =	vst v63  }
0x246: {  	s9 =	simm.s32 @!p1 $0x0;
	s3 =	sadd.s32 s22, s7  }
0x247: {  	s23 =	simm.s32 $0x13C00;
	s24 =	sor.u32 $0x81, s2;
	s3 =	sadd.s32 s9, s3  }
0x248: {  	[tilespmem:s23], [sflag:$0x6] =	stream.strided.gather [hbm4b:s3+s21], $0x400, s19, s21, $0x38;
	[tilespmem:$0x15800] =	vst v63  }
0x249: {  	s25 =	sshll.u32 s24, $0xA;
	s3 =	sshll.u32 s24, $0x7  }
0x24a: {  	s7 =	sand.u32 $0x3E000, s25;
	s3 =	sand.u32 $0x280, s3  }
0x24b: {  	s3 =	sor.u32 s3, s7  }
0x24c: {  	s26 =	simm.s32 $0x14000;
	s2 =	sor.u32 $0x82, s2;
	s3 =	sshrl.u32 s3, $0x3  }
0x24d: {  	s28 =	sshll.u32 s2, $0xA;
	s2 =	sshll.u32 s2, $0x7;
	s3 =	sadd.s32 s6, s3  }
0x24e: {  	[tilespmem:s26], [sflag:$0x6] =	stream.strided.gather [hbm4b:s3+s21], $0x400, s19, s21, $0x38;
	[tilespmem:$0x15800] =	vst v63  }
0x24f: {  	s2 =	sand.u32 $0x300, s2;
	s3 =	sand.u32 $0x3E000, s28  }
0x250: {  	s2 =	sor.u32 s2, s3  }
0x251: {  	s2 =	sshrl.u32 s2, $0x3  }
0x252: {  	s29 =	simm.s32 $0x14400;
	s30 =	simm.s32 $0x4;
	s2 =	sadd.s32 s6, s2  }
0x253: {  	[tilespmem:s29], [sflag:$0x6] =	stream.strided.gather [hbm4b:s2+s21], $0x400, s19, s21, $0x38;
	[tilespmem:$0x15800] =	vst v63  }
0x254: {  	_ =	swait.ge [sflag:s30], $0x400  }
0x255: {  	[sflag:s30] =	ssyncset.done $0x0  }
0x256: {  	s2 =	simm.s32 $0x2;
	[sflag:s30] =	ssyncadd.s32 $0xFFFFFC00  }
0x257: {  	s2 =	simm.s32 @!p0 $0x0;
	_ =	swait.ge [sflag:s30], $0x400  }
0x258: {  	s1 =	sor.u32 s1, s2;
	[sflag:s30] =	ssyncset.done $0x0  }
0x259: {  	s1 =	sshll.u32 s1, $0xA;
	[sflag:s30] =	ssyncadd.s32 $0xFFFFFC00  }
0x25a: {  	s1 =	sadd.s32 $0x11840, s1;
	_ =	swait.ge [sflag:s30], $0x400  }
0x25b: {  	v0 =	vmov s1;
	[sflag:s30] =	ssyncset.done $0x0  }
0x25c: {  	[sflag:s30] =	ssyncadd.s32 $0xFFFFFC00  }
0x25d: {  	_ =	swait.ge [sflag:s30], $0x400  }
0x25e: {  	[sflag:s30] =	ssyncset.done $0x0  }
0x25f: {  	s31 =	simm.s32 $0x0;
	[sflag:s30] =	ssyncadd.s32 $0xFFFFFC00  }
0x260: {  	v1 =	vld.idx.msk [tilespmem:v0+s31+$0xFFFFFFC0 ss:$0x1], $0xffff  }
0x261: {  	v2 =	vld [tilespmem:s31+$0x0]  }
0x262: {  	v3 =	vld.idx.msk [tilespmem:v0+s31+$0xFFFFFFD0 ss:$0x1], $0xffff  }
0x263: {  	v4 =	vld [tilespmem:s31+$0x10]  }
0x264: {  	v5 =	vld.idx.msk [tilespmem:v0+s31+$0xFFFFFFE0 ss:$0x1], $0xffff  }
0x265: {  	v6 =	vld [tilespmem:s31+$0x20]  }
0x266: {  	v7 =	vld.idx.msk [tilespmem:v0+s31+$0xFFFFFFF0 ss:$0x1], $0xffff;
	v1 =	vmul.f32 v1, v2  }
0x267: {  	v8 =	vld [tilespmem:s31+$0x30];
	v2 =	vimm.f32 $0.0e+00  }
0x268: {  	v9 =	vld.idx.msk [tilespmem:v0+s31+$0x0 ss:$0x1], $0xffff;
	v3 =	vmul.f32 v3, v4;
	v2 =	vadd.f32 v1, v2  }
0x269: {  	v10 =	vld [tilespmem:s31+$0x40]  }
0x26a: {  	v5 =	vmul.f32 v5, v6;
	v4 =	vld [tilespmem:s31+$0x50];
	v3 =	vadd.f32 v3, v2  }
0x26b: {  	v1 =	vld.idx.msk [tilespmem:v0+s31+$0x10 ss:$0x1], $0xffff  }
0x26c: {  	v7 =	vmul.f32 v7, v8;
	v2 =	vld.idx.msk [tilespmem:v0+s31+$0x20 ss:$0x1], $0xffff;
	v6 =	vadd.f32 v5, v3  }
0x26d: {  	v5 =	vld [tilespmem:s31+$0x60]  }
0x26e: {  	v8 =	vmul.f32 v9, v10;
	v3 =	vld.idx.msk [tilespmem:v0+s31+$0x30 ss:$0x1], $0xffff;
	v7 =	vadd.f32 v7, v6  }
0x26f: {  	s0 =	simm.s32 $0x400;
	s7 =	simm.s32 $0x80;
	v6 =	vld [tilespmem:s31+$0x70]  }
.LBB2_10:
0x270: {  	p0 =	sne.s32 s0, $0xE00;
	v9 =	vld.idx.msk [tilespmem:v0+s7+$0xFFFFFFC0 ss:$0x1], $0xffff;
	v7 =	vadd.f32 v8, v7;
	v1 =	vmul.f32 v1, v4  }
0x271: {  	v4 =	vld [tilespmem:s7+$0x0]  }
0x272: {  	v8 =	vld.idx.msk [tilespmem:v0+s7+$0xFFFFFFD0 ss:$0x1], $0xffff;
	v1 =	vadd.f32 v1, v7;
	v2 =	vmul.f32 v2, v5  }
0x273: {  	v5 =	vld [tilespmem:s7+$0x10]  }
0x274: {  	v7 =	vld.idx.msk [tilespmem:v0+s7+$0xFFFFFFE0 ss:$0x1], $0xffff;
	v1 =	vadd.f32 v2, v1;
	v2 =	vmul.f32 v3, v6  }
0x275: {  	v3 =	vld [tilespmem:s7+$0x20]  }
0x276: {  	v4 =	vmul.f32 v9, v4;
	v6 =	vld.idx.msk [tilespmem:v0+s7+$0xFFFFFFF0 ss:$0x1], $0xffff;
	v1 =	vadd.f32 v2, v1  }
0x277: {  	v2 =	vld [tilespmem:s7+$0x30]  }
0x278: {  	v1 =	vadd.f32 v4, v1;
	v4 =	vmul.f32 v8, v5;
	v8 =	vld.idx.msk [tilespmem:v0+s7+$0x0 ss:$0x1], $0xffff  }
0x279: {  	v9 =	vld [tilespmem:s7+$0x40]  }
0x27a: {  	v5 =	vadd.f32 v4, v1;
	v3 =	vmul.f32 v7, v3;
	v1 =	vld.idx.msk [tilespmem:v0+s7+$0x10 ss:$0x1], $0xffff  }
.Ltmp5:
0x27b: {  	v4 =	vld [tilespmem:s7+$0x50];
	(pc) =	sbr.rel @p0 .LBB2_10-.Ltmp5, $4  }
0x27c: {  	v3 =	vadd.f32 v3, v5;
	v6 =	vmul.f32 v6, v2;
	v2 =	vld.idx.msk [tilespmem:v0+s7+$0x20 ss:$0x1], $0xffff  }
0x27d: {  	v5 =	vld [tilespmem:s7+$0x60]  }
0x27e: {  	v7 =	vadd.f32 v6, v3;
	v8 =	vmul.f32 v8, v9;
	v3 =	vld.idx.msk [tilespmem:v0+s7+$0x30 ss:$0x1], $0xffff  }
0x27f: {  	v6 =	vld [tilespmem:s7+$0x70];
	s7 =	sshra.s32 s0, $0x2;
	s0 =	sadd.s32 $0x200, s0  }
0x280: {  	_ =	sdelay $0x3  }
0x281: {  	v9 =	vld.idx.msk [tilespmem:v0+s7+$0xFFFFFFC0 ss:$0x1], $0xffff;
	v7 =	vadd.f32 v8, v7;
	v1 =	vmul.f32 v1, v4  }
0x282: {  	v4 =	vld [tilespmem:s7+$0x0]  }
0x283: {  	v8 =	vld.idx.msk [tilespmem:v0+s7+$0xFFFFFFD0 ss:$0x1], $0xffff;
	v1 =	vadd.f32 v1, v7;
	v2 =	vmul.f32 v2, v5  }
0x284: {  	v5 =	vld [tilespmem:s7+$0x10]  }
0x285: {  	v7 =	vld.idx.msk [tilespmem:v0+s7+$0xFFFFFFE0 ss:$0x1], $0xffff;
	v1 =	vadd.f32 v2, v1;
	v2 =	vmul.f32 v3, v6  }
0x286: {  	v3 =	vld [tilespmem:s7+$0x20]  }
0x287: {  	v6 =	vld.idx.msk [tilespmem:v0+s7+$0xFFFFFFF0 ss:$0x1], $0xffff;
	v4 =	vmul.f32 v9, v4;
	v1 =	vadd.f32 v2, v1  }
0x288: {  	v2 =	vld [tilespmem:s7+$0x30]  }
0x289: {  	v1 =	vadd.f32 v4, v1;
	v4 =	vmul.f32 v8, v5;
	v5 =	vld.idx.msk [tilespmem:v0+s7+$0x0 ss:$0x1], $0xffff  }
0x28a: {  	v8 =	vld [tilespmem:s7+$0x40]  }
0x28b: {  	v3 =	vmul.f32 v7, v3;
	v7 =	vld [tilespmem:s7+$0x50];
	v1 =	vadd.f32 v4, v1  }
0x28c: {  	v4 =	vld.idx.msk [tilespmem:v0+s7+$0x10 ss:$0x1], $0xffff  }
0x28d: {  	v2 =	vmul.f32 v6, v2;
	v6 =	vld [tilespmem:s7+$0x60];
	v1 =	vadd.f32 v3, v1  }
0x28e: {  	v3 =	vld.idx.msk [tilespmem:v0+s7+$0x20 ss:$0x1], $0xffff  }
0x28f: {  	v0 =	vld.idx.msk [tilespmem:v0+s7+$0x30 ss:$0x1], $0xffff;
	v1 =	vadd.f32 v2, v1;
	v2 =	vmul.f32 v5, v8  }
0x290: {  	v5 =	vld [tilespmem:s7+$0x70]  }
0x291: {  	v1 =	vadd.f32 v2, v1;
	v2 =	vmul.f32 v4, v7;
	_ =	sdelay $0x1  }
0x292: {  	v1 =	vadd.f32 v2, v1;
	v2 =	vmul.f32 v3, v6;
	_ =	sdelay $0x1  }
0x293: {  	v0 =	vmul.f32 v0, v5;
	v1 =	vadd.f32 v2, v1;
	_ =	sdelay $0x1  }
0x294: {  	v0 =	vadd.f32 v0, v1;
	_ =	sdelay $0x1  }
0x295: {  	(xrf2) =	vadd.scan.msk.f32 $0xffff, v0  }
0x296: {  	s0 =	sadd.s32 $0x1F, s8  }
0x297: {  	v0 =	vmov s0;
	_ =	sdelay $0x3  }
0x298: {  	s19 =	simm.s32 $0x400  }
0x299: {  	v0 =	vld.idx.msk [tilespmem:v0+s19+$0x0], $0xffff;
	_ =	sdelay $0x2  }
0x29a: {  	v1, _, _ =	vpop (xrf2)  }
0x29b: {  	(v2sf) =	vpush v1, $0xF  }
0x29c: {  	(v2sf) =	vpush v0, $0x0;
	_ =	sdelay $0xd  }
0x29d: {  	s1 =	spop (v2sf)  }
0x29e: {  	s2 =	spop (v2sf)  }
0x29f: {  	s1 =	sadd.f32 s2, s1;
	_ =	sdelay $0x1  }
0x2a0: {  	p0 =	sgt.f32 s1, $0.0e+00  }
0x2a1: {  	s1 =	simm.s32 $0x1  }
0x2a2: {  	s20 =	sshll.u32 s8, $0x1;
	s1 =	simm.s32 @!p0 $0x0  }
0x2a3: {  	s7 =	sor.u32 s1, s20  }
0x2a4: {  	s2 =	sshll.u32 s7, $0x2  }
0x2a5: {  	s3 =	sadd.s32 $0xFF, s2  }
0x2a6: {  	s9 =	sshll.u32 s3, $0xA;
	s3 =	sshll.u32 s3, $0x7  }
0x2a7: {  	s9 =	sand.u32 $0x7E000, s9;
	s3 =	sand.u32 $0x380, s3  }
0x2a8: {  	s3 =	sor.u32 s3, s9  }
0x2a9: {  	s3 =	sshrl.u32 s3, $0x3  }
0x2aa: {  	s21 =	simm.s32 $0x80;
	s10 =	simm.s32 $0x11800;
	s3 =	sadd.s32 s6, s3  }
0x2ab: {  	[tilespmem:s10], [sflag:$0x4] =	stream.strided.gather [hbm4b:s3+s21], $0x400, s19, s21, $0x38;
	[tilespmem:$0x15800] =	vst v63  }
0x2ac: {  	s3 =	simm.s32 $0x200  }
0x2ad: {  	s22 =	sshll.u32 s8, $0xD;
	s3 =	simm.s32 @!p0 $0x0  }
0x2ae: {  	s3 =	sor.u32 s3, s22  }
0x2af: {  	s3 =	sor.u32 $0x40000, s3  }
0x2b0: {  	s3 =	sshrl.u32 s3, $0x3  }
0x2b1: {  	s23 =	simm.s32 $0x11C00;
	s24 =	sor.u32 $0x101, s2;
	s3 =	sadd.s32 s6, s3  }
0x2b2: {  	[tilespmem:s23], [sflag:$0x4] =	stream.strided.gather [hbm4b:s3+s21], $0x400, s19, s21, $0x38;
	[tilespmem:$0x15800] =	vst v63  }
0x2b3: {  	s25 =	sshll.u32 s24, $0xA;
	s3 =	sshll.u32 s24, $0x7  }
0x2b4: {  	s8 =	sand.u32 $0x7E000, s25;
	s3 =	sand.u32 $0x280, s3  }
0x2b5: {  	s3 =	sor.u32 s3, s8  }
0x2b6: {  	s26 =	simm.s32 $0x12000;
	s2 =	sor.u32 $0x102, s2;
	s3 =	sshrl.u32 s3, $0x3  }
0x2b7: {  	s28 =	sshll.u32 s2, $0xA;
	s2 =	sshll.u32 s2, $0x7;
	s3 =	sadd.s32 s6, s3  }
0x2b8: {  	[tilespmem:s26], [sflag:$0x4] =	stream.strided.gather [hbm4b:s3+s21], $0x400, s19, s21, $0x38;
	[tilespmem:$0x15800] =	vst v63  }
0x2b9: {  	s2 =	sand.u32 $0x300, s2;
	s3 =	sand.u32 $0x7E000, s28  }
0x2ba: {  	s2 =	sor.u32 s2, s3  }
0x2bb: {  	s2 =	sshrl.u32 s2, $0x3  }
0x2bc: {  	s29 =	simm.s32 $0x12400;
	s30 =	simm.s32 $0x5;
	s2 =	sadd.s32 s6, s2  }
0x2bd: {  	[tilespmem:s29], [sflag:$0x4] =	stream.strided.gather [hbm4b:s2+s21], $0x400, s19, s21, $0x38;
	[tilespmem:$0x15800] =	vst v63  }
0x2be: {  	_ =	swait.ge [sflag:s30], $0x400  }
0x2bf: {  	[sflag:s30] =	ssyncset.done $0x0  }
0x2c0: {  	s2 =	simm.s32 $0x2;
	[sflag:s30] =	ssyncadd.s32 $0xFFFFFC00  }
0x2c1: {  	s2 =	simm.s32 @!p1 $0x0;
	_ =	swait.ge [sflag:s30], $0x400  }
0x2c2: {  	s1 =	sor.u32 s1, s2;
	[sflag:s30] =	ssyncset.done $0x0  }
0x2c3: {  	s1 =	sshll.u32 s1, $0xA;
	[sflag:s30] =	ssyncadd.s32 $0xFFFFFC00  }
0x2c4: {  	s1 =	sadd.s32 $0x12840, s1;
	_ =	swait.ge [sflag:s30], $0x400  }
0x2c5: {  	v0 =	vmov s1;
	[sflag:s30] =	ssyncset.done $0x0  }
0x2c6: {  	[sflag:s30] =	ssyncadd.s32 $0xFFFFFC00  }
0x2c7: {  	_ =	swait.ge [sflag:s30], $0x400  }
0x2c8: {  	[sflag:s30] =	ssyncset.done $0x0  }
0x2c9: {  	s31 =	simm.s32 $0x0;
	[sflag:s30] =	ssyncadd.s32 $0xFFFFFC00  }
0x2ca: {  	v1 =	vld.idx.msk [tilespmem:v0+s31+$0xFFFFFFC0 ss:$0x1], $0xffff  }
0x2cb: {  	v2 =	vld [tilespmem:s31+$0x0]  }
0x2cc: {  	v3 =	vld.idx.msk [tilespmem:v0+s31+$0xFFFFFFD0 ss:$0x1], $0xffff  }
0x2cd: {  	v4 =	vld [tilespmem:s31+$0x10]  }
0x2ce: {  	v5 =	vld.idx.msk [tilespmem:v0+s31+$0xFFFFFFE0 ss:$0x1], $0xffff  }
0x2cf: {  	v6 =	vld [tilespmem:s31+$0x20]  }
0x2d0: {  	v7 =	vld.idx.msk [tilespmem:v0+s31+$0xFFFFFFF0 ss:$0x1], $0xffff;
	v1 =	vmul.f32 v1, v2  }
0x2d1: {  	v8 =	vld [tilespmem:s31+$0x30];
	v2 =	vimm.f32 $0.0e+00  }
0x2d2: {  	v9 =	vld.idx.msk [tilespmem:v0+s31+$0x0 ss:$0x1], $0xffff;
	v3 =	vmul.f32 v3, v4;
	v2 =	vadd.f32 v1, v2  }
0x2d3: {  	v10 =	vld [tilespmem:s31+$0x40]  }
0x2d4: {  	v5 =	vmul.f32 v5, v6;
	v4 =	vld [tilespmem:s31+$0x50];
	v3 =	vadd.f32 v3, v2  }
0x2d5: {  	v1 =	vld.idx.msk [tilespmem:v0+s31+$0x10 ss:$0x1], $0xffff  }
0x2d6: {  	v7 =	vmul.f32 v7, v8;
	v2 =	vld.idx.msk [tilespmem:v0+s31+$0x20 ss:$0x1], $0xffff;
	v6 =	vadd.f32 v5, v3  }
0x2d7: {  	v5 =	vld [tilespmem:s31+$0x60]  }
0x2d8: {  	v8 =	vmul.f32 v9, v10;
	v3 =	vld.idx.msk [tilespmem:v0+s31+$0x30 ss:$0x1], $0xffff;
	v7 =	vadd.f32 v7, v6  }
0x2d9: {  	s0 =	simm.s32 $0x400;
	s8 =	simm.s32 $0x80;
	v6 =	vld [tilespmem:s31+$0x70]  }
.LBB2_12:
0x2da: {  	p1 =	sne.s32 s0, $0xE00;
	v9 =	vld.idx.msk [tilespmem:v0+s8+$0xFFFFFFC0 ss:$0x1], $0xffff;
	v7 =	vadd.f32 v8, v7;
	v1 =	vmul.f32 v1, v4  }
0x2db: {  	v4 =	vld [tilespmem:s8+$0x0]  }
0x2dc: {  	v8 =	vld.idx.msk [tilespmem:v0+s8+$0xFFFFFFD0 ss:$0x1], $0xffff;
	v1 =	vadd.f32 v1, v7;
	v2 =	vmul.f32 v2, v5  }
0x2dd: {  	v5 =	vld [tilespmem:s8+$0x10]  }
0x2de: {  	v7 =	vld.idx.msk [tilespmem:v0+s8+$0xFFFFFFE0 ss:$0x1], $0xffff;
	v1 =	vadd.f32 v2, v1;
	v2 =	vmul.f32 v3, v6  }
0x2df: {  	v3 =	vld [tilespmem:s8+$0x20]  }
0x2e0: {  	v4 =	vmul.f32 v9, v4;
	v6 =	vld.idx.msk [tilespmem:v0+s8+$0xFFFFFFF0 ss:$0x1], $0xffff;
	v1 =	vadd.f32 v2, v1  }
0x2e1: {  	v2 =	vld [tilespmem:s8+$0x30]  }
0x2e2: {  	v1 =	vadd.f32 v4, v1;
	v4 =	vmul.f32 v8, v5;
	v8 =	vld.idx.msk [tilespmem:v0+s8+$0x0 ss:$0x1], $0xffff  }
0x2e3: {  	v9 =	vld [tilespmem:s8+$0x40]  }
0x2e4: {  	v5 =	vadd.f32 v4, v1;
	v3 =	vmul.f32 v7, v3;
	v1 =	vld.idx.msk [tilespmem:v0+s8+$0x10 ss:$0x1], $0xffff  }
.Ltmp6:
0x2e5: {  	v4 =	vld [tilespmem:s8+$0x50];
	(pc) =	sbr.rel @p1 .LBB2_12-.Ltmp6, $4  }
0x2e6: {  	v3 =	vadd.f32 v3, v5;
	v6 =	vmul.f32 v6, v2;
	v2 =	vld.idx.msk [tilespmem:v0+s8+$0x20 ss:$0x1], $0xffff  }
0x2e7: {  	v5 =	vld [tilespmem:s8+$0x60]  }
0x2e8: {  	v7 =	vadd.f32 v6, v3;
	v8 =	vmul.f32 v8, v9;
	v3 =	vld.idx.msk [tilespmem:v0+s8+$0x30 ss:$0x1], $0xffff  }
0x2e9: {  	v6 =	vld [tilespmem:s8+$0x70];
	s8 =	sshra.s32 s0, $0x2;
	s0 =	sadd.s32 $0x200, s0  }
0x2ea: {  	_ =	sdelay $0x3  }
0x2eb: {  	v9 =	vld.idx.msk [tilespmem:v0+s8+$0xFFFFFFC0 ss:$0x1], $0xffff;
	v7 =	vadd.f32 v8, v7;
	v1 =	vmul.f32 v1, v4  }
0x2ec: {  	v4 =	vld [tilespmem:s8+$0x0]  }
0x2ed: {  	v8 =	vld.idx.msk [tilespmem:v0+s8+$0xFFFFFFD0 ss:$0x1], $0xffff;
	v1 =	vadd.f32 v1, v7;
	v2 =	vmul.f32 v2, v5  }
0x2ee: {  	v5 =	vld [tilespmem:s8+$0x10]  }
0x2ef: {  	v7 =	vld.idx.msk [tilespmem:v0+s8+$0xFFFFFFE0 ss:$0x1], $0xffff;
	v1 =	vadd.f32 v2, v1;
	v2 =	vmul.f32 v3, v6  }
0x2f0: {  	v3 =	vld [tilespmem:s8+$0x20]  }
0x2f1: {  	v6 =	vld.idx.msk [tilespmem:v0+s8+$0xFFFFFFF0 ss:$0x1], $0xffff;
	v4 =	vmul.f32 v9, v4;
	v1 =	vadd.f32 v2, v1  }
0x2f2: {  	v2 =	vld [tilespmem:s8+$0x30]  }
0x2f3: {  	v1 =	vadd.f32 v4, v1;
	v4 =	vmul.f32 v8, v5;
	v5 =	vld.idx.msk [tilespmem:v0+s8+$0x0 ss:$0x1], $0xffff  }
0x2f4: {  	v8 =	vld [tilespmem:s8+$0x40]  }
0x2f5: {  	v3 =	vmul.f32 v7, v3;
	v7 =	vld [tilespmem:s8+$0x50];
	v1 =	vadd.f32 v4, v1  }
0x2f6: {  	v4 =	vld.idx.msk [tilespmem:v0+s8+$0x10 ss:$0x1], $0xffff  }
0x2f7: {  	v2 =	vmul.f32 v6, v2;
	v6 =	vld [tilespmem:s8+$0x60];
	v1 =	vadd.f32 v3, v1  }
0x2f8: {  	v3 =	vld.idx.msk [tilespmem:v0+s8+$0x20 ss:$0x1], $0xffff  }
0x2f9: {  	v0 =	vld.idx.msk [tilespmem:v0+s8+$0x30 ss:$0x1], $0xffff;
	v1 =	vadd.f32 v2, v1;
	v2 =	vmul.f32 v5, v8  }
0x2fa: {  	v5 =	vld [tilespmem:s8+$0x70]  }
0x2fb: {  	v1 =	vadd.f32 v2, v1;
	v2 =	vmul.f32 v4, v7;
	_ =	sdelay $0x1  }
0x2fc: {  	v1 =	vadd.f32 v2, v1;
	v2 =	vmul.f32 v3, v6;
	_ =	sdelay $0x1  }
0x2fd: {  	v0 =	vmul.f32 v0, v5;
	v1 =	vadd.f32 v2, v1;
	_ =	sdelay $0x1  }
0x2fe: {  	v0 =	vadd.f32 v0, v1;
	_ =	sdelay $0x1  }
0x2ff: {  	(xrf2) =	vadd.scan.msk.f32 $0xffff, v0  }
0x300: {  	s0 =	sadd.s32 $0x3F, s7  }
0x301: {  	v0 =	vmov s0;
	_ =	sdelay $0x3  }
0x302: {  	s19 =	simm.s32 $0x400  }
0x303: {  	v0 =	vld.idx.msk [tilespmem:v0+s19+$0x0], $0xffff;
	_ =	sdelay $0x2  }
0x304: {  	v1, _, _ =	vpop (xrf2)  }
0x305: {  	(v2sf) =	vpush v1, $0xF  }
0x306: {  	(v2sf) =	vpush v0, $0x0;
	_ =	sdelay $0xd  }
0x307: {  	s1 =	spop (v2sf)  }
0x308: {  	s2 =	spop (v2sf)  }
0x309: {  	s1 =	sadd.f32 s2, s1;
	_ =	sdelay $0x1  }
0x30a: {  	p1 =	sgt.f32 s1, $0.0e+00  }
0x30b: {  	s1 =	simm.s32 $0x1  }
0x30c: {  	s20 =	sshll.u32 s7, $0x1;
	s1 =	simm.s32 @!p1 $0x0  }
0x30d: {  	s8 =	sor.u32 s1, s20  }
0x30e: {  	s2 =	sshll.u32 s8, $0x2  }
0x30f: {  	s3 =	sadd.s32 $0x1FF, s2  }
0x310: {  	s9 =	sshll.u32 s3, $0xA;
	s3 =	sshll.u32 s3, $0x7  }
0x311: {  	s9 =	sand.u32 $0xFE000, s9;
	s3 =	sand.u32 $0x380, s3  }
0x312: {  	s3 =	sor.u32 s3, s9  }
0x313: {  	s3 =	sshrl.u32 s3, $0x3  }
0x314: {  	s21 =	simm.s32 $0x80;
	s10 =	simm.s32 $0x12800;
	s3 =	sadd.s32 s6, s3  }
0x315: {  	[tilespmem:s10], [sflag:$0x5] =	stream.strided.gather [hbm4b:s3+s21], $0x400, s19, s21, $0x38;
	[tilespmem:$0x15800] =	vst v63  }
0x316: {  	s3 =	simm.s32 $0x200  }
0x317: {  	s22 =	sshll.u32 s7, $0xD;
	s3 =	simm.s32 @!p1 $0x0  }
0x318: {  	s3 =	sor.u32 s3, s22  }
0x319: {  	s3 =	sor.u32 $0x80000, s3  }
0x31a: {  	s3 =	sshrl.u32 s3, $0x3  }
0x31b: {  	s23 =	simm.s32 $0x12C00;
	s24 =	sor.u32 $0x201, s2;
	s3 =	sadd.s32 s6, s3  }
0x31c: {  	[tilespmem:s23], [sflag:$0x5] =	stream.strided.gather [hbm4b:s3+s21], $0x400, s19, s21, $0x38;
	[tilespmem:$0x15800] =	vst v63  }
0x31d: {  	s25 =	sshll.u32 s24, $0xA;
	s3 =	sshll.u32 s24, $0x7  }
0x31e: {  	s7 =	sand.u32 $0xFE000, s25;
	s3 =	sand.u32 $0x280, s3  }
0x31f: {  	s3 =	sor.u32 s3, s7  }
0x320: {  	s26 =	simm.s32 $0x13000;
	s2 =	sor.u32 $0x202, s2;
	s3 =	sshrl.u32 s3, $0x3  }
0x321: {  	s28 =	sshll.u32 s2, $0xA;
	s2 =	sshll.u32 s2, $0x7;
	s3 =	sadd.s32 s6, s3  }
0x322: {  	[tilespmem:s26], [sflag:$0x5] =	stream.strided.gather [hbm4b:s3+s21], $0x400, s19, s21, $0x38;
	[tilespmem:$0x15800] =	vst v63  }
0x323: {  	s2 =	sand.u32 $0x300, s2;
	s3 =	sand.u32 $0xFE000, s28  }
0x324: {  	s2 =	sor.u32 s2, s3  }
0x325: {  	s2 =	sshrl.u32 s2, $0x3  }
0x326: {  	s29 =	simm.s32 $0x13400;
	s30 =	simm.s32 $0x6;
	s2 =	sadd.s32 s6, s2  }
0x327: {  	[tilespmem:s29], [sflag:$0x5] =	stream.strided.gather [hbm4b:s2+s21], $0x400, s19, s21, $0x38;
	[tilespmem:$0x15800] =	vst v63  }
0x328: {  	_ =	swait.ge [sflag:s30], $0x400  }
0x329: {  	[sflag:s30] =	ssyncset.done $0x0  }
0x32a: {  	s2 =	simm.s32 $0x2;
	[sflag:s30] =	ssyncadd.s32 $0xFFFFFC00  }
0x32b: {  	s2 =	simm.s32 @!p0 $0x0;
	_ =	swait.ge [sflag:s30], $0x400  }
0x32c: {  	s1 =	sor.u32 s1, s2;
	[sflag:s30] =	ssyncset.done $0x0  }
0x32d: {  	s1 =	sshll.u32 s1, $0xA;
	[sflag:s30] =	ssyncadd.s32 $0xFFFFFC00  }
0x32e: {  	s1 =	sadd.s32 $0x13840, s1;
	_ =	swait.ge [sflag:s30], $0x400  }
0x32f: {  	v0 =	vmov s1;
	[sflag:s30] =	ssyncset.done $0x0  }
0x330: {  	[sflag:s30] =	ssyncadd.s32 $0xFFFFFC00  }
0x331: {  	_ =	swait.ge [sflag:s30], $0x400  }
0x332: {  	[sflag:s30] =	ssyncset.done $0x0  }
0x333: {  	s31 =	simm.s32 $0x0;
	[sflag:s30] =	ssyncadd.s32 $0xFFFFFC00  }
0x334: {  	v1 =	vld.idx.msk [tilespmem:v0+s31+$0xFFFFFFC0 ss:$0x1], $0xffff  }
0x335: {  	v2 =	vld [tilespmem:s31+$0x0]  }
0x336: {  	v3 =	vld.idx.msk [tilespmem:v0+s31+$0xFFFFFFD0 ss:$0x1], $0xffff  }
0x337: {  	v4 =	vld [tilespmem:s31+$0x10]  }
0x338: {  	v5 =	vld.idx.msk [tilespmem:v0+s31+$0xFFFFFFE0 ss:$0x1], $0xffff  }
0x339: {  	v6 =	vld [tilespmem:s31+$0x20]  }
0x33a: {  	v7 =	vld.idx.msk [tilespmem:v0+s31+$0xFFFFFFF0 ss:$0x1], $0xffff;
	v1 =	vmul.f32 v1, v2  }
0x33b: {  	v8 =	vld [tilespmem:s31+$0x30];
	v2 =	vimm.f32 $0.0e+00  }
0x33c: {  	v9 =	vld.idx.msk [tilespmem:v0+s31+$0x0 ss:$0x1], $0xffff;
	v3 =	vmul.f32 v3, v4;
	v2 =	vadd.f32 v1, v2  }
0x33d: {  	v10 =	vld [tilespmem:s31+$0x40]  }
0x33e: {  	v5 =	vmul.f32 v5, v6;
	v4 =	vld [tilespmem:s31+$0x50];
	v3 =	vadd.f32 v3, v2  }
0x33f: {  	v1 =	vld.idx.msk [tilespmem:v0+s31+$0x10 ss:$0x1], $0xffff  }
0x340: {  	v7 =	vmul.f32 v7, v8;
	v2 =	vld.idx.msk [tilespmem:v0+s31+$0x20 ss:$0x1], $0xffff;
	v6 =	vadd.f32 v5, v3  }
0x341: {  	v5 =	vld [tilespmem:s31+$0x60]  }
0x342: {  	v8 =	vmul.f32 v9, v10;
	v3 =	vld.idx.msk [tilespmem:v0+s31+$0x30 ss:$0x1], $0xffff;
	v7 =	vadd.f32 v7, v6  }
0x343: {  	s0 =	simm.s32 $0x400;
	s7 =	simm.s32 $0x80;
	v6 =	vld [tilespmem:s31+$0x70]  }
.LBB2_14:
0x344: {  	p0 =	sne.s32 s0, $0xE00;
	v9 =	vld.idx.msk [tilespmem:v0+s7+$0xFFFFFFC0 ss:$0x1], $0xffff;
	v7 =	vadd.f32 v8, v7;
	v1 =	vmul.f32 v1, v4  }
0x345: {  	v4 =	vld [tilespmem:s7+$0x0]  }
0x346: {  	v8 =	vld.idx.msk [tilespmem:v0+s7+$0xFFFFFFD0 ss:$0x1], $0xffff;
	v1 =	vadd.f32 v1, v7;
	v2 =	vmul.f32 v2, v5  }
0x347: {  	v5 =	vld [tilespmem:s7+$0x10]  }
0x348: {  	v7 =	vld.idx.msk [tilespmem:v0+s7+$0xFFFFFFE0 ss:$0x1], $0xffff;
	v1 =	vadd.f32 v2, v1;
	v2 =	vmul.f32 v3, v6  }
0x349: {  	v3 =	vld [tilespmem:s7+$0x20]  }
0x34a: {  	v4 =	vmul.f32 v9, v4;
	v6 =	vld.idx.msk [tilespmem:v0+s7+$0xFFFFFFF0 ss:$0x1], $0xffff;
	v1 =	vadd.f32 v2, v1  }
0x34b: {  	v2 =	vld [tilespmem:s7+$0x30]  }
0x34c: {  	v1 =	vadd.f32 v4, v1;
	v4 =	vmul.f32 v8, v5;
	v8 =	vld.idx.msk [tilespmem:v0+s7+$0x0 ss:$0x1], $0xffff  }
0x34d: {  	v9 =	vld [tilespmem:s7+$0x40]  }
0x34e: {  	v5 =	vadd.f32 v4, v1;
	v3 =	vmul.f32 v7, v3;
	v1 =	vld.idx.msk [tilespmem:v0+s7+$0x10 ss:$0x1], $0xffff  }
.Ltmp7:
0x34f: {  	v4 =	vld [tilespmem:s7+$0x50];
	(pc) =	sbr.rel @p0 .LBB2_14-.Ltmp7, $4  }
0x350: {  	v3 =	vadd.f32 v3, v5;
	v6 =	vmul.f32 v6, v2;
	v2 =	vld.idx.msk [tilespmem:v0+s7+$0x20 ss:$0x1], $0xffff  }
0x351: {  	v5 =	vld [tilespmem:s7+$0x60]  }
0x352: {  	v7 =	vadd.f32 v6, v3;
	v8 =	vmul.f32 v8, v9;
	v3 =	vld.idx.msk [tilespmem:v0+s7+$0x30 ss:$0x1], $0xffff  }
0x353: {  	v6 =	vld [tilespmem:s7+$0x70];
	s7 =	sshra.s32 s0, $0x2;
	s0 =	sadd.s32 $0x200, s0  }
0x354: {  	_ =	sdelay $0x3  }
0x355: {  	v9 =	vld.idx.msk [tilespmem:v0+s7+$0xFFFFFFC0 ss:$0x1], $0xffff;
	v7 =	vadd.f32 v8, v7;
	v1 =	vmul.f32 v1, v4  }
0x356: {  	v4 =	vld [tilespmem:s7+$0x0]  }
0x357: {  	v8 =	vld.idx.msk [tilespmem:v0+s7+$0xFFFFFFD0 ss:$0x1], $0xffff;
	v1 =	vadd.f32 v1, v7;
	v2 =	vmul.f32 v2, v5  }
0x358: {  	v5 =	vld [tilespmem:s7+$0x10]  }
0x359: {  	v7 =	vld.idx.msk [tilespmem:v0+s7+$0xFFFFFFE0 ss:$0x1], $0xffff;
	v1 =	vadd.f32 v2, v1;
	v2 =	vmul.f32 v3, v6  }
0x35a: {  	v3 =	vld [tilespmem:s7+$0x20]  }
0x35b: {  	v6 =	vld.idx.msk [tilespmem:v0+s7+$0xFFFFFFF0 ss:$0x1], $0xffff;
	v4 =	vmul.f32 v9, v4;
	v1 =	vadd.f32 v2, v1  }
0x35c: {  	v2 =	vld [tilespmem:s7+$0x30]  }
0x35d: {  	v1 =	vadd.f32 v4, v1;
	v4 =	vmul.f32 v8, v5;
	v5 =	vld.idx.msk [tilespmem:v0+s7+$0x0 ss:$0x1], $0xffff  }
0x35e: {  	v8 =	vld [tilespmem:s7+$0x40]  }
0x35f: {  	v3 =	vmul.f32 v7, v3;
	v7 =	vld [tilespmem:s7+$0x50];
	v1 =	vadd.f32 v4, v1  }
0x360: {  	v4 =	vld.idx.msk [tilespmem:v0+s7+$0x10 ss:$0x1], $0xffff  }
0x361: {  	v2 =	vmul.f32 v6, v2;
	v6 =	vld [tilespmem:s7+$0x60];
	v1 =	vadd.f32 v3, v1  }
0x362: {  	v3 =	vld.idx.msk [tilespmem:v0+s7+$0x20 ss:$0x1], $0xffff  }
0x363: {  	v0 =	vld.idx.msk [tilespmem:v0+s7+$0x30 ss:$0x1], $0xffff;
	v1 =	vadd.f32 v2, v1;
	v2 =	vmul.f32 v5, v8  }
0x364: {  	v5 =	vld [tilespmem:s7+$0x70]  }
0x365: {  	v1 =	vadd.f32 v2, v1;
	v2 =	vmul.f32 v4, v7;
	_ =	sdelay $0x1  }
0x366: {  	v1 =	vadd.f32 v2, v1;
	v2 =	vmul.f32 v3, v6;
	_ =	sdelay $0x1  }
0x367: {  	v0 =	vmul.f32 v0, v5;
	v1 =	vadd.f32 v2, v1;
	_ =	sdelay $0x1  }
0x368: {  	v0 =	vadd.f32 v0, v1;
	_ =	sdelay $0x1  }
0x369: {  	(xrf2) =	vadd.scan.msk.f32 $0xffff, v0  }
0x36a: {  	s0 =	sadd.s32 $0x7F, s8  }
0x36b: {  	v0 =	vmov s0;
	_ =	sdelay $0x3  }
0x36c: {  	s17 =	simm.s32 $0x400  }
0x36d: {  	v0 =	vld.idx.msk [tilespmem:v0+s17+$0x0], $0xffff;
	_ =	sdelay $0x2  }
0x36e: {  	v1, _, _ =	vpop (xrf2)  }
0x36f: {  	(v2sf) =	vpush v1, $0xF  }
0x370: {  	(v2sf) =	vpush v0, $0x0;
	_ =	sdelay $0xd  }
0x371: {  	s1 =	spop (v2sf)  }
0x372: {  	s2 =	spop (v2sf)  }
0x373: {  	s1 =	sadd.f32 s2, s1;
	_ =	sdelay $0x1  }
0x374: {  	p0 =	sgt.f32 s1, $0.0e+00  }
0x375: {  	s1 =	simm.s32 $0x1  }
0x376: {  	s19 =	sshll.u32 s8, $0x1;
	s1 =	simm.s32 @!p0 $0x0  }
0x377: {  	s18 =	sor.u32 s1, s19  }
0x378: {  	s2 =	sshll.u32 s18, $0x2  }
0x379: {  	s3 =	sadd.s32 $0x3FF, s2  }
0x37a: {  	s20 =	sshll.u32 s3, $0xA;
	s3 =	sshll.u32 s3, $0x7  }
0x37b: {  	s7 =	sand.u32 $0x1FE000, s20;
	s3 =	sand.u32 $0x380, s3  }
0x37c: {  	s3 =	sor.u32 s3, s7  }
0x37d: {  	s3 =	sshrl.u32 s3, $0x3  }
0x37e: {  	s21 =	simm.s32 $0x80;
	s9 =	simm.s32 $0x13800;
	s3 =	sadd.s32 s6, s3  }
0x37f: {  	[tilespmem:s9], [sflag:$0x6] =	stream.strided.gather [hbm4b:s3+s21], $0x400, s17, s21, $0x38;
	[tilespmem:$0x15800] =	vst v63  }
0x380: {  	s3 =	simm.s32 $0x200  }
0x381: {  	s22 =	sshll.u32 s8, $0xD;
	s3 =	simm.s32 @!p0 $0x0  }
0x382: {  	s3 =	sor.u32 s3, s22  }
0x383: {  	s3 =	sor.u32 $0x100000, s3  }
0x384: {  	s3 =	sshrl.u32 s3, $0x3  }
0x385: {  	s23 =	simm.s32 $0x13C00;
	s24 =	sor.u32 $0x401, s2;
	s3 =	sadd.s32 s6, s3  }
0x386: {  	[tilespmem:s23], [sflag:$0x6] =	stream.strided.gather [hbm4b:s3+s21], $0x400, s17, s21, $0x38;
	[tilespmem:$0x15800] =	vst v63  }
0x387: {  	s25 =	sshll.u32 s24, $0xA;
	s3 =	sshll.u32 s24, $0x7  }
0x388: {  	s8 =	sand.u32 $0x1FE000, s25;
	s3 =	sand.u32 $0x280, s3  }
0x389: {  	s3 =	sor.u32 s3, s8  }
0x38a: {  	s26 =	simm.s32 $0x14000;
	s2 =	sor.u32 $0x402, s2;
	s3 =	sshrl.u32 s3, $0x3  }
0x38b: {  	s28 =	sshll.u32 s2, $0xA;
	s2 =	sshll.u32 s2, $0x7;
	s3 =	sadd.s32 s6, s3  }
0x38c: {  	[tilespmem:s26], [sflag:$0x6] =	stream.strided.gather [hbm4b:s3+s21], $0x400, s17, s21, $0x38;
	[tilespmem:$0x15800] =	vst v63  }
0x38d: {  	s2 =	sand.u32 $0x300, s2;
	s3 =	sand.u32 $0x1FE000, s28  }
0x38e: {  	s2 =	sor.u32 s2, s3  }
0x38f: {  	s2 =	sshrl.u32 s2, $0x3  }
0x390: {  	s29 =	simm.s32 $0x14400;
	s30 =	simm.s32 $0x4;
	s2 =	sadd.s32 s6, s2  }
0x391: {  	[tilespmem:s29], [sflag:$0x6] =	stream.strided.gather [hbm4b:s2+s21], $0x400, s17, s21, $0x38;
	[tilespmem:$0x15800] =	vst v63  }
0x392: {  	_ =	swait.ge [sflag:s30], $0x400  }
0x393: {  	[sflag:s30] =	ssyncset.done $0x0  }
0x394: {  	s2 =	simm.s32 $0x2;
	[sflag:s30] =	ssyncadd.s32 $0xFFFFFC00  }
0x395: {  	s2 =	simm.s32 @!p1 $0x0;
	_ =	swait.ge [sflag:s30], $0x400  }
0x396: {  	s1 =	sor.u32 s1, s2;
	[sflag:s30] =	ssyncset.done $0x0  }
0x397: {  	s1 =	sshll.u32 s1, $0xA;
	[sflag:s30] =	ssyncadd.s32 $0xFFFFFC00  }
0x398: {  	s1 =	sadd.s32 $0x11840, s1;
	_ =	swait.ge [sflag:s30], $0x400  }
0x399: {  	v0 =	vmov s1;
	[sflag:s30] =	ssyncset.done $0x0  }
0x39a: {  	[sflag:s30] =	ssyncadd.s32 $0xFFFFFC00  }
0x39b: {  	_ =	swait.ge [sflag:s30], $0x400  }
0x39c: {  	[sflag:s30] =	ssyncset.done $0x0  }
0x39d: {  	s31 =	simm.s32 $0x0;
	[sflag:s30] =	ssyncadd.s32 $0xFFFFFC00  }
0x39e: {  	v1 =	vld.idx.msk [tilespmem:v0+s31+$0xFFFFFFC0 ss:$0x1], $0xffff  }
0x39f: {  	v2 =	vld [tilespmem:s31+$0x0]  }
0x3a0: {  	v3 =	vld.idx.msk [tilespmem:v0+s31+$0xFFFFFFD0 ss:$0x1], $0xffff  }
0x3a1: {  	v4 =	vld [tilespmem:s31+$0x10]  }
0x3a2: {  	v5 =	vld.idx.msk [tilespmem:v0+s31+$0xFFFFFFE0 ss:$0x1], $0xffff  }
0x3a3: {  	v6 =	vld [tilespmem:s31+$0x20]  }
0x3a4: {  	v7 =	vld.idx.msk [tilespmem:v0+s31+$0xFFFFFFF0 ss:$0x1], $0xffff;
	v1 =	vmul.f32 v1, v2  }
0x3a5: {  	v8 =	vld [tilespmem:s31+$0x30];
	v2 =	vimm.f32 $0.0e+00  }
0x3a6: {  	v9 =	vld.idx.msk [tilespmem:v0+s31+$0x0 ss:$0x1], $0xffff;
	v3 =	vmul.f32 v3, v4;
	v2 =	vadd.f32 v1, v2  }
0x3a7: {  	v10 =	vld [tilespmem:s31+$0x40]  }
0x3a8: {  	v5 =	vmul.f32 v5, v6;
	v4 =	vld [tilespmem:s31+$0x50];
	v3 =	vadd.f32 v3, v2  }
0x3a9: {  	v1 =	vld.idx.msk [tilespmem:v0+s31+$0x10 ss:$0x1], $0xffff  }
0x3aa: {  	v7 =	vmul.f32 v7, v8;
	v2 =	vld.idx.msk [tilespmem:v0+s31+$0x20 ss:$0x1], $0xffff;
	v6 =	vadd.f32 v5, v3  }
0x3ab: {  	v5 =	vld [tilespmem:s31+$0x60]  }
0x3ac: {  	v8 =	vmul.f32 v9, v10;
	v3 =	vld.idx.msk [tilespmem:v0+s31+$0x30 ss:$0x1], $0xffff;
	v7 =	vadd.f32 v7, v6  }
0x3ad: {  	s0 =	simm.s32 $0x400;
	s6 =	simm.s32 $0x80;
	v6 =	vld [tilespmem:s31+$0x70]  }
.LBB2_16:
0x3ae: {  	p1 =	sne.s32 s0, $0xE00;
	v9 =	vld.idx.msk [tilespmem:v0+s6+$0xFFFFFFC0 ss:$0x1], $0xffff;
	v7 =	vadd.f32 v8, v7;
	v1 =	vmul.f32 v1, v4  }
0x3af: {  	v4 =	vld [tilespmem:s6+$0x0]  }
0x3b0: {  	v8 =	vld.idx.msk [tilespmem:v0+s6+$0xFFFFFFD0 ss:$0x1], $0xffff;
	v1 =	vadd.f32 v1, v7;
	v2 =	vmul.f32 v2, v5  }
0x3b1: {  	v5 =	vld [tilespmem:s6+$0x10]  }
0x3b2: {  	v7 =	vld.idx.msk [tilespmem:v0+s6+$0xFFFFFFE0 ss:$0x1], $0xffff;
	v1 =	vadd.f32 v2, v1;
	v2 =	vmul.f32 v3, v6  }
0x3b3: {  	v3 =	vld [tilespmem:s6+$0x20]  }
0x3b4: {  	v4 =	vmul.f32 v9, v4;
	v6 =	vld.idx.msk [tilespmem:v0+s6+$0xFFFFFFF0 ss:$0x1], $0xffff;
	v1 =	vadd.f32 v2, v1  }
0x3b5: {  	v2 =	vld [tilespmem:s6+$0x30]  }
0x3b6: {  	v1 =	vadd.f32 v4, v1;
	v4 =	vmul.f32 v8, v5;
	v8 =	vld.idx.msk [tilespmem:v0+s6+$0x0 ss:$0x1], $0xffff  }
0x3b7: {  	v9 =	vld [tilespmem:s6+$0x40]  }
0x3b8: {  	v5 =	vadd.f32 v4, v1;
	v3 =	vmul.f32 v7, v3;
	v1 =	vld.idx.msk [tilespmem:v0+s6+$0x10 ss:$0x1], $0xffff  }
.Ltmp8:
0x3b9: {  	v4 =	vld [tilespmem:s6+$0x50];
	(pc) =	sbr.rel @p1 .LBB2_16-.Ltmp8, $4  }
0x3ba: {  	v3 =	vadd.f32 v3, v5;
	v6 =	vmul.f32 v6, v2;
	v2 =	vld.idx.msk [tilespmem:v0+s6+$0x20 ss:$0x1], $0xffff  }
0x3bb: {  	v5 =	vld [tilespmem:s6+$0x60]  }
0x3bc: {  	v7 =	vadd.f32 v6, v3;
	v8 =	vmul.f32 v8, v9;
	v3 =	vld.idx.msk [tilespmem:v0+s6+$0x30 ss:$0x1], $0xffff  }
0x3bd: {  	v6 =	vld [tilespmem:s6+$0x70];
	s6 =	sshra.s32 s0, $0x2;
	s0 =	sadd.s32 $0x200, s0  }
0x3be: {  	_ =	sdelay $0x3  }
0x3bf: {  	v9 =	vld.idx.msk [tilespmem:v0+s6+$0xFFFFFFC0 ss:$0x1], $0xffff;
	v7 =	vadd.f32 v8, v7;
	v1 =	vmul.f32 v1, v4  }
0x3c0: {  	v4 =	vld [tilespmem:s6+$0x0]  }
0x3c1: {  	v8 =	vld.idx.msk [tilespmem:v0+s6+$0xFFFFFFD0 ss:$0x1], $0xffff;
	v1 =	vadd.f32 v1, v7;
	v2 =	vmul.f32 v2, v5  }
0x3c2: {  	v5 =	vld [tilespmem:s6+$0x10]  }
0x3c3: {  	v7 =	vld.idx.msk [tilespmem:v0+s6+$0xFFFFFFE0 ss:$0x1], $0xffff;
	v1 =	vadd.f32 v2, v1;
	v2 =	vmul.f32 v3, v6  }
0x3c4: {  	v3 =	vld [tilespmem:s6+$0x20]  }
0x3c5: {  	v6 =	vld.idx.msk [tilespmem:v0+s6+$0xFFFFFFF0 ss:$0x1], $0xffff;
	v4 =	vmul.f32 v9, v4;
	v1 =	vadd.f32 v2, v1  }
0x3c6: {  	v2 =	vld [tilespmem:s6+$0x30]  }
0x3c7: {  	v1 =	vadd.f32 v4, v1;
	v4 =	vmul.f32 v8, v5;
	v5 =	vld.idx.msk [tilespmem:v0+s6+$0x0 ss:$0x1], $0xffff  }
0x3c8: {  	v8 =	vld [tilespmem:s6+$0x40]  }
0x3c9: {  	v3 =	vmul.f32 v7, v3;
	v7 =	vld [tilespmem:s6+$0x50];
	v1 =	vadd.f32 v4, v1  }
0x3ca: {  	v4 =	vld.idx.msk [tilespmem:v0+s6+$0x10 ss:$0x1], $0xffff  }
0x3cb: {  	v2 =	vmul.f32 v6, v2;
	v6 =	vld [tilespmem:s6+$0x60];
	v1 =	vadd.f32 v3, v1  }
0x3cc: {  	v3 =	vld.idx.msk [tilespmem:v0+s6+$0x20 ss:$0x1], $0xffff  }
0x3cd: {  	v0 =	vld.idx.msk [tilespmem:v0+s6+$0x30 ss:$0x1], $0xffff;
	v1 =	vadd.f32 v2, v1;
	v2 =	vmul.f32 v5, v8  }
0x3ce: {  	v5 =	vld [tilespmem:s6+$0x70]  }
0x3cf: {  	v1 =	vadd.f32 v2, v1;
	v2 =	vmul.f32 v4, v7;
	_ =	sdelay $0x1  }
0x3d0: {  	v1 =	vadd.f32 v2, v1;
	v2 =	vmul.f32 v3, v6;
	_ =	sdelay $0x1  }
0x3d1: {  	v0 =	vmul.f32 v0, v5;
	v1 =	vadd.f32 v2, v1;
	_ =	sdelay $0x1  }
0x3d2: {  	v0 =	vadd.f32 v0, v1;
	_ =	sdelay $0x1  }
0x3d3: {  	(xrf2) =	vadd.scan.msk.f32 $0xffff, v0  }
0x3d4: {  	s0 =	sadd.s32 $0xFF, s18  }
0x3d5: {  	v0 =	vmov s0;
	_ =	sdelay $0x3  }
0x3d6: {  	s28 =	simm.s32 $0x400  }
0x3d7: {  	v0 =	vld.idx.msk [tilespmem:v0+s28+$0x0], $0xffff;
	_ =	sdelay $0x2  }
0x3d8: {  	v1, _, _ =	vpop (xrf2)  }
0x3d9: {  	(v2sf) =	vpush v1, $0xF  }
0x3da: {  	(v2sf) =	vpush v0, $0x0;
	_ =	sdelay $0xd  }
0x3db: {  	s29 =	spop (v2sf)  }
0x3dc: {  	s30 =	simm.s32 $0x5;
	s1 =	spop (v2sf)  }
0x3dd: {  	s0 =	sadd.f32 s1, s29;
	_ =	swait.ge [sflag:s30], $0x400  }
0x3de: {  	[sflag:s30] =	ssyncset.done $0x0  }
0x3df: {  	p1 =	sgt.f32 s0, $0.0e+00;
	[sflag:s30] =	ssyncadd.s32 $0xFFFFFC00  }
0x3e0: {  	s6 =	simm.s32 $0x1;
	s0 =	simm.s32 $0x2;
	_ =	swait.ge [sflag:s30], $0x400  }
0x3e1: {  	s0 =	simm.s32 @!p0 $0x0;
	s6 =	simm.s32 @!p1 $0x0;
	[sflag:s30] =	ssyncset.done $0x0  }
0x3e2: {  	s0 =	sor.u32 s6, s0;
	[sflag:s30] =	ssyncadd.s32 $0xFFFFFC00  }
0x3e3: {  	s0 =	sshll.u32 s0, $0xA;
	_ =	swait.ge [sflag:s30], $0x400  }
0x3e4: {  	s0 =	sadd.s32 $0x12840, s0;
	[sflag:s30] =	ssyncset.done $0x0  }
0x3e5: {  	v0 =	vmov s0;
	[sflag:s30] =	ssyncadd.s32 $0xFFFFFC00  }
0x3e6: {  	_ =	swait.ge [sflag:s30], $0x400  }
0x3e7: {  	[sflag:s30] =	ssyncset.done $0x0  }
0x3e8: {  	s31 =	simm.s32 $0x0;
	[sflag:s30] =	ssyncadd.s32 $0xFFFFFC00  }
0x3e9: {  	v2 =	vld [tilespmem:s31+$0x0]  }
0x3ea: {  	v1 =	vld.idx.msk [tilespmem:v0+s31+$0xFFFFFFC0 ss:$0x1], $0xffff  }
0x3eb: {  	v4 =	vld [tilespmem:s31+$0x10]  }
0x3ec: {  	v3 =	vld.idx.msk [tilespmem:v0+s31+$0xFFFFFFD0 ss:$0x1], $0xffff  }
0x3ed: {  	v6 =	vld [tilespmem:s31+$0x20]  }
0x3ee: {  	v5 =	vld.idx.msk [tilespmem:v0+s31+$0xFFFFFFE0 ss:$0x1], $0xffff  }
0x3ef: {  	v8 =	vld [tilespmem:s31+$0x30];
	v1 =	vmul.f32 v1, v2  }
0x3f0: {  	v7 =	vld.idx.msk [tilespmem:v0+s31+$0xFFFFFFF0 ss:$0x1], $0xffff;
	v2 =	vimm.f32 $0.0e+00  }
0x3f1: {  	v10 =	vld [tilespmem:s31+$0x40];
	v3 =	vmul.f32 v3, v4;
	v2 =	vadd.f32 v1, v2  }
0x3f2: {  	v9 =	vld.idx.msk [tilespmem:v0+s31+$0x0 ss:$0x1], $0xffff  }
0x3f3: {  	v5 =	vmul.f32 v5, v6;
	v4 =	vld [tilespmem:s31+$0x50];
	v3 =	vadd.f32 v3, v2  }
0x3f4: {  	v1 =	vld.idx.msk [tilespmem:v0+s31+$0x10 ss:$0x1], $0xffff  }
0x3f5: {  	v7 =	vmul.f32 v7, v8;
	v2 =	vld.idx.msk [tilespmem:v0+s31+$0x20 ss:$0x1], $0xffff;
	v6 =	vadd.f32 v5, v3  }
0x3f6: {  	v5 =	vld [tilespmem:s31+$0x60]  }
0x3f7: {  	v8 =	vmul.f32 v9, v10;
	v3 =	vld.idx.msk [tilespmem:v0+s31+$0x30 ss:$0x1], $0xffff;
	v7 =	vadd.f32 v7, v6  }
0x3f8: {  	s8 =	simm.s32 $0x80;
	s0 =	simm.s32 $0x400;
	v6 =	vld [tilespmem:s31+$0x70]  }
.LBB2_18:
0x3f9: {  	p0 =	sne.s32 s0, $0xE00;
	v9 =	vld.idx.msk [tilespmem:v0+s8+$0xFFFFFFC0 ss:$0x1], $0xffff;
	v7 =	vadd.f32 v8, v7;
	v1 =	vmul.f32 v1, v4  }
0x3fa: {  	v4 =	vld [tilespmem:s8+$0x0]  }
0x3fb: {  	v8 =	vld.idx.msk [tilespmem:v0+s8+$0xFFFFFFD0 ss:$0x1], $0xffff;
	v1 =	vadd.f32 v1, v7;
	v2 =	vmul.f32 v2, v5  }
0x3fc: {  	v5 =	vld [tilespmem:s8+$0x10]  }
0x3fd: {  	v7 =	vld.idx.msk [tilespmem:v0+s8+$0xFFFFFFE0 ss:$0x1], $0xffff;
	v1 =	vadd.f32 v2, v1;
	v2 =	vmul.f32 v3, v6  }
0x3fe: {  	v3 =	vld [tilespmem:s8+$0x20]  }
0x3ff: {  	v4 =	vmul.f32 v9, v4;
	v6 =	vld.idx.msk [tilespmem:v0+s8+$0xFFFFFFF0 ss:$0x1], $0xffff;
	v1 =	vadd.f32 v2, v1  }
0x400: {  	v2 =	vld [tilespmem:s8+$0x30]  }
0x401: {  	v1 =	vadd.f32 v4, v1;
	v4 =	vmul.f32 v8, v5;
	v8 =	vld.idx.msk [tilespmem:v0+s8+$0x0 ss:$0x1], $0xffff  }
0x402: {  	v9 =	vld [tilespmem:s8+$0x40]  }
0x403: {  	v5 =	vadd.f32 v4, v1;
	v3 =	vmul.f32 v7, v3;
	v1 =	vld.idx.msk [tilespmem:v0+s8+$0x10 ss:$0x1], $0xffff  }
.Ltmp9:
0x404: {  	v4 =	vld [tilespmem:s8+$0x50];
	(pc) =	sbr.rel @p0 .LBB2_18-.Ltmp9, $4  }
0x405: {  	v3 =	vadd.f32 v3, v5;
	v6 =	vmul.f32 v6, v2;
	v2 =	vld.idx.msk [tilespmem:v0+s8+$0x20 ss:$0x1], $0xffff  }
0x406: {  	v5 =	vld [tilespmem:s8+$0x60]  }
0x407: {  	v7 =	vadd.f32 v6, v3;
	v8 =	vmul.f32 v8, v9;
	v3 =	vld.idx.msk [tilespmem:v0+s8+$0x30 ss:$0x1], $0xffff  }
0x408: {  	v6 =	vld [tilespmem:s8+$0x70];
	s8 =	sshra.s32 s0, $0x2;
	s0 =	sadd.s32 $0x200, s0  }
0x409: {  	_ =	sdelay $0x3  }
0x40a: {  	v9 =	vld.idx.msk [tilespmem:v0+s8+$0xFFFFFFC0 ss:$0x1], $0xffff;
	v7 =	vadd.f32 v8, v7;
	v1 =	vmul.f32 v1, v4  }
0x40b: {  	v4 =	vld [tilespmem:s8+$0x0]  }
0x40c: {  	v8 =	vld.idx.msk [tilespmem:v0+s8+$0xFFFFFFD0 ss:$0x1], $0xffff;
	v1 =	vadd.f32 v1, v7;
	v2 =	vmul.f32 v2, v5  }
0x40d: {  	v5 =	vld [tilespmem:s8+$0x10]  }
0x40e: {  	v7 =	vld.idx.msk [tilespmem:v0+s8+$0xFFFFFFE0 ss:$0x1], $0xffff;
	v1 =	vadd.f32 v2, v1;
	v2 =	vmul.f32 v3, v6  }
0x40f: {  	v3 =	vld [tilespmem:s8+$0x20]  }
0x410: {  	v6 =	vld.idx.msk [tilespmem:v0+s8+$0xFFFFFFF0 ss:$0x1], $0xffff;
	v4 =	vmul.f32 v9, v4;
	v1 =	vadd.f32 v2, v1  }
0x411: {  	v2 =	vld [tilespmem:s8+$0x30]  }
0x412: {  	v1 =	vadd.f32 v4, v1;
	v4 =	vmul.f32 v8, v5;
	v5 =	vld.idx.msk [tilespmem:v0+s8+$0x0 ss:$0x1], $0xffff  }
0x413: {  	v8 =	vld [tilespmem:s8+$0x40]  }
0x414: {  	v3 =	vmul.f32 v7, v3;
	v7 =	vld [tilespmem:s8+$0x50];
	v1 =	vadd.f32 v4, v1  }
0x415: {  	v4 =	vld.idx.msk [tilespmem:v0+s8+$0x10 ss:$0x1], $0xffff  }
0x416: {  	v2 =	vmul.f32 v6, v2;
	v6 =	vld [tilespmem:s8+$0x60];
	v1 =	vadd.f32 v3, v1  }
0x417: {  	v3 =	vld.idx.msk [tilespmem:v0+s8+$0x20 ss:$0x1], $0xffff  }
0x418: {  	v0 =	vld.idx.msk [tilespmem:v0+s8+$0x30 ss:$0x1], $0xffff;
	v1 =	vadd.f32 v2, v1;
	v2 =	vmul.f32 v5, v8  }
0x419: {  	v5 =	vld [tilespmem:s8+$0x70]  }
0x41a: {  	v1 =	vadd.f32 v2, v1;
	v2 =	vmul.f32 v4, v7;
	_ =	sdelay $0x1  }
0x41b: {  	v1 =	vadd.f32 v2, v1;
	v2 =	vmul.f32 v3, v6;
	_ =	sdelay $0x1  }
0x41c: {  	v0 =	vmul.f32 v0, v5;
	v1 =	vadd.f32 v2, v1;
	_ =	sdelay $0x1  }
0x41d: {  	v0 =	vadd.f32 v0, v1  }
0x41e: {  	s0 =	sshll.u32 s18, $0x1  }
0x41f: {  	s6 =	sor.u32 s6, s0;
	(xrf2) =	vadd.scan.msk.f32 $0xffff, v0  }
0x420: {  	s0 =	sadd.s32 $0x1FF, s6  }
0x421: {  	v0 =	vmov s0;
	_ =	sdelay $0x3  }
0x422: {  	s28 =	simm.s32 $0x400  }
0x423: {  	v0 =	vld.idx.msk [tilespmem:v0+s28+$0x0], $0xffff;
	_ =	sdelay $0x2  }
0x424: {  	v1, _, _ =	vpop (xrf2)  }
0x425: {  	(v2sf) =	vpush v1, $0xF  }
0x426: {  	(v2sf) =	vpush v0, $0x0;
	_ =	sdelay $0xd  }
0x427: {  	s29 =	spop (v2sf)  }
0x428: {  	s30 =	simm.s32 $0x6;
	s1 =	spop (v2sf)  }
0x429: {  	s0 =	sadd.f32 s1, s29;
	_ =	swait.ge [sflag:s30], $0x400  }
0x42a: {  	[sflag:s30] =	ssyncset.done $0x0  }
0x42b: {  	p0 =	sgt.f32 s0, $0.0e+00;
	[sflag:s30] =	ssyncadd.s32 $0xFFFFFC00  }
0x42c: {  	s8 =	simm.s32 $0x1;
	s0 =	simm.s32 $0x2;
	_ =	swait.ge [sflag:s30], $0x400  }
0x42d: {  	s0 =	simm.s32 @!p1 $0x0;
	s8 =	simm.s32 @!p0 $0x0;
	[sflag:s30] =	ssyncset.done $0x0  }
0x42e: {  	s0 =	sor.u32 s8, s0;
	[sflag:s30] =	ssyncadd.s32 $0xFFFFFC00  }
0x42f: {  	s0 =	sshll.u32 s0, $0xA;
	_ =	swait.ge [sflag:s30], $0x400  }
0x430: {  	s0 =	sadd.s32 $0x13840, s0;
	[sflag:s30] =	ssyncset.done $0x0  }
0x431: {  	v0 =	vmov s0;
	[sflag:s30] =	ssyncadd.s32 $0xFFFFFC00  }
0x432: {  	_ =	swait.ge [sflag:s30], $0x400  }
0x433: {  	[sflag:s30] =	ssyncset.done $0x0  }
0x434: {  	s31 =	simm.s32 $0x0;
	[sflag:s30] =	ssyncadd.s32 $0xFFFFFC00  }
0x435: {  	v2 =	vld [tilespmem:s31+$0x0]  }
0x436: {  	v1 =	vld.idx.msk [tilespmem:v0+s31+$0xFFFFFFC0 ss:$0x1], $0xffff  }
0x437: {  	v4 =	vld [tilespmem:s31+$0x10]  }
0x438: {  	v3 =	vld.idx.msk [tilespmem:v0+s31+$0xFFFFFFD0 ss:$0x1], $0xffff  }
0x439: {  	v6 =	vld [tilespmem:s31+$0x20]  }
0x43a: {  	v5 =	vld.idx.msk [tilespmem:v0+s31+$0xFFFFFFE0 ss:$0x1], $0xffff  }
0x43b: {  	v8 =	vld [tilespmem:s31+$0x30];
	v1 =	vmul.f32 v1, v2  }
0x43c: {  	v7 =	vld.idx.msk [tilespmem:v0+s31+$0xFFFFFFF0 ss:$0x1], $0xffff;
	v2 =	vimm.f32 $0.0e+00  }
0x43d: {  	v10 =	vld [tilespmem:s31+$0x40];
	v3 =	vmul.f32 v3, v4;
	v2 =	vadd.f32 v1, v2  }
0x43e: {  	v9 =	vld.idx.msk [tilespmem:v0+s31+$0x0 ss:$0x1], $0xffff  }
0x43f: {  	v5 =	vmul.f32 v5, v6;
	v4 =	vld [tilespmem:s31+$0x50];
	v3 =	vadd.f32 v3, v2  }
0x440: {  	v1 =	vld.idx.msk [tilespmem:v0+s31+$0x10 ss:$0x1], $0xffff  }
0x441: {  	v7 =	vmul.f32 v7, v8;
	v2 =	vld.idx.msk [tilespmem:v0+s31+$0x20 ss:$0x1], $0xffff;
	v6 =	vadd.f32 v5, v3  }
0x442: {  	v5 =	vld [tilespmem:s31+$0x60]  }
0x443: {  	v8 =	vmul.f32 v9, v10;
	v3 =	vld.idx.msk [tilespmem:v0+s31+$0x30 ss:$0x1], $0xffff;
	v7 =	vadd.f32 v7, v6  }
0x444: {  	s9 =	simm.s32 $0x80;
	s0 =	simm.s32 $0x400;
	v6 =	vld [tilespmem:s31+$0x70]  }
.LBB2_20:
0x445: {  	p0 =	sne.s32 s0, $0xE00;
	v9 =	vld.idx.msk [tilespmem:v0+s9+$0xFFFFFFC0 ss:$0x1], $0xffff;
	v7 =	vadd.f32 v8, v7;
	v1 =	vmul.f32 v1, v4  }
0x446: {  	v4 =	vld [tilespmem:s9+$0x0]  }
0x447: {  	v8 =	vld.idx.msk [tilespmem:v0+s9+$0xFFFFFFD0 ss:$0x1], $0xffff;
	v1 =	vadd.f32 v1, v7;
	v2 =	vmul.f32 v2, v5  }
0x448: {  	v5 =	vld [tilespmem:s9+$0x10]  }
0x449: {  	v7 =	vld.idx.msk [tilespmem:v0+s9+$0xFFFFFFE0 ss:$0x1], $0xffff;
	v1 =	vadd.f32 v2, v1;
	v2 =	vmul.f32 v3, v6  }
0x44a: {  	v3 =	vld [tilespmem:s9+$0x20]  }
0x44b: {  	v4 =	vmul.f32 v9, v4;
	v6 =	vld.idx.msk [tilespmem:v0+s9+$0xFFFFFFF0 ss:$0x1], $0xffff;
	v1 =	vadd.f32 v2, v1  }
0x44c: {  	v2 =	vld [tilespmem:s9+$0x30]  }
0x44d: {  	v1 =	vadd.f32 v4, v1;
	v4 =	vmul.f32 v8, v5;
	v8 =	vld.idx.msk [tilespmem:v0+s9+$0x0 ss:$0x1], $0xffff  }
0x44e: {  	v9 =	vld [tilespmem:s9+$0x40]  }
0x44f: {  	v5 =	vadd.f32 v4, v1;
	v3 =	vmul.f32 v7, v3;
	v1 =	vld.idx.msk [tilespmem:v0+s9+$0x10 ss:$0x1], $0xffff  }
.Ltmp10:
0x450: {  	v4 =	vld [tilespmem:s9+$0x50];
	(pc) =	sbr.rel @p0 .LBB2_20-.Ltmp10, $4  }
0x451: {  	v3 =	vadd.f32 v3, v5;
	v6 =	vmul.f32 v6, v2;
	v2 =	vld.idx.msk [tilespmem:v0+s9+$0x20 ss:$0x1], $0xffff  }
0x452: {  	v5 =	vld [tilespmem:s9+$0x60]  }
0x453: {  	v7 =	vadd.f32 v6, v3;
	v8 =	vmul.f32 v8, v9;
	v3 =	vld.idx.msk [tilespmem:v0+s9+$0x30 ss:$0x1], $0xffff  }
0x454: {  	v6 =	vld [tilespmem:s9+$0x70];
	s9 =	sshra.s32 s0, $0x2;
	s0 =	sadd.s32 $0x200, s0  }
0x455: {  	_ =	sdelay $0x3  }
0x456: {  	v9 =	vld.idx.msk [tilespmem:v0+s9+$0xFFFFFFC0 ss:$0x1], $0xffff;
	v7 =	vadd.f32 v8, v7;
	v1 =	vmul.f32 v1, v4  }
0x457: {  	v4 =	vld [tilespmem:s9+$0x0]  }
0x458: {  	v8 =	vld.idx.msk [tilespmem:v0+s9+$0xFFFFFFD0 ss:$0x1], $0xffff;
	v1 =	vadd.f32 v1, v7;
	v2 =	vmul.f32 v2, v5  }
0x459: {  	v5 =	vld [tilespmem:s9+$0x10]  }
0x45a: {  	v7 =	vld.idx.msk [tilespmem:v0+s9+$0xFFFFFFE0 ss:$0x1], $0xffff;
	v1 =	vadd.f32 v2, v1;
	v2 =	vmul.f32 v3, v6  }
0x45b: {  	v3 =	vld [tilespmem:s9+$0x20]  }
0x45c: {  	v6 =	vld.idx.msk [tilespmem:v0+s9+$0xFFFFFFF0 ss:$0x1], $0xffff;
	v4 =	vmul.f32 v9, v4;
	v1 =	vadd.f32 v2, v1  }
0x45d: {  	v2 =	vld [tilespmem:s9+$0x30]  }
0x45e: {  	v1 =	vadd.f32 v4, v1;
	v4 =	vmul.f32 v8, v5;
	v5 =	vld.idx.msk [tilespmem:v0+s9+$0x0 ss:$0x1], $0xffff  }
0x45f: {  	v8 =	vld [tilespmem:s9+$0x40]  }
0x460: {  	v3 =	vmul.f32 v7, v3;
	v7 =	vld [tilespmem:s9+$0x50];
	v1 =	vadd.f32 v4, v1  }
0x461: {  	v4 =	vld.idx.msk [tilespmem:v0+s9+$0x10 ss:$0x1], $0xffff  }
0x462: {  	v2 =	vmul.f32 v6, v2;
	v6 =	vld [tilespmem:s9+$0x60];
	v1 =	vadd.f32 v3, v1  }
0x463: {  	v3 =	vld.idx.msk [tilespmem:v0+s9+$0x20 ss:$0x1], $0xffff  }
0x464: {  	v0 =	vld.idx.msk [tilespmem:v0+s9+$0x30 ss:$0x1], $0xffff;
	v1 =	vadd.f32 v2, v1;
	v2 =	vmul.f32 v5, v8  }
0x465: {  	v5 =	vld [tilespmem:s9+$0x70]  }
0x466: {  	v1 =	vadd.f32 v2, v1;
	v2 =	vmul.f32 v4, v7;
	_ =	sdelay $0x1  }
0x467: {  	v1 =	vadd.f32 v2, v1;
	v2 =	vmul.f32 v3, v6;
	_ =	sdelay $0x1  }
0x468: {  	v0 =	vmul.f32 v0, v5;
	v1 =	vadd.f32 v2, v1;
	_ =	sdelay $0x1  }
0x469: {  	v0 =	vadd.f32 v0, v1  }
0x46a: {  	s0 =	sshll.u32 s6, $0x1  }
0x46b: {  	s0 =	sor.u32 s8, s0;
	(xrf2) =	vadd.scan.msk.f32 $0xffff, v0  }
0x46c: {  	s1 =	sadd.s32 $0x3FF, s0  }
0x46d: {  	v0 =	vmov s1;
	_ =	sdelay $0x3  }
0x46e: {  	s2 =	simm.s32 $0x400  }
0x46f: {  	v0 =	vld.idx.msk [tilespmem:v0+s2+$0x0], $0xffff;
	_ =	sdelay $0x2  }
0x470: {  	v1, _, _ =	vpop (xrf2)  }
0x471: {  	(v2sf) =	vpush v1, $0xF  }
0x472: {  	(v2sf) =	vpush v0, $0x0;
	_ =	sdelay $0xd  }
0x473: {  	s3 =	spop (v2sf)  }
0x474: {  	s2 =	spop (v2sf)  }
0x475: {  	s1 =	sadd.f32 s2, s3;
	_ =	sdelay $0x1  }
0x476: {  	p0 =	sgt.f32 s1, $0.0e+00  }
0x477: {  	s1 =	simm.s32 $0x1  }
0x478: {  	s0 =	sshll.u32 s0, $0x1;
	s1 =	simm.s32 @!p0 $0x0  }
0x479: {  	s16 =	sor.u32 s1, s0  }
0x47a: {  	s0 =	sshll.u32 s16, $0xB  }
0x47b: {  	s7 =	simm.s32 $0x8C00;
	s9 =	simm.s32 $0x0;
	s6 =	sadd.s32 s5, s0  }
0x47c: {  	[tilespmem:s7], [sflag:$0x1] =	stream.linear.gather [hbm4b:s6+s9], $0x4000, $0x38;
	[tilespmem:$0x15800] =	vst v63  }
0x47d: {  	s10 =	simm.s32 $0x3;
	s8 =	simm.s32 $0xCC00;
	s0 =	sadd.s32 s4, s0  }
0x47e: {  	[tilespmem:s8], [sflag:$0x2] =	stream.linear.gather [hbm4b:s0+s9], $0x4000, $0x38;
	[tilespmem:$0x15800] =	vst v63  }
0x47f: {  	_ =	swait.ge [sflag:s10], $0x8000  }
0x480: {  	[sflag:s10] =	ssyncset.done $0x0  }
0x481: {  	s11 =	simm.s32 $0x1;
	[sflag:s10] =	ssyncadd.s32 $0xFFFF8000  }
0x482: {  	_ =	swait.ge [sflag:s11], $0x4000  }
0x483: {  	s5 =	sand.u32 $0x60, s9;
	[sflag:s11] =	ssyncset.done $0x0  }
0x484: {  	s12 =	sand.u32 $0x380, s9;
	s4 =	sor.u32 $0x10, s5;
	[sflag:s11] =	ssyncadd.s32 $0xFFFFC000  }
0x485: {  	s13 =	sor.u32 s9, s9;
	s8 =	sand.u32 $0x1C00, s9;
	s0 =	sor.u32 s4, s12;
	v1 =	vld [tilespmem:s9+$0x0]  }
0x486: {  	s1 =	sor.u32 $0x380, s13;
	s3 =	sadd.s32 $0x8C00, s8;
	v0 =	vld [tilespmem:s0+$0x0]  }
0x487: {  	s14 =	sor.u32 s4, s3;
	v2 =	vld [tilespmem:s1+$0x8C00]  }
0x488: {  	v3 =	vld [tilespmem:s14+$0x0]  }
0x489: {  	v4 =	vld [tilespmem:s14+$0x80]  }
0x48a: {  	v5 =	vld [tilespmem:s14+$0x100]  }
0x48b: {  	v6 =	vld [tilespmem:s14+$0x180]  }
0x48c: {  	s17 =	sadd.s32 $0xAC00, s8;
	v7 =	vld [tilespmem:s14+$0x200]  }
0x48d: {  	s7 =	sadd.s32 $0xAC80, s8;
	s19 =	sor.u32 s4, s17;
	v8 =	vld [tilespmem:s14+$0x280]  }
0x48e: {  	s20 =	sadd.s32 $0xAD00, s8;
	s21 =	sor.u32 s4, s7;
	v9 =	vld [tilespmem:s19+$0x0]  }
0x48f: {  	s22 =	sadd.s32 $0xAD80, s8;
	s10 =	sor.u32 s4, s20;
	v10 =	vld [tilespmem:s21+$0x0]  }
0x490: {  	s23 =	sadd.s32 $0xAE00, s8;
	s11 =	sor.u32 s4, s22;
	v11 =	vld [tilespmem:s10+$0x0]  }
0x491: {  	s24 =	sor.u32 s4, s23;
	v12 =	vld [tilespmem:s11+$0x0]  }
0x492: {  	s3 =	sor.u32 s5, s3;
	v14 =	vld [tilespmem:s24+$0x0]  }
0x493: {  	v16 =	vld [tilespmem:s3+$0x0]  }
0x494: {  	s10 =	sadd.s32 $0xAE80, s8;
	v17 =	vld [tilespmem:s3+$0x80]  }
0x495: {  	v20 =	vld [tilespmem:s3+$0x200];
	s25 =	sor.u32 s4, s10;
	v22 =	vmul.f32 v2, v1;
	v2 =	vmul.f32 v3, v0  }
0x496: {  	v15 =	vld [tilespmem:s25+$0x0];
	v25 =	vmul.f32 v5, v0;
	v26 =	vmul.f32 v6, v0  }
0x497: {  	v3 =	vld [tilespmem:s3+$0x100];
	v23 =	vmul.f32 v7, v0;
	v24 =	vmul.f32 v8, v0  }
0x498: {  	v5 =	vld [tilespmem:s3+$0x180];
	v19 =	vmul.f32 v9, v0;
	v18 =	vmul.f32 v10, v0  }
0x499: {  	s26 =	sor.u32 s5, s17;
	v8 =	vld [tilespmem:s3+$0x280];
	v13 =	vmul.f32 v11, v0;
	v10 =	vmul.f32 v12, v0  }
0x49a: {  	s28 =	sor.u32 s5, s7;
	v9 =	vld [tilespmem:s26+$0x0];
	v6 =	vmul.f32 v14, v0;
	v12 =	vmul.f32 v16, v1  }
0x49b: {  	s29 =	sand.u32 $0x3, s9;
	v14 =	vld [tilespmem:s28+$0x0];
	v11 =	vimm.f32 $0.0e+00;
	v7 =	vmul.f32 v15, v0;
	v15 =	vmul.f32 v17, v1  }
0x49c: {  	v4 =	vmul.f32 v4, v0;
	s3 =	sshll.u32 s29, $0x5;
	v32 =	vmul.f32 v20, v1;
	v12 =	vadd.f32 v12, v11  }
0x49d: {  	v16 =	vimm.f32 $0.0e+00;
	s3 =	sadd.s32 $0x0, s3;
	v17 =	vimm.f32 $0.0e+00;
	v15 =	vadd.f32 v15, v11  }
0x49e: {  	s30 =	sor.u32 $0x300, s3;
	s3 =	sadd.s32 $0x10, s3;
	v21 =	vadd.f32 v2, v12;
	v12 =	vimm.f32 $0.0e+00;
	v3 =	vmul.f32 v3, v1  }
0x49f: {  	v37 =	vld [tilespmem:s30+$0x8C00];
	s31 =	sor.u32 $0x300, s3;
	v2 =	vimm.f32 $0.0e+00;
	v5 =	vmul.f32 v5, v1;
	v36 =	vmul.f32 v8, v1  }
0x4a0: {  	s3 =	sor.u32 $0x380, s3;
	v34 =	vld [tilespmem:s31+$0x8C00];
	v30 =	vmul.f32 v9, v1;
	v29 =	vmul.f32 v14, v1;
	v14 =	vimm.f32 $0.0e+00  }
0x4a1: {  	s2 =	sor.u32 s5, s20;
	v35 =	vld [tilespmem:s3+$0x8C00];
	v9 =	vimm.f32 $0.0e+00;
	v8 =	vimm.f32 $0.0e+00;
	v20 =	vadd.f32 v4, v15  }
0x4a2: {  	s13 =	simm.s32 $0x0;
	v33 =	vld [tilespmem:s2+$0x0];
	s0 =	sor.u32 s5, s22;
	v15 =	vimm.f32 $0.0e+00;
	v27 =	vadd.f32 v3, v11;
	v28 =	vadd.f32 v5, v11  }
0x4a3: {  	s12 =	simm.s32 $0x0;
	s14 =	sor.u32 s5, s23;
	s11 =	simm.s32 $0x20;
	v31 =	vld [tilespmem:s0+$0x0];
	v4 =	vimm.f32 $0.0e+00;
	v5 =	vimm.f32 $0.0e+00;
	v3 =	vimm.f32 $0.0e+00  }
.LBB2_22:
0x4a4: {  	p0 =	sne.s32 s11, $0x3E0;
	v37 =	vmul.f32 v37, v1;
	v38 =	vld [tilespmem:s14+$0x0];
	s0 =	sor.u32 s5, s10;
	s1 =	sadd.s32 $0xAF00, s8;
	v27 =	vadd.f32 v25, v27;
	v28 =	vadd.f32 v26, v28  }
0x4a5: {  	v11 =	vadd.f32 v32, v11;
	v17 =	vadd.f32 v36, v17;
	s2 =	sadd.s32 $0xAF80, s8;
	v25 =	vld [tilespmem:s0+$0x0];
	s0 =	sor.u32 s5, s1;
	v26 =	vmul.f32 v34, v0  }
0x4a6: {  	v16 =	vadd.f32 v22, v16;
	v15 =	vadd.f32 v37, v15;
	v22 =	vld [tilespmem:s0+$0x0];
	s0 =	sor.u32 s5, s2;
	v32 =	vmul.f32 v35, v0  }
0x4a7: {  	v11 =	vadd.f32 v23, v11;
	v17 =	vadd.f32 v24, v17;
	v33 =	vmul.f32 v33, v1;
	v34 =	vld [tilespmem:s0+$0x0];
	s0 =	sor.u32 s4, s1  }
0x4a8: {  	s9 =	sadd.s32 $0x100, s9;
	s5 =	sand.u32 $0x60, s11;
	v23 =	vmul.f32 v31, v1;
	v15 =	vadd.f32 v26, v15;
	v16 =	vadd.f32 v32, v16;
	v24 =	vld [tilespmem:s0+$0x0];
	s0 =	sor.u32 s4, s2  }
0x4a9: {  	v14 =	vadd.f32 v30, v14;
	s12 =	sadd.s32 $0x20, s12;
	v12 =	vadd.f32 v29, v12;
	s1 =	sand.u32 $0x380, s11;
	s4 =	sor.u32 $0x10, s5;
	v26 =	vmul.f32 v38, v1;
	v29 =	vld [tilespmem:s0+$0x0]  }
0x4aa: {  	s8 =	sand.u32 $0x1C00, s9;
	s0 =	sor.u32 s9, s11;
	s1 =	sor.u32 s4, s1;
	v9 =	vadd.f32 v33, v9;
	v30 =	vld [tilespmem:s12+$0x0];
	v8 =	vadd.f32 v23, v8;
	v23 =	vmul.f32 v25, v1  }
0x4ab: {  	s3 =	sadd.s32 $0x8C00, s8;
	v14 =	vadd.f32 v19, v14;
	v12 =	vadd.f32 v18, v12;
	s0 =	sor.u32 $0x380, s0;
	v25 =	vld [tilespmem:s1+$0x0];
	v22 =	vmul.f32 v22, v1  }
0x4ac: {  	v9 =	vadd.f32 v13, v9;
	v18 =	vld [tilespmem:s0+$0x8C00];
	s0 =	sor.u32 s4, s3;
	v31 =	vmul.f32 v34, v1;
	v8 =	vadd.f32 v10, v8  }
0x4ad: {  	v5 =	vadd.f32 v26, v5;
	v4 =	vadd.f32 v23, v4;
	v10 =	vld [tilespmem:s0+$0x0];
	v13 =	vmul.f32 v24, v0  }
0x4ae: {  	v3 =	vadd.f32 v22, v3;
	v19 =	vld [tilespmem:s0+$0x80];
	v2 =	vadd.f32 v31, v2;
	v22 =	vmul.f32 v29, v0  }
0x4af: {  	v5 =	vadd.f32 v6, v5;
	v4 =	vadd.f32 v7, v4;
	v23 =	vld [tilespmem:s0+$0x100];
	v1 =	vmov v30  }
0x4b0: {  	v3 =	vadd.f32 v13, v3;
	v6 =	vld [tilespmem:s0+$0x180];
	v2 =	vadd.f32 v22, v2;
	v0 =	vmov v25  }
0x4b1: {  	s6 =	sadd.s32 $0xAC00, s8;
	v7 =	vld [tilespmem:s0+$0x200]  }
0x4b2: {  	s7 =	sadd.s32 $0xAC80, s8;
	v13 =	vld [tilespmem:s0+$0x280];
	s0 =	sor.u32 s4, s6  }
0x4b3: {  	s2 =	sadd.s32 $0xAD00, s8;
	s1 =	sor.u32 s4, s7;
	v29 =	vld [tilespmem:s0+$0x0]  }
0x4b4: {  	s10 =	sor.u32 s4, s2;
	s0 =	sadd.s32 $0xAD80, s8;
	v30 =	vld [tilespmem:s1+$0x0]  }
0x4b5: {  	s1 =	sadd.s32 $0xAE00, s8;
	s14 =	sor.u32 s4, s0;
	v31 =	vld [tilespmem:s10+$0x0]  }
0x4b6: {  	s10 =	sadd.s32 $0xAE80, s8;
	v32 =	vld [tilespmem:s14+$0x0];
	s14 =	sor.u32 s4, s1  }
0x4b7: {  	v33 =	vld [tilespmem:s14+$0x0];
	s14 =	sor.u32 s4, s10  }
0x4b8: {  	s3 =	sor.u32 s5, s3;
	v34 =	vld [tilespmem:s14+$0x0]  }
0x4b9: {  	v35 =	vld [tilespmem:s3+$0x0]  }
0x4ba: {  	v22 =	vmul.f32 v18, v1;
	v38 =	vmul.f32 v10, v0;
	v36 =	vld [tilespmem:s3+$0x80]  }
0x4bb: {  	v39 =	vmul.f32 v19, v0;
	v25 =	vmul.f32 v23, v0;
	v37 =	vld [tilespmem:s3+$0x100]  }
0x4bc: {  	s13 =	sadd.s32 $0x1, s13;
	v26 =	vmul.f32 v6, v0;
	v23 =	vmul.f32 v7, v0;
	v40 =	vld [tilespmem:s3+$0x180]  }
0x4bd: {  	v24 =	vmul.f32 v13, v0;
	s14 =	sand.u32 $0x3, s13;
	v19 =	vmul.f32 v29, v0;
	v41 =	vld [tilespmem:s3+$0x200]  }
0x4be: {  	s14 =	sshll.u32 s14, $0x5;
	v18 =	vmul.f32 v30, v0;
	v13 =	vmul.f32 v31, v0;
	v29 =	vld [tilespmem:s3+$0x280];
	s3 =	sor.u32 s5, s6  }
0x4bf: {  	v10 =	vmul.f32 v32, v0;
	v6 =	vmul.f32 v33, v0;
	s6 =	sadd.s32 s14, s9;
	v30 =	vld [tilespmem:s3+$0x0];
	s3 =	sor.u32 s5, s7  }
0x4c0: {  	v7 =	vmul.f32 v34, v0;
	v31 =	vmul.f32 v35, v1;
	s7 =	sor.u32 $0x300, s6;
	v42 =	vld [tilespmem:s3+$0x0];
	s3 =	sadd.s32 $0x10, s6  }
.Ltmp11:
0x4c1: {  	v33 =	vmul.f32 v36, v1;
	v43 =	vmul.f32 v37, v1;
	v37 =	vld [tilespmem:s7+$0x8C00];
	s6 =	sor.u32 $0x300, s3;
	(pc) =	sbr.rel @p0 .LBB2_22-.Ltmp11, $4  }
0x4c2: {  	v40 =	vmul.f32 v40, v1;
	s3 =	sor.u32 $0x380, s3;
	v32 =	vmul.f32 v41, v1;
	v34 =	vld [tilespmem:s6+$0x8C00]  }
0x4c3: {  	s2 =	sor.u32 s5, s2;
	v21 =	vadd.f32 v31, v21;
	v20 =	vadd.f32 v33, v20;
	v36 =	vmul.f32 v29, v1;
	v35 =	vld [tilespmem:s3+$0x8C00]  }
0x4c4: {  	s0 =	sor.u32 s5, s0;
	v27 =	vadd.f32 v43, v27;
	v28 =	vadd.f32 v40, v28;
	v30 =	vmul.f32 v30, v1;
	v33 =	vld [tilespmem:s2+$0x0]  }
0x4c5: {  	s11 =	sadd.s32 $0x20, s11;
	s14 =	sor.u32 s5, s1;
	v21 =	vadd.f32 v38, v21;
	v20 =	vadd.f32 v39, v20;
	v29 =	vmul.f32 v42, v1;
	v31 =	vld [tilespmem:s0+$0x0]  }
0x4c6: {  	v38 =	vimm.s32 $0x4380;
	vm0 =	vcmask $0x300  }
0x4c7: {  	vm14 =	vcmask $0x704;
	v38 =	vsel vm0, $0x0, v38  }
0x4c8: {  	vm15 =	vcmask $0xB08;
	v38 =	vsel vm14, $0x80, v38  }
0x4c9: {  	vm4 =	vcmask $0xF0C;
	v38 =	vsel vm15, $0x100, v38  }
0x4ca: {  	vm5 =	vcmask $0x1310;
	v38 =	vsel vm4, $0x180, v38  }
0x4cb: {  	vm6 =	vcmask $0x1714;
	v38 =	vsel vm5, $0x200, v38  }
0x4cc: {  	vm7 =	vcmask $0x1B18;
	v38 =	vsel vm6, $0x280, v38  }
0x4cd: {  	vm8 =	vcmask $0x1F1C;
	v38 =	vsel vm7, $0x300, v38  }
0x4ce: {  	vm9 =	vcmask $0x2320;
	v38 =	vsel vm8, $0x380, v38  }
0x4cf: {  	vm10 =	vcmask $0x2724;
	v38 =	vsel vm9, $0x4000, v38  }
0x4d0: {  	vm11 =	vcmask $0x2B28;
	v38 =	vsel vm10, $0x4080, v38  }
0x4d1: {  	v39 =	vmov s16;
	vm12 =	vcmask $0x2F2C;
	v38 =	vsel vm11, $0x4100, v38  }
0x4d2: {  	vm13 =	vcmask $0x3330;
	v40 =	vand.u32 $0x7F, v39;
	v38 =	vsel vm12, $0x4180, v38  }
0x4d3: {  	v39 =	vshll.u32 v39, $0x3;
	vm14 =	vcmask $0x3734;
	v38 =	vsel vm13, $0x4200, v38  }
0x4d4: {  	(xrf2) =	vadd.scan.msk.f32 $0xffff, v21;
	v48 =	vand.u32 $0xFFFFFC00, v39;
	vm15 =	vcmask $0x3B38;
	v38 =	vsel vm14, $0x4280, v38  }
0x4d5: {  	v21 =	vor.u32 v40, v48;
	v38 =	vsel vm15, $0x4300, v38  }
0x4d6: {  	v25 =	vadd.f32 v25, v27;
	(xrf2) =	vadd.scan.msk.f32 $0xffff, v20;
	v21 =	vor.u32 v38, v21;
	_ =	sdelay $0x1  }
0x4d7: {  	v49 =	vadd.f32 v26, v28;
	v11 =	vadd.f32 v32, v11;
	(xrf2) =	vadd.scan.msk.f32 $0xffff, v25  }
0x4d8: {  	v50 =	vmul.f32 v37, v1  }
0x4d9: {  	v17 =	vadd.f32 v36, v17;
	s0 =	simm.s32 $0xC00;
	v11 =	vadd.f32 v23, v11;
	(xrf2) =	vadd.scan.msk.f32 $0xffff, v49  }
0x4da: {  	v52 =	vmul.f32 v34, v0;
	v15 =	vadd.f32 v50, v15;
	v51 =	vld.idx.msk [tilespmem:v21+s0+$0x0], $0xffff  }
0x4db: {  	v17 =	vadd.f32 v24, v17;
	(xrf2) =	vadd.scan.msk.f32 $0xffff, v11;
	v11 =	vadd.f32 v22, v16;
	v16 =	vmul.f32 v35, v0;
	_ =	sdelay $0x1  }
0x4dc: {  	v15 =	vadd.f32 v52, v15;
	v53, _, _ =	vpop (xrf2);
	(xrf2) =	vadd.scan.msk.f32 $0xffff, v17  }
0x4dd: {  	v14 =	vadd.f32 v30, v14;
	(v2sf) =	vpush v53, $0xF  }
0x4de: {  	v11 =	vadd.f32 v16, v11;
	v16, _, _ =	vpop (xrf2);
	(xrf2) =	vadd.scan.msk.f32 $0xffff, v15;
	(v2sf) =	vpush v51, $0x0  }
0x4df: {  	v12 =	vadd.f32 v29, v12;
	v15 =	vmul.f32 v33, v1;
	(v2sf) =	vpush v16, $0xF  }
0x4e0: {  	s10 =	sor.u32 s5, s10;
	v14 =	vadd.f32 v19, v14;
	v16, _, _ =	vpop (xrf2);
	(xrf2) =	vadd.scan.msk.f32 $0xffff, v11;
	v11 =	vld [tilespmem:s14+$0x0];
	(v2sf) =	vpush v51, $0x1  }
0x4e1: {  	s1 =	sadd.s32 $0xAF00, s8;
	v9 =	vadd.f32 v15, v9;
	v15 =	vld [tilespmem:s10+$0x0];
	(v2sf) =	vpush v16, $0xF  }
0x4e2: {  	s11 =	sor.u32 s5, s1;
	v12 =	vadd.f32 v18, v12;
	v16, _, _ =	vpop (xrf2);
	(xrf2) =	vadd.scan.msk.f32 $0xffff, v14;
	v14 =	vmul.f32 v31, v1;
	(v2sf) =	vpush v51, $0x2  }
0x4e3: {  	s2 =	sadd.s32 $0xAF80, s8;
	v9 =	vadd.f32 v13, v9;
	(v2sf) =	vpush v16, $0xF;
	v16 =	vld [tilespmem:s11+$0x0]  }
0x4e4: {  	s12 =	sor.u32 s5, s2;
	v13, _, _ =	vpop (xrf2);
	(xrf2) =	vadd.scan.msk.f32 $0xffff, v12;
	v8 =	vadd.f32 v14, v8;
	(v2sf) =	vpush v51, $0x3  }
0x4e5: {  	v12 =	vld [tilespmem:s12+$0x0];
	v11 =	vmul.f32 v11, v1;
	(v2sf) =	vpush v13, $0xF  }
0x4e6: {  	s13 =	sor.u32 s4, s1;
	v14 =	vmul.f32 v15, v1;
	v13, _, _ =	vpop (xrf2);
	(xrf2) =	vadd.scan.msk.f32 $0xffff, v9;
	v8 =	vadd.f32 v10, v8;
	(v2sf) =	vpush v51, $0x4  }
0x4e7: {  	v9 =	vld [tilespmem:s13+$0x0];
	v5 =	vadd.f32 v11, v5;
	(v2sf) =	vpush v13, $0xF  }
0x4e8: {  	s14 =	sor.u32 s4, s2;
	v4 =	vadd.f32 v14, v4;
	v10, _, _ =	vpop (xrf2);
	(v2sf) =	vpush v51, $0x5;
	v13 =	vmul.f32 v16, v1  }
0x4e9: {  	v11 =	vld [tilespmem:s14+$0x0];
	v5 =	vadd.f32 v6, v5;
	(v2sf) =	vpush v10, $0xF  }
0x4ea: {  	(xrf2) =	vadd.scan.msk.f32 $0xffff, v8;
	v1 =	vmul.f32 v12, v1;
	v6, _, _ =	vpop (xrf2);
	(v2sf) =	vpush v51, $0x6;
	v3 =	vadd.f32 v13, v3  }
0x4eb: {  	v4 =	vadd.f32 v7, v4;
	(v2sf) =	vpush v6, $0xF  }
0x4ec: {  	s13 =	spop (v2sf);
	(xrf2) =	vadd.scan.msk.f32 $0xffff, v5;
	v1 =	vadd.f32 v1, v2;
	v6 =	vmul.f32 v9, v0;
	v7, _, _ =	vpop (xrf2);
	(v2sf) =	vpush v51, $0x7  }
0x4ed: {  	s28 =	spop (v2sf);
	(v2sf) =	vpush v7, $0xF  }
0x4ee: {  	v0 =	vmul.f32 v11, v0;
	(xrf2) =	vadd.scan.msk.f32 $0xffff, v4;
	v2 =	vadd.f32 v6, v3;
	s29 =	spop (v2sf);
	(v2sf) =	vpush v51, $0x8;
	v3, _, _ =	vpop (xrf2)  }
0x4ef: {  	s12 =	spop (v2sf);
	(v2sf) =	vpush v3, $0xF  }
0x4f0: {  	v0 =	vadd.f32 v0, v1;
	v1, _, _ =	vpop (xrf2);
	(xrf2) =	vadd.scan.msk.f32 $0xffff, v2;
	s11 =	spop (v2sf)  }
0x4f1: {  	s3 =	spop (v2sf)  }
0x4f2: {  	(v2sf) =	vpush v51, $0x9;
	(xrf2) =	vadd.scan.msk.f32 $0xffff, v0;
	s4 =	spop (v2sf)  }
0x4f3: {  	(v2sf) =	vpush v1, $0xF;
	s2 =	spop (v2sf)  }
0x4f4: {  	v0, _, _ =	vpop (xrf2);
	(v2sf) =	vpush v51, $0xA;
	s7 =	spop (v2sf)  }
0x4f5: {  	(v2sf) =	vpush v0, $0xF;
	s6 =	spop (v2sf)  }
0x4f6: {  	v0, _, _ =	vpop (xrf2);
	(v2sf) =	vpush v51, $0xB;
	s31 =	spop (v2sf)  }
0x4f7: {  	(v2sf) =	vpush v0, $0xF;
	s8 =	spop (v2sf)  }
0x4f8: {  	v0, _, _ =	vpop (xrf2);
	(v2sf) =	vpush v51, $0xC;
	s26 =	spop (v2sf)  }
0x4f9: {  	(v2sf) =	vpush v0, $0xF;
	s30 =	spop (v2sf)  }
0x4fa: {  	(v2sf) =	vpush v51, $0xD;
	v0, _, _ =	vpop (xrf2);
	s14 =	spop (v2sf)  }
0x4fb: {  	s16 =	sshll.u32 s16, $0x7;
	s25 =	spop (v2sf);
	(v2sf) =	vpush v0, $0xF  }
0x4fc: {  	s9 =	sshll.u32 s18, $0xD;
	s5 =	sand.u32 $0x380, s16;
	v0, _, _ =	vpop (xrf2);
	s17 =	spop (v2sf);
	(v2sf) =	vpush v51, $0xE  }
0x4fd: {  	s5 =	sor.u32 s9, s5;
	s24 =	spop (v2sf);
	(v2sf) =	vpush v0, $0xF  }
0x4fe: {  	s19 =	simm.s32 $0x80;
	s5 =	sshrl.u32 s5, $0x3;
	s20 =	spop (v2sf);
	(v2sf) =	vpush v51, $0xF  }
0x4ff: {  	s1 =	simm.s32 $0x10C00;
	s5 =	sadd.s32 s15, s5;
	s0 =	simm.s32 $0x400  }
0x500: {  	[tilespmem:s1], [sflag:$0x3] =	stream.strided.gather [hbm4b:s5+s19], $0x400, s0, s19, $0x38;
	[tilespmem:$0x15800] =	vst v63  }
0x501: {  	s22 =	spop (v2sf)  }
0x502: {  	s21 =	spop (v2sf)  }
0x503: {  	s23 =	spop (v2sf)  }
0x504: {  	s18 =	spop (v2sf)  }
0x505: {  	s19 =	spop (v2sf)  }
0x506: {  	s5 =	spop (v2sf)  }
0x507: {  	s15 =	spop (v2sf)  }
0x508: {  	[dreg:$0x10] =	wrdreg s5;
	s9 =	spop (v2sf)  }
0x509: {  	[dreg:$0xe] =	wrdreg s9;
	s10 =	spop (v2sf)  }
0x50a: {  	[dreg:$0xf] =	wrdreg s10;
	s16 =	spop (v2sf)  }
0x50b: {  	[dreg:$0xc] =	wrdreg s16;
	s5 =	spop (v2sf)  }
0x50c: {  	[dreg:$0xd] =	wrdreg s5;
	s9 =	spop (v2sf)  }
0x50d: {  	[dreg:$0xa] =	wrdreg s9;
	s10 =	spop (v2sf)  }
0x50e: {  	s16 =	simm.s32 $0x2;
	[dreg:$0xb] =	wrdreg s10  }
0x50f: {  	_ =	swait.ge [sflag:s16], $0x4000  }
0x510: {  	[sflag:s16] =	ssyncset.done $0x0  }
0x511: {  	s0 =	simm.s32 $0x3;
	[sflag:s16] =	ssyncadd.s32 $0xFFFFC000;
	s16 =	simm.s32 $0x0  }
0x512: {  	_ =	swait.ge [sflag:s0], $0x400;
	s10 =	sand.u32 $0x1C00, s16  }
0x513: {  	s5 =	sand.u32 $0x60, s16;
	[sflag:s0] =	ssyncset.done $0x0;
	s9 =	sadd.s32 $0xCC00, s10  }
0x514: {  	s13 =	sadd.f32 s28, s13;
	[sflag:s0] =	ssyncadd.s32 $0xFFFFFC00;
	s28 =	sor.u32 s5, s9  }
0x515: {  	v1 =	vld [tilespmem:s28+$0x0]  }
0x516: {  	s12 =	sadd.f32 s12, s29;
	p0 =	sgt.f32 s13, $0.0e+00;
	v2 =	vld [tilespmem:s1+$0x0]  }
0x517: {  	v3 =	vld [tilespmem:s28+$0x80]  }
0x518: {  	s13 =	simm.s32 @!p0 $0x0;
	p0 =	sgt.f32 s12, $0.0e+00;
	s1 =	sadd.f32 s3, s11  }
0x519: {  	v0 =	vmov s13;
	v4 =	vld [tilespmem:s28+$0x100]  }
0x51a: {  	s2 =	sadd.f32 s2, s4;
	s12 =	simm.s32 @!p0 $0x0;
	p0 =	sgt.f32 s1, $0.0e+00;
	v5 =	vmul.f32 v1, v0  }
0x51b: {  	s4 =	sadd.f32 s8, s31;
	v6 =	vld [tilespmem:s28+$0x180];
	v1 =	vmov s12  }
0x51c: {  	s3 =	sadd.f32 s6, s7;
	s1 =	simm.s32 @!p0 $0x0;
	p0 =	sgt.f32 s2, $0.0e+00;
	v3 =	vmul.f32 v3, v1;
	v5 =	vadd.f32 v5, v2  }
0x51d: {  	s31 =	sand.u32 $0x3, s16;
	v7 =	vld [tilespmem:s28+$0x200];
	s6 =	sadd.f32 s30, s26;
	v2 =	vmov s1  }
0x51e: {  	s2 =	simm.s32 @!p0 $0x0;
	p0 =	sgt.f32 s3, $0.0e+00;
	s1 =	sshll.u32 s31, $0x5;
	v4 =	vmul.f32 v4, v2;
	v5 =	vadd.f32 v3, v5  }
0x51f: {  	v8 =	vld [tilespmem:s28+$0x280];
	s26 =	rddreg [dreg:$0xc];
	s11 =	sadd.s32 $0x0, s1;
	v3 =	vmov s2  }
0x520: {  	s3 =	simm.s32 @!p0 $0x0;
	p0 =	sgt.f32 s4, $0.0e+00;
	s2 =	sor.u32 $0x300, s11;
	v6 =	vmul.f32 v6, v3;
	v5 =	vadd.f32 v4, v5  }
0x521: {  	s1 =	sadd.f32 s25, s14;
	s14 =	sadd.s32 $0xEC00, s10;
	v9 =	vld [tilespmem:s2+$0xCC00];
	v4 =	vmov s3;
	s3 =	sor.u32 s16, s16  }
0x522: {  	s4 =	simm.s32 @!p0 $0x0;
	p0 =	sgt.f32 s6, $0.0e+00;
	v7 =	vmul.f32 v7, v4;
	s0 =	sor.u32 $0x380, s3;
	v6 =	vadd.f32 v6, v5  }
0x523: {  	s28 =	rddreg [dreg:$0xd];
	s7 =	sor.u32 s5, s14;
	v5 =	vmov s4;
	v10 =	vld [tilespmem:s0+$0xCC00]  }
0x524: {  	p1 =	sgt.f32 s1, $0.0e+00;
	s6 =	simm.s32 @!p0 $0x0;
	s0 =	sadd.f32 s24, s17;
	v8 =	vmul.f32 v8, v5;
	v7 =	vadd.f32 v7, v6  }
0x525: {  	v11 =	vld [tilespmem:s7+$0x0];
	s2 =	sadd.f32 s22, s20;
	s20 =	sadd.s32 $0xED00, s10;
	s17 =	sadd.s32 $0xEC80, s10;
	v6 =	vmov s6  }
0x526: {  	s1 =	simm.s32 @!p1 $0x0;
	s8 =	sor.u32 s5, s17;
	p0 =	sgt.f32 s0, $0.0e+00;
	v9 =	vmul.f32 v9, v6;
	v8 =	vadd.f32 v8, v7  }
0x527: {  	s12 =	sor.u32 s5, s20;
	s4 =	sadd.f32 s23, s21;
	v12 =	vld [tilespmem:s8+$0x0];
	v7 =	vmov s1  }
0x528: {  	s23 =	rddreg [dreg:$0xe];
	s0 =	simm.s32 @!p0 $0x0;
	p0 =	sgt.f32 s2, $0.0e+00;
	v10 =	vmul.f32 v10, v7;
	v9 =	vadd.f32 v9, v8  }
0x529: {  	v13 =	vld [tilespmem:s12+$0x0];
	s21 =	sadd.s32 $0xED80, s10;
	s24 =	rddreg [dreg:$0xf];
	p1 =	sgt.f32 s4, $0.0e+00;
	v8 =	vmov s0  }
0x52a: {  	s13 =	sor.u32 s5, s21;
	s2 =	simm.s32 @!p0 $0x0;
	s0 =	sadd.f32 s19, s18;
	v11 =	vmul.f32 v11, v8;
	v10 =	vadd.f32 v10, v9  }
0x52b: {  	v14 =	vld [tilespmem:s13+$0x0];
	s4 =	simm.s32 @!p1 $0x0;
	s18 =	sadd.s32 $0xEE00, s10;
	s19 =	rddreg [dreg:$0x10];
	v9 =	vmov s2  }
0x52c: {  	s1 =	sadd.f32 s15, s19;
	s22 =	sor.u32 s5, s18;
	p0 =	sgt.f32 s0, $0.0e+00;
	v12 =	vmul.f32 v12, v9;
	v11 =	vadd.f32 v11, v10  }
0x52d: {  	s12 =	sadd.s32 $0xEE80, s10;
	s3 =	sadd.f32 s24, s23;
	v15 =	vld [tilespmem:s22+$0x0];
	v10 =	vmov s4  }
0x52e: {  	s25 =	sor.u32 s5, s12;
	s0 =	simm.s32 @!p0 $0x0;
	p0 =	sgt.f32 s1, $0.0e+00;
	v13 =	vmul.f32 v13, v10;
	v12 =	vadd.f32 v12, v11  }
0x52f: {  	s30 =	rddreg [dreg:$0xa];
	v16 =	vld [tilespmem:s25+$0x0];
	p1 =	sgt.f32 s3, $0.0e+00;
	s15 =	sadd.s32 $0xEF00, s10;
	v11 =	vmov s0  }
0x530: {  	s29 =	sor.u32 s5, s15;
	s1 =	simm.s32 @!p0 $0x0;
	s0 =	sadd.f32 s28, s26;
	v14 =	vmul.f32 v14, v11;
	v13 =	vadd.f32 v13, v12  }
0x531: {  	s31 =	rddreg [dreg:$0xb];
	s8 =	sadd.s32 $0xEF80, s10;
	s3 =	simm.s32 @!p1 $0x0;
	v17 =	vld [tilespmem:s29+$0x0];
	v12 =	vmov s1  }
0x532: {  	s4 =	sor.u32 s5, s8;
	p0 =	sgt.f32 s0, $0.0e+00;
	s1 =	sadd.f32 s31, s30;
	v15 =	vmul.f32 v15, v12;
	v14 =	vadd.f32 v14, v13  }
0x533: {  	v18 =	vld [tilespmem:s4+$0x0];
	v13 =	vmov s3  }
0x534: {  	s0 =	simm.s32 @!p0 $0x0;
	p0 =	sgt.f32 s1, $0.0e+00;
	v16 =	vmul.f32 v16, v13;
	v15 =	vadd.f32 v15, v14  }
0x535: {  	v14 =	vmov s0  }
0x536: {  	s1 =	simm.s32 @!p0 $0x0;
	v17 =	vmul.f32 v17, v14;
	v16 =	vadd.f32 v16, v15  }
0x537: {  	v15 =	vmov s1  }
0x538: {  	v16 =	vadd.f32 v17, v16;
	v17 =	vmul.f32 v18, v15;
	_ =	sdelay $0x1  }
0x539: {  	v16 =	vadd.f32 v17, v16  }
0x53a: {  	s7 =	sor.u32 $0x10, s5;
	s6 =	simm.s32 $0x11000  }
0x53b: {  	s10 =	sor.u32 s7, s9;
	[tilespmem:s6+$0x0] =	vst v16  }
0x53c: {  	s16 =	sand.u32 $0x380, s16;
	v17 =	vld [tilespmem:s10+$0x0]  }
0x53d: {  	s13 =	sor.u32 s16, s7;
	v18 =	vld [tilespmem:s10+$0x80]  }
0x53e: {  	v19 =	vld [tilespmem:s13+$0x10C00];
	_ =	sdelay $0x1  }
0x53f: {  	v54 =	vld [tilespmem:s10+$0x100]  }
0x540: {  	v17 =	vmul.f32 v17, v0  }
0x541: {  	v55 =	vld [tilespmem:s10+$0x180]  }
0x542: {  	v18 =	vmul.f32 v18, v1;
	v17 =	vadd.f32 v17, v19  }
0x543: {  	v19 =	vld [tilespmem:s10+$0x200]  }
0x544: {  	v17 =	vadd.f32 v18, v17;
	v18 =	vmul.f32 v54, v2  }
0x545: {  	s19 =	sadd.s32 $0x10, s11;
	v56 =	vld [tilespmem:s10+$0x280]  }
0x546: {  	s22 =	sor.u32 $0x300, s19;
	v17 =	vadd.f32 v18, v17;
	v18 =	vmul.f32 v55, v3  }
0x547: {  	v57 =	vld [tilespmem:s22+$0xCC00]  }
0x548: {  	s0 =	sor.u32 $0x380, s19;
	v17 =	vadd.f32 v18, v17;
	v18 =	vmul.f32 v19, v4  }
0x549: {  	v19 =	vld [tilespmem:s0+$0xCC00]  }
0x54a: {  	s23 =	sor.u32 s7, s14;
	v17 =	vadd.f32 v18, v17;
	v18 =	vmul.f32 v56, v5  }
0x54b: {  	v58 =	vld [tilespmem:s23+$0x0]  }
0x54c: {  	s24 =	sor.u32 s7, s17;
	v17 =	vadd.f32 v18, v17;
	v18 =	vmul.f32 v57, v6  }
0x54d: {  	v59 =	vld [tilespmem:s24+$0x0]  }
0x54e: {  	s25 =	sor.u32 s7, s20;
	v17 =	vadd.f32 v18, v17;
	v18 =	vmul.f32 v19, v7  }
0x54f: {  	v19 =	vld [tilespmem:s25+$0x0]  }
0x550: {  	s26 =	sor.u32 s7, s21;
	v17 =	vadd.f32 v18, v17;
	v18 =	vmul.f32 v58, v8  }
0x551: {  	v60 =	vld [tilespmem:s26+$0x0]  }
0x552: {  	s28 =	sor.u32 s7, s18;
	v17 =	vadd.f32 v18, v17;
	v18 =	vmul.f32 v59, v9  }
0x553: {  	v61 =	vld [tilespmem:s28+$0x0]  }
0x554: {  	s29 =	sor.u32 s7, s12;
	v17 =	vadd.f32 v18, v17;
	v18 =	vmul.f32 v19, v10  }
0x555: {  	v19 =	vld [tilespmem:s29+$0x0]  }
0x556: {  	s30 =	sor.u32 s7, s15;
	v17 =	vadd.f32 v18, v17;
	v18 =	vmul.f32 v60, v11  }
0x557: {  	v62 =	vld [tilespmem:s30+$0x0]  }
0x558: {  	s31 =	sor.u32 s7, s8;
	v17 =	vadd.f32 v18, v17;
	v18 =	vmul.f32 v61, v12  }
0x559: {  	v63 =	vld [tilespmem:s31+$0x0]  }
0x55a: {  	v17 =	vadd.f32 v18, v17;
	v18 =	vmul.f32 v19, v13;
	_ =	sdelay $0x1  }
0x55b: {  	v17 =	vadd.f32 v18, v17;
	v18 =	vmul.f32 v62, v14  }
0x55c: {  	s9 =	simm.s32 $0x10C20;
	s7 =	simm.s32 $0x100  }
0x55d: {  	s4 =	simm.s32 $0x11020;
	s8 =	simm.s32 $0x1;
	s14 =	sand.u32 $0x1C00, s7;
	v17 =	vadd.f32 v18, v17;
	v18 =	vmul.f32 v63, v15  }
0x55e: {  	s3 =	simm.s32 $0x20;
	s12 =	sadd.s32 $0xCC00, s14;
	s5 =	sadd.s32 $0xEC80, s14;
	v19 =	vimm.f32 $-3.000000010e+38  }
0x55f: {  	s11 =	sand.u32 $0x60, s3;
	s6 =	sadd.s32 $0xEC00, s14;
	s10 =	simm.s32 $0x40;
	v16 =	vmax.f32 v19, v16;
	v17 =	vadd.f32 v18, v17  }
.LBB2_24:
0x560: {  	s20 =	sor.u32 s11, s12  }
0x561: {  	s19 =	sadd.s32 $0xED00, s14;
	s16 =	sadd.s32 $0xED80, s14;
	[tilespmem:s13+$0x11000] =	vst v17;
	v16 =	vmax.f32 v16, v17;
	s13 =	smov.u32 s10  }
0x562: {  	s18 =	sadd.s32 $0xEE00, s14;
	v17 =	vld [tilespmem:s20+$0x0];
	s23 =	sor.u32 s11, s19;
	s22 =	sor.u32 s11, s16  }
0x563: {  	s17 =	sadd.s32 $0xEE80, s14;
	s15 =	sadd.s32 $0xEF00, s14;
	s2 =	sor.u32 s11, s18;
	v18 =	vld [tilespmem:s20+$0x80]  }
0x564: {  	s14 =	sadd.s32 $0xEF80, s14;
	s21 =	sor.u32 s11, s17;
	s0 =	sor.u32 s11, s15;
	v19 =	vld [tilespmem:s9+$0x0]  }
0x565: {  	p0 =	sne.s32 s10, $0x3E0;
	s10 =	sadd.s32 $0x20, s10;
	s1 =	sor.u32 s11, s14  }
0x566: {  	v20 =	vld [tilespmem:s20+$0x100]  }
0x567: {  	v17 =	vmul.f32 v17, v0  }
0x568: {  	v21 =	vld [tilespmem:s20+$0x180]  }
0x569: {  	v18 =	vmul.f32 v18, v1;
	v17 =	vadd.f32 v17, v19  }
0x56a: {  	s24 =	sand.u32 $0x3, s8;
	v19 =	vld [tilespmem:s20+$0x200]  }
0x56b: {  	s24 =	sshll.u32 s24, $0x5;
	v17 =	vadd.f32 v18, v17;
	v18 =	vmul.f32 v20, v2  }
0x56c: {  	v20 =	vld [tilespmem:s20+$0x280];
	s20 =	sadd.s32 s24, s7  }
0x56d: {  	v17 =	vadd.f32 v18, v17;
	v18 =	vmul.f32 v21, v3;
	s24 =	sor.u32 $0x300, s20  }
0x56e: {  	v21 =	vld [tilespmem:s24+$0xCC00];
	s24 =	sor.u32 s7, s3  }
0x56f: {  	v17 =	vadd.f32 v18, v17;
	v18 =	vmul.f32 v19, v4;
	s24 =	sor.u32 $0x380, s24  }
0x570: {  	v19 =	vld [tilespmem:s24+$0xCC00]  }
0x571: {  	s24 =	sor.u32 s11, s6;
	v17 =	vadd.f32 v18, v17;
	v18 =	vmul.f32 v20, v5  }
0x572: {  	v20 =	vld [tilespmem:s24+$0x0]  }
0x573: {  	s24 =	sor.u32 s11, s5;
	v17 =	vadd.f32 v18, v17;
	v18 =	vmul.f32 v21, v6  }
0x574: {  	v21 =	vld [tilespmem:s24+$0x0]  }
0x575: {  	v17 =	vadd.f32 v18, v17;
	v18 =	vmul.f32 v19, v7  }
0x576: {  	v19 =	vld [tilespmem:s23+$0x0]  }
0x577: {  	v17 =	vadd.f32 v18, v17;
	v18 =	vmul.f32 v20, v8  }
0x578: {  	v20 =	vld [tilespmem:s22+$0x0]  }
0x579: {  	v17 =	vadd.f32 v18, v17;
	v18 =	vmul.f32 v21, v9  }
0x57a: {  	v21 =	vld [tilespmem:s2+$0x0]  }
0x57b: {  	v17 =	vadd.f32 v18, v17;
	v18 =	vmul.f32 v19, v10  }
0x57c: {  	v19 =	vld [tilespmem:s21+$0x0]  }
0x57d: {  	v17 =	vadd.f32 v18, v17;
	v18 =	vmul.f32 v20, v11  }
0x57e: {  	v20 =	vld [tilespmem:s0+$0x0]  }
0x57f: {  	v17 =	vadd.f32 v18, v17;
	v18 =	vmul.f32 v21, v12  }
0x580: {  	v21 =	vld [tilespmem:s1+$0x0]  }
0x581: {  	v17 =	vadd.f32 v18, v17;
	v18 =	vmul.f32 v19, v13;
	_ =	sdelay $0x1  }
0x582: {  	v17 =	vadd.f32 v18, v17;
	v18 =	vmul.f32 v20, v14;
	_ =	sdelay $0x1  }
0x583: {  	v17 =	vadd.f32 v18, v17;
	v18 =	vmul.f32 v21, v15;
	_ =	sdelay $0x1  }
0x584: {  	v18 =	vadd.f32 v18, v17  }
0x585: {  	s11 =	sor.u32 $0x10, s11  }
0x586: {  	s0 =	sor.u32 s11, s12;
	[tilespmem:s4+$0x0] =	vst v18  }
0x587: {  	s1 =	sand.u32 $0x380, s3;
	s3 =	smov.u32 s13;
	v17 =	vld [tilespmem:s0+$0x0]  }
0x588: {  	s13 =	sor.u32 s1, s11;
	v19 =	vld [tilespmem:s0+$0x80]  }
0x589: {  	v20 =	vld [tilespmem:s13+$0x10C00];
	_ =	sdelay $0x1  }
0x58a: {  	v21 =	vld [tilespmem:s0+$0x100]  }
0x58b: {  	v17 =	vmul.f32 v17, v0  }
0x58c: {  	v22 =	vld [tilespmem:s0+$0x180]  }
0x58d: {  	v19 =	vmul.f32 v19, v1;
	v17 =	vadd.f32 v17, v20  }
0x58e: {  	v20 =	vld [tilespmem:s0+$0x200]  }
0x58f: {  	v17 =	vadd.f32 v19, v17;
	v19 =	vmul.f32 v21, v2  }
0x590: {  	v21 =	vld [tilespmem:s0+$0x280];
	s0 =	sadd.s32 $0x10, s20  }
0x591: {  	v17 =	vadd.f32 v19, v17;
	v19 =	vmul.f32 v22, v3;
	s1 =	sor.u32 $0x300, s0  }
0x592: {  	v22 =	vld [tilespmem:s1+$0xCC00]  }
0x593: {  	s0 =	sor.u32 $0x380, s0;
	v17 =	vadd.f32 v19, v17;
	v19 =	vmul.f32 v20, v4  }
0x594: {  	v20 =	vld [tilespmem:s0+$0xCC00]  }
0x595: {  	s0 =	sor.u32 s11, s6;
	v17 =	vadd.f32 v19, v17;
	v19 =	vmul.f32 v21, v5  }
0x596: {  	v21 =	vld [tilespmem:s0+$0x0]  }
0x597: {  	s0 =	sor.u32 s11, s5;
	v17 =	vadd.f32 v19, v17;
	v19 =	vmul.f32 v22, v6  }
0x598: {  	v22 =	vld [tilespmem:s0+$0x0]  }
0x599: {  	s0 =	sor.u32 s11, s19;
	v17 =	vadd.f32 v19, v17;
	v19 =	vmul.f32 v20, v7  }
0x59a: {  	v20 =	vld [tilespmem:s0+$0x0]  }
0x59b: {  	s0 =	sor.u32 s11, s16;
	v17 =	vadd.f32 v19, v17;
	v19 =	vmul.f32 v21, v8  }
0x59c: {  	v21 =	vld [tilespmem:s0+$0x0]  }
0x59d: {  	s0 =	sor.u32 s11, s18;
	v17 =	vadd.f32 v19, v17;
	v19 =	vmul.f32 v22, v9  }
0x59e: {  	v22 =	vld [tilespmem:s0+$0x0]  }
0x59f: {  	s0 =	sor.u32 s11, s17;
	v17 =	vadd.f32 v19, v17;
	v19 =	vmul.f32 v20, v10  }
0x5a0: {  	v20 =	vld [tilespmem:s0+$0x0]  }
0x5a1: {  	s0 =	sor.u32 s11, s15;
	v17 =	vadd.f32 v19, v17;
	v19 =	vmul.f32 v21, v11  }
0x5a2: {  	v21 =	vld [tilespmem:s0+$0x0]  }
0x5a3: {  	s0 =	sor.u32 s11, s14;
	v17 =	vadd.f32 v19, v17;
	v19 =	vmul.f32 v22, v12  }
0x5a4: {  	v22 =	vld [tilespmem:s0+$0x0]  }
0x5a5: {  	v17 =	vadd.f32 v19, v17;
	v19 =	vmul.f32 v20, v13;
	_ =	sdelay $0x1  }
0x5a6: {  	v17 =	vadd.f32 v19, v17;
	v19 =	vmul.f32 v21, v14  }
.Ltmp12:
0x5a7: {  	(pc) =	sbr.rel @p0 .LBB2_24-.Ltmp12, $4  }
0x5a8: {  	v17 =	vadd.f32 v19, v17;
	v19 =	vmul.f32 v22, v15  }
0x5a9: {  	s9 =	sadd.s32 $0x20, s9;
	s7 =	sadd.s32 $0x100, s7;
	s4 =	sadd.s32 $0x20, s4  }
0x5aa: {  	s8 =	sadd.s32 $0x1, s8;
	s11 =	sand.u32 $0x60, s3;
	s14 =	sand.u32 $0x1C00, s7;
	v17 =	vadd.f32 v19, v17  }
0x5ab: {  	v16 =	vmax.f32 v16, v18;
	s12 =	sadd.s32 $0xCC00, s14;
	s6 =	sadd.s32 $0xEC00, s14;
	s5 =	sadd.s32 $0xEC80, s14  }
0x5ac: {  	s0 =	sor.u32 s11, s12;
	[tilespmem:s13+$0x11000] =	vst v17  }
0x5ad: {  	v18 =	vld [tilespmem:s0+$0x0]  }
0x5ae: {  	v19 =	vld [tilespmem:s0+$0x80]  }
0x5af: {  	v20 =	vld [tilespmem:s9+$0x0];
	_ =	sdelay $0x1  }
0x5b0: {  	v21 =	vld [tilespmem:s0+$0x100]  }
0x5b1: {  	v18 =	vmul.f32 v18, v0  }
0x5b2: {  	v22 =	vld [tilespmem:s0+$0x180]  }
0x5b3: {  	v19 =	vmul.f32 v19, v1;
	v18 =	vadd.f32 v18, v20  }
0x5b4: {  	s1 =	sand.u32 $0x3, s8;
	v31 =	vld [tilespmem:s0+$0x200]  }
0x5b5: {  	s1 =	sshll.u32 s1, $0x5;
	v32 =	vmul.f32 v21, v2;
	v18 =	vadd.f32 v19, v18  }
0x5b6: {  	v33 =	vld [tilespmem:s0+$0x280];
	s8 =	sadd.s32 s1, s7  }
0x5b7: {  	s23 =	sor.u32 $0x300, s8;
	v34 =	vmul.f32 v22, v3;
	v18 =	vadd.f32 v32, v18  }
0x5b8: {  	s24 =	sor.u32 s7, s3;
	v35 =	vld [tilespmem:s23+$0xCC00]  }
0x5b9: {  	s0 =	sor.u32 $0x380, s24;
	v36 =	vmul.f32 v31, v4;
	v18 =	vadd.f32 v34, v18  }
0x5ba: {  	v37 =	vld [tilespmem:s0+$0xCC00]  }
0x5bb: {  	s25 =	sor.u32 s11, s6;
	v38 =	vmul.f32 v33, v5;
	v18 =	vadd.f32 v36, v18  }
0x5bc: {  	v39 =	vld [tilespmem:s25+$0x0]  }
0x5bd: {  	s26 =	sor.u32 s11, s5;
	v40 =	vmul.f32 v35, v6;
	v18 =	vadd.f32 v38, v18  }
0x5be: {  	s28 =	sadd.s32 $0xED00, s14;
	v41 =	vld [tilespmem:s26+$0x0]  }
0x5bf: {  	s2 =	sor.u32 s11, s28;
	v42 =	vmul.f32 v37, v7;
	v18 =	vadd.f32 v40, v18  }
0x5c0: {  	s29 =	sadd.s32 $0xED80, s14;
	v43 =	vld [tilespmem:s2+$0x0]  }
0x5c1: {  	s30 =	sor.u32 s11, s29;
	v44 =	vmul.f32 v39, v8;
	v18 =	vadd.f32 v42, v18  }
0x5c2: {  	s31 =	sadd.s32 $0xEE00, s14;
	v45 =	vld [tilespmem:s30+$0x0]  }
0x5c3: {  	s13 =	sor.u32 s11, s31;
	v46 =	vmul.f32 v41, v9;
	v18 =	vadd.f32 v44, v18  }
0x5c4: {  	s15 =	sadd.s32 $0xEE80, s14;
	v47 =	vld [tilespmem:s13+$0x0]  }
0x5c5: {  	s10 =	sor.u32 s11, s15;
	v48 =	vmul.f32 v43, v10;
	v18 =	vadd.f32 v46, v18  }
0x5c6: {  	s16 =	sadd.s32 $0xEF00, s14;
	v49 =	vld [tilespmem:s10+$0x0]  }
0x5c7: {  	s17 =	sor.u32 s11, s16;
	v50 =	vmul.f32 v45, v11;
	v18 =	vadd.f32 v48, v18  }
0x5c8: {  	s18 =	sadd.s32 $0xEF80, s14;
	v51 =	vld [tilespmem:s17+$0x0]  }
0x5c9: {  	s19 =	sor.u32 s11, s18;
	v52 =	vmul.f32 v47, v12;
	v18 =	vadd.f32 v50, v18  }
0x5ca: {  	v53 =	vld [tilespmem:s19+$0x0]  }
0x5cb: {  	v54 =	vmul.f32 v49, v13;
	v18 =	vadd.f32 v52, v18;
	_ =	sdelay $0x1  }
0x5cc: {  	v55 =	vmul.f32 v51, v14;
	v18 =	vadd.f32 v54, v18;
	_ =	sdelay $0x1  }
0x5cd: {  	v56 =	vmul.f32 v53, v15;
	v18 =	vadd.f32 v55, v18;
	_ =	sdelay $0x1  }
0x5ce: {  	v18 =	vadd.f32 v56, v18  }
0x5cf: {  	s20 =	sor.u32 $0x10, s11  }
0x5d0: {  	s21 =	sor.u32 s20, s12;
	[tilespmem:s4+$0x0] =	vst v18  }
0x5d1: {  	s22 =	sand.u32 $0x380, s3;
	v57 =	vld [tilespmem:s21+$0x0]  }
0x5d2: {  	s3 =	sor.u32 s22, s20;
	v58 =	vld [tilespmem:s21+$0x80]  }
0x5d3: {  	v59 =	vld [tilespmem:s3+$0x10C00];
	_ =	sdelay $0x1  }
0x5d4: {  	v60 =	vld [tilespmem:s21+$0x100]  }
0x5d5: {  	v0 =	vmul.f32 v57, v0  }
0x5d6: {  	v61 =	vld [tilespmem:s21+$0x180]  }
0x5d7: {  	v1 =	vmul.f32 v58, v1;
	v0 =	vadd.f32 v0, v59  }
0x5d8: {  	v62 =	vld [tilespmem:s21+$0x200]  }
0x5d9: {  	v0 =	vadd.f32 v1, v0;
	v1 =	vmul.f32 v60, v2  }
0x5da: {  	s23 =	sadd.s32 $0x10, s8;
	v2 =	vld [tilespmem:s21+$0x280]  }
0x5db: {  	s8 =	sor.u32 $0x300, s23;
	v0 =	vadd.f32 v1, v0;
	v1 =	vmul.f32 v61, v3  }
0x5dc: {  	v3 =	vld [tilespmem:s8+$0xCC00]  }
0x5dd: {  	s4 =	sor.u32 $0x380, s23;
	v0 =	vadd.f32 v1, v0;
	v1 =	vmul.f32 v62, v4  }
0x5de: {  	v4 =	vld [tilespmem:s4+$0xCC00]  }
0x5df: {  	s24 =	sor.u32 s20, s6;
	v0 =	vadd.f32 v1, v0;
	v1 =	vmul.f32 v2, v5  }
0x5e0: {  	v2 =	vld [tilespmem:s24+$0x0]  }
0x5e1: {  	s25 =	sor.u32 s20, s5;
	v0 =	vadd.f32 v1, v0;
	v1 =	vmul.f32 v3, v6  }
0x5e2: {  	v3 =	vld [tilespmem:s25+$0x0]  }
0x5e3: {  	s0 =	sor.u32 s20, s28;
	v0 =	vadd.f32 v1, v0;
	v1 =	vmul.f32 v4, v7  }
0x5e4: {  	v4 =	vld [tilespmem:s0+$0x0]  }
0x5e5: {  	s26 =	sor.u32 s20, s29;
	v0 =	vadd.f32 v1, v0;
	v1 =	vmul.f32 v2, v8  }
0x5e6: {  	v2 =	vld [tilespmem:s26+$0x0]  }
0x5e7: {  	s28 =	sor.u32 s20, s31;
	v0 =	vadd.f32 v1, v0;
	v1 =	vmul.f32 v3, v9  }
0x5e8: {  	v3 =	vld [tilespmem:s28+$0x0]  }
0x5e9: {  	s29 =	sor.u32 s20, s15;
	v0 =	vadd.f32 v1, v0;
	v1 =	vmul.f32 v4, v10  }
0x5ea: {  	v4 =	vld [tilespmem:s29+$0x0]  }
0x5eb: {  	s30 =	sor.u32 s20, s16;
	v0 =	vadd.f32 v1, v0;
	v1 =	vmul.f32 v2, v11  }
0x5ec: {  	v2 =	vld [tilespmem:s30+$0x0]  }
0x5ed: {  	s31 =	sor.u32 s20, s18;
	v0 =	vadd.f32 v1, v0;
	v1 =	vmul.f32 v3, v12  }
0x5ee: {  	v3 =	vld [tilespmem:s31+$0x0]  }
0x5ef: {  	v0 =	vadd.f32 v1, v0;
	v1 =	vmul.f32 v4, v13;
	_ =	sdelay $0x1  }
0x5f0: {  	v0 =	vadd.f32 v1, v0;
	v1 =	vmul.f32 v2, v14;
	_ =	sdelay $0x1  }
0x5f1: {  	v0 =	vadd.f32 v1, v0;
	v1 =	vmul.f32 v3, v15;
	_ =	sdelay $0x1  }
0x5f2: {  	v2 =	vmax.f32 v16, v17;
	v0 =	vadd.f32 v1, v0  }
0x5f3: {  	v1 =	vmax.f32 v2, v18  }
0x5f4: {  	v1 =	vmax.f32 v1, v0  }
0x5f5: {  	(xrf0) =	vmax.scan.msk.f32 $0xffff, v1;
	_ =	sdelay $0x2  }
0x5f6: {  	s4 =	simm.s32 $0x0;
	[tilespmem:s3+$0x11000] =	vst v0  }
0x5f7: {  	v1 =	vld [tilespmem:s4+$0x11000];
	_ =	sdelay $0x1  }
0x5f8: {  	v2 =	vld [tilespmem:s4+$0x11010];
	v0, _, _ =	vpop (xrf0)  }
0x5f9: {  	v0 =	vbroadcast v0, $0xF  }
0x5fa: {  	v3 =	vld [tilespmem:s4+$0x11020]  }
0x5fb: {  	v1 =	vsub.f32 v1, v0  }
0x5fc: {  	v4 =	vld [tilespmem:s4+$0x11030]  }
0x5fd: {  	v2 =	vsub.f32 v2, v0;
	v1 =	vmul.f32 $1.442695020e+00, v1  }
0x5fe: {  	v5 =	vld [tilespmem:s4+$0x11040]  }
0x5ff: {  	v3 =	vsub.f32 v3, v0;
	v2 =	vmul.f32 $1.442695020e+00, v2;
	(erf) = vpow2.f32 v1;
	v1 =	vld [tilespmem:s4+$0x11050];
	_ =	sdelay $0x1  }
0x600: {  	v4 =	vsub.f32 v4, v0;
	v3 =	vmul.f32 $1.442695020e+00, v3;
	(erf) = vpow2.f32 v2;
	v2 =	vld [tilespmem:s4+$0x11060];
	_ =	sdelay $0x1  }
0x601: {  	v4 =	vmul.f32 $1.442695020e+00, v4;
	(erf) = vpow2.f32 v3  }
0x602: {  	v5 =	vsub.f32 v5, v0;
	v1 =	vsub.f32 v1, v0  }
0x603: {  	v3 =	vld [tilespmem:s4+$0x11070];
	(erf) = vpow2.f32 v4  }
0x604: {  	s3 =	simm.s32 $0x80;
	v5 =	vmul.f32 $1.442695020e+00, v5;
	v2 =	vsub.f32 v2, v0;
	v1 =	vmul.f32 $1.442695020e+00, v1  }
0x605: {  	v4 =	vld [tilespmem:s3+$0x11000]  }
0x606: {  	v6 =	vld [tilespmem:s3+$0x11010];
	(erf) = vpow2.f32 v5;
	v5 =	vimm.f32 $0.0e+00;
	v2 =	vmul.f32 $1.442695020e+00, v2;
	v7 =	vpop (erf)  }
0x607: {  	(erf) = vpow2.f32 v1;
	v5 =	vadd.f32 v7, v5  }
0x608: {  	v8 =	vld [tilespmem:s3+$0x11020];
	[tilespmem:s4+$0x11400] =	vst v7;
	(erf) = vpow2.f32 v2;
	v2 =	vsub.f32 v3, v0;
	v1 =	vpop (erf)  }
0x609: {  	v7 =	vld [tilespmem:s3+$0x11030];
	[tilespmem:s4+$0x11410] =	vst v1;
	v1 =	vadd.f32 v1, v5  }
0x60a: {  	v4 =	vsub.f32 v4, v0;
	v3 =	vpop (erf);
	v2 =	vmul.f32 $1.442695020e+00, v2  }
0x60b: {  	v5 =	vld [tilespmem:s3+$0x11040];
	[tilespmem:s4+$0x11420] =	vst v3;
	v1 =	vadd.f32 v3, v1;
	v3 =	vsub.f32 v6, v0  }
0x60c: {  	v4 =	vmul.f32 $1.442695020e+00, v4;
	v6 =	vpop (erf);
	(erf) = vpow2.f32 v2  }
0x60d: {  	v63 =	vld [tilespmem:s3+$0x11050];
	[tilespmem:s4+$0x11430] =	vst v6;
	v1 =	vadd.f32 v6, v1;
	v6 =	vsub.f32 v8, v0;
	v3 =	vmul.f32 $1.442695020e+00, v3  }
0x60e: {  	(erf) = vpow2.f32 v4  }
0x60f: {  	v8 =	vpop (erf);
	v6 =	vmul.f32 $1.442695020e+00, v6  }
0x610: {  	v2 =	vld [tilespmem:s3+$0x11060];
	v4 =	vsub.f32 v7, v0;
	v7 =	vadd.f32 v8, v1;
	(erf) = vpow2.f32 v3  }
0x611: {  	[tilespmem:s4+$0x11440] =	vst v8;
	v5 =	vsub.f32 v5, v0;
	v3 =	vpop (erf)  }
0x612: {  	v1 =	vld [tilespmem:s3+$0x11070];
	v8 =	vmul.f32 $1.442695020e+00, v4;
	(erf) = vpow2.f32 v6;
	v7 =	vadd.f32 v3, v7  }
0x613: {  	s5 =	simm.s32 $0x100;
	v4 =	vsub.f32 v63, v0;
	[tilespmem:s4+$0x11450] =	vst v3;
	v6 =	vpop (erf)  }
0x614: {  	s6 =	simm.s32 $0x600;
	v5 =	vmul.f32 $1.442695020e+00, v5;
	(erf) = vpow2.f32 v8;
	v3 =	vld [tilespmem:s5+$0x11000];
	[tilespmem:s4+$0x11460] =	vst v6;
	v6 =	vadd.f32 v6, v7  }
.LBB2_26:
0x615: {  	p0 =	sne.s32 s6, $0xE00;
	v2 =	vsub.f32 v2, v0;
	v7 =	vpop (erf)  }
0x616: {  	v9 =	vmul.f32 $1.442695020e+00, v4;
	v8 =	vld [tilespmem:s5+$0x11010];
	(erf) = vpow2.f32 v5;
	[tilespmem:s4+$0x11470] =	vst v7;
	v5 =	vadd.f32 v7, v6;
	s4 =	smov.u32 s3;
	s3 =	smov.u32 s5  }
0x617: {  	v1 =	vsub.f32 v1, v0;
	v6 =	vpop (erf)  }
0x618: {  	v2 =	vmul.f32 $1.442695020e+00, v2;
	v7 =	vld [tilespmem:s3+$0x11020];
	[tilespmem:s4+$0x11400] =	vst v6;
	v10 =	vadd.f32 v6, v5;
	(erf) = vpow2.f32 v9  }
0x619: {  	v3 =	vsub.f32 v3, v0;
	v4 =	vpop (erf)  }
0x61a: {  	v1 =	vmul.f32 $1.442695020e+00, v1;
	v6 =	vld [tilespmem:s3+$0x11030];
	[tilespmem:s4+$0x11410] =	vst v4;
	v4 =	vadd.f32 v4, v10;
	(erf) = vpow2.f32 v2  }
0x61b: {  	v2 =	vsub.f32 v8, v0;
	v5 =	vpop (erf)  }
0x61c: {  	v3 =	vmul.f32 $1.442695020e+00, v3;
	v8 =	vld [tilespmem:s3+$0x11040];
	[tilespmem:s4+$0x11420] =	vst v5;
	v4 =	vadd.f32 v5, v4;
	(erf) = vpow2.f32 v1  }
0x61d: {  	v1 =	vsub.f32 v7, v0;
	v5 =	vpop (erf)  }
0x61e: {  	v10 =	vmul.f32 $1.442695020e+00, v2;
	v9 =	vld [tilespmem:s3+$0x11050];
	(erf) = vpow2.f32 v3;
	[tilespmem:s4+$0x11430] =	vst v5;
	v3 =	vadd.f32 v5, v4  }
0x61f: {  	v4 =	vsub.f32 v6, v0;
	v5 =	vpop (erf)  }
.Ltmp13:
0x620: {  	v6 =	vmul.f32 $1.442695020e+00, v1;
	v2 =	vld [tilespmem:s3+$0x11060];
	(erf) = vpow2.f32 v10;
	[tilespmem:s4+$0x11440] =	vst v5;
	v3 =	vadd.f32 v5, v3;
	(pc) =	sbr.rel @p0 .LBB2_26-.Ltmp13, $4  }
0x621: {  	v5 =	vsub.f32 v8, v0;
	v7 =	vpop (erf)  }
0x622: {  	v8 =	vmul.f32 $1.442695020e+00, v4;
	v1 =	vld [tilespmem:s3+$0x11070];
	(erf) = vpow2.f32 v6;
	[tilespmem:s4+$0x11450] =	vst v7;
	v6 =	vadd.f32 v7, v3  }
0x623: {  	s5 =	sshra.s32 s6, $0x2;
	v4 =	vsub.f32 v9, v0;
	v7 =	vpop (erf)  }
0x624: {  	s6 =	sadd.s32 $0x200, s6;
	v5 =	vmul.f32 $1.442695020e+00, v5;
	v3 =	vld [tilespmem:s5+$0x11000];
	(erf) = vpow2.f32 v8;
	[tilespmem:s4+$0x11460] =	vst v7;
	v6 =	vadd.f32 v7, v6  }
0x625: {  	v7 =	vpop (erf);
	v4 =	vmul.f32 $1.442695020e+00, v4  }
0x626: {  	(erf) = vpow2.f32 v5;
	v5 =	vadd.f32 v7, v6  }
0x627: {  	v2 =	vsub.f32 v2, v0;
	v6 =	vpop (erf)  }
0x628: {  	v8 =	vld [tilespmem:s5+$0x11010];
	[tilespmem:s4+$0x11470] =	vst v7;
	v5 =	vadd.f32 v6, v5  }
0x629: {  	v1 =	vsub.f32 v1, v0;
	v7 =	vld [tilespmem:s5+$0x11020];
	v2 =	vmul.f32 $1.442695020e+00, v2;
	(erf) = vpow2.f32 v4;
	v4 =	vpop (erf)  }
0x62a: {  	[tilespmem:s3+$0x11400] =	vst v6;
	v5 =	vadd.f32 v4, v5  }
0x62b: {  	v3 =	vsub.f32 v3, v0;
	v6 =	vld [tilespmem:s5+$0x11030];
	v1 =	vmul.f32 $1.442695020e+00, v1;
	(erf) = vpow2.f32 v2;
	[tilespmem:s3+$0x11410] =	vst v4;
	v4 =	vpop (erf)  }
0x62c: {  	v5 =	vadd.f32 v4, v5  }
0x62d: {  	v2 =	vsub.f32 v8, v0;
	v3 =	vmul.f32 $1.442695020e+00, v3;
	v8 =	vld [tilespmem:s5+$0x11040];
	(erf) = vpow2.f32 v1  }
0x62e: {  	[tilespmem:s3+$0x11420] =	vst v4;
	v1 =	vsub.f32 v7, v0;
	v4 =	vpop (erf)  }
0x62f: {  	v2 =	vmul.f32 $1.442695020e+00, v2;
	v7 =	vld [tilespmem:s5+$0x11050];
	(erf) = vpow2.f32 v3;
	v3 =	vadd.f32 v4, v5  }
0x630: {  	[tilespmem:s3+$0x11430] =	vst v4;
	v4 =	vsub.f32 v6, v0;
	v5 =	vpop (erf)  }
0x631: {  	v1 =	vmul.f32 $1.442695020e+00, v1;
	v6 =	vld [tilespmem:s5+$0x11060];
	(erf) = vpow2.f32 v2;
	v2 =	vadd.f32 v5, v3  }
0x632: {  	[tilespmem:s3+$0x11440] =	vst v5;
	v3 =	vsub.f32 v8, v0;
	v5 =	vpop (erf)  }
0x633: {  	v4 =	vmul.f32 $1.442695020e+00, v4;
	(erf) = vpow2.f32 v1;
	v8 =	vld [tilespmem:s5+$0x11070];
	v1 =	vadd.f32 v5, v2  }
0x634: {  	v2 =	vsub.f32 v7, v0;
	v7 =	vpop (erf);
	v3 =	vmul.f32 $1.442695020e+00, v3  }
0x635: {  	(erf) = vpow2.f32 v4;
	v1 =	vadd.f32 v7, v1  }
0x636: {  	v4 =	vsub.f32 v6, v0;
	v6 =	vpop (erf);
	v2 =	vmul.f32 $1.442695020e+00, v2  }
0x637: {  	(erf) = vpow2.f32 v3;
	v1 =	vadd.f32 v6, v1  }
0x638: {  	v4 =	vmul.f32 $1.442695020e+00, v4;
	v0 =	vsub.f32 v8, v0;
	v3 =	vpop (erf)  }
0x639: {  	(erf) = vpow2.f32 v2;
	v1 =	vadd.f32 v3, v1  }
0x63a: {  	v2 =	vpop (erf);
	v0 =	vmul.f32 $1.442695020e+00, v0  }
0x63b: {  	(erf) = vpow2.f32 v4;
	v1 =	vadd.f32 v2, v1  }
0x63c: {  	v4 =	vpop (erf)  }
0x63d: {  	(erf) = vpow2.f32 v0;
	v1 =	vadd.f32 v4, v1  }
0x63e: {  	v0 =	vpop (erf)  }
0x63f: {  	v1 =	vadd.f32 v0, v1  }
0x640: {  	v8 =	vpop (erf)  }
0x641: {  	v1 =	vadd.f32 v8, v1  }
0x642: {  	v9 =	vpop (erf)  }
0x643: {  	v1 =	vadd.f32 v9, v1  }
0x644: {  	v10 =	vpop (erf)  }
0x645: {  	v1 =	vadd.f32 v10, v1  }
0x646: {  	v11 =	vpop (erf)  }
0x647: {  	v1 =	vadd.f32 v11, v1;
	_ =	sdelay $0x1  }
0x648: {  	(xrf2) =	vadd.scan.msk.f32 $0xffff, v1;
	_ =	sdelay $0x6  }
0x649: {  	[tilespmem:s3+$0x11450] =	vst v5  }
0x64a: {  	[tilespmem:s3+$0x11460] =	vst v7  }
0x64b: {  	[tilespmem:s3+$0x11470] =	vst v6  }
0x64c: {  	[tilespmem:s5+$0x11400] =	vst v3;
	v1, _, _ =	vpop (xrf2)  }
0x64d: {  	[tilespmem:s5+$0x11410] =	vst v2;
	v1 =	vbroadcast v1, $0xF  }
0x64e: {  	[tilespmem:s5+$0x11420] =	vst v4  }
0x64f: {  	[tilespmem:s5+$0x11430] =	vst v0;
	(erf) = vrcp.f32 v1  }
0x650: {  	[tilespmem:s5+$0x11440] =	vst v8  }
0x651: {  	[tilespmem:s5+$0x11450] =	vst v9  }
0x652: {  	[tilespmem:s5+$0x11460] =	vst v10  }
0x653: {  	s0 =	simm.s32 $0x0;
	[tilespmem:s5+$0x11470] =	vst v11  }
0x654: {  	v4 =	vld [tilespmem:s0+$0x11400]  }
0x655: {  	v6 =	vld [tilespmem:s0+$0x11410]  }
0x656: {  	v5 =	vld [tilespmem:s0+$0x11420]  }
0x657: {  	v2 =	vld [tilespmem:s0+$0x11430]  }
0x658: {  	v1 =	vld [tilespmem:s0+$0x11440];
	v0 =	vpop (erf)  }
0x659: {  	v3 =	vld [tilespmem:s0+$0x11450];
	v7 =	vmul.f32 v4, v0  }
0x65a: {  	s1 =	simm.s32 $0x200;
	s7 =	rddreg [dreg:$0x8];
	s8 =	stileid.u32;
	v6 =	vmul.f32 v6, v0;
	v4 =	vld [tilespmem:s0+$0x11460]  }
.LBB2_28:
0x65b: {  	s2 =	sshra.s32 s1, $0x2;
	p0 =	sne.s32 s1, $0xE00;
	[tilespmem:s0+$0x11400] =	vst v7;
	v5 =	vmul.f32 v5, v0;
	v7 =	vld [tilespmem:s0+$0x11470]  }
0x65c: {  	v8 =	vld [tilespmem:s2+$0x11400];
	[tilespmem:s0+$0x11410] =	vst v6;
	v2 =	vmul.f32 v2, v0  }
0x65d: {  	v6 =	vld [tilespmem:s2+$0x11410];
	[tilespmem:s0+$0x11420] =	vst v5;
	v1 =	vmul.f32 v1, v0  }
.Ltmp14:
0x65e: {  	v5 =	vld [tilespmem:s2+$0x11420];
	[tilespmem:s0+$0x11430] =	vst v2;
	v3 =	vmul.f32 v3, v0;
	(pc) =	sbr.rel @p0 .LBB2_28-.Ltmp14, $4  }
0x65f: {  	v2 =	vld [tilespmem:s2+$0x11430];
	[tilespmem:s0+$0x11440] =	vst v1;
	v4 =	vmul.f32 v4, v0  }
0x660: {  	v1 =	vld [tilespmem:s2+$0x11440];
	[tilespmem:s0+$0x11450] =	vst v3;
	v9 =	vmul.f32 v7, v0  }
0x661: {  	v7 =	vmul.f32 v8, v0;
	v3 =	vld [tilespmem:s2+$0x11450];
	[tilespmem:s0+$0x11460] =	vst v4  }
0x662: {  	s1 =	sadd.s32 $0x200, s1;
	v6 =	vmul.f32 v6, v0;
	v4 =	vld [tilespmem:s2+$0x11460];
	[tilespmem:s0+$0x11470] =	vst v9;
	s0 =	smov.u32 s2  }
0x663: {  	[tilespmem:s0+$0x11400] =	vst v7;
	v5 =	vmul.f32 v5, v0;
	v60 =	vld [tilespmem:s0+$0x11470]  }
0x664: {  	[tilespmem:s0+$0x11410] =	vst v6;
	v2 =	vmul.f32 v2, v0  }
0x665: {  	[tilespmem:s0+$0x11420] =	vst v5;
	v1 =	vmul.f32 v1, v0  }
0x666: {  	[tilespmem:s0+$0x11430] =	vst v2;
	v61 =	vmul.f32 v3, v0  }
0x667: {  	[tilespmem:s0+$0x11440] =	vst v1;
	v62 =	vmul.f32 v4, v0  }
0x668: {  	[tilespmem:s0+$0x11450] =	vst v61;
	v63 =	vmul.f32 v60, v0  }
0x669: {  	s30 =	simm.s32 $0x80;
	s1 =	simm.s32 $0x400;
	[tilespmem:s0+$0x11460] =	vst v62  }
0x66a: {  	s2 =	simm.s32 $0x11400;
	s3 =	rddreg [dreg:$0x9];
	s31 =	simm.s32 $0x8;
	[tilespmem:s0+$0x11470] =	vst v63  }
0x66b: {  	[hbm4b:s3+s30] =	stream.strided.scatter [tilespmem:s2], [sflag:$0x8], $0x400, s1, s30, $0x38;
	[tilespmem:$0x15800] =	vst v63  }
0x66c: {  	_ =	swait.ge [sflag:s31], $0x400  }
0x66d: {  	[sflag:s31] =	ssyncset.done $0x0  }
0x66e: {  	[sflag:s31] =	ssyncadd.s32 $0xFFFFFC00  }
.LBB2_30:
0x66f: {  	_ =	sfence.sel $0x180000  }
0x670: {  	[bflag:$0x0] =	sbarrier.arrive $0xFFFF  }
0x671: {  	p0 =	sne.s32 s8, $0x0;
	_ =	strace $0x90000047  }
0x672: {  	s0 =	sadd.s32 @!p0 $0x100000, s7;
	[bflag:$0x2] =	sbarrier.arrive $0xFFFF  }
0x673: {  	[sflag:s0] =	ssyncadd.tile.s32 @!p0 $0x1;
	_ =	shalt  }
.Lfunc_end2:
_tile_overlayer_lowered:
.L_overlay_start_2:
0x674: {  	(tag) =	ssettag $0x2  }
0x675: {  	s0 =	rddreg [dreg:$0x0];
	s2 =	stileid.u32  }
0x676: {  	s1 =	rddreg [dreg:$0x1];
	p0 =	sne.s32 s2, $0x0  }
0x677: {  	s3 =	rddreg [dreg:$0x2];
	[bflag:$0x3] =	sbarrier.arrive $0xFFFF;
	s2 =	simm.s32 @!p0 $0x1C08  }
0x678: {  	[timem:s3], [sflag:s2] =	dma.local @!p0 [hbm:s0], s1  }
0x679: {  	s0 =	simm.s32 @!p0 $0x8  }
0x67a: {  	_ =	swait.ge @!p0 [sflag:s0], s1  }
0x67b: {  	s1 =	ssub.s32 @!p0 $0x0, s1;
	[sflag:s0] =	ssyncset.done @!p0 $0x0  }
0x67c: {  	[sflag:s0] =	ssyncadd.s32 @!p0 s1  }
0x67d: {  	[bflag:$0x3] =	sbarrier.arrive $0xFFFF  }
0x67e: {  	_ =	shalt  }

</sc_bundles>
